<compile_context>
chip_gen: v7x
topology: tpu7x:2x2x1
jax: 0.10.2.dev20260603
libtpu: 0.0.44.dev20260713+nightly
codegen_flags: <defaults>
</compile_context>

<pallas_src>
import jax
import jax.numpy as jnp
from jax import lax
from jax.experimental import pallas as pl
from jax.experimental.pallas import tpu as pltpu
from jax.experimental.pallas import tpu_sc as plsc

BATCH = 16384
N_CAT = 26
N_CONT = 13
VOCAB = 100000
EMBED_DIM = 32
N_FEAT = N_CAT + N_CONT
OUT_W = N_CAT * EMBED_DIM + N_CONT

NC = 2
NS = 16
NW = NC * NS
PAIRS = N_CAT * EMBED_DIM
PPW = PAIRS // NW
BC = 4096
NCHUNK = BATCH // BC

HALF = 49920
TAIL0 = 2 * HALF
TAILPAD = 256
ROWPAD = TAIL0 + TAILPAD


def _body(xt_hbm, tt_hbm, tail_hbm, outt_hbm,
          row_v, idx_v, xf_v, st0_v, st1_v, sem_row, sem_out):
    wid = lax.axis_index("s") * NC + lax.axis_index("c")
    p0 = wid * PPW

    def load_idx(c):
        def chunk(k, carry):
            pltpu.sync_copy(xt_hbm.at[c, pl.ds(k * BC, BC)], xf_v)
            for i in range(BC // 16):
                v = xf_v[pl.ds(16 * i, 16)]
                idx_v[pl.ds(k * BC + 16 * i, 16)] = v.astype(jnp.int32)
            return carry
        lax.fori_loop(0, NCHUNK, chunk, 0)

    def pair(t, carry):
        p = p0 + t
        c = p // EMBED_DIM
        e = p % EMBED_DIM

        @pl.when((t == 0) | (e == 0))
        def _():
            load_idx(c)

        QTR = HALF // 2
        row_cps = [
            pltpu.async_copy(tt_hbm.at[c, e, pl.ds(q * QTR, QTR)],
                             row_v.at[pl.ds(q * QTR, QTR)], sem_row)
            for q in range(4)
        ] + [
            pltpu.async_copy(tail_hbm.at[c, e, :],
                             row_v.at[pl.ds(TAIL0, TAILPAD)], sem_row),
        ]
        for cp in row_cps:
            cp.wait()

        out_cps = []
        for k in range(NCHUNK):
            stage = st0_v if k % 2 == 0 else st1_v
            if k >= 2:
                out_cps[k - 2].wait()

            def m_loop(m, carry2, k=k, stage=stage):
                for i in range(16):
                    off = m * 256 + 16 * i
                    iv = idx_v[pl.ds(k * BC + off, 16)]
                    stage[pl.ds(off, 16)] = plsc.load_gather(row_v, [iv])
                return carry2
            lax.fori_loop(0, BC // 256, m_loop, 0)
            out_cps.append(pltpu.async_copy(
                stage, outt_hbm.at[p, pl.ds(k * BC, BC)], sem_out))
        out_cps[NCHUNK - 2].wait()
        out_cps[NCHUNK - 1].wait()
        return carry

    lax.fori_loop(0, PPW, pair, 0)

    @pl.when(wid < N_CONT)
    def _():
        def chunk(k, carry):
            pltpu.sync_copy(xt_hbm.at[N_CAT + wid, pl.ds(k * BC, BC)], xf_v)
            pltpu.sync_copy(xf_v, outt_hbm.at[PAIRS + wid, pl.ds(k * BC, BC)])
            return carry
        lax.fori_loop(0, NCHUNK, chunk, 0)


def kernel(x, tables):
    xt = x.T
    tt = jnp.transpose(tables, (0, 2, 1))
    tail = jnp.pad(jnp.transpose(tables[:, TAIL0:, :], (0, 2, 1)),
                   ((0, 0), (0, 0), (0, TAILPAD - (VOCAB - TAIL0))))
    f = pl.kernel(
        _body,
        out_type=jax.ShapeDtypeStruct((OUT_W, BATCH), jnp.float32),
        mesh=plsc.VectorSubcoreMesh(core_axis_name="c", subcore_axis_name="s"),
        compiler_params=pltpu.CompilerParams(needs_layout_passes=False),
        scratch_types=[
            pltpu.VMEM((ROWPAD,), jnp.float32),
            pltpu.VMEM((BATCH,), jnp.int32),
            pltpu.VMEM((BC,), jnp.float32),
            pltpu.VMEM((BC,), jnp.float32),
            pltpu.VMEM((BC,), jnp.float32),
            pltpu.SemaphoreType.DMA,
            pltpu.SemaphoreType.DMA,
        ],
    )
    outt = f(xt, tt, tail)
    return outt.T

# --- scband reference (transcript-rebuilt; emitter-appended) ---
"""Pipeline reference for scband-embedding-layer-36318243455580 (READ-ONLY COPY).

The authoritative reference and input builder live on the scoring server;
editing this copy changes nothing except your own understanding.
"""

import jax, jax.numpy as jnp
import numpy as np

BATCH = 16384
N_CAT = 26
N_CONT = 13
VOCAB = 100000
EMBED_DIM = 32


def setup_inputs(seed: int = 0) -> dict:
    key = jax.random.key(seed)
    kx, kt = jax.random.split(key, 2)
    # x packs 26 categorical id columns (integer-valued floats) + 13 continuous columns
    x = jax.random.randint(kx, (BATCH, N_CAT + N_CONT), 0, VOCAB).astype(jnp.float32)
    # 26 embedding tables of identical shape, stacked: [26, 100000, 32]
    tables = jax.random.normal(kt, (N_CAT, VOCAB, EMBED_DIM), dtype=jnp.float32) * 0.01
    return {"x": x, "tables": tables}


def reference(x, tables):
    # x[:, categorical_features].type(torch.long)
    x_cat = x[:, :N_CAT].astype(jnp.int32)
    # x[:, continuous_features]
    x_cont = x[:, N_CAT:N_CAT + N_CONT]
    # torch.cat([embed(x_cat[:, i]) for i, embed in enumerate(self.embeddings)], dim=1)
    out = jnp.concatenate([jnp.take(tables[i], x_cat[:, i], axis=0) for i in range(N_CAT)], axis=1)
    # torch.cat([out, x_cont], dim=1)
    out = jnp.concatenate([out, x_cont], axis=1)
    return out

if __name__ == "__main__":
    import jax
    _d = setup_inputs()
    print(jax.jit(kernel)(*tuple(_d.values())))

</pallas_src>

<mosaic_0001>
#map = affine_map<(d0, d1) -> (0, 0)>
#map1 = affine_map<(d0, d1) -> (0, 0, 0)>
module attributes {stable_mosaic.version = 14 : i64} {
  func.func @_body(%arg0: i32, %arg1: i32, %arg2: memref<39x16384xf32, #tpu.memory_space<hbm>>, %arg3: memref<26x32x100000xf32, #tpu.memory_space<hbm>>, %arg4: memref<26x32x256xf32, #tpu.memory_space<hbm>>, %arg5: memref<845x16384xf32, #tpu.memory_space<hbm>>, %arg6: memref<100096xf32, #tpu.memory_space<vmem>>, %arg7: memref<16384xi32, #tpu.memory_space<vmem>>, %arg8: memref<4096xf32, #tpu.memory_space<vmem>>, %arg9: memref<4096xf32, #tpu.memory_space<vmem>>, %arg10: memref<4096xf32, #tpu.memory_space<vmem>>, %arg11: memref<!tpu.dma_semaphore, #tpu.memory_space<semaphore_mem>>, %arg12: memref<!tpu.dma_semaphore, #tpu.memory_space<semaphore_mem>>) attributes {dimension_semantics = [#tpu.dimension_semantics<core_parallel>, #tpu.dimension_semantics<subcore_parallel>], iteration_bounds = array<i64: 2, 16>, scalar_prefetch = 0 : i64, scratch_operands = 7 : i64, tpu.core_type = #tpu.core_type<sc_vector_subcore>, window_params = [{transform_indices = #map}, {transform_indices = #map1}, {transform_indices = #map1}, {transform_indices = #map}]} {
    %mul3A = arith.constant 2 : i32
    %mul3A_0 = arith.muli %arg1, %mul3A : i32
    %add3A = arith.addi %mul3A_0, %arg0 : i32
    %mul3A_1 = arith.constant 26 : i32
    %mul3A_2 = arith.muli %add3A, %mul3A_1 : i32
    %scan3A = arith.constant 0 : i32
    %scan3A_3 = arith.constant 0 : i32
    %scan3A_4 = arith.constant 26 : i32
    %scan3A_5 = arith.addi %scan3A_3, %scan3A_4 : i32
    %scan3A_6 = arith.constant 1 : i32
    scf.for %scan3A_10 = %scan3A_3 to %scan3A_5 step %scan3A_6  : i32 {
      %add3A_11 = arith.addi %mul3A_2, %scan3A_10 : i32
      %jit3A = arith.constant 32 : i32
      %div3A = arith.divsi %add3A_11, %jit3A : i32
      %sign3A = arith.constant 0 : i32
      %sign3A_12 = arith.cmpi sgt, %add3A_11, %sign3A : i32
      %sign3A_13 = arith.extui %sign3A_12 : i1 to i32
      %sign3A_14 = arith.constant 0 : i32
      %sign3A_15 = arith.cmpi slt, %add3A_11, %sign3A_14 : i32
      %sign3A_16 = arith.extui %sign3A_15 : i1 to i32
      %sign3A_17 = arith.subi %sign3A_13, %sign3A_16 : i32
      %sign3A_18 = arith.constant 0 : i32
      %sign3A_19 = arith.cmpi sgt, %jit3A, %sign3A_18 : i32
      %sign3A_20 = arith.extui %sign3A_19 : i1 to i32
      %sign3A_21 = arith.constant 0 : i32
      %sign3A_22 = arith.cmpi slt, %jit3A, %sign3A_21 : i32
      %sign3A_23 = arith.extui %sign3A_22 : i1 to i32
      %sign3A_24 = arith.subi %sign3A_20, %sign3A_23 : i32
      %ne3A = arith.cmpi ne, %sign3A_17, %sign3A_24 : i32
      %rem3A = arith.remsi %add3A_11, %jit3A : i32
      %ne3A_25 = arith.constant 0 : i32
      %ne3A_26 = arith.cmpi ne, %rem3A, %ne3A_25 : i32
      %and3A = arith.andi %ne3A, %ne3A_26 : i1
      %sub3A = arith.constant 1 : i32
      %sub3A_27 = arith.subi %div3A, %sub3A : i32
      %select_n3A = arith.select %and3A, %sub3A_27, %div3A : i32
      %jit3A_28 = arith.constant 32 : i32
      %eq3A = arith.constant 0 : i32
      %eq3A_29 = arith.cmpi eq, %jit3A_28, %eq3A : i32
      %jit3A_30 = arith.constant 1 : i32
      %select_n3A_31 = arith.select %eq3A_29, %jit3A_30, %jit3A_28 : i32
      %rem3A_32 = arith.remsi %add3A_11, %select_n3A_31 : i32
      %ne3A_33 = arith.constant 0 : i32
      %ne3A_34 = arith.cmpi ne, %rem3A_32, %ne3A_33 : i32
      %lt3A_35 = arith.constant 0 : i32
      %lt3A_36 = arith.cmpi slt, %rem3A_32, %lt3A_35 : i32
      %lt3A_37 = arith.constant 0 : i32
      %lt3A_38 = arith.cmpi slt, %select_n3A_31, %lt3A_37 : i32
      %ne3A_39 = arith.xori %lt3A_36, %lt3A_38 : i1
      %and3A_40 = arith.andi %ne3A_39, %ne3A_34 : i1
      %add3A_41 = arith.addi %rem3A_32, %select_n3A_31 : i32
      %select_n3A_42 = arith.select %and3A_40, %add3A_41, %rem3A_32 : i32
      %eq3A_43 = arith.constant 0 : i32
      %eq3A_44 = arith.cmpi eq, %scan3A_10, %eq3A_43 : i32
      %eq3A_45 = arith.constant 0 : i32
      %eq3A_46 = arith.cmpi eq, %select_n3A_42, %eq3A_45 : i32
      %or3A = arith.ori %eq3A_44, %eq3A_46 : i1
      %convert_element_type3A_47 = arith.extui %or3A : i1 to i32
      %cond3A_48 = arith.constant 0 : i32
      %cond3A_49 = arith.cmpi ne, %convert_element_type3A_47, %cond3A_48 : i32
      scf.if %cond3A_49 {
        %scan3A_220 = arith.constant 0 : i32
        %scan3A_221 = arith.constant 0 : i32
        %scan3A_222 = arith.constant 4 : i32
        %scan3A_223 = arith.addi %scan3A_221, %scan3A_222 : i32
        %scan3A_224 = arith.constant 1 : i32
        scf.for %scan3A_226 = %scan3A_221 to %scan3A_223 step %scan3A_224  : i32 {
          %mul3A_227 = arith.constant 4096 : i32
          %mul3A_228 = arith.muli %scan3A_226, %mul3A_227 : i32
          "tpu.region"() ({
            %run_scoped3A = tpu.sem_alloc : memref<!tpu.dma_semaphore, #tpu.memory_space<semaphore_mem>>
            %dma_start3A_2531 = tpu.memref_slice %arg2[%select_n3A, %mul3A_228] : memref<39x16384xf32, #tpu.memory_space<hbm>> -> memref<1x4096xf32, #tpu.memory_space<hbm>>
            %dma_start3A_2532 = tpu.memref_squeeze %dma_start3A_2531 : memref<1x4096xf32, #tpu.memory_space<hbm>> -> memref<4096xf32, #tpu.memory_space<hbm>>
            %dma_start3A_2533 = tpu.memref_slice %arg2[%select_n3A, %mul3A_228] : memref<39x16384xf32, #tpu.memory_space<hbm>> -> memref<1x4096xf32, #tpu.memory_space<hbm>>
            %dma_start3A_2534 = tpu.memref_squeeze %dma_start3A_2533 : memref<1x4096xf32, #tpu.memory_space<hbm>> -> memref<4096xf32, #tpu.memory_space<hbm>>
            tpu.enqueue_dma source(%dma_start3A_2534 : memref<4096xf32, #tpu.memory_space<hbm>>) target(%arg8 : memref<4096xf32, #tpu.memory_space<vmem>>) target_semaphore(%run_scoped3A : memref<!tpu.dma_semaphore, #tpu.memory_space<semaphore_mem>>)
            %dma_wait3A_2535 = tpu.memref_slice %arg2[%select_n3A, %mul3A_228] : memref<39x16384xf32, #tpu.memory_space<hbm>> -> memref<1x4096xf32, #tpu.memory_space<hbm>>
            %dma_wait3A_2536 = tpu.memref_squeeze %dma_wait3A_2535 : memref<1x4096xf32, #tpu.memory_space<hbm>> -> memref<4096xf32, #tpu.memory_space<hbm>>
            %dma_wait3A_2537 = tpu.memref_slice %arg2[%select_n3A, %mul3A_228] : memref<39x16384xf32, #tpu.memory_space<hbm>> -> memref<1x4096xf32, #tpu.memory_space<hbm>>
            %dma_wait3A_2538 = tpu.memref_squeeze %dma_wait3A_2537 : memref<1x4096xf32, #tpu.memory_space<hbm>> -> memref<4096xf32, #tpu.memory_space<hbm>>
            tpu.wait_dma2 semaphore(%run_scoped3A : memref<!tpu.dma_semaphore, #tpu.memory_space<semaphore_mem>>) src(%dma_wait3A_2538 : memref<4096xf32, #tpu.memory_space<hbm>>) dst(%arg8 : memref<4096xf32, #tpu.memory_space<vmem>>)
            tpu.yield
          }) : () -> ()
          %get3A = arith.constant 0 : index
          %get3A_229 = tpu.vector_load %arg8[%get3A] {strides = array<i32>} : memref<4096xf32, #tpu.memory_space<vmem>>, vector<16xf32>,
          %convert_element_type3A_230 = arith.fptosi %get3A_229 : vector<16xf32> to vector<16xi32>
          %mul3A_231 = arith.constant 4096 : i32
          %mul3A_232 = arith.muli %scan3A_226, %mul3A_231 : i32
          %add3A_233 = arith.constant 0 : i32
          %add3A_234 = arith.addi %mul3A_232, %add3A_233 : i32
          %swap3A = arith.index_cast %add3A_234 : i32 to index
          %swap3A_235 = tpu.vector_load %arg7[%swap3A] {strides = array<i32>} : memref<16384xi32, #tpu.memory_space<vmem>>, vector<16xi32>,
          tpu.vector_store %arg7[%swap3A], %convert_element_type3A_230 {strides = array<i32>} : memref<16384xi32, #tpu.memory_space<vmem>>, vector<16xi32>,
          %get3A_236 = arith.constant 16 : index
          %get3A_237 = tpu.vector_load %arg8[%get3A_236] {strides = array<i32>} : memref<4096xf32, #tpu.memory_space<vmem>>, vector<16xf32>,
          %convert_element_type3A_238 = arith.fptosi %get3A_237 : vector<16xf32> to vector<16xi32>
          %mul3A_239 = arith.constant 4096 : i32
          %mul3A_240 = arith.muli %scan3A_226, %mul3A_239 : i32
          %add3A_241 = arith.constant 16 : i32
          %add3A_242 = arith.addi %mul3A_240, %add3A_241 : i32
          %swap3A_243 = arith.index_cast %add3A_242 : i32 to index
          %swap3A_244 = tpu.vector_load %arg7[%swap3A_243] {strides = array<i32>} : memref<16384xi32, #tpu.memory_space<vmem>>, vector<16xi32>,
          tpu.vector_store %arg7[%swap3A_243], %convert_element_type3A_238 {strides = array<i32>} : memref<16384xi32, #tpu.memory_space<vmem>>, vector<16xi32>,
          %get3A_245 = arith.constant 32 : index
          %get3A_246 = tpu.vector_load %arg8[%get3A_245] {strides = array<i32>} : memref<4096xf32, #tpu.memory_space<vmem>>, vector<16xf32>,
          %convert_element_type3A_247 = arith.fptosi %get3A_246 : vector<16xf32> to vector<16xi32>
          %mul3A_248 = arith.constant 4096 : i32
          %mul3A_249 = arith.muli %scan3A_226, %mul3A_248 : i32
          %add3A_250 = arith.constant 32 : i32
          %add3A_251 = arith.addi %mul3A_249, %add3A_250 : i32
          %swap3A_252 = arith.index_cast %add3A_251 : i32 to index
          %swap3A_253 = tpu.vector_load %arg7[%swap3A_252] {strides = array<i32>} : memref<16384xi32, #tpu.memory_space<vmem>>, vector<16xi32>,
          tpu.vector_store %arg7[%swap3A_252], %convert_element_type3A_247 {strides = array<i32>} : memref<16384xi32, #tpu.memory_space<vmem>>, vector<16xi32>,
          %get3A_254 = arith.constant 48 : index
          %get3A_255 = tpu.vector_load %arg8[%get3A_254] {strides = array<i32>} : memref<4096xf32, #tpu.memory_space<vmem>>, vector<16xf32>,
          %convert_element_type3A_256 = arith.fptosi %get3A_255 : vector<16xf32> to vector<16xi32>
          %mul3A_257 = arith.constant 4096 : i32
          %mul3A_258 = arith.muli %scan3A_226, %mul3A_257 : i32
          %add3A_259 = arith.constant 48 : i32
          %add3A_260 = arith.addi %mul3A_258, %add3A_259 : i32
          %swap3A_261 = arith.index_cast %add3A_260 : i32 to index
          %swap3A_262 = tpu.vector_load %arg7[%swap3A_261] {strides = array<i32>} : memref<16384xi32, #tpu.memory_space<vmem>>, vector<16xi32>,
          tpu.vector_store %arg7[%swap3A_261], %convert_element_type3A_256 {strides = array<i32>} : memref<16384xi32, #tpu.memory_space<vmem>>, vector<16xi32>,
          %get3A_263 = arith.constant 64 : index
          %get3A_264 = tpu.vector_load %arg8[%get3A_263] {strides = array<i32>} : memref<4096xf32, #tpu.memory_space<vmem>>, vector<16xf32>,
          %convert_element_type3A_265 = arith.fptosi %get3A_264 : vector<16xf32> to vector<16xi32>
          %mul3A_266 = arith.constant 4096 : i32
          %mul3A_267 = arith.muli %scan3A_226, %mul3A_266 : i32
          %add3A_268 = arith.constant 64 : i32
          %add3A_269 = arith.addi %mul3A_267, %add3A_268 : i32
          %swap3A_270 = arith.index_cast %add3A_269 : i32 to index
          %swap3A_271 = tpu.vector_load %arg7[%swap3A_270] {strides = array<i32>} : memref<16384xi32, #tpu.memory_space<vmem>>, vector<16xi32>,
          tpu.vector_store %arg7[%swap3A_270], %convert_element_type3A_265 {strides = array<i32>} : memref<16384xi32, #tpu.memory_space<vmem>>, vector<16xi32>,
          %get3A_272 = arith.constant 80 : index
          %get3A_273 = tpu.vector_load %arg8[%get3A_272] {strides = array<i32>} : memref<4096xf32, #tpu.memory_space<vmem>>, vector<16xf32>,
          %convert_element_type3A_274 = arith.fptosi %get3A_273 : vector<16xf32> to vector<16xi32>
          %mul3A_275 = arith.constant 4096 : i32
          %mul3A_276 = arith.muli %scan3A_226, %mul3A_275 : i32
          %add3A_277 = arith.constant 80 : i32
          %add3A_278 = arith.addi %mul3A_276, %add3A_277 : i32
          %swap3A_279 = arith.index_cast %add3A_278 : i32 to index
          %swap3A_280 = tpu.vector_load %arg7[%swap3A_279] {strides = array<i32>} : memref<16384xi32, #tpu.memory_space<vmem>>, vector<16xi32>,
          tpu.vector_store %arg7[%swap3A_279], %convert_element_type3A_274 {strides = array<i32>} : memref<16384xi32, #tpu.memory_space<vmem>>, vector<16xi32>,
          %get3A_281 = arith.constant 96 : index
          %get3A_282 = tpu.vector_load %arg8[%get3A_281] {strides = array<i32>} : memref<4096xf32, #tpu.memory_space<vmem>>, vector<16xf32>,
          %convert_element_type3A_283 = arith.fptosi %get3A_282 : vector<16xf32> to vector<16xi32>
          %mul3A_284 = arith.constant 4096 : i32
          %mul3A_285 = arith.muli %scan3A_226, %mul3A_284 : i32
          %add3A_286 = arith.constant 96 : i32
          %add3A_287 = arith.addi %mul3A_285, %add3A_286 : i32
          %swap3A_288 = arith.index_cast %add3A_287 : i32 to index
          %swap3A_289 = tpu.vector_load %arg7[%swap3A_288] {strides = array<i32>} : memref<16384xi32, #tpu.memory_space<vmem>>, vector<16xi32>,
          tpu.vector_store %arg7[%swap3A_288], %convert_element_type3A_283 {strides = array<i32>} : memref<16384xi32, #tpu.memory_space<vmem>>, vector<16xi32>,
          %get3A_290 = arith.constant 112 : index
          %get3A_291 = tpu.vector_load %arg8[%get3A_290] {strides = array<i32>} : memref<4096xf32, #tpu.memory_space<vmem>>, vector<16xf32>,
          %convert_element_type3A_292 = arith.fptosi %get3A_291 : vector<16xf32> to vector<16xi32>
          %mul3A_293 = arith.constant 4096 : i32
          %mul3A_294 = arith.muli %scan3A_226, %mul3A_293 : i32
          %add3A_295 = arith.constant 112 : i32
          %add3A_296 = arith.addi %mul3A_294, %add3A_295 : i32
          %swap3A_297 = arith.index_cast %add3A_296 : i32 to index
          %swap3A_298 = tpu.vector_load %arg7[%swap3A_297] {strides = array<i32>} : memref<16384xi32, #tpu.memory_space<vmem>>, vector<16xi32>,
          tpu.vector_store %arg7[%swap3A_297], %convert_element_type3A_292 {strides = array<i32>} : memref<16384xi32, #tpu.memory_space<vmem>>, vector<16xi32>,
          %get3A_299 = arith.constant 128 : index
          %get3A_300 = tpu.vector_load %arg8[%get3A_299] {strides = array<i32>} : memref<4096xf32, #tpu.memory_space<vmem>>, vector<16xf32>,
          %convert_element_type3A_301 = arith.fptosi %get3A_300 : vector<16xf32> to vector<16xi32>
          %mul3A_302 = arith.constant 4096 : i32
          %mul3A_303 = arith.muli %scan3A_226, %mul3A_302 : i32
          %add3A_304 = arith.constant 128 : i32
          %add3A_305 = arith.addi %mul3A_303, %add3A_304 : i32
          %swap3A_306 = arith.index_cast %add3A_305 : i32 to index
          %swap3A_307 = tpu.vector_load %arg7[%swap3A_306] {strides = array<i32>} : memref<16384xi32, #tpu.memory_space<vmem>>, vector<16xi32>,
          tpu.vector_store %arg7[%swap3A_306], %convert_element_type3A_301 {strides = array<i32>} : memref<16384xi32, #tpu.memory_space<vmem>>, vector<16xi32>,
          %get3A_308 = arith.constant 144 : index
          %get3A_309 = tpu.vector_load %arg8[%get3A_308] {strides = array<i32>} : memref<4096xf32, #tpu.memory_space<vmem>>, vector<16xf32>,
          %convert_element_type3A_310 = arith.fptosi %get3A_309 : vector<16xf32> to vector<16xi32>
          %mul3A_311 = arith.constant 4096 : i32
          %mul3A_312 = arith.muli %scan3A_226, %mul3A_311 : i32
          %add3A_313 = arith.constant 144 : i32
          %add3A_314 = arith.addi %mul3A_312, %add3A_313 : i32
          %swap3A_315 = arith.index_cast %add3A_314 : i32 to index
          %swap3A_316 = tpu.vector_load %arg7[%swap3A_315] {strides = array<i32>} : memref<16384xi32, #tpu.memory_space<vmem>>, vector<16xi32>,
          tpu.vector_store %arg7[%swap3A_315], %convert_element_type3A_310 {strides = array<i32>} : memref<16384xi32, #tpu.memory_space<vmem>>, vector<16xi32>,
          %get3A_317 = arith.constant 160 : index
          %get3A_318 = tpu.vector_load %arg8[%get3A_317] {strides = array<i32>} : memref<4096xf32, #tpu.memory_space<vmem>>, vector<16xf32>,
          %convert_element_type3A_319 = arith.fptosi %get3A_318 : vector<16xf32> to vector<16xi32>
          %mul3A_320 = arith.constant 4096 : i32
          %mul3A_321 = arith.muli %scan3A_226, %mul3A_320 : i32
          %add3A_322 = arith.constant 160 : i32
          %add3A_323 = arith.addi %mul3A_321, %add3A_322 : i32
          %swap3A_324 = arith.index_cast %add3A_323 : i32 to index
          %swap3A_325 = tpu.vector_load %arg7[%swap3A_324] {strides = array<i32>} : memref<16384xi32, #tpu.memory_space<vmem>>, vector<16xi32>,
          tpu.vector_store %arg7[%swap3A_324], %convert_element_type3A_319 {strides = array<i32>} : memref<16384xi32, #tpu.memory_space<vmem>>, vector<16xi32>,
          %get3A_326 = arith.constant 176 : index
          %get3A_327 = tpu.vector_load %arg8[%get3A_326] {strides = array<i32>} : memref<4096xf32, #tpu.memory_space<vmem>>, vector<16xf32>,
          %convert_element_type3A_328 = arith.fptosi %get3A_327 : vector<16xf32> to vector<16xi32>
          %mul3A_329 = arith.constant 4096 : i32
          %mul3A_330 = arith.muli %scan3A_226, %mul3A_329 : i32
          %add3A_331 = arith.constant 176 : i32
          %add3A_332 = arith.addi %mul3A_330, %add3A_331 : i32
          %swap3A_333 = arith.index_cast %add3A_332 : i32 to index
          %swap3A_334 = tpu.vector_load %arg7[%swap3A_333] {strides = array<i32>} : memref<16384xi32, #tpu.memory_space<vmem>>, vector<16xi32>,
          tpu.vector_store %arg7[%swap3A_333], %convert_element_type3A_328 {strides = array<i32>} : memref<16384xi32, #tpu.memory_space<vmem>>, vector<16xi32>,
          %get3A_335 = arith.constant 192 : index
          %get3A_336 = tpu.vector_load %arg8[%get3A_335] {strides = array<i32>} : memref<4096xf32, #tpu.memory_space<vmem>>, vector<16xf32>,
          %convert_element_type3A_337 = arith.fptosi %get3A_336 : vector<16xf32> to vector<16xi32>
          %mul3A_338 = arith.constant 4096 : i32
          %mul3A_339 = arith.muli %scan3A_226, %mul3A_338 : i32
          %add3A_340 = arith.constant 192 : i32
          %add3A_341 = arith.addi %mul3A_339, %add3A_340 : i32
          %swap3A_342 = arith.index_cast %add3A_341 : i32 to index
          %swap3A_343 = tpu.vector_load %arg7[%swap3A_342] {strides = array<i32>} : memref<16384xi32, #tpu.memory_space<vmem>>, vector<16xi32>,
          tpu.vector_store %arg7[%swap3A_342], %convert_element_type3A_337 {strides = array<i32>} : memref<16384xi32, #tpu.memory_space<vmem>>, vector<16xi32>,
          %get3A_344 = arith.constant 208 : index
          %get3A_345 = tpu.vector_load %arg8[%get3A_344] {strides = array<i32>} : memref<4096xf32, #tpu.memory_space<vmem>>, vector<16xf32>,
          %convert_element_type3A_346 = arith.fptosi %get3A_345 : vector<16xf32> to vector<16xi32>
          %mul3A_347 = arith.constant 4096 : i32
          %mul3A_348 = arith.muli %scan3A_226, %mul3A_347 : i32
          %add3A_349 = arith.constant 208 : i32
          %add3A_350 = arith.addi %mul3A_348, %add3A_349 : i32
          %swap3A_351 = arith.index_cast %add3A_350 : i32 to index
          %swap3A_352 = tpu.vector_load %arg7[%swap3A_351] {strides = array<i32>} : memref<16384xi32, #tpu.memory_space<vmem>>, vector<16xi32>,
          tpu.vector_store %arg7[%swap3A_351], %convert_element_type3A_346 {strides = array<i32>} : memref<16384xi32, #tpu.memory_space<vmem>>, vector<16xi32>,
          %get3A_353 = arith.constant 224 : index
          %get3A_354 = tpu.vector_load %arg8[%get3A_353] {strides = array<i32>} : memref<4096xf32, #tpu.memory_space<vmem>>, vector<16xf32>,
          %convert_element_type3A_355 = arith.fptosi %get3A_354 : vector<16xf32> to vector<16xi32>
          %mul3A_356 = arith.constant 4096 : i32
          %mul3A_357 = arith.muli %scan3A_226, %mul3A_356 : i32
          %add3A_358 = arith.constant 224 : i32
          %add3A_359 = arith.addi %mul3A_357, %add3A_358 : i32
          %swap3A_360 = arith.index_cast %add3A_359 : i32 to index
          %swap3A_361 = tpu.vector_load %arg7[%swap3A_360] {strides = array<i32>} : memref<16384xi32, #tpu.memory_space<vmem>>, vector<16xi32>,
          tpu.vector_store %arg7[%swap3A_360], %convert_element_type3A_355 {strides = array<i32>} : memref<16384xi32, #tpu.memory_space<vmem>>, vector<16xi32>,
          %get3A_362 = arith.constant 240 : index
          %get3A_363 = tpu.vector_load %arg8[%get3A_362] {strides = array<i32>} : memref<4096xf32, #tpu.memory_space<vmem>>, vector<16xf32>,
          %convert_element_type3A_364 = arith.fptosi %get3A_363 : vector<16xf32> to vector<16xi32>
          %mul3A_365 = arith.constant 4096 : i32
          %mul3A_366 = arith.muli %scan3A_226, %mul3A_365 : i32
          %add3A_367 = arith.constant 240 : i32
          %add3A_368 = arith.addi %mul3A_366, %add3A_367 : i32
          %swap3A_369 = arith.index_cast %add3A_368 : i32 to index
          %swap3A_370 = tpu.vector_load %arg7[%swap3A_369] {strides = array<i32>} : memref<16384xi32, #tpu.memory_space<vmem>>, vector<16xi32>,
          tpu.vector_store %arg7[%swap3A_369], %convert_element_type3A_364 {strides = array<i32>} : memref<16384xi32, #tpu.memory_space<vmem>>, vector<16xi32>,
          %get3A_371 = arith.constant 256 : index
          %get3A_372 = tpu.vector_load %arg8[%get3A_371] {strides = array<i32>} : memref<4096xf32, #tpu.memory_space<vmem>>, vector<16xf32>,
          %convert_element_type3A_373 = arith.fptosi %get3A_372 : vector<16xf32> to vector<16xi32>
          %mul3A_374 = arith.constant 4096 : i32
          %mul3A_375 = arith.muli %scan3A_226, %mul3A_374 : i32
          %add3A_376 = arith.constant 256 : i32
          %add3A_377 = arith.addi %mul3A_375, %add3A_376 : i32
          %swap3A_378 = arith.index_cast %add3A_377 : i32 to index
          %swap3A_379 = tpu.vector_load %arg7[%swap3A_378] {strides = array<i32>} : memref<16384xi32, #tpu.memory_space<vmem>>, vector<16xi32>,
          tpu.vector_store %arg7[%swap3A_378], %convert_element_type3A_373 {strides = array<i32>} : memref<16384xi32, #tpu.memory_space<vmem>>, vector<16xi32>,
          %get3A_380 = arith.constant 272 : index
          %get3A_381 = tpu.vector_load %arg8[%get3A_380] {strides = array<i32>} : memref<4096xf32, #tpu.memory_space<vmem>>, vector<16xf32>,
          %convert_element_type3A_382 = arith.fptosi %get3A_381 : vector<16xf32> to vector<16xi32>
          %mul3A_383 = arith.constant 4096 : i32
          %mul3A_384 = arith.muli %scan3A_226, %mul3A_383 : i32
          %add3A_385 = arith.constant 272 : i32
          %add3A_386 = arith.addi %mul3A_384, %add3A_385 : i32
          %swap3A_387 = arith.index_cast %add3A_386 : i32 to index
          %swap3A_388 = tpu.vector_load %arg7[%swap3A_387] {strides = array<i32>} : memref<16384xi32, #tpu.memory_space<vmem>>, vector<16xi32>,
          tpu.vector_store %arg7[%swap3A_387], %convert_element_type3A_382 {strides = array<i32>} : memref<16384xi32, #tpu.memory_space<vmem>>, vector<16xi32>,
          %get3A_389 = arith.constant 288 : index
          %get3A_390 = tpu.vector_load %arg8[%get3A_389] {strides = array<i32>} : memref<4096xf32, #tpu.memory_space<vmem>>, vector<16xf32>,
          %convert_element_type3A_391 = arith.fptosi %get3A_390 : vector<16xf32> to vector<16xi32>
          %mul3A_392 = arith.constant 4096 : i32
          %mul3A_393 = arith.muli %scan3A_226, %mul3A_392 : i32
          %add3A_394 = arith.constant 288 : i32
          %add3A_395 = arith.addi %mul3A_393, %add3A_394 : i32
          %swap3A_396 = arith.index_cast %add3A_395 : i32 to index
          %swap3A_397 = tpu.vector_load %arg7[%swap3A_396] {strides = array<i32>} : memref<16384xi32, #tpu.memory_space<vmem>>, vector<16xi32>,
          tpu.vector_store %arg7[%swap3A_396], %convert_element_type3A_391 {strides = array<i32>} : memref<16384xi32, #tpu.memory_space<vmem>>, vector<16xi32>,
          %get3A_398 = arith.constant 304 : index
          %get3A_399 = tpu.vector_load %arg8[%get3A_398] {strides = array<i32>} : memref<4096xf32, #tpu.memory_space<vmem>>, vector<16xf32>,
          %convert_element_type3A_400 = arith.fptosi %get3A_399 : vector<16xf32> to vector<16xi32>
          %mul3A_401 = arith.constant 4096 : i32
          %mul3A_402 = arith.muli %scan3A_226, %mul3A_401 : i32
          %add3A_403 = arith.constant 304 : i32
          %add3A_404 = arith.addi %mul3A_402, %add3A_403 : i32
          %swap3A_405 = arith.index_cast %add3A_404 : i32 to index
          %swap3A_406 = tpu.vector_load %arg7[%swap3A_405] {strides = array<i32>} : memref<16384xi32, #tpu.memory_space<vmem>>, vector<16xi32>,
          tpu.vector_store %arg7[%swap3A_405], %convert_element_type3A_400 {strides = array<i32>} : memref<16384xi32, #tpu.memory_space<vmem>>, vector<16xi32>,
          %get3A_407 = arith.constant 320 : index
          %get3A_408 = tpu.vector_load %arg8[%get3A_407] {strides = array<i32>} : memref<4096xf32, #tpu.memory_space<vmem>>, vector<16xf32>,
          %convert_element_type3A_409 = arith.fptosi %get3A_408 : vector<16xf32> to vector<16xi32>
          %mul3A_410 = arith.constant 4096 : i32
          %mul3A_411 = arith.muli %scan3A_226, %mul3A_410 : i32
          %add3A_412 = arith.constant 320 : i32
          %add3A_413 = arith.addi %mul3A_411, %add3A_412 : i32
          %swap3A_414 = arith.index_cast %add3A_413 : i32 to index
          %swap3A_415 = tpu.vector_load %arg7[%swap3A_414] {strides = array<i32>} : memref<16384xi32, #tpu.memory_space<vmem>>, vector<16xi32>,
          tpu.vector_store %arg7[%swap3A_414], %convert_element_type3A_409 {strides = array<i32>} : memref<16384xi32, #tpu.memory_space<vmem>>, vector<16xi32>,
          %get3A_416 = arith.constant 336 : index
          %get3A_417 = tpu.vector_load %arg8[%get3A_416] {strides = array<i32>} : memref<4096xf32, #tpu.memory_space<vmem>>, vector<16xf32>,
          %convert_element_type3A_418 = arith.fptosi %get3A_417 : vector<16xf32> to vector<16xi32>
          %mul3A_419 = arith.constant 4096 : i32
          %mul3A_420 = arith.muli %scan3A_226, %mul3A_419 : i32
          %add3A_421 = arith.constant 336 : i32
          %add3A_422 = arith.addi %mul3A_420, %add3A_421 : i32
          %swap3A_423 = arith.index_cast %add3A_422 : i32 to index
          %swap3A_424 = tpu.vector_load %arg7[%swap3A_423] {strides = array<i32>} : memref<16384xi32, #tpu.memory_space<vmem>>, vector<16xi32>,
          tpu.vector_store %arg7[%swap3A_423], %convert_element_type3A_418 {strides = array<i32>} : memref<16384xi32, #tpu.memory_space<vmem>>, vector<16xi32>,
          %get3A_425 = arith.constant 352 : index
          %get3A_426 = tpu.vector_load %arg8[%get3A_425] {strides = array<i32>} : memref<4096xf32, #tpu.memory_space<vmem>>, vector<16xf32>,
          %convert_element_type3A_427 = arith.fptosi %get3A_426 : vector<16xf32> to vector<16xi32>
          %mul3A_428 = arith.constant 4096 : i32
          %mul3A_429 = arith.muli %scan3A_226, %mul3A_428 : i32
          %add3A_430 = arith.constant 352 : i32
          %add3A_431 = arith.addi %mul3A_429, %add3A_430 : i32
          %swap3A_432 = arith.index_cast %add3A_431 : i32 to index
          %swap3A_433 = tpu.vector_load %arg7[%swap3A_432] {strides = array<i32>} : memref<16384xi32, #tpu.memory_space<vmem>>, vector<16xi32>,
          tpu.vector_store %arg7[%swap3A_432], %convert_element_type3A_427 {strides = array<i32>} : memref<16384xi32, #tpu.memory_space<vmem>>, vector<16xi32>,
          %get3A_434 = arith.constant 368 : index
          %get3A_435 = tpu.vector_load %arg8[%get3A_434] {strides = array<i32>} : memref<4096xf32, #tpu.memory_space<vmem>>, vector<16xf32>,
          %convert_element_type3A_436 = arith.fptosi %get3A_435 : vector<16xf32> to vector<16xi32>
          %mul3A_437 = arith.constant 4096 : i32
          %mul3A_438 = arith.muli %scan3A_226, %mul3A_437 : i32
          %add3A_439 = arith.constant 368 : i32
          %add3A_440 = arith.addi %mul3A_438, %add3A_439 : i32
          %swap3A_441 = arith.index_cast %add3A_440 : i32 to index
          %swap3A_442 = tpu.vector_load %arg7[%swap3A_441] {strides = array<i32>} : memref<16384xi32, #tpu.memory_space<vmem>>, vector<16xi32>,
          tpu.vector_store %arg7[%swap3A_441], %convert_element_type3A_436 {strides = array<i32>} : memref<16384xi32, #tpu.memory_space<vmem>>, vector<16xi32>,
          %get3A_443 = arith.constant 384 : index
          %get3A_444 = tpu.vector_load %arg8[%get3A_443] {strides = array<i32>} : memref<4096xf32, #tpu.memory_space<vmem>>, vector<16xf32>,
          %convert_element_type3A_445 = arith.fptosi %get3A_444 : vector<16xf32> to vector<16xi32>
          %mul3A_446 = arith.constant 4096 : i32
          %mul3A_447 = arith.muli %scan3A_226, %mul3A_446 : i32
          %add3A_448 = arith.constant 384 : i32
          %add3A_449 = arith.addi %mul3A_447, %add3A_448 : i32
          %swap3A_450 = arith.index_cast %add3A_449 : i32 to index
          %swap3A_451 = tpu.vector_load %arg7[%swap3A_450] {strides = array<i32>} : memref<16384xi32, #tpu.memory_space<vmem>>, vector<16xi32>,
          tpu.vector_store %arg7[%swap3A_450], %convert_element_type3A_445 {strides = array<i32>} : memref<16384xi32, #tpu.memory_space<vmem>>, vector<16xi32>,
          %get3A_452 = arith.constant 400 : index
          %get3A_453 = tpu.vector_load %arg8[%get3A_452] {strides = array<i32>} : memref<4096xf32, #tpu.memory_space<vmem>>, vector<16xf32>,
          %convert_element_type3A_454 = arith.fptosi %get3A_453 : vector<16xf32> to vector<16xi32>
          %mul3A_455 = arith.constant 4096 : i32
          %mul3A_456 = arith.muli %scan3A_226, %mul3A_455 : i32
          %add3A_457 = arith.constant 400 : i32
          %add3A_458 = arith.addi %mul3A_456, %add3A_457 : i32
          %swap3A_459 = arith.index_cast %add3A_458 : i32 to index
          %swap3A_460 = tpu.vector_load %arg7[%swap3A_459] {strides = array<i32>} : memref<16384xi32, #tpu.memory_space<vmem>>, vector<16xi32>,
          tpu.vector_store %arg7[%swap3A_459], %convert_element_type3A_454 {strides = array<i32>} : memref<16384xi32, #tpu.memory_space<vmem>>, vector<16xi32>,
          %get3A_461 = arith.constant 416 : index
          %get3A_462 = tpu.vector_load %arg8[%get3A_461] {strides = array<i32>} : memref<4096xf32, #tpu.memory_space<vmem>>, vector<16xf32>,
          %convert_element_type3A_463 = arith.fptosi %get3A_462 : vector<16xf32> to vector<16xi32>
          %mul3A_464 = arith.constant 4096 : i32
          %mul3A_465 = arith.muli %scan3A_226, %mul3A_464 : i32
          %add3A_466 = arith.constant 416 : i32
          %add3A_467 = arith.addi %mul3A_465, %add3A_466 : i32
          %swap3A_468 = arith.index_cast %add3A_467 : i32 to index
          %swap3A_469 = tpu.vector_load %arg7[%swap3A_468] {strides = array<i32>} : memref<16384xi32, #tpu.memory_space<vmem>>, vector<16xi32>,
          tpu.vector_store %arg7[%swap3A_468], %convert_element_type3A_463 {strides = array<i32>} : memref<16384xi32, #tpu.memory_space<vmem>>, vector<16xi32>,
          %get3A_470 = arith.constant 432 : index
          %get3A_471 = tpu.vector_load %arg8[%get3A_470] {strides = array<i32>} : memref<4096xf32, #tpu.memory_space<vmem>>, vector<16xf32>,
          %convert_element_type3A_472 = arith.fptosi %get3A_471 : vector<16xf32> to vector<16xi32>
          %mul3A_473 = arith.constant 4096 : i32
          %mul3A_474 = arith.muli %scan3A_226, %mul3A_473 : i32
          %add3A_475 = arith.constant 432 : i32
          %add3A_476 = arith.addi %mul3A_474, %add3A_475 : i32
          %swap3A_477 = arith.index_cast %add3A_476 : i32 to index
          %swap3A_478 = tpu.vector_load %arg7[%swap3A_477] {strides = array<i32>} : memref<16384xi32, #tpu.memory_space<vmem>>, vector<16xi32>,
          tpu.vector_store %arg7[%swap3A_477], %convert_element_type3A_472 {strides = array<i32>} : memref<16384xi32, #tpu.memory_space<vmem>>, vector<16xi32>,
          %get3A_479 = arith.constant 448 : index
          %get3A_480 = tpu.vector_load %arg8[%get3A_479] {strides = array<i32>} : memref<4096xf32, #tpu.memory_space<vmem>>, vector<16xf32>,
          %convert_element_type3A_481 = arith.fptosi %get3A_480 : vector<16xf32> to vector<16xi32>
          %mul3A_482 = arith.constant 4096 : i32
          %mul3A_483 = arith.muli %scan3A_226, %mul3A_482 : i32
          %add3A_484 = arith.constant 448 : i32
          %add3A_485 = arith.addi %mul3A_483, %add3A_484 : i32
          %swap3A_486 = arith.index_cast %add3A_485 : i32 to index
          %swap3A_487 = tpu.vector_load %arg7[%swap3A_486] {strides = array<i32>} : memref<16384xi32, #tpu.memory_space<vmem>>, vector<16xi32>,
          tpu.vector_store %arg7[%swap3A_486], %convert_element_type3A_481 {strides = array<i32>} : memref<16384xi32, #tpu.memory_space<vmem>>, vector<16xi32>,
          %get3A_488 = arith.constant 464 : index
          %get3A_489 = tpu.vector_load %arg8[%get3A_488] {strides = array<i32>} : memref<4096xf32, #tpu.memory_space<vmem>>, vector<16xf32>,
          %convert_element_type3A_490 = arith.fptosi %get3A_489 : vector<16xf32> to vector<16xi32>
          %mul3A_491 = arith.constant 4096 : i32
          %mul3A_492 = arith.muli %scan3A_226, %mul3A_491 : i32
          %add3A_493 = arith.constant 464 : i32
          %add3A_494 = arith.addi %mul3A_492, %add3A_493 : i32
          %swap3A_495 = arith.index_cast %add3A_494 : i32 to index
          %swap3A_496 = tpu.vector_load %arg7[%swap3A_495] {strides = array<i32>} : memref<16384xi32, #tpu.memory_space<vmem>>, vector<16xi32>,
          tpu.vector_store %arg7[%swap3A_495], %convert_element_type3A_490 {strides = array<i32>} : memref<16384xi32, #tpu.memory_space<vmem>>, vector<16xi32>,
          %get3A_497 = arith.constant 480 : index
          %get3A_498 = tpu.vector_load %arg8[%get3A_497] {strides = array<i32>} : memref<4096xf32, #tpu.memory_space<vmem>>, vector<16xf32>,
          %convert_element_type3A_499 = arith.fptosi %get3A_498 : vector<16xf32> to vector<16xi32>
          %mul3A_500 = arith.constant 4096 : i32
          %mul3A_501 = arith.muli %scan3A_226, %mul3A_500 : i32
          %add3A_502 = arith.constant 480 : i32
          %add3A_503 = arith.addi %mul3A_501, %add3A_502 : i32
          %swap3A_504 = arith.index_cast %add3A_503 : i32 to index
          %swap3A_505 = tpu.vector_load %arg7[%swap3A_504] {strides = array<i32>} : memref<16384xi32, #tpu.memory_space<vmem>>, vector<16xi32>,
          tpu.vector_store %arg7[%swap3A_504], %convert_element_type3A_499 {strides = array<i32>} : memref<16384xi32, #tpu.memory_space<vmem>>, vector<16xi32>,
          %get3A_506 = arith.constant 496 : index
          %get3A_507 = tpu.vector_load %arg8[%get3A_506] {strides = array<i32>} : memref<4096xf32, #tpu.memory_space<vmem>>, vector<16xf32>,
          %convert_element_type3A_508 = arith.fptosi %get3A_507 : vector<16xf32> to vector<16xi32>
          %mul3A_509 = arith.constant 4096 : i32
          %mul3A_510 = arith.muli %scan3A_226, %mul3A_509 : i32
          %add3A_511 = arith.constant 496 : i32
          %add3A_512 = arith.addi %mul3A_510, %add3A_511 : i32
          %swap3A_513 = arith.index_cast %add3A_512 : i32 to index
          %swap3A_514 = tpu.vector_load %arg7[%swap3A_513] {strides = array<i32>} : memref<16384xi32, #tpu.memory_space<vmem>>, vector<16xi32>,
          tpu.vector_store %arg7[%swap3A_513], %convert_element_type3A_508 {strides = array<i32>} : memref<16384xi32, #tpu.memory_space<vmem>>, vector<16xi32>,
          %get3A_515 = arith.constant 512 : index
          %get3A_516 = tpu.vector_load %arg8[%get3A_515] {strides = array<i32>} : memref<4096xf32, #tpu.memory_space<vmem>>, vector<16xf32>,
          %convert_element_type3A_517 = arith.fptosi %get3A_516 : vector<16xf32> to vector<16xi32>
          %mul3A_518 = arith.constant 4096 : i32
          %mul3A_519 = arith.muli %scan3A_226, %mul3A_518 : i32
          %add3A_520 = arith.constant 512 : i32
          %add3A_521 = arith.addi %mul3A_519, %add3A_520 : i32
          %swap3A_522 = arith.index_cast %add3A_521 : i32 to index
          %swap3A_523 = tpu.vector_load %arg7[%swap3A_522] {strides = array<i32>} : memref<16384xi32, #tpu.memory_space<vmem>>, vector<16xi32>,
          tpu.vector_store %arg7[%swap3A_522], %convert_element_type3A_517 {strides = array<i32>} : memref<16384xi32, #tpu.memory_space<vmem>>, vector<16xi32>,
          %get3A_524 = arith.constant 528 : index
          %get3A_525 = tpu.vector_load %arg8[%get3A_524] {strides = array<i32>} : memref<4096xf32, #tpu.memory_space<vmem>>, vector<16xf32>,
          %convert_element_type3A_526 = arith.fptosi %get3A_525 : vector<16xf32> to vector<16xi32>
          %mul3A_527 = arith.constant 4096 : i32
          %mul3A_528 = arith.muli %scan3A_226, %mul3A_527 : i32
          %add3A_529 = arith.constant 528 : i32
          %add3A_530 = arith.addi %mul3A_528, %add3A_529 : i32
          %swap3A_531 = arith.index_cast %add3A_530 : i32 to index
          %swap3A_532 = tpu.vector_load %arg7[%swap3A_531] {strides = array<i32>} : memref<16384xi32, #tpu.memory_space<vmem>>, vector<16xi32>,
          tpu.vector_store %arg7[%swap3A_531], %convert_element_type3A_526 {strides = array<i32>} : memref<16384xi32, #tpu.memory_space<vmem>>, vector<16xi32>,
          %get3A_533 = arith.constant 544 : index
          %get3A_534 = tpu.vector_load %arg8[%get3A_533] {strides = array<i32>} : memref<4096xf32, #tpu.memory_space<vmem>>, vector<16xf32>,
          %convert_element_type3A_535 = arith.fptosi %get3A_534 : vector<16xf32> to vector<16xi32>
          %mul3A_536 = arith.constant 4096 : i32
          %mul3A_537 = arith.muli %scan3A_226, %mul3A_536 : i32
          %add3A_538 = arith.constant 544 : i32
          %add3A_539 = arith.addi %mul3A_537, %add3A_538 : i32
          %swap3A_540 = arith.index_cast %add3A_539 : i32 to index
          %swap3A_541 = tpu.vector_load %arg7[%swap3A_540] {strides = array<i32>} : memref<16384xi32, #tpu.memory_space<vmem>>, vector<16xi32>,
          tpu.vector_store %arg7[%swap3A_540], %convert_element_type3A_535 {strides = array<i32>} : memref<16384xi32, #tpu.memory_space<vmem>>, vector<16xi32>,
          %get3A_542 = arith.constant 560 : index
          %get3A_543 = tpu.vector_load %arg8[%get3A_542] {strides = array<i32>} : memref<4096xf32, #tpu.memory_space<vmem>>, vector<16xf32>,
          %convert_element_type3A_544 = arith.fptosi %get3A_543 : vector<16xf32> to vector<16xi32>
          %mul3A_545 = arith.constant 4096 : i32
          %mul3A_546 = arith.muli %scan3A_226, %mul3A_545 : i32
          %add3A_547 = arith.constant 560 : i32
          %add3A_548 = arith.addi %mul3A_546, %add3A_547 : i32
          %swap3A_549 = arith.index_cast %add3A_548 : i32 to index
          %swap3A_550 = tpu.vector_load %arg7[%swap3A_549] {strides = array<i32>} : memref<16384xi32, #tpu.memory_space<vmem>>, vector<16xi32>,
          tpu.vector_store %arg7[%swap3A_549], %convert_element_type3A_544 {strides = array<i32>} : memref<16384xi32, #tpu.memory_space<vmem>>, vector<16xi32>,
          %get3A_551 = arith.constant 576 : index
          %get3A_552 = tpu.vector_load %arg8[%get3A_551] {strides = array<i32>} : memref<4096xf32, #tpu.memory_space<vmem>>, vector<16xf32>,
          %convert_element_type3A_553 = arith.fptosi %get3A_552 : vector<16xf32> to vector<16xi32>
          %mul3A_554 = arith.constant 4096 : i32
          %mul3A_555 = arith.muli %scan3A_226, %mul3A_554 : i32
          %add3A_556 = arith.constant 576 : i32
          %add3A_557 = arith.addi %mul3A_555, %add3A_556 : i32
          %swap3A_558 = arith.index_cast %add3A_557 : i32 to index
          %swap3A_559 = tpu.vector_load %arg7[%swap3A_558] {strides = array<i32>} : memref<16384xi32, #tpu.memory_space<vmem>>, vector<16xi32>,
          tpu.vector_store %arg7[%swap3A_558], %convert_element_type3A_553 {strides = array<i32>} : memref<16384xi32, #tpu.memory_space<vmem>>, vector<16xi32>,
          %get3A_560 = arith.constant 592 : index
          %get3A_561 = tpu.vector_load %arg8[%get3A_560] {strides = array<i32>} : memref<4096xf32, #tpu.memory_space<vmem>>, vector<16xf32>,
          %convert_element_type3A_562 = arith.fptosi %get3A_561 : vector<16xf32> to vector<16xi32>
          %mul3A_563 = arith.constant 4096 : i32
          %mul3A_564 = arith.muli %scan3A_226, %mul3A_563 : i32
          %add3A_565 = arith.constant 592 : i32
          %add3A_566 = arith.addi %mul3A_564, %add3A_565 : i32
          %swap3A_567 = arith.index_cast %add3A_566 : i32 to index
          %swap3A_568 = tpu.vector_load %arg7[%swap3A_567] {strides = array<i32>} : memref<16384xi32, #tpu.memory_space<vmem>>, vector<16xi32>,
          tpu.vector_store %arg7[%swap3A_567], %convert_element_type3A_562 {strides = array<i32>} : memref<16384xi32, #tpu.memory_space<vmem>>, vector<16xi32>,
          %get3A_569 = arith.constant 608 : index
          %get3A_570 = tpu.vector_load %arg8[%get3A_569] {strides = array<i32>} : memref<4096xf32, #tpu.memory_space<vmem>>, vector<16xf32>,
          %convert_element_type3A_571 = arith.fptosi %get3A_570 : vector<16xf32> to vector<16xi32>
          %mul3A_572 = arith.constant 4096 : i32
          %mul3A_573 = arith.muli %scan3A_226, %mul3A_572 : i32
          %add3A_574 = arith.constant 608 : i32
          %add3A_575 = arith.addi %mul3A_573, %add3A_574 : i32
          %swap3A_576 = arith.index_cast %add3A_575 : i32 to index
          %swap3A_577 = tpu.vector_load %arg7[%swap3A_576] {strides = array<i32>} : memref<16384xi32, #tpu.memory_space<vmem>>, vector<16xi32>,
          tpu.vector_store %arg7[%swap3A_576], %convert_element_type3A_571 {strides = array<i32>} : memref<16384xi32, #tpu.memory_space<vmem>>, vector<16xi32>,
          %get3A_578 = arith.constant 624 : index
          %get3A_579 = tpu.vector_load %arg8[%get3A_578] {strides = array<i32>} : memref<4096xf32, #tpu.memory_space<vmem>>, vector<16xf32>,
          %convert_element_type3A_580 = arith.fptosi %get3A_579 : vector<16xf32> to vector<16xi32>
          %mul3A_581 = arith.constant 4096 : i32
          %mul3A_582 = arith.muli %scan3A_226, %mul3A_581 : i32
          %add3A_583 = arith.constant 624 : i32
          %add3A_584 = arith.addi %mul3A_582, %add3A_583 : i32
          %swap3A_585 = arith.index_cast %add3A_584 : i32 to index
          %swap3A_586 = tpu.vector_load %arg7[%swap3A_585] {strides = array<i32>} : memref<16384xi32, #tpu.memory_space<vmem>>, vector<16xi32>,
          tpu.vector_store %arg7[%swap3A_585], %convert_element_type3A_580 {strides = array<i32>} : memref<16384xi32, #tpu.memory_space<vmem>>, vector<16xi32>,
          %get3A_587 = arith.constant 640 : index
          %get3A_588 = tpu.vector_load %arg8[%get3A_587] {strides = array<i32>} : memref<4096xf32, #tpu.memory_space<vmem>>, vector<16xf32>,
          %convert_element_type3A_589 = arith.fptosi %get3A_588 : vector<16xf32> to vector<16xi32>
          %mul3A_590 = arith.constant 4096 : i32
          %mul3A_591 = arith.muli %scan3A_226, %mul3A_590 : i32
          %add3A_592 = arith.constant 640 : i32
          %add3A_593 = arith.addi %mul3A_591, %add3A_592 : i32
          %swap3A_594 = arith.index_cast %add3A_593 : i32 to index
          %swap3A_595 = tpu.vector_load %arg7[%swap3A_594] {strides = array<i32>} : memref<16384xi32, #tpu.memory_space<vmem>>, vector<16xi32>,
          tpu.vector_store %arg7[%swap3A_594], %convert_element_type3A_589 {strides = array<i32>} : memref<16384xi32, #tpu.memory_space<vmem>>, vector<16xi32>,
          %get3A_596 = arith.constant 656 : index
          %get3A_597 = tpu.vector_load %arg8[%get3A_596] {strides = array<i32>} : memref<4096xf32, #tpu.memory_space<vmem>>, vector<16xf32>,
          %convert_element_type3A_598 = arith.fptosi %get3A_597 : vector<16xf32> to vector<16xi32>
          %mul3A_599 = arith.constant 4096 : i32
          %mul3A_600 = arith.muli %scan3A_226, %mul3A_599 : i32
          %add3A_601 = arith.constant 656 : i32
          %add3A_602 = arith.addi %mul3A_600, %add3A_601 : i32
          %swap3A_603 = arith.index_cast %add3A_602 : i32 to index
          %swap3A_604 = tpu.vector_load %arg7[%swap3A_603] {strides = array<i32>} : memref<16384xi32, #tpu.memory_space<vmem>>, vector<16xi32>,
          tpu.vector_store %arg7[%swap3A_603], %convert_element_type3A_598 {strides = array<i32>} : memref<16384xi32, #tpu.memory_space<vmem>>, vector<16xi32>,
          %get3A_605 = arith.constant 672 : index
          %get3A_606 = tpu.vector_load %arg8[%get3A_605] {strides = array<i32>} : memref<4096xf32, #tpu.memory_space<vmem>>, vector<16xf32>,
          %convert_element_type3A_607 = arith.fptosi %get3A_606 : vector<16xf32> to vector<16xi32>
          %mul3A_608 = arith.constant 4096 : i32
          %mul3A_609 = arith.muli %scan3A_226, %mul3A_608 : i32
          %add3A_610 = arith.constant 672 : i32
          %add3A_611 = arith.addi %mul3A_609, %add3A_610 : i32
          %swap3A_612 = arith.index_cast %add3A_611 : i32 to index
          %swap3A_613 = tpu.vector_load %arg7[%swap3A_612] {strides = array<i32>} : memref<16384xi32, #tpu.memory_space<vmem>>, vector<16xi32>,
          tpu.vector_store %arg7[%swap3A_612], %convert_element_type3A_607 {strides = array<i32>} : memref<16384xi32, #tpu.memory_space<vmem>>, vector<16xi32>,
          %get3A_614 = arith.constant 688 : index
          %get3A_615 = tpu.vector_load %arg8[%get3A_614] {strides = array<i32>} : memref<4096xf32, #tpu.memory_space<vmem>>, vector<16xf32>,
          %convert_element_type3A_616 = arith.fptosi %get3A_615 : vector<16xf32> to vector<16xi32>
          %mul3A_617 = arith.constant 4096 : i32
          %mul3A_618 = arith.muli %scan3A_226, %mul3A_617 : i32
          %add3A_619 = arith.constant 688 : i32
          %add3A_620 = arith.addi %mul3A_618, %add3A_619 : i32
          %swap3A_621 = arith.index_cast %add3A_620 : i32 to index
          %swap3A_622 = tpu.vector_load %arg7[%swap3A_621] {strides = array<i32>} : memref<16384xi32, #tpu.memory_space<vmem>>, vector<16xi32>,
          tpu.vector_store %arg7[%swap3A_621], %convert_element_type3A_616 {strides = array<i32>} : memref<16384xi32, #tpu.memory_space<vmem>>, vector<16xi32>,
          %get3A_623 = arith.constant 704 : index
          %get3A_624 = tpu.vector_load %arg8[%get3A_623] {strides = array<i32>} : memref<4096xf32, #tpu.memory_space<vmem>>, vector<16xf32>,
          %convert_element_type3A_625 = arith.fptosi %get3A_624 : vector<16xf32> to vector<16xi32>
          %mul3A_626 = arith.constant 4096 : i32
          %mul3A_627 = arith.muli %scan3A_226, %mul3A_626 : i32
          %add3A_628 = arith.constant 704 : i32
          %add3A_629 = arith.addi %mul3A_627, %add3A_628 : i32
          %swap3A_630 = arith.index_cast %add3A_629 : i32 to index
          %swap3A_631 = tpu.vector_load %arg7[%swap3A_630] {strides = array<i32>} : memref<16384xi32, #tpu.memory_space<vmem>>, vector<16xi32>,
          tpu.vector_store %arg7[%swap3A_630], %convert_element_type3A_625 {strides = array<i32>} : memref<16384xi32, #tpu.memory_space<vmem>>, vector<16xi32>,
          %get3A_632 = arith.constant 720 : index
          %get3A_633 = tpu.vector_load %arg8[%get3A_632] {strides = array<i32>} : memref<4096xf32, #tpu.memory_space<vmem>>, vector<16xf32>,
          %convert_element_type3A_634 = arith.fptosi %get3A_633 : vector<16xf32> to vector<16xi32>
          %mul3A_635 = arith.constant 4096 : i32
          %mul3A_636 = arith.muli %scan3A_226, %mul3A_635 : i32
          %add3A_637 = arith.constant 720 : i32
          %add3A_638 = arith.addi %mul3A_636, %add3A_637 : i32
          %swap3A_639 = arith.index_cast %add3A_638 : i32 to index
          %swap3A_640 = tpu.vector_load %arg7[%swap3A_639] {strides = array<i32>} : memref<16384xi32, #tpu.memory_space<vmem>>, vector<16xi32>,
          tpu.vector_store %arg7[%swap3A_639], %convert_element_type3A_634 {strides = array<i32>} : memref<16384xi32, #tpu.memory_space<vmem>>, vector<16xi32>,
          %get3A_641 = arith.constant 736 : index
          %get3A_642 = tpu.vector_load %arg8[%get3A_641] {strides = array<i32>} : memref<4096xf32, #tpu.memory_space<vmem>>, vector<16xf32>,
          %convert_element_type3A_643 = arith.fptosi %get3A_642 : vector<16xf32> to vector<16xi32>
          %mul3A_644 = arith.constant 4096 : i32
          %mul3A_645 = arith.muli %scan3A_226, %mul3A_644 : i32
          %add3A_646 = arith.constant 736 : i32
          %add3A_647 = arith.addi %mul3A_645, %add3A_646 : i32
          %swap3A_648 = arith.index_cast %add3A_647 : i32 to index
          %swap3A_649 = tpu.vector_load %arg7[%swap3A_648] {strides = array<i32>} : memref<16384xi32, #tpu.memory_space<vmem>>, vector<16xi32>,
          tpu.vector_store %arg7[%swap3A_648], %convert_element_type3A_643 {strides = array<i32>} : memref<16384xi32, #tpu.memory_space<vmem>>, vector<16xi32>,
          %get3A_650 = arith.constant 752 : index
          %get3A_651 = tpu.vector_load %arg8[%get3A_650] {strides = array<i32>} : memref<4096xf32, #tpu.memory_space<vmem>>, vector<16xf32>,
          %convert_element_type3A_652 = arith.fptosi %get3A_651 : vector<16xf32> to vector<16xi32>
          %mul3A_653 = arith.constant 4096 : i32
          %mul3A_654 = arith.muli %scan3A_226, %mul3A_653 : i32
          %add3A_655 = arith.constant 752 : i32
          %add3A_656 = arith.addi %mul3A_654, %add3A_655 : i32
          %swap3A_657 = arith.index_cast %add3A_656 : i32 to index
          %swap3A_658 = tpu.vector_load %arg7[%swap3A_657] {strides = array<i32>} : memref<16384xi32, #tpu.memory_space<vmem>>, vector<16xi32>,
          tpu.vector_store %arg7[%swap3A_657], %convert_element_type3A_652 {strides = array<i32>} : memref<16384xi32, #tpu.memory_space<vmem>>, vector<16xi32>,
          %get3A_659 = arith.constant 768 : index
          %get3A_660 = tpu.vector_load %arg8[%get3A_659] {strides = array<i32>} : memref<4096xf32, #tpu.memory_space<vmem>>, vector<16xf32>,
          %convert_element_type3A_661 = arith.fptosi %get3A_660 : vector<16xf32> to vector<16xi32>
          %mul3A_662 = arith.constant 4096 : i32
          %mul3A_663 = arith.muli %scan3A_226, %mul3A_662 : i32
          %add3A_664 = arith.constant 768 : i32
          %add3A_665 = arith.addi %mul3A_663, %add3A_664 : i32
          %swap3A_666 = arith.index_cast %add3A_665 : i32 to index
          %swap3A_667 = tpu.vector_load %arg7[%swap3A_666] {strides = array<i32>} : memref<16384xi32, #tpu.memory_space<vmem>>, vector<16xi32>,
          tpu.vector_store %arg7[%swap3A_666], %convert_element_type3A_661 {strides = array<i32>} : memref<16384xi32, #tpu.memory_space<vmem>>, vector<16xi32>,
          %get3A_668 = arith.constant 784 : index
          %get3A_669 = tpu.vector_load %arg8[%get3A_668] {strides = array<i32>} : memref<4096xf32, #tpu.memory_space<vmem>>, vector<16xf32>,
          %convert_element_type3A_670 = arith.fptosi %get3A_669 : vector<16xf32> to vector<16xi32>
          %mul3A_671 = arith.constant 4096 : i32
          %mul3A_672 = arith.muli %scan3A_226, %mul3A_671 : i32
          %add3A_673 = arith.constant 784 : i32
          %add3A_674 = arith.addi %mul3A_672, %add3A_673 : i32
          %swap3A_675 = arith.index_cast %add3A_674 : i32 to index
          %swap3A_676 = tpu.vector_load %arg7[%swap3A_675] {strides = array<i32>} : memref<16384xi32, #tpu.memory_space<vmem>>, vector<16xi32>,
          tpu.vector_store %arg7[%swap3A_675], %convert_element_type3A_670 {strides = array<i32>} : memref<16384xi32, #tpu.memory_space<vmem>>, vector<16xi32>,
          %get3A_677 = arith.constant 800 : index
          %get3A_678 = tpu.vector_load %arg8[%get3A_677] {strides = array<i32>} : memref<4096xf32, #tpu.memory_space<vmem>>, vector<16xf32>,
          %convert_element_type3A_679 = arith.fptosi %get3A_678 : vector<16xf32> to vector<16xi32>
          %mul3A_680 = arith.constant 4096 : i32
          %mul3A_681 = arith.muli %scan3A_226, %mul3A_680 : i32
          %add3A_682 = arith.constant 800 : i32
          %add3A_683 = arith.addi %mul3A_681, %add3A_682 : i32
          %swap3A_684 = arith.index_cast %add3A_683 : i32 to index
          %swap3A_685 = tpu.vector_load %arg7[%swap3A_684] {strides = array<i32>} : memref<16384xi32, #tpu.memory_space<vmem>>, vector<16xi32>,
          tpu.vector_store %arg7[%swap3A_684], %convert_element_type3A_679 {strides = array<i32>} : memref<16384xi32, #tpu.memory_space<vmem>>, vector<16xi32>,
          %get3A_686 = arith.constant 816 : index
          %get3A_687 = tpu.vector_load %arg8[%get3A_686] {strides = array<i32>} : memref<4096xf32, #tpu.memory_space<vmem>>, vector<16xf32>,
          %convert_element_type3A_688 = arith.fptosi %get3A_687 : vector<16xf32> to vector<16xi32>
          %mul3A_689 = arith.constant 4096 : i32
          %mul3A_690 = arith.muli %scan3A_226, %mul3A_689 : i32
          %add3A_691 = arith.constant 816 : i32
          %add3A_692 = arith.addi %mul3A_690, %add3A_691 : i32
          %swap3A_693 = arith.index_cast %add3A_692 : i32 to index
          %swap3A_694 = tpu.vector_load %arg7[%swap3A_693] {strides = array<i32>} : memref<16384xi32, #tpu.memory_space<vmem>>, vector<16xi32>,
          tpu.vector_store %arg7[%swap3A_693], %convert_element_type3A_688 {strides = array<i32>} : memref<16384xi32, #tpu.memory_space<vmem>>, vector<16xi32>,
          %get3A_695 = arith.constant 832 : index
          %get3A_696 = tpu.vector_load %arg8[%get3A_695] {strides = array<i32>} : memref<4096xf32, #tpu.memory_space<vmem>>, vector<16xf32>,
          %convert_element_type3A_697 = arith.fptosi %get3A_696 : vector<16xf32> to vector<16xi32>
          %mul3A_698 = arith.constant 4096 : i32
          %mul3A_699 = arith.muli %scan3A_226, %mul3A_698 : i32
          %add3A_700 = arith.constant 832 : i32
          %add3A_701 = arith.addi %mul3A_699, %add3A_700 : i32
          %swap3A_702 = arith.index_cast %add3A_701 : i32 to index
          %swap3A_703 = tpu.vector_load %arg7[%swap3A_702] {strides = array<i32>} : memref<16384xi32, #tpu.memory_space<vmem>>, vector<16xi32>,
          tpu.vector_store %arg7[%swap3A_702], %convert_element_type3A_697 {strides = array<i32>} : memref<16384xi32, #tpu.memory_space<vmem>>, vector<16xi32>,
          %get3A_704 = arith.constant 848 : index
          %get3A_705 = tpu.vector_load %arg8[%get3A_704] {strides = array<i32>} : memref<4096xf32, #tpu.memory_space<vmem>>, vector<16xf32>,
          %convert_element_type3A_706 = arith.fptosi %get3A_705 : vector<16xf32> to vector<16xi32>
          %mul3A_707 = arith.constant 4096 : i32
          %mul3A_708 = arith.muli %scan3A_226, %mul3A_707 : i32
          %add3A_709 = arith.constant 848 : i32
          %add3A_710 = arith.addi %mul3A_708, %add3A_709 : i32
          %swap3A_711 = arith.index_cast %add3A_710 : i32 to index
          %swap3A_712 = tpu.vector_load %arg7[%swap3A_711] {strides = array<i32>} : memref<16384xi32, #tpu.memory_space<vmem>>, vector<16xi32>,
          tpu.vector_store %arg7[%swap3A_711], %convert_element_type3A_706 {strides = array<i32>} : memref<16384xi32, #tpu.memory_space<vmem>>, vector<16xi32>,
          %get3A_713 = arith.constant 864 : index
          %get3A_714 = tpu.vector_load %arg8[%get3A_713] {strides = array<i32>} : memref<4096xf32, #tpu.memory_space<vmem>>, vector<16xf32>,
          %convert_element_type3A_715 = arith.fptosi %get3A_714 : vector<16xf32> to vector<16xi32>
          %mul3A_716 = arith.constant 4096 : i32
          %mul3A_717 = arith.muli %scan3A_226, %mul3A_716 : i32
          %add3A_718 = arith.constant 864 : i32
          %add3A_719 = arith.addi %mul3A_717, %add3A_718 : i32
          %swap3A_720 = arith.index_cast %add3A_719 : i32 to index
          %swap3A_721 = tpu.vector_load %arg7[%swap3A_720] {strides = array<i32>} : memref<16384xi32, #tpu.memory_space<vmem>>, vector<16xi32>,
          tpu.vector_store %arg7[%swap3A_720], %convert_element_type3A_715 {strides = array<i32>} : memref<16384xi32, #tpu.memory_space<vmem>>, vector<16xi32>,
          %get3A_722 = arith.constant 880 : index
          %get3A_723 = tpu.vector_load %arg8[%get3A_722] {strides = array<i32>} : memref<4096xf32, #tpu.memory_space<vmem>>, vector<16xf32>,
          %convert_element_type3A_724 = arith.fptosi %get3A_723 : vector<16xf32> to vector<16xi32>
          %mul3A_725 = arith.constant 4096 : i32
          %mul3A_726 = arith.muli %scan3A_226, %mul3A_725 : i32
          %add3A_727 = arith.constant 880 : i32
          %add3A_728 = arith.addi %mul3A_726, %add3A_727 : i32
          %swap3A_729 = arith.index_cast %add3A_728 : i32 to index
          %swap3A_730 = tpu.vector_load %arg7[%swap3A_729] {strides = array<i32>} : memref<16384xi32, #tpu.memory_space<vmem>>, vector<16xi32>,
          tpu.vector_store %arg7[%swap3A_729], %convert_element_type3A_724 {strides = array<i32>} : memref<16384xi32, #tpu.memory_space<vmem>>, vector<16xi32>,
          %get3A_731 = arith.constant 896 : index
          %get3A_732 = tpu.vector_load %arg8[%get3A_731] {strides = array<i32>} : memref<4096xf32, #tpu.memory_space<vmem>>, vector<16xf32>,
          %convert_element_type3A_733 = arith.fptosi %get3A_732 : vector<16xf32> to vector<16xi32>
          %mul3A_734 = arith.constant 4096 : i32
          %mul3A_735 = arith.muli %scan3A_226, %mul3A_734 : i32
          %add3A_736 = arith.constant 896 : i32
          %add3A_737 = arith.addi %mul3A_735, %add3A_736 : i32
          %swap3A_738 = arith.index_cast %add3A_737 : i32 to index
          %swap3A_739 = tpu.vector_load %arg7[%swap3A_738] {strides = array<i32>} : memref<16384xi32, #tpu.memory_space<vmem>>, vector<16xi32>,
          tpu.vector_store %arg7[%swap3A_738], %convert_element_type3A_733 {strides = array<i32>} : memref<16384xi32, #tpu.memory_space<vmem>>, vector<16xi32>,
          %get3A_740 = arith.constant 912 : index
          %get3A_741 = tpu.vector_load %arg8[%get3A_740] {strides = array<i32>} : memref<4096xf32, #tpu.memory_space<vmem>>, vector<16xf32>,
          %convert_element_type3A_742 = arith.fptosi %get3A_741 : vector<16xf32> to vector<16xi32>
          %mul3A_743 = arith.constant 4096 : i32
          %mul3A_744 = arith.muli %scan3A_226, %mul3A_743 : i32
          %add3A_745 = arith.constant 912 : i32
          %add3A_746 = arith.addi %mul3A_744, %add3A_745 : i32
          %swap3A_747 = arith.index_cast %add3A_746 : i32 to index
          %swap3A_748 = tpu.vector_load %arg7[%swap3A_747] {strides = array<i32>} : memref<16384xi32, #tpu.memory_space<vmem>>, vector<16xi32>,
          tpu.vector_store %arg7[%swap3A_747], %convert_element_type3A_742 {strides = array<i32>} : memref<16384xi32, #tpu.memory_space<vmem>>, vector<16xi32>,
          %get3A_749 = arith.constant 928 : index
          %get3A_750 = tpu.vector_load %arg8[%get3A_749] {strides = array<i32>} : memref<4096xf32, #tpu.memory_space<vmem>>, vector<16xf32>,
          %convert_element_type3A_751 = arith.fptosi %get3A_750 : vector<16xf32> to vector<16xi32>
          %mul3A_752 = arith.constant 4096 : i32
          %mul3A_753 = arith.muli %scan3A_226, %mul3A_752 : i32
          %add3A_754 = arith.constant 928 : i32
          %add3A_755 = arith.addi %mul3A_753, %add3A_754 : i32
          %swap3A_756 = arith.index_cast %add3A_755 : i32 to index
          %swap3A_757 = tpu.vector_load %arg7[%swap3A_756] {strides = array<i32>} : memref<16384xi32, #tpu.memory_space<vmem>>, vector<16xi32>,
          tpu.vector_store %arg7[%swap3A_756], %convert_element_type3A_751 {strides = array<i32>} : memref<16384xi32, #tpu.memory_space<vmem>>, vector<16xi32>,
          %get3A_758 = arith.constant 944 : index
          %get3A_759 = tpu.vector_load %arg8[%get3A_758] {strides = array<i32>} : memref<4096xf32, #tpu.memory_space<vmem>>, vector<16xf32>,
          %convert_element_type3A_760 = arith.fptosi %get3A_759 : vector<16xf32> to vector<16xi32>
          %mul3A_761 = arith.constant 4096 : i32
          %mul3A_762 = arith.muli %scan3A_226, %mul3A_761 : i32
          %add3A_763 = arith.constant 944 : i32
          %add3A_764 = arith.addi %mul3A_762, %add3A_763 : i32
          %swap3A_765 = arith.index_cast %add3A_764 : i32 to index
          %swap3A_766 = tpu.vector_load %arg7[%swap3A_765] {strides = array<i32>} : memref<16384xi32, #tpu.memory_space<vmem>>, vector<16xi32>,
          tpu.vector_store %arg7[%swap3A_765], %convert_element_type3A_760 {strides = array<i32>} : memref<16384xi32, #tpu.memory_space<vmem>>, vector<16xi32>,
          %get3A_767 = arith.constant 960 : index
          %get3A_768 = tpu.vector_load %arg8[%get3A_767] {strides = array<i32>} : memref<4096xf32, #tpu.memory_space<vmem>>, vector<16xf32>,
          %convert_element_type3A_769 = arith.fptosi %get3A_768 : vector<16xf32> to vector<16xi32>
          %mul3A_770 = arith.constant 4096 : i32
          %mul3A_771 = arith.muli %scan3A_226, %mul3A_770 : i32
          %add3A_772 = arith.constant 960 : i32
          %add3A_773 = arith.addi %mul3A_771, %add3A_772 : i32
          %swap3A_774 = arith.index_cast %add3A_773 : i32 to index
          %swap3A_775 = tpu.vector_load %arg7[%swap3A_774] {strides = array<i32>} : memref<16384xi32, #tpu.memory_space<vmem>>, vector<16xi32>,
          tpu.vector_store %arg7[%swap3A_774], %convert_element_type3A_769 {strides = array<i32>} : memref<16384xi32, #tpu.memory_space<vmem>>, vector<16xi32>,
          %get3A_776 = arith.constant 976 : index
          %get3A_777 = tpu.vector_load %arg8[%get3A_776] {strides = array<i32>} : memref<4096xf32, #tpu.memory_space<vmem>>, vector<16xf32>,
          %convert_element_type3A_778 = arith.fptosi %get3A_777 : vector<16xf32> to vector<16xi32>
          %mul3A_779 = arith.constant 4096 : i32
          %mul3A_780 = arith.muli %scan3A_226, %mul3A_779 : i32
          %add3A_781 = arith.constant 976 : i32
          %add3A_782 = arith.addi %mul3A_780, %add3A_781 : i32
          %swap3A_783 = arith.index_cast %add3A_782 : i32 to index
          %swap3A_784 = tpu.vector_load %arg7[%swap3A_783] {strides = array<i32>} : memref<16384xi32, #tpu.memory_space<vmem>>, vector<16xi32>,
          tpu.vector_store %arg7[%swap3A_783], %convert_element_type3A_778 {strides = array<i32>} : memref<16384xi32, #tpu.memory_space<vmem>>, vector<16xi32>,
          %get3A_785 = arith.constant 992 : index
          %get3A_786 = tpu.vector_load %arg8[%get3A_785] {strides = array<i32>} : memref<4096xf32, #tpu.memory_space<vmem>>, vector<16xf32>,
          %convert_element_type3A_787 = arith.fptosi %get3A_786 : vector<16xf32> to vector<16xi32>
          %mul3A_788 = arith.constant 4096 : i32
          %mul3A_789 = arith.muli %scan3A_226, %mul3A_788 : i32
          %add3A_790 = arith.constant 992 : i32
          %add3A_791 = arith.addi %mul3A_789, %add3A_790 : i32
          %swap3A_792 = arith.index_cast %add3A_791 : i32 to index
          %swap3A_793 = tpu.vector_load %arg7[%swap3A_792] {strides = array<i32>} : memref<16384xi32, #tpu.memory_space<vmem>>, vector<16xi32>,
          tpu.vector_store %arg7[%swap3A_792], %convert_element_type3A_787 {strides = array<i32>} : memref<16384xi32, #tpu.memory_space<vmem>>, vector<16xi32>,
          %get3A_794 = arith.constant 1008 : index
          %get3A_795 = tpu.vector_load %arg8[%get3A_794] {strides = array<i32>} : memref<4096xf32, #tpu.memory_space<vmem>>, vector<16xf32>,
          %convert_element_type3A_796 = arith.fptosi %get3A_795 : vector<16xf32> to vector<16xi32>
          %mul3A_797 = arith.constant 4096 : i32
          %mul3A_798 = arith.muli %scan3A_226, %mul3A_797 : i32
          %add3A_799 = arith.constant 1008 : i32
          %add3A_800 = arith.addi %mul3A_798, %add3A_799 : i32
          %swap3A_801 = arith.index_cast %add3A_800 : i32 to index
          %swap3A_802 = tpu.vector_load %arg7[%swap3A_801] {strides = array<i32>} : memref<16384xi32, #tpu.memory_space<vmem>>, vector<16xi32>,
          tpu.vector_store %arg7[%swap3A_801], %convert_element_type3A_796 {strides = array<i32>} : memref<16384xi32, #tpu.memory_space<vmem>>, vector<16xi32>,
          %get3A_803 = arith.constant 1024 : index
          %get3A_804 = tpu.vector_load %arg8[%get3A_803] {strides = array<i32>} : memref<4096xf32, #tpu.memory_space<vmem>>, vector<16xf32>,
          %convert_element_type3A_805 = arith.fptosi %get3A_804 : vector<16xf32> to vector<16xi32>
          %mul3A_806 = arith.constant 4096 : i32
          %mul3A_807 = arith.muli %scan3A_226, %mul3A_806 : i32
          %add3A_808 = arith.constant 1024 : i32
          %add3A_809 = arith.addi %mul3A_807, %add3A_808 : i32
          %swap3A_810 = arith.index_cast %add3A_809 : i32 to index
          %swap3A_811 = tpu.vector_load %arg7[%swap3A_810] {strides = array<i32>} : memref<16384xi32, #tpu.memory_space<vmem>>, vector<16xi32>,
          tpu.vector_store %arg7[%swap3A_810], %convert_element_type3A_805 {strides = array<i32>} : memref<16384xi32, #tpu.memory_space<vmem>>, vector<16xi32>,
          %get3A_812 = arith.constant 1040 : index
          %get3A_813 = tpu.vector_load %arg8[%get3A_812] {strides = array<i32>} : memref<4096xf32, #tpu.memory_space<vmem>>, vector<16xf32>,
          %convert_element_type3A_814 = arith.fptosi %get3A_813 : vector<16xf32> to vector<16xi32>
          %mul3A_815 = arith.constant 4096 : i32
          %mul3A_816 = arith.muli %scan3A_226, %mul3A_815 : i32
          %add3A_817 = arith.constant 1040 : i32
          %add3A_818 = arith.addi %mul3A_816, %add3A_817 : i32
          %swap3A_819 = arith.index_cast %add3A_818 : i32 to index
          %swap3A_820 = tpu.vector_load %arg7[%swap3A_819] {strides = array<i32>} : memref<16384xi32, #tpu.memory_space<vmem>>, vector<16xi32>,
          tpu.vector_store %arg7[%swap3A_819], %convert_element_type3A_814 {strides = array<i32>} : memref<16384xi32, #tpu.memory_space<vmem>>, vector<16xi32>,
          %get3A_821 = arith.constant 1056 : index
          %get3A_822 = tpu.vector_load %arg8[%get3A_821] {strides = array<i32>} : memref<4096xf32, #tpu.memory_space<vmem>>, vector<16xf32>,
          %convert_element_type3A_823 = arith.fptosi %get3A_822 : vector<16xf32> to vector<16xi32>
          %mul3A_824 = arith.constant 4096 : i32
          %mul3A_825 = arith.muli %scan3A_226, %mul3A_824 : i32
          %add3A_826 = arith.constant 1056 : i32
          %add3A_827 = arith.addi %mul3A_825, %add3A_826 : i32
          %swap3A_828 = arith.index_cast %add3A_827 : i32 to index
          %swap3A_829 = tpu.vector_load %arg7[%swap3A_828] {strides = array<i32>} : memref<16384xi32, #tpu.memory_space<vmem>>, vector<16xi32>,
          tpu.vector_store %arg7[%swap3A_828], %convert_element_type3A_823 {strides = array<i32>} : memref<16384xi32, #tpu.memory_space<vmem>>, vector<16xi32>,
          %get3A_830 = arith.constant 1072 : index
          %get3A_831 = tpu.vector_load %arg8[%get3A_830] {strides = array<i32>} : memref<4096xf32, #tpu.memory_space<vmem>>, vector<16xf32>,
          %convert_element_type3A_832 = arith.fptosi %get3A_831 : vector<16xf32> to vector<16xi32>
          %mul3A_833 = arith.constant 4096 : i32
          %mul3A_834 = arith.muli %scan3A_226, %mul3A_833 : i32
          %add3A_835 = arith.constant 1072 : i32
          %add3A_836 = arith.addi %mul3A_834, %add3A_835 : i32
          %swap3A_837 = arith.index_cast %add3A_836 : i32 to index
          %swap3A_838 = tpu.vector_load %arg7[%swap3A_837] {strides = array<i32>} : memref<16384xi32, #tpu.memory_space<vmem>>, vector<16xi32>,
          tpu.vector_store %arg7[%swap3A_837], %convert_element_type3A_832 {strides = array<i32>} : memref<16384xi32, #tpu.memory_space<vmem>>, vector<16xi32>,
          %get3A_839 = arith.constant 1088 : index
          %get3A_840 = tpu.vector_load %arg8[%get3A_839] {strides = array<i32>} : memref<4096xf32, #tpu.memory_space<vmem>>, vector<16xf32>,
          %convert_element_type3A_841 = arith.fptosi %get3A_840 : vector<16xf32> to vector<16xi32>
          %mul3A_842 = arith.constant 4096 : i32
          %mul3A_843 = arith.muli %scan3A_226, %mul3A_842 : i32
          %add3A_844 = arith.constant 1088 : i32
          %add3A_845 = arith.addi %mul3A_843, %add3A_844 : i32
          %swap3A_846 = arith.index_cast %add3A_845 : i32 to index
          %swap3A_847 = tpu.vector_load %arg7[%swap3A_846] {strides = array<i32>} : memref<16384xi32, #tpu.memory_space<vmem>>, vector<16xi32>,
          tpu.vector_store %arg7[%swap3A_846], %convert_element_type3A_841 {strides = array<i32>} : memref<16384xi32, #tpu.memory_space<vmem>>, vector<16xi32>,
          %get3A_848 = arith.constant 1104 : index
          %get3A_849 = tpu.vector_load %arg8[%get3A_848] {strides = array<i32>} : memref<4096xf32, #tpu.memory_space<vmem>>, vector<16xf32>,
          %convert_element_type3A_850 = arith.fptosi %get3A_849 : vector<16xf32> to vector<16xi32>
          %mul3A_851 = arith.constant 4096 : i32
          %mul3A_852 = arith.muli %scan3A_226, %mul3A_851 : i32
          %add3A_853 = arith.constant 1104 : i32
          %add3A_854 = arith.addi %mul3A_852, %add3A_853 : i32
          %swap3A_855 = arith.index_cast %add3A_854 : i32 to index
          %swap3A_856 = tpu.vector_load %arg7[%swap3A_855] {strides = array<i32>} : memref<16384xi32, #tpu.memory_space<vmem>>, vector<16xi32>,
          tpu.vector_store %arg7[%swap3A_855], %convert_element_type3A_850 {strides = array<i32>} : memref<16384xi32, #tpu.memory_space<vmem>>, vector<16xi32>,
          %get3A_857 = arith.constant 1120 : index
          %get3A_858 = tpu.vector_load %arg8[%get3A_857] {strides = array<i32>} : memref<4096xf32, #tpu.memory_space<vmem>>, vector<16xf32>,
          %convert_element_type3A_859 = arith.fptosi %get3A_858 : vector<16xf32> to vector<16xi32>
          %mul3A_860 = arith.constant 4096 : i32
          %mul3A_861 = arith.muli %scan3A_226, %mul3A_860 : i32
          %add3A_862 = arith.constant 1120 : i32
          %add3A_863 = arith.addi %mul3A_861, %add3A_862 : i32
          %swap3A_864 = arith.index_cast %add3A_863 : i32 to index
          %swap3A_865 = tpu.vector_load %arg7[%swap3A_864] {strides = array<i32>} : memref<16384xi32, #tpu.memory_space<vmem>>, vector<16xi32>,
          tpu.vector_store %arg7[%swap3A_864], %convert_element_type3A_859 {strides = array<i32>} : memref<16384xi32, #tpu.memory_space<vmem>>, vector<16xi32>,
          %get3A_866 = arith.constant 1136 : index
          %get3A_867 = tpu.vector_load %arg8[%get3A_866] {strides = array<i32>} : memref<4096xf32, #tpu.memory_space<vmem>>, vector<16xf32>,
          %convert_element_type3A_868 = arith.fptosi %get3A_867 : vector<16xf32> to vector<16xi32>
          %mul3A_869 = arith.constant 4096 : i32
          %mul3A_870 = arith.muli %scan3A_226, %mul3A_869 : i32
          %add3A_871 = arith.constant 1136 : i32
          %add3A_872 = arith.addi %mul3A_870, %add3A_871 : i32
          %swap3A_873 = arith.index_cast %add3A_872 : i32 to index
          %swap3A_874 = tpu.vector_load %arg7[%swap3A_873] {strides = array<i32>} : memref<16384xi32, #tpu.memory_space<vmem>>, vector<16xi32>,
          tpu.vector_store %arg7[%swap3A_873], %convert_element_type3A_868 {strides = array<i32>} : memref<16384xi32, #tpu.memory_space<vmem>>, vector<16xi32>,
          %get3A_875 = arith.constant 1152 : index
          %get3A_876 = tpu.vector_load %arg8[%get3A_875] {strides = array<i32>} : memref<4096xf32, #tpu.memory_space<vmem>>, vector<16xf32>,
          %convert_element_type3A_877 = arith.fptosi %get3A_876 : vector<16xf32> to vector<16xi32>
          %mul3A_878 = arith.constant 4096 : i32
          %mul3A_879 = arith.muli %scan3A_226, %mul3A_878 : i32
          %add3A_880 = arith.constant 1152 : i32
          %add3A_881 = arith.addi %mul3A_879, %add3A_880 : i32
          %swap3A_882 = arith.index_cast %add3A_881 : i32 to index
          %swap3A_883 = tpu.vector_load %arg7[%swap3A_882] {strides = array<i32>} : memref<16384xi32, #tpu.memory_space<vmem>>, vector<16xi32>,
          tpu.vector_store %arg7[%swap3A_882], %convert_element_type3A_877 {strides = array<i32>} : memref<16384xi32, #tpu.memory_space<vmem>>, vector<16xi32>,
          %get3A_884 = arith.constant 1168 : index
          %get3A_885 = tpu.vector_load %arg8[%get3A_884] {strides = array<i32>} : memref<4096xf32, #tpu.memory_space<vmem>>, vector<16xf32>,
          %convert_element_type3A_886 = arith.fptosi %get3A_885 : vector<16xf32> to vector<16xi32>
          %mul3A_887 = arith.constant 4096 : i32
          %mul3A_888 = arith.muli %scan3A_226, %mul3A_887 : i32
          %add3A_889 = arith.constant 1168 : i32
          %add3A_890 = arith.addi %mul3A_888, %add3A_889 : i32
          %swap3A_891 = arith.index_cast %add3A_890 : i32 to index
          %swap3A_892 = tpu.vector_load %arg7[%swap3A_891] {strides = array<i32>} : memref<16384xi32, #tpu.memory_space<vmem>>, vector<16xi32>,
          tpu.vector_store %arg7[%swap3A_891], %convert_element_type3A_886 {strides = array<i32>} : memref<16384xi32, #tpu.memory_space<vmem>>, vector<16xi32>,
          %get3A_893 = arith.constant 1184 : index
          %get3A_894 = tpu.vector_load %arg8[%get3A_893] {strides = array<i32>} : memref<4096xf32, #tpu.memory_space<vmem>>, vector<16xf32>,
          %convert_element_type3A_895 = arith.fptosi %get3A_894 : vector<16xf32> to vector<16xi32>
          %mul3A_896 = arith.constant 4096 : i32
          %mul3A_897 = arith.muli %scan3A_226, %mul3A_896 : i32
          %add3A_898 = arith.constant 1184 : i32
          %add3A_899 = arith.addi %mul3A_897, %add3A_898 : i32
          %swap3A_900 = arith.index_cast %add3A_899 : i32 to index
          %swap3A_901 = tpu.vector_load %arg7[%swap3A_900] {strides = array<i32>} : memref<16384xi32, #tpu.memory_space<vmem>>, vector<16xi32>,
          tpu.vector_store %arg7[%swap3A_900], %convert_element_type3A_895 {strides = array<i32>} : memref<16384xi32, #tpu.memory_space<vmem>>, vector<16xi32>,
          %get3A_902 = arith.constant 1200 : index
          %get3A_903 = tpu.vector_load %arg8[%get3A_902] {strides = array<i32>} : memref<4096xf32, #tpu.memory_space<vmem>>, vector<16xf32>,
          %convert_element_type3A_904 = arith.fptosi %get3A_903 : vector<16xf32> to vector<16xi32>
          %mul3A_905 = arith.constant 4096 : i32
          %mul3A_906 = arith.muli %scan3A_226, %mul3A_905 : i32
          %add3A_907 = arith.constant 1200 : i32
          %add3A_908 = arith.addi %mul3A_906, %add3A_907 : i32
          %swap3A_909 = arith.index_cast %add3A_908 : i32 to index
          %swap3A_910 = tpu.vector_load %arg7[%swap3A_909] {strides = array<i32>} : memref<16384xi32, #tpu.memory_space<vmem>>, vector<16xi32>,
          tpu.vector_store %arg7[%swap3A_909], %convert_element_type3A_904 {strides = array<i32>} : memref<16384xi32, #tpu.memory_space<vmem>>, vector<16xi32>,
          %get3A_911 = arith.constant 1216 : index
          %get3A_912 = tpu.vector_load %arg8[%get3A_911] {strides = array<i32>} : memref<4096xf32, #tpu.memory_space<vmem>>, vector<16xf32>,
          %convert_element_type3A_913 = arith.fptosi %get3A_912 : vector<16xf32> to vector<16xi32>
          %mul3A_914 = arith.constant 4096 : i32
          %mul3A_915 = arith.muli %scan3A_226, %mul3A_914 : i32
          %add3A_916 = arith.constant 1216 : i32
          %add3A_917 = arith.addi %mul3A_915, %add3A_916 : i32
          %swap3A_918 = arith.index_cast %add3A_917 : i32 to index
          %swap3A_919 = tpu.vector_load %arg7[%swap3A_918] {strides = array<i32>} : memref<16384xi32, #tpu.memory_space<vmem>>, vector<16xi32>,
          tpu.vector_store %arg7[%swap3A_918], %convert_element_type3A_913 {strides = array<i32>} : memref<16384xi32, #tpu.memory_space<vmem>>, vector<16xi32>,
          %get3A_920 = arith.constant 1232 : index
          %get3A_921 = tpu.vector_load %arg8[%get3A_920] {strides = array<i32>} : memref<4096xf32, #tpu.memory_space<vmem>>, vector<16xf32>,
          %convert_element_type3A_922 = arith.fptosi %get3A_921 : vector<16xf32> to vector<16xi32>
          %mul3A_923 = arith.constant 4096 : i32
          %mul3A_924 = arith.muli %scan3A_226, %mul3A_923 : i32
          %add3A_925 = arith.constant 1232 : i32
          %add3A_926 = arith.addi %mul3A_924, %add3A_925 : i32
          %swap3A_927 = arith.index_cast %add3A_926 : i32 to index
          %swap3A_928 = tpu.vector_load %arg7[%swap3A_927] {strides = array<i32>} : memref<16384xi32, #tpu.memory_space<vmem>>, vector<16xi32>,
          tpu.vector_store %arg7[%swap3A_927], %convert_element_type3A_922 {strides = array<i32>} : memref<16384xi32, #tpu.memory_space<vmem>>, vector<16xi32>,
          %get3A_929 = arith.constant 1248 : index
          %get3A_930 = tpu.vector_load %arg8[%get3A_929] {strides = array<i32>} : memref<4096xf32, #tpu.memory_space<vmem>>, vector<16xf32>,
          %convert_element_type3A_931 = arith.fptosi %get3A_930 : vector<16xf32> to vector<16xi32>
          %mul3A_932 = arith.constant 4096 : i32
          %mul3A_933 = arith.muli %scan3A_226, %mul3A_932 : i32
          %add3A_934 = arith.constant 1248 : i32
          %add3A_935 = arith.addi %mul3A_933, %add3A_934 : i32
          %swap3A_936 = arith.index_cast %add3A_935 : i32 to index
          %swap3A_937 = tpu.vector_load %arg7[%swap3A_936] {strides = array<i32>} : memref<16384xi32, #tpu.memory_space<vmem>>, vector<16xi32>,
          tpu.vector_store %arg7[%swap3A_936], %convert_element_type3A_931 {strides = array<i32>} : memref<16384xi32, #tpu.memory_space<vmem>>, vector<16xi32>,
          %get3A_938 = arith.constant 1264 : index
          %get3A_939 = tpu.vector_load %arg8[%get3A_938] {strides = array<i32>} : memref<4096xf32, #tpu.memory_space<vmem>>, vector<16xf32>,
          %convert_element_type3A_940 = arith.fptosi %get3A_939 : vector<16xf32> to vector<16xi32>
          %mul3A_941 = arith.constant 4096 : i32
          %mul3A_942 = arith.muli %scan3A_226, %mul3A_941 : i32
          %add3A_943 = arith.constant 1264 : i32
          %add3A_944 = arith.addi %mul3A_942, %add3A_943 : i32
          %swap3A_945 = arith.index_cast %add3A_944 : i32 to index
          %swap3A_946 = tpu.vector_load %arg7[%swap3A_945] {strides = array<i32>} : memref<16384xi32, #tpu.memory_space<vmem>>, vector<16xi32>,
          tpu.vector_store %arg7[%swap3A_945], %convert_element_type3A_940 {strides = array<i32>} : memref<16384xi32, #tpu.memory_space<vmem>>, vector<16xi32>,
          %get3A_947 = arith.constant 1280 : index
          %get3A_948 = tpu.vector_load %arg8[%get3A_947] {strides = array<i32>} : memref<4096xf32, #tpu.memory_space<vmem>>, vector<16xf32>,
          %convert_element_type3A_949 = arith.fptosi %get3A_948 : vector<16xf32> to vector<16xi32>
          %mul3A_950 = arith.constant 4096 : i32
          %mul3A_951 = arith.muli %scan3A_226, %mul3A_950 : i32
          %add3A_952 = arith.constant 1280 : i32
          %add3A_953 = arith.addi %mul3A_951, %add3A_952 : i32
          %swap3A_954 = arith.index_cast %add3A_953 : i32 to index
          %swap3A_955 = tpu.vector_load %arg7[%swap3A_954] {strides = array<i32>} : memref<16384xi32, #tpu.memory_space<vmem>>, vector<16xi32>,
          tpu.vector_store %arg7[%swap3A_954], %convert_element_type3A_949 {strides = array<i32>} : memref<16384xi32, #tpu.memory_space<vmem>>, vector<16xi32>,
          %get3A_956 = arith.constant 1296 : index
          %get3A_957 = tpu.vector_load %arg8[%get3A_956] {strides = array<i32>} : memref<4096xf32, #tpu.memory_space<vmem>>, vector<16xf32>,
          %convert_element_type3A_958 = arith.fptosi %get3A_957 : vector<16xf32> to vector<16xi32>
          %mul3A_959 = arith.constant 4096 : i32
          %mul3A_960 = arith.muli %scan3A_226, %mul3A_959 : i32
          %add3A_961 = arith.constant 1296 : i32
          %add3A_962 = arith.addi %mul3A_960, %add3A_961 : i32
          %swap3A_963 = arith.index_cast %add3A_962 : i32 to index
          %swap3A_964 = tpu.vector_load %arg7[%swap3A_963] {strides = array<i32>} : memref<16384xi32, #tpu.memory_space<vmem>>, vector<16xi32>,
          tpu.vector_store %arg7[%swap3A_963], %convert_element_type3A_958 {strides = array<i32>} : memref<16384xi32, #tpu.memory_space<vmem>>, vector<16xi32>,
          %get3A_965 = arith.constant 1312 : index
          %get3A_966 = tpu.vector_load %arg8[%get3A_965] {strides = array<i32>} : memref<4096xf32, #tpu.memory_space<vmem>>, vector<16xf32>,
          %convert_element_type3A_967 = arith.fptosi %get3A_966 : vector<16xf32> to vector<16xi32>
          %mul3A_968 = arith.constant 4096 : i32
          %mul3A_969 = arith.muli %scan3A_226, %mul3A_968 : i32
          %add3A_970 = arith.constant 1312 : i32
          %add3A_971 = arith.addi %mul3A_969, %add3A_970 : i32
          %swap3A_972 = arith.index_cast %add3A_971 : i32 to index
          %swap3A_973 = tpu.vector_load %arg7[%swap3A_972] {strides = array<i32>} : memref<16384xi32, #tpu.memory_space<vmem>>, vector<16xi32>,
          tpu.vector_store %arg7[%swap3A_972], %convert_element_type3A_967 {strides = array<i32>} : memref<16384xi32, #tpu.memory_space<vmem>>, vector<16xi32>,
          %get3A_974 = arith.constant 1328 : index
          %get3A_975 = tpu.vector_load %arg8[%get3A_974] {strides = array<i32>} : memref<4096xf32, #tpu.memory_space<vmem>>, vector<16xf32>,
          %convert_element_type3A_976 = arith.fptosi %get3A_975 : vector<16xf32> to vector<16xi32>
          %mul3A_977 = arith.constant 4096 : i32
          %mul3A_978 = arith.muli %scan3A_226, %mul3A_977 : i32
          %add3A_979 = arith.constant 1328 : i32
          %add3A_980 = arith.addi %mul3A_978, %add3A_979 : i32
          %swap3A_981 = arith.index_cast %add3A_980 : i32 to index
          %swap3A_982 = tpu.vector_load %arg7[%swap3A_981] {strides = array<i32>} : memref<16384xi32, #tpu.memory_space<vmem>>, vector<16xi32>,
          tpu.vector_store %arg7[%swap3A_981], %convert_element_type3A_976 {strides = array<i32>} : memref<16384xi32, #tpu.memory_space<vmem>>, vector<16xi32>,
          %get3A_983 = arith.constant 1344 : index
          %get3A_984 = tpu.vector_load %arg8[%get3A_983] {strides = array<i32>} : memref<4096xf32, #tpu.memory_space<vmem>>, vector<16xf32>,
          %convert_element_type3A_985 = arith.fptosi %get3A_984 : vector<16xf32> to vector<16xi32>
          %mul3A_986 = arith.constant 4096 : i32
          %mul3A_987 = arith.muli %scan3A_226, %mul3A_986 : i32
          %add3A_988 = arith.constant 1344 : i32
          %add3A_989 = arith.addi %mul3A_987, %add3A_988 : i32
          %swap3A_990 = arith.index_cast %add3A_989 : i32 to index
          %swap3A_991 = tpu.vector_load %arg7[%swap3A_990] {strides = array<i32>} : memref<16384xi32, #tpu.memory_space<vmem>>, vector<16xi32>,
          tpu.vector_store %arg7[%swap3A_990], %convert_element_type3A_985 {strides = array<i32>} : memref<16384xi32, #tpu.memory_space<vmem>>, vector<16xi32>,
          %get3A_992 = arith.constant 1360 : index
          %get3A_993 = tpu.vector_load %arg8[%get3A_992] {strides = array<i32>} : memref<4096xf32, #tpu.memory_space<vmem>>, vector<16xf32>,
          %convert_element_type3A_994 = arith.fptosi %get3A_993 : vector<16xf32> to vector<16xi32>
          %mul3A_995 = arith.constant 4096 : i32
          %mul3A_996 = arith.muli %scan3A_226, %mul3A_995 : i32
          %add3A_997 = arith.constant 1360 : i32
          %add3A_998 = arith.addi %mul3A_996, %add3A_997 : i32
          %swap3A_999 = arith.index_cast %add3A_998 : i32 to index
          %swap3A_1000 = tpu.vector_load %arg7[%swap3A_999] {strides = array<i32>} : memref<16384xi32, #tpu.memory_space<vmem>>, vector<16xi32>,
          tpu.vector_store %arg7[%swap3A_999], %convert_element_type3A_994 {strides = array<i32>} : memref<16384xi32, #tpu.memory_space<vmem>>, vector<16xi32>,
          %get3A_1001 = arith.constant 1376 : index
          %get3A_1002 = tpu.vector_load %arg8[%get3A_1001] {strides = array<i32>} : memref<4096xf32, #tpu.memory_space<vmem>>, vector<16xf32>,
          %convert_element_type3A_1003 = arith.fptosi %get3A_1002 : vector<16xf32> to vector<16xi32>
          %mul3A_1004 = arith.constant 4096 : i32
          %mul3A_1005 = arith.muli %scan3A_226, %mul3A_1004 : i32
          %add3A_1006 = arith.constant 1376 : i32
          %add3A_1007 = arith.addi %mul3A_1005, %add3A_1006 : i32
          %swap3A_1008 = arith.index_cast %add3A_1007 : i32 to index
          %swap3A_1009 = tpu.vector_load %arg7[%swap3A_1008] {strides = array<i32>} : memref<16384xi32, #tpu.memory_space<vmem>>, vector<16xi32>,
          tpu.vector_store %arg7[%swap3A_1008], %convert_element_type3A_1003 {strides = array<i32>} : memref<16384xi32, #tpu.memory_space<vmem>>, vector<16xi32>,
          %get3A_1010 = arith.constant 1392 : index
          %get3A_1011 = tpu.vector_load %arg8[%get3A_1010] {strides = array<i32>} : memref<4096xf32, #tpu.memory_space<vmem>>, vector<16xf32>,
          %convert_element_type3A_1012 = arith.fptosi %get3A_1011 : vector<16xf32> to vector<16xi32>
          %mul3A_1013 = arith.constant 4096 : i32
          %mul3A_1014 = arith.muli %scan3A_226, %mul3A_1013 : i32
          %add3A_1015 = arith.constant 1392 : i32
          %add3A_1016 = arith.addi %mul3A_1014, %add3A_1015 : i32
          %swap3A_1017 = arith.index_cast %add3A_1016 : i32 to index
          %swap3A_1018 = tpu.vector_load %arg7[%swap3A_1017] {strides = array<i32>} : memref<16384xi32, #tpu.memory_space<vmem>>, vector<16xi32>,
          tpu.vector_store %arg7[%swap3A_1017], %convert_element_type3A_1012 {strides = array<i32>} : memref<16384xi32, #tpu.memory_space<vmem>>, vector<16xi32>,
          %get3A_1019 = arith.constant 1408 : index
          %get3A_1020 = tpu.vector_load %arg8[%get3A_1019] {strides = array<i32>} : memref<4096xf32, #tpu.memory_space<vmem>>, vector<16xf32>,
          %convert_element_type3A_1021 = arith.fptosi %get3A_1020 : vector<16xf32> to vector<16xi32>
          %mul3A_1022 = arith.constant 4096 : i32
          %mul3A_1023 = arith.muli %scan3A_226, %mul3A_1022 : i32
          %add3A_1024 = arith.constant 1408 : i32
          %add3A_1025 = arith.addi %mul3A_1023, %add3A_1024 : i32
          %swap3A_1026 = arith.index_cast %add3A_1025 : i32 to index
          %swap3A_1027 = tpu.vector_load %arg7[%swap3A_1026] {strides = array<i32>} : memref<16384xi32, #tpu.memory_space<vmem>>, vector<16xi32>,
          tpu.vector_store %arg7[%swap3A_1026], %convert_element_type3A_1021 {strides = array<i32>} : memref<16384xi32, #tpu.memory_space<vmem>>, vector<16xi32>,
          %get3A_1028 = arith.constant 1424 : index
          %get3A_1029 = tpu.vector_load %arg8[%get3A_1028] {strides = array<i32>} : memref<4096xf32, #tpu.memory_space<vmem>>, vector<16xf32>,
          %convert_element_type3A_1030 = arith.fptosi %get3A_1029 : vector<16xf32> to vector<16xi32>
          %mul3A_1031 = arith.constant 4096 : i32
          %mul3A_1032 = arith.muli %scan3A_226, %mul3A_1031 : i32
          %add3A_1033 = arith.constant 1424 : i32
          %add3A_1034 = arith.addi %mul3A_1032, %add3A_1033 : i32
          %swap3A_1035 = arith.index_cast %add3A_1034 : i32 to index
          %swap3A_1036 = tpu.vector_load %arg7[%swap3A_1035] {strides = array<i32>} : memref<16384xi32, #tpu.memory_space<vmem>>, vector<16xi32>,
          tpu.vector_store %arg7[%swap3A_1035], %convert_element_type3A_1030 {strides = array<i32>} : memref<16384xi32, #tpu.memory_space<vmem>>, vector<16xi32>,
          %get3A_1037 = arith.constant 1440 : index
          %get3A_1038 = tpu.vector_load %arg8[%get3A_1037] {strides = array<i32>} : memref<4096xf32, #tpu.memory_space<vmem>>, vector<16xf32>,
          %convert_element_type3A_1039 = arith.fptosi %get3A_1038 : vector<16xf32> to vector<16xi32>
          %mul3A_1040 = arith.constant 4096 : i32
          %mul3A_1041 = arith.muli %scan3A_226, %mul3A_1040 : i32
          %add3A_1042 = arith.constant 1440 : i32
          %add3A_1043 = arith.addi %mul3A_1041, %add3A_1042 : i32
          %swap3A_1044 = arith.index_cast %add3A_1043 : i32 to index
          %swap3A_1045 = tpu.vector_load %arg7[%swap3A_1044] {strides = array<i32>} : memref<16384xi32, #tpu.memory_space<vmem>>, vector<16xi32>,
          tpu.vector_store %arg7[%swap3A_1044], %convert_element_type3A_1039 {strides = array<i32>} : memref<16384xi32, #tpu.memory_space<vmem>>, vector<16xi32>,
          %get3A_1046 = arith.constant 1456 : index
          %get3A_1047 = tpu.vector_load %arg8[%get3A_1046] {strides = array<i32>} : memref<4096xf32, #tpu.memory_space<vmem>>, vector<16xf32>,
          %convert_element_type3A_1048 = arith.fptosi %get3A_1047 : vector<16xf32> to vector<16xi32>
          %mul3A_1049 = arith.constant 4096 : i32
          %mul3A_1050 = arith.muli %scan3A_226, %mul3A_1049 : i32
          %add3A_1051 = arith.constant 1456 : i32
          %add3A_1052 = arith.addi %mul3A_1050, %add3A_1051 : i32
          %swap3A_1053 = arith.index_cast %add3A_1052 : i32 to index
          %swap3A_1054 = tpu.vector_load %arg7[%swap3A_1053] {strides = array<i32>} : memref<16384xi32, #tpu.memory_space<vmem>>, vector<16xi32>,
          tpu.vector_store %arg7[%swap3A_1053], %convert_element_type3A_1048 {strides = array<i32>} : memref<16384xi32, #tpu.memory_space<vmem>>, vector<16xi32>,
          %get3A_1055 = arith.constant 1472 : index
          %get3A_1056 = tpu.vector_load %arg8[%get3A_1055] {strides = array<i32>} : memref<4096xf32, #tpu.memory_space<vmem>>, vector<16xf32>,
          %convert_element_type3A_1057 = arith.fptosi %get3A_1056 : vector<16xf32> to vector<16xi32>
          %mul3A_1058 = arith.constant 4096 : i32
          %mul3A_1059 = arith.muli %scan3A_226, %mul3A_1058 : i32
          %add3A_1060 = arith.constant 1472 : i32
          %add3A_1061 = arith.addi %mul3A_1059, %add3A_1060 : i32
          %swap3A_1062 = arith.index_cast %add3A_1061 : i32 to index
          %swap3A_1063 = tpu.vector_load %arg7[%swap3A_1062] {strides = array<i32>} : memref<16384xi32, #tpu.memory_space<vmem>>, vector<16xi32>,
          tpu.vector_store %arg7[%swap3A_1062], %convert_element_type3A_1057 {strides = array<i32>} : memref<16384xi32, #tpu.memory_space<vmem>>, vector<16xi32>,
          %get3A_1064 = arith.constant 1488 : index
          %get3A_1065 = tpu.vector_load %arg8[%get3A_1064] {strides = array<i32>} : memref<4096xf32, #tpu.memory_space<vmem>>, vector<16xf32>,
          %convert_element_type3A_1066 = arith.fptosi %get3A_1065 : vector<16xf32> to vector<16xi32>
          %mul3A_1067 = arith.constant 4096 : i32
          %mul3A_1068 = arith.muli %scan3A_226, %mul3A_1067 : i32
          %add3A_1069 = arith.constant 1488 : i32
          %add3A_1070 = arith.addi %mul3A_1068, %add3A_1069 : i32
          %swap3A_1071 = arith.index_cast %add3A_1070 : i32 to index
          %swap3A_1072 = tpu.vector_load %arg7[%swap3A_1071] {strides = array<i32>} : memref<16384xi32, #tpu.memory_space<vmem>>, vector<16xi32>,
          tpu.vector_store %arg7[%swap3A_1071], %convert_element_type3A_1066 {strides = array<i32>} : memref<16384xi32, #tpu.memory_space<vmem>>, vector<16xi32>,
          %get3A_1073 = arith.constant 1504 : index
          %get3A_1074 = tpu.vector_load %arg8[%get3A_1073] {strides = array<i32>} : memref<4096xf32, #tpu.memory_space<vmem>>, vector<16xf32>,
          %convert_element_type3A_1075 = arith.fptosi %get3A_1074 : vector<16xf32> to vector<16xi32>
          %mul3A_1076 = arith.constant 4096 : i32
          %mul3A_1077 = arith.muli %scan3A_226, %mul3A_1076 : i32
          %add3A_1078 = arith.constant 1504 : i32
          %add3A_1079 = arith.addi %mul3A_1077, %add3A_1078 : i32
          %swap3A_1080 = arith.index_cast %add3A_1079 : i32 to index
          %swap3A_1081 = tpu.vector_load %arg7[%swap3A_1080] {strides = array<i32>} : memref<16384xi32, #tpu.memory_space<vmem>>, vector<16xi32>,
          tpu.vector_store %arg7[%swap3A_1080], %convert_element_type3A_1075 {strides = array<i32>} : memref<16384xi32, #tpu.memory_space<vmem>>, vector<16xi32>,
          %get3A_1082 = arith.constant 1520 : index
          %get3A_1083 = tpu.vector_load %arg8[%get3A_1082] {strides = array<i32>} : memref<4096xf32, #tpu.memory_space<vmem>>, vector<16xf32>,
          %convert_element_type3A_1084 = arith.fptosi %get3A_1083 : vector<16xf32> to vector<16xi32>
          %mul3A_1085 = arith.constant 4096 : i32
          %mul3A_1086 = arith.muli %scan3A_226, %mul3A_1085 : i32
          %add3A_1087 = arith.constant 1520 : i32
          %add3A_1088 = arith.addi %mul3A_1086, %add3A_1087 : i32
          %swap3A_1089 = arith.index_cast %add3A_1088 : i32 to index
          %swap3A_1090 = tpu.vector_load %arg7[%swap3A_1089] {strides = array<i32>} : memref<16384xi32, #tpu.memory_space<vmem>>, vector<16xi32>,
          tpu.vector_store %arg7[%swap3A_1089], %convert_element_type3A_1084 {strides = array<i32>} : memref<16384xi32, #tpu.memory_space<vmem>>, vector<16xi32>,
          %get3A_1091 = arith.constant 1536 : index
          %get3A_1092 = tpu.vector_load %arg8[%get3A_1091] {strides = array<i32>} : memref<4096xf32, #tpu.memory_space<vmem>>, vector<16xf32>,
          %convert_element_type3A_1093 = arith.fptosi %get3A_1092 : vector<16xf32> to vector<16xi32>
          %mul3A_1094 = arith.constant 4096 : i32
          %mul3A_1095 = arith.muli %scan3A_226, %mul3A_1094 : i32
          %add3A_1096 = arith.constant 1536 : i32
          %add3A_1097 = arith.addi %mul3A_1095, %add3A_1096 : i32
          %swap3A_1098 = arith.index_cast %add3A_1097 : i32 to index
          %swap3A_1099 = tpu.vector_load %arg7[%swap3A_1098] {strides = array<i32>} : memref<16384xi32, #tpu.memory_space<vmem>>, vector<16xi32>,
          tpu.vector_store %arg7[%swap3A_1098], %convert_element_type3A_1093 {strides = array<i32>} : memref<16384xi32, #tpu.memory_space<vmem>>, vector<16xi32>,
          %get3A_1100 = arith.constant 1552 : index
          %get3A_1101 = tpu.vector_load %arg8[%get3A_1100] {strides = array<i32>} : memref<4096xf32, #tpu.memory_space<vmem>>, vector<16xf32>,
          %convert_element_type3A_1102 = arith.fptosi %get3A_1101 : vector<16xf32> to vector<16xi32>
          %mul3A_1103 = arith.constant 4096 : i32
          %mul3A_1104 = arith.muli %scan3A_226, %mul3A_1103 : i32
          %add3A_1105 = arith.constant 1552 : i32
          %add3A_1106 = arith.addi %mul3A_1104, %add3A_1105 : i32
          %swap3A_1107 = arith.index_cast %add3A_1106 : i32 to index
          %swap3A_1108 = tpu.vector_load %arg7[%swap3A_1107] {strides = array<i32>} : memref<16384xi32, #tpu.memory_space<vmem>>, vector<16xi32>,
          tpu.vector_store %arg7[%swap3A_1107], %convert_element_type3A_1102 {strides = array<i32>} : memref<16384xi32, #tpu.memory_space<vmem>>, vector<16xi32>,
          %get3A_1109 = arith.constant 1568 : index
          %get3A_1110 = tpu.vector_load %arg8[%get3A_1109] {strides = array<i32>} : memref<4096xf32, #tpu.memory_space<vmem>>, vector<16xf32>,
          %convert_element_type3A_1111 = arith.fptosi %get3A_1110 : vector<16xf32> to vector<16xi32>
          %mul3A_1112 = arith.constant 4096 : i32
          %mul3A_1113 = arith.muli %scan3A_226, %mul3A_1112 : i32
          %add3A_1114 = arith.constant 1568 : i32
          %add3A_1115 = arith.addi %mul3A_1113, %add3A_1114 : i32
          %swap3A_1116 = arith.index_cast %add3A_1115 : i32 to index
          %swap3A_1117 = tpu.vector_load %arg7[%swap3A_1116] {strides = array<i32>} : memref<16384xi32, #tpu.memory_space<vmem>>, vector<16xi32>,
          tpu.vector_store %arg7[%swap3A_1116], %convert_element_type3A_1111 {strides = array<i32>} : memref<16384xi32, #tpu.memory_space<vmem>>, vector<16xi32>,
          %get3A_1118 = arith.constant 1584 : index
          %get3A_1119 = tpu.vector_load %arg8[%get3A_1118] {strides = array<i32>} : memref<4096xf32, #tpu.memory_space<vmem>>, vector<16xf32>,
          %convert_element_type3A_1120 = arith.fptosi %get3A_1119 : vector<16xf32> to vector<16xi32>
          %mul3A_1121 = arith.constant 4096 : i32
          %mul3A_1122 = arith.muli %scan3A_226, %mul3A_1121 : i32
          %add3A_1123 = arith.constant 1584 : i32
          %add3A_1124 = arith.addi %mul3A_1122, %add3A_1123 : i32
          %swap3A_1125 = arith.index_cast %add3A_1124 : i32 to index
          %swap3A_1126 = tpu.vector_load %arg7[%swap3A_1125] {strides = array<i32>} : memref<16384xi32, #tpu.memory_space<vmem>>, vector<16xi32>,
          tpu.vector_store %arg7[%swap3A_1125], %convert_element_type3A_1120 {strides = array<i32>} : memref<16384xi32, #tpu.memory_space<vmem>>, vector<16xi32>,
          %get3A_1127 = arith.constant 1600 : index
          %get3A_1128 = tpu.vector_load %arg8[%get3A_1127] {strides = array<i32>} : memref<4096xf32, #tpu.memory_space<vmem>>, vector<16xf32>,
          %convert_element_type3A_1129 = arith.fptosi %get3A_1128 : vector<16xf32> to vector<16xi32>
          %mul3A_1130 = arith.constant 4096 : i32
          %mul3A_1131 = arith.muli %scan3A_226, %mul3A_1130 : i32
          %add3A_1132 = arith.constant 1600 : i32
          %add3A_1133 = arith.addi %mul3A_1131, %add3A_1132 : i32
          %swap3A_1134 = arith.index_cast %add3A_1133 : i32 to index
          %swap3A_1135 = tpu.vector_load %arg7[%swap3A_1134] {strides = array<i32>} : memref<16384xi32, #tpu.memory_space<vmem>>, vector<16xi32>,
          tpu.vector_store %arg7[%swap3A_1134], %convert_element_type3A_1129 {strides = array<i32>} : memref<16384xi32, #tpu.memory_space<vmem>>, vector<16xi32>,
          %get3A_1136 = arith.constant 1616 : index
          %get3A_1137 = tpu.vector_load %arg8[%get3A_1136] {strides = array<i32>} : memref<4096xf32, #tpu.memory_space<vmem>>, vector<16xf32>,
          %convert_element_type3A_1138 = arith.fptosi %get3A_1137 : vector<16xf32> to vector<16xi32>
          %mul3A_1139 = arith.constant 4096 : i32
          %mul3A_1140 = arith.muli %scan3A_226, %mul3A_1139 : i32
          %add3A_1141 = arith.constant 1616 : i32
          %add3A_1142 = arith.addi %mul3A_1140, %add3A_1141 : i32
          %swap3A_1143 = arith.index_cast %add3A_1142 : i32 to index
          %swap3A_1144 = tpu.vector_load %arg7[%swap3A_1143] {strides = array<i32>} : memref<16384xi32, #tpu.memory_space<vmem>>, vector<16xi32>,
          tpu.vector_store %arg7[%swap3A_1143], %convert_element_type3A_1138 {strides = array<i32>} : memref<16384xi32, #tpu.memory_space<vmem>>, vector<16xi32>,
          %get3A_1145 = arith.constant 1632 : index
          %get3A_1146 = tpu.vector_load %arg8[%get3A_1145] {strides = array<i32>} : memref<4096xf32, #tpu.memory_space<vmem>>, vector<16xf32>,
          %convert_element_type3A_1147 = arith.fptosi %get3A_1146 : vector<16xf32> to vector<16xi32>
          %mul3A_1148 = arith.constant 4096 : i32
          %mul3A_1149 = arith.muli %scan3A_226, %mul3A_1148 : i32
          %add3A_1150 = arith.constant 1632 : i32
          %add3A_1151 = arith.addi %mul3A_1149, %add3A_1150 : i32
          %swap3A_1152 = arith.index_cast %add3A_1151 : i32 to index
          %swap3A_1153 = tpu.vector_load %arg7[%swap3A_1152] {strides = array<i32>} : memref<16384xi32, #tpu.memory_space<vmem>>, vector<16xi32>,
          tpu.vector_store %arg7[%swap3A_1152], %convert_element_type3A_1147 {strides = array<i32>} : memref<16384xi32, #tpu.memory_space<vmem>>, vector<16xi32>,
          %get3A_1154 = arith.constant 1648 : index
          %get3A_1155 = tpu.vector_load %arg8[%get3A_1154] {strides = array<i32>} : memref<4096xf32, #tpu.memory_space<vmem>>, vector<16xf32>,
          %convert_element_type3A_1156 = arith.fptosi %get3A_1155 : vector<16xf32> to vector<16xi32>
          %mul3A_1157 = arith.constant 4096 : i32
          %mul3A_1158 = arith.muli %scan3A_226, %mul3A_1157 : i32
          %add3A_1159 = arith.constant 1648 : i32
          %add3A_1160 = arith.addi %mul3A_1158, %add3A_1159 : i32
          %swap3A_1161 = arith.index_cast %add3A_1160 : i32 to index
          %swap3A_1162 = tpu.vector_load %arg7[%swap3A_1161] {strides = array<i32>} : memref<16384xi32, #tpu.memory_space<vmem>>, vector<16xi32>,
          tpu.vector_store %arg7[%swap3A_1161], %convert_element_type3A_1156 {strides = array<i32>} : memref<16384xi32, #tpu.memory_space<vmem>>, vector<16xi32>,
          %get3A_1163 = arith.constant 1664 : index
          %get3A_1164 = tpu.vector_load %arg8[%get3A_1163] {strides = array<i32>} : memref<4096xf32, #tpu.memory_space<vmem>>, vector<16xf32>,
          %convert_element_type3A_1165 = arith.fptosi %get3A_1164 : vector<16xf32> to vector<16xi32>
          %mul3A_1166 = arith.constant 4096 : i32
          %mul3A_1167 = arith.muli %scan3A_226, %mul3A_1166 : i32
          %add3A_1168 = arith.constant 1664 : i32
          %add3A_1169 = arith.addi %mul3A_1167, %add3A_1168 : i32
          %swap3A_1170 = arith.index_cast %add3A_1169 : i32 to index
          %swap3A_1171 = tpu.vector_load %arg7[%swap3A_1170] {strides = array<i32>} : memref<16384xi32, #tpu.memory_space<vmem>>, vector<16xi32>,
          tpu.vector_store %arg7[%swap3A_1170], %convert_element_type3A_1165 {strides = array<i32>} : memref<16384xi32, #tpu.memory_space<vmem>>, vector<16xi32>,
          %get3A_1172 = arith.constant 1680 : index
          %get3A_1173 = tpu.vector_load %arg8[%get3A_1172] {strides = array<i32>} : memref<4096xf32, #tpu.memory_space<vmem>>, vector<16xf32>,
          %convert_element_type3A_1174 = arith.fptosi %get3A_1173 : vector<16xf32> to vector<16xi32>
          %mul3A_1175 = arith.constant 4096 : i32
          %mul3A_1176 = arith.muli %scan3A_226, %mul3A_1175 : i32
          %add3A_1177 = arith.constant 1680 : i32
          %add3A_1178 = arith.addi %mul3A_1176, %add3A_1177 : i32
          %swap3A_1179 = arith.index_cast %add3A_1178 : i32 to index
          %swap3A_1180 = tpu.vector_load %arg7[%swap3A_1179] {strides = array<i32>} : memref<16384xi32, #tpu.memory_space<vmem>>, vector<16xi32>,
          tpu.vector_store %arg7[%swap3A_1179], %convert_element_type3A_1174 {strides = array<i32>} : memref<16384xi32, #tpu.memory_space<vmem>>, vector<16xi32>,
          %get3A_1181 = arith.constant 1696 : index
          %get3A_1182 = tpu.vector_load %arg8[%get3A_1181] {strides = array<i32>} : memref<4096xf32, #tpu.memory_space<vmem>>, vector<16xf32>,
          %convert_element_type3A_1183 = arith.fptosi %get3A_1182 : vector<16xf32> to vector<16xi32>
          %mul3A_1184 = arith.constant 4096 : i32
          %mul3A_1185 = arith.muli %scan3A_226, %mul3A_1184 : i32
          %add3A_1186 = arith.constant 1696 : i32
          %add3A_1187 = arith.addi %mul3A_1185, %add3A_1186 : i32
          %swap3A_1188 = arith.index_cast %add3A_1187 : i32 to index
          %swap3A_1189 = tpu.vector_load %arg7[%swap3A_1188] {strides = array<i32>} : memref<16384xi32, #tpu.memory_space<vmem>>, vector<16xi32>,
          tpu.vector_store %arg7[%swap3A_1188], %convert_element_type3A_1183 {strides = array<i32>} : memref<16384xi32, #tpu.memory_space<vmem>>, vector<16xi32>,
          %get3A_1190 = arith.constant 1712 : index
          %get3A_1191 = tpu.vector_load %arg8[%get3A_1190] {strides = array<i32>} : memref<4096xf32, #tpu.memory_space<vmem>>, vector<16xf32>,
          %convert_element_type3A_1192 = arith.fptosi %get3A_1191 : vector<16xf32> to vector<16xi32>
          %mul3A_1193 = arith.constant 4096 : i32
          %mul3A_1194 = arith.muli %scan3A_226, %mul3A_1193 : i32
          %add3A_1195 = arith.constant 1712 : i32
          %add3A_1196 = arith.addi %mul3A_1194, %add3A_1195 : i32
          %swap3A_1197 = arith.index_cast %add3A_1196 : i32 to index
          %swap3A_1198 = tpu.vector_load %arg7[%swap3A_1197] {strides = array<i32>} : memref<16384xi32, #tpu.memory_space<vmem>>, vector<16xi32>,
          tpu.vector_store %arg7[%swap3A_1197], %convert_element_type3A_1192 {strides = array<i32>} : memref<16384xi32, #tpu.memory_space<vmem>>, vector<16xi32>,
          %get3A_1199 = arith.constant 1728 : index
          %get3A_1200 = tpu.vector_load %arg8[%get3A_1199] {strides = array<i32>} : memref<4096xf32, #tpu.memory_space<vmem>>, vector<16xf32>,
          %convert_element_type3A_1201 = arith.fptosi %get3A_1200 : vector<16xf32> to vector<16xi32>
          %mul3A_1202 = arith.constant 4096 : i32
          %mul3A_1203 = arith.muli %scan3A_226, %mul3A_1202 : i32
          %add3A_1204 = arith.constant 1728 : i32
          %add3A_1205 = arith.addi %mul3A_1203, %add3A_1204 : i32
          %swap3A_1206 = arith.index_cast %add3A_1205 : i32 to index
          %swap3A_1207 = tpu.vector_load %arg7[%swap3A_1206] {strides = array<i32>} : memref<16384xi32, #tpu.memory_space<vmem>>, vector<16xi32>,
          tpu.vector_store %arg7[%swap3A_1206], %convert_element_type3A_1201 {strides = array<i32>} : memref<16384xi32, #tpu.memory_space<vmem>>, vector<16xi32>,
          %get3A_1208 = arith.constant 1744 : index
          %get3A_1209 = tpu.vector_load %arg8[%get3A_1208] {strides = array<i32>} : memref<4096xf32, #tpu.memory_space<vmem>>, vector<16xf32>,
          %convert_element_type3A_1210 = arith.fptosi %get3A_1209 : vector<16xf32> to vector<16xi32>
          %mul3A_1211 = arith.constant 4096 : i32
          %mul3A_1212 = arith.muli %scan3A_226, %mul3A_1211 : i32
          %add3A_1213 = arith.constant 1744 : i32
          %add3A_1214 = arith.addi %mul3A_1212, %add3A_1213 : i32
          %swap3A_1215 = arith.index_cast %add3A_1214 : i32 to index
          %swap3A_1216 = tpu.vector_load %arg7[%swap3A_1215] {strides = array<i32>} : memref<16384xi32, #tpu.memory_space<vmem>>, vector<16xi32>,
          tpu.vector_store %arg7[%swap3A_1215], %convert_element_type3A_1210 {strides = array<i32>} : memref<16384xi32, #tpu.memory_space<vmem>>, vector<16xi32>,
          %get3A_1217 = arith.constant 1760 : index
          %get3A_1218 = tpu.vector_load %arg8[%get3A_1217] {strides = array<i32>} : memref<4096xf32, #tpu.memory_space<vmem>>, vector<16xf32>,
          %convert_element_type3A_1219 = arith.fptosi %get3A_1218 : vector<16xf32> to vector<16xi32>
          %mul3A_1220 = arith.constant 4096 : i32
          %mul3A_1221 = arith.muli %scan3A_226, %mul3A_1220 : i32
          %add3A_1222 = arith.constant 1760 : i32
          %add3A_1223 = arith.addi %mul3A_1221, %add3A_1222 : i32
          %swap3A_1224 = arith.index_cast %add3A_1223 : i32 to index
          %swap3A_1225 = tpu.vector_load %arg7[%swap3A_1224] {strides = array<i32>} : memref<16384xi32, #tpu.memory_space<vmem>>, vector<16xi32>,
          tpu.vector_store %arg7[%swap3A_1224], %convert_element_type3A_1219 {strides = array<i32>} : memref<16384xi32, #tpu.memory_space<vmem>>, vector<16xi32>,
          %get3A_1226 = arith.constant 1776 : index
          %get3A_1227 = tpu.vector_load %arg8[%get3A_1226] {strides = array<i32>} : memref<4096xf32, #tpu.memory_space<vmem>>, vector<16xf32>,
          %convert_element_type3A_1228 = arith.fptosi %get3A_1227 : vector<16xf32> to vector<16xi32>
          %mul3A_1229 = arith.constant 4096 : i32
          %mul3A_1230 = arith.muli %scan3A_226, %mul3A_1229 : i32
          %add3A_1231 = arith.constant 1776 : i32
          %add3A_1232 = arith.addi %mul3A_1230, %add3A_1231 : i32
          %swap3A_1233 = arith.index_cast %add3A_1232 : i32 to index
          %swap3A_1234 = tpu.vector_load %arg7[%swap3A_1233] {strides = array<i32>} : memref<16384xi32, #tpu.memory_space<vmem>>, vector<16xi32>,
          tpu.vector_store %arg7[%swap3A_1233], %convert_element_type3A_1228 {strides = array<i32>} : memref<16384xi32, #tpu.memory_space<vmem>>, vector<16xi32>,
          %get3A_1235 = arith.constant 1792 : index
          %get3A_1236 = tpu.vector_load %arg8[%get3A_1235] {strides = array<i32>} : memref<4096xf32, #tpu.memory_space<vmem>>, vector<16xf32>,
          %convert_element_type3A_1237 = arith.fptosi %get3A_1236 : vector<16xf32> to vector<16xi32>
          %mul3A_1238 = arith.constant 4096 : i32
          %mul3A_1239 = arith.muli %scan3A_226, %mul3A_1238 : i32
          %add3A_1240 = arith.constant 1792 : i32
          %add3A_1241 = arith.addi %mul3A_1239, %add3A_1240 : i32
          %swap3A_1242 = arith.index_cast %add3A_1241 : i32 to index
          %swap3A_1243 = tpu.vector_load %arg7[%swap3A_1242] {strides = array<i32>} : memref<16384xi32, #tpu.memory_space<vmem>>, vector<16xi32>,
          tpu.vector_store %arg7[%swap3A_1242], %convert_element_type3A_1237 {strides = array<i32>} : memref<16384xi32, #tpu.memory_space<vmem>>, vector<16xi32>,
          %get3A_1244 = arith.constant 1808 : index
          %get3A_1245 = tpu.vector_load %arg8[%get3A_1244] {strides = array<i32>} : memref<4096xf32, #tpu.memory_space<vmem>>, vector<16xf32>,
          %convert_element_type3A_1246 = arith.fptosi %get3A_1245 : vector<16xf32> to vector<16xi32>
          %mul3A_1247 = arith.constant 4096 : i32
          %mul3A_1248 = arith.muli %scan3A_226, %mul3A_1247 : i32
          %add3A_1249 = arith.constant 1808 : i32
          %add3A_1250 = arith.addi %mul3A_1248, %add3A_1249 : i32
          %swap3A_1251 = arith.index_cast %add3A_1250 : i32 to index
          %swap3A_1252 = tpu.vector_load %arg7[%swap3A_1251] {strides = array<i32>} : memref<16384xi32, #tpu.memory_space<vmem>>, vector<16xi32>,
          tpu.vector_store %arg7[%swap3A_1251], %convert_element_type3A_1246 {strides = array<i32>} : memref<16384xi32, #tpu.memory_space<vmem>>, vector<16xi32>,
          %get3A_1253 = arith.constant 1824 : index
          %get3A_1254 = tpu.vector_load %arg8[%get3A_1253] {strides = array<i32>} : memref<4096xf32, #tpu.memory_space<vmem>>, vector<16xf32>,
          %convert_element_type3A_1255 = arith.fptosi %get3A_1254 : vector<16xf32> to vector<16xi32>
          %mul3A_1256 = arith.constant 4096 : i32
          %mul3A_1257 = arith.muli %scan3A_226, %mul3A_1256 : i32
          %add3A_1258 = arith.constant 1824 : i32
          %add3A_1259 = arith.addi %mul3A_1257, %add3A_1258 : i32
          %swap3A_1260 = arith.index_cast %add3A_1259 : i32 to index
          %swap3A_1261 = tpu.vector_load %arg7[%swap3A_1260] {strides = array<i32>} : memref<16384xi32, #tpu.memory_space<vmem>>, vector<16xi32>,
          tpu.vector_store %arg7[%swap3A_1260], %convert_element_type3A_1255 {strides = array<i32>} : memref<16384xi32, #tpu.memory_space<vmem>>, vector<16xi32>,
          %get3A_1262 = arith.constant 1840 : index
          %get3A_1263 = tpu.vector_load %arg8[%get3A_1262] {strides = array<i32>} : memref<4096xf32, #tpu.memory_space<vmem>>, vector<16xf32>,
          %convert_element_type3A_1264 = arith.fptosi %get3A_1263 : vector<16xf32> to vector<16xi32>
          %mul3A_1265 = arith.constant 4096 : i32
          %mul3A_1266 = arith.muli %scan3A_226, %mul3A_1265 : i32
          %add3A_1267 = arith.constant 1840 : i32
          %add3A_1268 = arith.addi %mul3A_1266, %add3A_1267 : i32
          %swap3A_1269 = arith.index_cast %add3A_1268 : i32 to index
          %swap3A_1270 = tpu.vector_load %arg7[%swap3A_1269] {strides = array<i32>} : memref<16384xi32, #tpu.memory_space<vmem>>, vector<16xi32>,
          tpu.vector_store %arg7[%swap3A_1269], %convert_element_type3A_1264 {strides = array<i32>} : memref<16384xi32, #tpu.memory_space<vmem>>, vector<16xi32>,
          %get3A_1271 = arith.constant 1856 : index
          %get3A_1272 = tpu.vector_load %arg8[%get3A_1271] {strides = array<i32>} : memref<4096xf32, #tpu.memory_space<vmem>>, vector<16xf32>,
          %convert_element_type3A_1273 = arith.fptosi %get3A_1272 : vector<16xf32> to vector<16xi32>
          %mul3A_1274 = arith.constant 4096 : i32
          %mul3A_1275 = arith.muli %scan3A_226, %mul3A_1274 : i32
          %add3A_1276 = arith.constant 1856 : i32
          %add3A_1277 = arith.addi %mul3A_1275, %add3A_1276 : i32
          %swap3A_1278 = arith.index_cast %add3A_1277 : i32 to index
          %swap3A_1279 = tpu.vector_load %arg7[%swap3A_1278] {strides = array<i32>} : memref<16384xi32, #tpu.memory_space<vmem>>, vector<16xi32>,
          tpu.vector_store %arg7[%swap3A_1278], %convert_element_type3A_1273 {strides = array<i32>} : memref<16384xi32, #tpu.memory_space<vmem>>, vector<16xi32>,
          %get3A_1280 = arith.constant 1872 : index
          %get3A_1281 = tpu.vector_load %arg8[%get3A_1280] {strides = array<i32>} : memref<4096xf32, #tpu.memory_space<vmem>>, vector<16xf32>,
          %convert_element_type3A_1282 = arith.fptosi %get3A_1281 : vector<16xf32> to vector<16xi32>
          %mul3A_1283 = arith.constant 4096 : i32
          %mul3A_1284 = arith.muli %scan3A_226, %mul3A_1283 : i32
          %add3A_1285 = arith.constant 1872 : i32
          %add3A_1286 = arith.addi %mul3A_1284, %add3A_1285 : i32
          %swap3A_1287 = arith.index_cast %add3A_1286 : i32 to index
          %swap3A_1288 = tpu.vector_load %arg7[%swap3A_1287] {strides = array<i32>} : memref<16384xi32, #tpu.memory_space<vmem>>, vector<16xi32>,
          tpu.vector_store %arg7[%swap3A_1287], %convert_element_type3A_1282 {strides = array<i32>} : memref<16384xi32, #tpu.memory_space<vmem>>, vector<16xi32>,
          %get3A_1289 = arith.constant 1888 : index
          %get3A_1290 = tpu.vector_load %arg8[%get3A_1289] {strides = array<i32>} : memref<4096xf32, #tpu.memory_space<vmem>>, vector<16xf32>,
          %convert_element_type3A_1291 = arith.fptosi %get3A_1290 : vector<16xf32> to vector<16xi32>
          %mul3A_1292 = arith.constant 4096 : i32
          %mul3A_1293 = arith.muli %scan3A_226, %mul3A_1292 : i32
          %add3A_1294 = arith.constant 1888 : i32
          %add3A_1295 = arith.addi %mul3A_1293, %add3A_1294 : i32
          %swap3A_1296 = arith.index_cast %add3A_1295 : i32 to index
          %swap3A_1297 = tpu.vector_load %arg7[%swap3A_1296] {strides = array<i32>} : memref<16384xi32, #tpu.memory_space<vmem>>, vector<16xi32>,
          tpu.vector_store %arg7[%swap3A_1296], %convert_element_type3A_1291 {strides = array<i32>} : memref<16384xi32, #tpu.memory_space<vmem>>, vector<16xi32>,
          %get3A_1298 = arith.constant 1904 : index
          %get3A_1299 = tpu.vector_load %arg8[%get3A_1298] {strides = array<i32>} : memref<4096xf32, #tpu.memory_space<vmem>>, vector<16xf32>,
          %convert_element_type3A_1300 = arith.fptosi %get3A_1299 : vector<16xf32> to vector<16xi32>
          %mul3A_1301 = arith.constant 4096 : i32
          %mul3A_1302 = arith.muli %scan3A_226, %mul3A_1301 : i32
          %add3A_1303 = arith.constant 1904 : i32
          %add3A_1304 = arith.addi %mul3A_1302, %add3A_1303 : i32
          %swap3A_1305 = arith.index_cast %add3A_1304 : i32 to index
          %swap3A_1306 = tpu.vector_load %arg7[%swap3A_1305] {strides = array<i32>} : memref<16384xi32, #tpu.memory_space<vmem>>, vector<16xi32>,
          tpu.vector_store %arg7[%swap3A_1305], %convert_element_type3A_1300 {strides = array<i32>} : memref<16384xi32, #tpu.memory_space<vmem>>, vector<16xi32>,
          %get3A_1307 = arith.constant 1920 : index
          %get3A_1308 = tpu.vector_load %arg8[%get3A_1307] {strides = array<i32>} : memref<4096xf32, #tpu.memory_space<vmem>>, vector<16xf32>,
          %convert_element_type3A_1309 = arith.fptosi %get3A_1308 : vector<16xf32> to vector<16xi32>
          %mul3A_1310 = arith.constant 4096 : i32
          %mul3A_1311 = arith.muli %scan3A_226, %mul3A_1310 : i32
          %add3A_1312 = arith.constant 1920 : i32
          %add3A_1313 = arith.addi %mul3A_1311, %add3A_1312 : i32
          %swap3A_1314 = arith.index_cast %add3A_1313 : i32 to index
          %swap3A_1315 = tpu.vector_load %arg7[%swap3A_1314] {strides = array<i32>} : memref<16384xi32, #tpu.memory_space<vmem>>, vector<16xi32>,
          tpu.vector_store %arg7[%swap3A_1314], %convert_element_type3A_1309 {strides = array<i32>} : memref<16384xi32, #tpu.memory_space<vmem>>, vector<16xi32>,
          %get3A_1316 = arith.constant 1936 : index
          %get3A_1317 = tpu.vector_load %arg8[%get3A_1316] {strides = array<i32>} : memref<4096xf32, #tpu.memory_space<vmem>>, vector<16xf32>,
          %convert_element_type3A_1318 = arith.fptosi %get3A_1317 : vector<16xf32> to vector<16xi32>
          %mul3A_1319 = arith.constant 4096 : i32
          %mul3A_1320 = arith.muli %scan3A_226, %mul3A_1319 : i32
          %add3A_1321 = arith.constant 1936 : i32
          %add3A_1322 = arith.addi %mul3A_1320, %add3A_1321 : i32
          %swap3A_1323 = arith.index_cast %add3A_1322 : i32 to index
          %swap3A_1324 = tpu.vector_load %arg7[%swap3A_1323] {strides = array<i32>} : memref<16384xi32, #tpu.memory_space<vmem>>, vector<16xi32>,
          tpu.vector_store %arg7[%swap3A_1323], %convert_element_type3A_1318 {strides = array<i32>} : memref<16384xi32, #tpu.memory_space<vmem>>, vector<16xi32>,
          %get3A_1325 = arith.constant 1952 : index
          %get3A_1326 = tpu.vector_load %arg8[%get3A_1325] {strides = array<i32>} : memref<4096xf32, #tpu.memory_space<vmem>>, vector<16xf32>,
          %convert_element_type3A_1327 = arith.fptosi %get3A_1326 : vector<16xf32> to vector<16xi32>
          %mul3A_1328 = arith.constant 4096 : i32
          %mul3A_1329 = arith.muli %scan3A_226, %mul3A_1328 : i32
          %add3A_1330 = arith.constant 1952 : i32
          %add3A_1331 = arith.addi %mul3A_1329, %add3A_1330 : i32
          %swap3A_1332 = arith.index_cast %add3A_1331 : i32 to index
          %swap3A_1333 = tpu.vector_load %arg7[%swap3A_1332] {strides = array<i32>} : memref<16384xi32, #tpu.memory_space<vmem>>, vector<16xi32>,
          tpu.vector_store %arg7[%swap3A_1332], %convert_element_type3A_1327 {strides = array<i32>} : memref<16384xi32, #tpu.memory_space<vmem>>, vector<16xi32>,
          %get3A_1334 = arith.constant 1968 : index
          %get3A_1335 = tpu.vector_load %arg8[%get3A_1334] {strides = array<i32>} : memref<4096xf32, #tpu.memory_space<vmem>>, vector<16xf32>,
          %convert_element_type3A_1336 = arith.fptosi %get3A_1335 : vector<16xf32> to vector<16xi32>
          %mul3A_1337 = arith.constant 4096 : i32
          %mul3A_1338 = arith.muli %scan3A_226, %mul3A_1337 : i32
          %add3A_1339 = arith.constant 1968 : i32
          %add3A_1340 = arith.addi %mul3A_1338, %add3A_1339 : i32
          %swap3A_1341 = arith.index_cast %add3A_1340 : i32 to index
          %swap3A_1342 = tpu.vector_load %arg7[%swap3A_1341] {strides = array<i32>} : memref<16384xi32, #tpu.memory_space<vmem>>, vector<16xi32>,
          tpu.vector_store %arg7[%swap3A_1341], %convert_element_type3A_1336 {strides = array<i32>} : memref<16384xi32, #tpu.memory_space<vmem>>, vector<16xi32>,
          %get3A_1343 = arith.constant 1984 : index
          %get3A_1344 = tpu.vector_load %arg8[%get3A_1343] {strides = array<i32>} : memref<4096xf32, #tpu.memory_space<vmem>>, vector<16xf32>,
          %convert_element_type3A_1345 = arith.fptosi %get3A_1344 : vector<16xf32> to vector<16xi32>
          %mul3A_1346 = arith.constant 4096 : i32
          %mul3A_1347 = arith.muli %scan3A_226, %mul3A_1346 : i32
          %add3A_1348 = arith.constant 1984 : i32
          %add3A_1349 = arith.addi %mul3A_1347, %add3A_1348 : i32
          %swap3A_1350 = arith.index_cast %add3A_1349 : i32 to index
          %swap3A_1351 = tpu.vector_load %arg7[%swap3A_1350] {strides = array<i32>} : memref<16384xi32, #tpu.memory_space<vmem>>, vector<16xi32>,
          tpu.vector_store %arg7[%swap3A_1350], %convert_element_type3A_1345 {strides = array<i32>} : memref<16384xi32, #tpu.memory_space<vmem>>, vector<16xi32>,
          %get3A_1352 = arith.constant 2000 : index
          %get3A_1353 = tpu.vector_load %arg8[%get3A_1352] {strides = array<i32>} : memref<4096xf32, #tpu.memory_space<vmem>>, vector<16xf32>,
          %convert_element_type3A_1354 = arith.fptosi %get3A_1353 : vector<16xf32> to vector<16xi32>
          %mul3A_1355 = arith.constant 4096 : i32
          %mul3A_1356 = arith.muli %scan3A_226, %mul3A_1355 : i32
          %add3A_1357 = arith.constant 2000 : i32
          %add3A_1358 = arith.addi %mul3A_1356, %add3A_1357 : i32
          %swap3A_1359 = arith.index_cast %add3A_1358 : i32 to index
          %swap3A_1360 = tpu.vector_load %arg7[%swap3A_1359] {strides = array<i32>} : memref<16384xi32, #tpu.memory_space<vmem>>, vector<16xi32>,
          tpu.vector_store %arg7[%swap3A_1359], %convert_element_type3A_1354 {strides = array<i32>} : memref<16384xi32, #tpu.memory_space<vmem>>, vector<16xi32>,
          %get3A_1361 = arith.constant 2016 : index
          %get3A_1362 = tpu.vector_load %arg8[%get3A_1361] {strides = array<i32>} : memref<4096xf32, #tpu.memory_space<vmem>>, vector<16xf32>,
          %convert_element_type3A_1363 = arith.fptosi %get3A_1362 : vector<16xf32> to vector<16xi32>
          %mul3A_1364 = arith.constant 4096 : i32
          %mul3A_1365 = arith.muli %scan3A_226, %mul3A_1364 : i32
          %add3A_1366 = arith.constant 2016 : i32
          %add3A_1367 = arith.addi %mul3A_1365, %add3A_1366 : i32
          %swap3A_1368 = arith.index_cast %add3A_1367 : i32 to index
          %swap3A_1369 = tpu.vector_load %arg7[%swap3A_1368] {strides = array<i32>} : memref<16384xi32, #tpu.memory_space<vmem>>, vector<16xi32>,
          tpu.vector_store %arg7[%swap3A_1368], %convert_element_type3A_1363 {strides = array<i32>} : memref<16384xi32, #tpu.memory_space<vmem>>, vector<16xi32>,
          %get3A_1370 = arith.constant 2032 : index
          %get3A_1371 = tpu.vector_load %arg8[%get3A_1370] {strides = array<i32>} : memref<4096xf32, #tpu.memory_space<vmem>>, vector<16xf32>,
          %convert_element_type3A_1372 = arith.fptosi %get3A_1371 : vector<16xf32> to vector<16xi32>
          %mul3A_1373 = arith.constant 4096 : i32
          %mul3A_1374 = arith.muli %scan3A_226, %mul3A_1373 : i32
          %add3A_1375 = arith.constant 2032 : i32
          %add3A_1376 = arith.addi %mul3A_1374, %add3A_1375 : i32
          %swap3A_1377 = arith.index_cast %add3A_1376 : i32 to index
          %swap3A_1378 = tpu.vector_load %arg7[%swap3A_1377] {strides = array<i32>} : memref<16384xi32, #tpu.memory_space<vmem>>, vector<16xi32>,
          tpu.vector_store %arg7[%swap3A_1377], %convert_element_type3A_1372 {strides = array<i32>} : memref<16384xi32, #tpu.memory_space<vmem>>, vector<16xi32>,
          %get3A_1379 = arith.constant 2048 : index
          %get3A_1380 = tpu.vector_load %arg8[%get3A_1379] {strides = array<i32>} : memref<4096xf32, #tpu.memory_space<vmem>>, vector<16xf32>,
          %convert_element_type3A_1381 = arith.fptosi %get3A_1380 : vector<16xf32> to vector<16xi32>
          %mul3A_1382 = arith.constant 4096 : i32
          %mul3A_1383 = arith.muli %scan3A_226, %mul3A_1382 : i32
          %add3A_1384 = arith.constant 2048 : i32
          %add3A_1385 = arith.addi %mul3A_1383, %add3A_1384 : i32
          %swap3A_1386 = arith.index_cast %add3A_1385 : i32 to index
          %swap3A_1387 = tpu.vector_load %arg7[%swap3A_1386] {strides = array<i32>} : memref<16384xi32, #tpu.memory_space<vmem>>, vector<16xi32>,
          tpu.vector_store %arg7[%swap3A_1386], %convert_element_type3A_1381 {strides = array<i32>} : memref<16384xi32, #tpu.memory_space<vmem>>, vector<16xi32>,
          %get3A_1388 = arith.constant 2064 : index
          %get3A_1389 = tpu.vector_load %arg8[%get3A_1388] {strides = array<i32>} : memref<4096xf32, #tpu.memory_space<vmem>>, vector<16xf32>,
          %convert_element_type3A_1390 = arith.fptosi %get3A_1389 : vector<16xf32> to vector<16xi32>
          %mul3A_1391 = arith.constant 4096 : i32
          %mul3A_1392 = arith.muli %scan3A_226, %mul3A_1391 : i32
          %add3A_1393 = arith.constant 2064 : i32
          %add3A_1394 = arith.addi %mul3A_1392, %add3A_1393 : i32
          %swap3A_1395 = arith.index_cast %add3A_1394 : i32 to index
          %swap3A_1396 = tpu.vector_load %arg7[%swap3A_1395] {strides = array<i32>} : memref<16384xi32, #tpu.memory_space<vmem>>, vector<16xi32>,
          tpu.vector_store %arg7[%swap3A_1395], %convert_element_type3A_1390 {strides = array<i32>} : memref<16384xi32, #tpu.memory_space<vmem>>, vector<16xi32>,
          %get3A_1397 = arith.constant 2080 : index
          %get3A_1398 = tpu.vector_load %arg8[%get3A_1397] {strides = array<i32>} : memref<4096xf32, #tpu.memory_space<vmem>>, vector<16xf32>,
          %convert_element_type3A_1399 = arith.fptosi %get3A_1398 : vector<16xf32> to vector<16xi32>
          %mul3A_1400 = arith.constant 4096 : i32
          %mul3A_1401 = arith.muli %scan3A_226, %mul3A_1400 : i32
          %add3A_1402 = arith.constant 2080 : i32
          %add3A_1403 = arith.addi %mul3A_1401, %add3A_1402 : i32
          %swap3A_1404 = arith.index_cast %add3A_1403 : i32 to index
          %swap3A_1405 = tpu.vector_load %arg7[%swap3A_1404] {strides = array<i32>} : memref<16384xi32, #tpu.memory_space<vmem>>, vector<16xi32>,
          tpu.vector_store %arg7[%swap3A_1404], %convert_element_type3A_1399 {strides = array<i32>} : memref<16384xi32, #tpu.memory_space<vmem>>, vector<16xi32>,
          %get3A_1406 = arith.constant 2096 : index
          %get3A_1407 = tpu.vector_load %arg8[%get3A_1406] {strides = array<i32>} : memref<4096xf32, #tpu.memory_space<vmem>>, vector<16xf32>,
          %convert_element_type3A_1408 = arith.fptosi %get3A_1407 : vector<16xf32> to vector<16xi32>
          %mul3A_1409 = arith.constant 4096 : i32
          %mul3A_1410 = arith.muli %scan3A_226, %mul3A_1409 : i32
          %add3A_1411 = arith.constant 2096 : i32
          %add3A_1412 = arith.addi %mul3A_1410, %add3A_1411 : i32
          %swap3A_1413 = arith.index_cast %add3A_1412 : i32 to index
          %swap3A_1414 = tpu.vector_load %arg7[%swap3A_1413] {strides = array<i32>} : memref<16384xi32, #tpu.memory_space<vmem>>, vector<16xi32>,
          tpu.vector_store %arg7[%swap3A_1413], %convert_element_type3A_1408 {strides = array<i32>} : memref<16384xi32, #tpu.memory_space<vmem>>, vector<16xi32>,
          %get3A_1415 = arith.constant 2112 : index
          %get3A_1416 = tpu.vector_load %arg8[%get3A_1415] {strides = array<i32>} : memref<4096xf32, #tpu.memory_space<vmem>>, vector<16xf32>,
          %convert_element_type3A_1417 = arith.fptosi %get3A_1416 : vector<16xf32> to vector<16xi32>
          %mul3A_1418 = arith.constant 4096 : i32
          %mul3A_1419 = arith.muli %scan3A_226, %mul3A_1418 : i32
          %add3A_1420 = arith.constant 2112 : i32
          %add3A_1421 = arith.addi %mul3A_1419, %add3A_1420 : i32
          %swap3A_1422 = arith.index_cast %add3A_1421 : i32 to index
          %swap3A_1423 = tpu.vector_load %arg7[%swap3A_1422] {strides = array<i32>} : memref<16384xi32, #tpu.memory_space<vmem>>, vector<16xi32>,
          tpu.vector_store %arg7[%swap3A_1422], %convert_element_type3A_1417 {strides = array<i32>} : memref<16384xi32, #tpu.memory_space<vmem>>, vector<16xi32>,
          %get3A_1424 = arith.constant 2128 : index
          %get3A_1425 = tpu.vector_load %arg8[%get3A_1424] {strides = array<i32>} : memref<4096xf32, #tpu.memory_space<vmem>>, vector<16xf32>,
          %convert_element_type3A_1426 = arith.fptosi %get3A_1425 : vector<16xf32> to vector<16xi32>
          %mul3A_1427 = arith.constant 4096 : i32
          %mul3A_1428 = arith.muli %scan3A_226, %mul3A_1427 : i32
          %add3A_1429 = arith.constant 2128 : i32
          %add3A_1430 = arith.addi %mul3A_1428, %add3A_1429 : i32
          %swap3A_1431 = arith.index_cast %add3A_1430 : i32 to index
          %swap3A_1432 = tpu.vector_load %arg7[%swap3A_1431] {strides = array<i32>} : memref<16384xi32, #tpu.memory_space<vmem>>, vector<16xi32>,
          tpu.vector_store %arg7[%swap3A_1431], %convert_element_type3A_1426 {strides = array<i32>} : memref<16384xi32, #tpu.memory_space<vmem>>, vector<16xi32>,
          %get3A_1433 = arith.constant 2144 : index
          %get3A_1434 = tpu.vector_load %arg8[%get3A_1433] {strides = array<i32>} : memref<4096xf32, #tpu.memory_space<vmem>>, vector<16xf32>,
          %convert_element_type3A_1435 = arith.fptosi %get3A_1434 : vector<16xf32> to vector<16xi32>
          %mul3A_1436 = arith.constant 4096 : i32
          %mul3A_1437 = arith.muli %scan3A_226, %mul3A_1436 : i32
          %add3A_1438 = arith.constant 2144 : i32
          %add3A_1439 = arith.addi %mul3A_1437, %add3A_1438 : i32
          %swap3A_1440 = arith.index_cast %add3A_1439 : i32 to index
          %swap3A_1441 = tpu.vector_load %arg7[%swap3A_1440] {strides = array<i32>} : memref<16384xi32, #tpu.memory_space<vmem>>, vector<16xi32>,
          tpu.vector_store %arg7[%swap3A_1440], %convert_element_type3A_1435 {strides = array<i32>} : memref<16384xi32, #tpu.memory_space<vmem>>, vector<16xi32>,
          %get3A_1442 = arith.constant 2160 : index
          %get3A_1443 = tpu.vector_load %arg8[%get3A_1442] {strides = array<i32>} : memref<4096xf32, #tpu.memory_space<vmem>>, vector<16xf32>,
          %convert_element_type3A_1444 = arith.fptosi %get3A_1443 : vector<16xf32> to vector<16xi32>
          %mul3A_1445 = arith.constant 4096 : i32
          %mul3A_1446 = arith.muli %scan3A_226, %mul3A_1445 : i32
          %add3A_1447 = arith.constant 2160 : i32
          %add3A_1448 = arith.addi %mul3A_1446, %add3A_1447 : i32
          %swap3A_1449 = arith.index_cast %add3A_1448 : i32 to index
          %swap3A_1450 = tpu.vector_load %arg7[%swap3A_1449] {strides = array<i32>} : memref<16384xi32, #tpu.memory_space<vmem>>, vector<16xi32>,
          tpu.vector_store %arg7[%swap3A_1449], %convert_element_type3A_1444 {strides = array<i32>} : memref<16384xi32, #tpu.memory_space<vmem>>, vector<16xi32>,
          %get3A_1451 = arith.constant 2176 : index
          %get3A_1452 = tpu.vector_load %arg8[%get3A_1451] {strides = array<i32>} : memref<4096xf32, #tpu.memory_space<vmem>>, vector<16xf32>,
          %convert_element_type3A_1453 = arith.fptosi %get3A_1452 : vector<16xf32> to vector<16xi32>
          %mul3A_1454 = arith.constant 4096 : i32
          %mul3A_1455 = arith.muli %scan3A_226, %mul3A_1454 : i32
          %add3A_1456 = arith.constant 2176 : i32
          %add3A_1457 = arith.addi %mul3A_1455, %add3A_1456 : i32
          %swap3A_1458 = arith.index_cast %add3A_1457 : i32 to index
          %swap3A_1459 = tpu.vector_load %arg7[%swap3A_1458] {strides = array<i32>} : memref<16384xi32, #tpu.memory_space<vmem>>, vector<16xi32>,
          tpu.vector_store %arg7[%swap3A_1458], %convert_element_type3A_1453 {strides = array<i32>} : memref<16384xi32, #tpu.memory_space<vmem>>, vector<16xi32>,
          %get3A_1460 = arith.constant 2192 : index
          %get3A_1461 = tpu.vector_load %arg8[%get3A_1460] {strides = array<i32>} : memref<4096xf32, #tpu.memory_space<vmem>>, vector<16xf32>,
          %convert_element_type3A_1462 = arith.fptosi %get3A_1461 : vector<16xf32> to vector<16xi32>
          %mul3A_1463 = arith.constant 4096 : i32
          %mul3A_1464 = arith.muli %scan3A_226, %mul3A_1463 : i32
          %add3A_1465 = arith.constant 2192 : i32
          %add3A_1466 = arith.addi %mul3A_1464, %add3A_1465 : i32
          %swap3A_1467 = arith.index_cast %add3A_1466 : i32 to index
          %swap3A_1468 = tpu.vector_load %arg7[%swap3A_1467] {strides = array<i32>} : memref<16384xi32, #tpu.memory_space<vmem>>, vector<16xi32>,
          tpu.vector_store %arg7[%swap3A_1467], %convert_element_type3A_1462 {strides = array<i32>} : memref<16384xi32, #tpu.memory_space<vmem>>, vector<16xi32>,
          %get3A_1469 = arith.constant 2208 : index
          %get3A_1470 = tpu.vector_load %arg8[%get3A_1469] {strides = array<i32>} : memref<4096xf32, #tpu.memory_space<vmem>>, vector<16xf32>,
          %convert_element_type3A_1471 = arith.fptosi %get3A_1470 : vector<16xf32> to vector<16xi32>
          %mul3A_1472 = arith.constant 4096 : i32
          %mul3A_1473 = arith.muli %scan3A_226, %mul3A_1472 : i32
          %add3A_1474 = arith.constant 2208 : i32
          %add3A_1475 = arith.addi %mul3A_1473, %add3A_1474 : i32
          %swap3A_1476 = arith.index_cast %add3A_1475 : i32 to index
          %swap3A_1477 = tpu.vector_load %arg7[%swap3A_1476] {strides = array<i32>} : memref<16384xi32, #tpu.memory_space<vmem>>, vector<16xi32>,
          tpu.vector_store %arg7[%swap3A_1476], %convert_element_type3A_1471 {strides = array<i32>} : memref<16384xi32, #tpu.memory_space<vmem>>, vector<16xi32>,
          %get3A_1478 = arith.constant 2224 : index
          %get3A_1479 = tpu.vector_load %arg8[%get3A_1478] {strides = array<i32>} : memref<4096xf32, #tpu.memory_space<vmem>>, vector<16xf32>,
          %convert_element_type3A_1480 = arith.fptosi %get3A_1479 : vector<16xf32> to vector<16xi32>
          %mul3A_1481 = arith.constant 4096 : i32
          %mul3A_1482 = arith.muli %scan3A_226, %mul3A_1481 : i32
          %add3A_1483 = arith.constant 2224 : i32
          %add3A_1484 = arith.addi %mul3A_1482, %add3A_1483 : i32
          %swap3A_1485 = arith.index_cast %add3A_1484 : i32 to index
          %swap3A_1486 = tpu.vector_load %arg7[%swap3A_1485] {strides = array<i32>} : memref<16384xi32, #tpu.memory_space<vmem>>, vector<16xi32>,
          tpu.vector_store %arg7[%swap3A_1485], %convert_element_type3A_1480 {strides = array<i32>} : memref<16384xi32, #tpu.memory_space<vmem>>, vector<16xi32>,
          %get3A_1487 = arith.constant 2240 : index
          %get3A_1488 = tpu.vector_load %arg8[%get3A_1487] {strides = array<i32>} : memref<4096xf32, #tpu.memory_space<vmem>>, vector<16xf32>,
          %convert_element_type3A_1489 = arith.fptosi %get3A_1488 : vector<16xf32> to vector<16xi32>
          %mul3A_1490 = arith.constant 4096 : i32
          %mul3A_1491 = arith.muli %scan3A_226, %mul3A_1490 : i32
          %add3A_1492 = arith.constant 2240 : i32
          %add3A_1493 = arith.addi %mul3A_1491, %add3A_1492 : i32
          %swap3A_1494 = arith.index_cast %add3A_1493 : i32 to index
          %swap3A_1495 = tpu.vector_load %arg7[%swap3A_1494] {strides = array<i32>} : memref<16384xi32, #tpu.memory_space<vmem>>, vector<16xi32>,
          tpu.vector_store %arg7[%swap3A_1494], %convert_element_type3A_1489 {strides = array<i32>} : memref<16384xi32, #tpu.memory_space<vmem>>, vector<16xi32>,
          %get3A_1496 = arith.constant 2256 : index
          %get3A_1497 = tpu.vector_load %arg8[%get3A_1496] {strides = array<i32>} : memref<4096xf32, #tpu.memory_space<vmem>>, vector<16xf32>,
          %convert_element_type3A_1498 = arith.fptosi %get3A_1497 : vector<16xf32> to vector<16xi32>
          %mul3A_1499 = arith.constant 4096 : i32
          %mul3A_1500 = arith.muli %scan3A_226, %mul3A_1499 : i32
          %add3A_1501 = arith.constant 2256 : i32
          %add3A_1502 = arith.addi %mul3A_1500, %add3A_1501 : i32
          %swap3A_1503 = arith.index_cast %add3A_1502 : i32 to index
          %swap3A_1504 = tpu.vector_load %arg7[%swap3A_1503] {strides = array<i32>} : memref<16384xi32, #tpu.memory_space<vmem>>, vector<16xi32>,
          tpu.vector_store %arg7[%swap3A_1503], %convert_element_type3A_1498 {strides = array<i32>} : memref<16384xi32, #tpu.memory_space<vmem>>, vector<16xi32>,
          %get3A_1505 = arith.constant 2272 : index
          %get3A_1506 = tpu.vector_load %arg8[%get3A_1505] {strides = array<i32>} : memref<4096xf32, #tpu.memory_space<vmem>>, vector<16xf32>,
          %convert_element_type3A_1507 = arith.fptosi %get3A_1506 : vector<16xf32> to vector<16xi32>
          %mul3A_1508 = arith.constant 4096 : i32
          %mul3A_1509 = arith.muli %scan3A_226, %mul3A_1508 : i32
          %add3A_1510 = arith.constant 2272 : i32
          %add3A_1511 = arith.addi %mul3A_1509, %add3A_1510 : i32
          %swap3A_1512 = arith.index_cast %add3A_1511 : i32 to index
          %swap3A_1513 = tpu.vector_load %arg7[%swap3A_1512] {strides = array<i32>} : memref<16384xi32, #tpu.memory_space<vmem>>, vector<16xi32>,
          tpu.vector_store %arg7[%swap3A_1512], %convert_element_type3A_1507 {strides = array<i32>} : memref<16384xi32, #tpu.memory_space<vmem>>, vector<16xi32>,
          %get3A_1514 = arith.constant 2288 : index
          %get3A_1515 = tpu.vector_load %arg8[%get3A_1514] {strides = array<i32>} : memref<4096xf32, #tpu.memory_space<vmem>>, vector<16xf32>,
          %convert_element_type3A_1516 = arith.fptosi %get3A_1515 : vector<16xf32> to vector<16xi32>
          %mul3A_1517 = arith.constant 4096 : i32
          %mul3A_1518 = arith.muli %scan3A_226, %mul3A_1517 : i32
          %add3A_1519 = arith.constant 2288 : i32
          %add3A_1520 = arith.addi %mul3A_1518, %add3A_1519 : i32
          %swap3A_1521 = arith.index_cast %add3A_1520 : i32 to index
          %swap3A_1522 = tpu.vector_load %arg7[%swap3A_1521] {strides = array<i32>} : memref<16384xi32, #tpu.memory_space<vmem>>, vector<16xi32>,
          tpu.vector_store %arg7[%swap3A_1521], %convert_element_type3A_1516 {strides = array<i32>} : memref<16384xi32, #tpu.memory_space<vmem>>, vector<16xi32>,
          %get3A_1523 = arith.constant 2304 : index
          %get3A_1524 = tpu.vector_load %arg8[%get3A_1523] {strides = array<i32>} : memref<4096xf32, #tpu.memory_space<vmem>>, vector<16xf32>,
          %convert_element_type3A_1525 = arith.fptosi %get3A_1524 : vector<16xf32> to vector<16xi32>
          %mul3A_1526 = arith.constant 4096 : i32
          %mul3A_1527 = arith.muli %scan3A_226, %mul3A_1526 : i32
          %add3A_1528 = arith.constant 2304 : i32
          %add3A_1529 = arith.addi %mul3A_1527, %add3A_1528 : i32
          %swap3A_1530 = arith.index_cast %add3A_1529 : i32 to index
          %swap3A_1531 = tpu.vector_load %arg7[%swap3A_1530] {strides = array<i32>} : memref<16384xi32, #tpu.memory_space<vmem>>, vector<16xi32>,
          tpu.vector_store %arg7[%swap3A_1530], %convert_element_type3A_1525 {strides = array<i32>} : memref<16384xi32, #tpu.memory_space<vmem>>, vector<16xi32>,
          %get3A_1532 = arith.constant 2320 : index
          %get3A_1533 = tpu.vector_load %arg8[%get3A_1532] {strides = array<i32>} : memref<4096xf32, #tpu.memory_space<vmem>>, vector<16xf32>,
          %convert_element_type3A_1534 = arith.fptosi %get3A_1533 : vector<16xf32> to vector<16xi32>
          %mul3A_1535 = arith.constant 4096 : i32
          %mul3A_1536 = arith.muli %scan3A_226, %mul3A_1535 : i32
          %add3A_1537 = arith.constant 2320 : i32
          %add3A_1538 = arith.addi %mul3A_1536, %add3A_1537 : i32
          %swap3A_1539 = arith.index_cast %add3A_1538 : i32 to index
          %swap3A_1540 = tpu.vector_load %arg7[%swap3A_1539] {strides = array<i32>} : memref<16384xi32, #tpu.memory_space<vmem>>, vector<16xi32>,
          tpu.vector_store %arg7[%swap3A_1539], %convert_element_type3A_1534 {strides = array<i32>} : memref<16384xi32, #tpu.memory_space<vmem>>, vector<16xi32>,
          %get3A_1541 = arith.constant 2336 : index
          %get3A_1542 = tpu.vector_load %arg8[%get3A_1541] {strides = array<i32>} : memref<4096xf32, #tpu.memory_space<vmem>>, vector<16xf32>,
          %convert_element_type3A_1543 = arith.fptosi %get3A_1542 : vector<16xf32> to vector<16xi32>
          %mul3A_1544 = arith.constant 4096 : i32
          %mul3A_1545 = arith.muli %scan3A_226, %mul3A_1544 : i32
          %add3A_1546 = arith.constant 2336 : i32
          %add3A_1547 = arith.addi %mul3A_1545, %add3A_1546 : i32
          %swap3A_1548 = arith.index_cast %add3A_1547 : i32 to index
          %swap3A_1549 = tpu.vector_load %arg7[%swap3A_1548] {strides = array<i32>} : memref<16384xi32, #tpu.memory_space<vmem>>, vector<16xi32>,
          tpu.vector_store %arg7[%swap3A_1548], %convert_element_type3A_1543 {strides = array<i32>} : memref<16384xi32, #tpu.memory_space<vmem>>, vector<16xi32>,
          %get3A_1550 = arith.constant 2352 : index
          %get3A_1551 = tpu.vector_load %arg8[%get3A_1550] {strides = array<i32>} : memref<4096xf32, #tpu.memory_space<vmem>>, vector<16xf32>,
          %convert_element_type3A_1552 = arith.fptosi %get3A_1551 : vector<16xf32> to vector<16xi32>
          %mul3A_1553 = arith.constant 4096 : i32
          %mul3A_1554 = arith.muli %scan3A_226, %mul3A_1553 : i32
          %add3A_1555 = arith.constant 2352 : i32
          %add3A_1556 = arith.addi %mul3A_1554, %add3A_1555 : i32
          %swap3A_1557 = arith.index_cast %add3A_1556 : i32 to index
          %swap3A_1558 = tpu.vector_load %arg7[%swap3A_1557] {strides = array<i32>} : memref<16384xi32, #tpu.memory_space<vmem>>, vector<16xi32>,
          tpu.vector_store %arg7[%swap3A_1557], %convert_element_type3A_1552 {strides = array<i32>} : memref<16384xi32, #tpu.memory_space<vmem>>, vector<16xi32>,
          %get3A_1559 = arith.constant 2368 : index
          %get3A_1560 = tpu.vector_load %arg8[%get3A_1559] {strides = array<i32>} : memref<4096xf32, #tpu.memory_space<vmem>>, vector<16xf32>,
          %convert_element_type3A_1561 = arith.fptosi %get3A_1560 : vector<16xf32> to vector<16xi32>
          %mul3A_1562 = arith.constant 4096 : i32
          %mul3A_1563 = arith.muli %scan3A_226, %mul3A_1562 : i32
          %add3A_1564 = arith.constant 2368 : i32
          %add3A_1565 = arith.addi %mul3A_1563, %add3A_1564 : i32
          %swap3A_1566 = arith.index_cast %add3A_1565 : i32 to index
          %swap3A_1567 = tpu.vector_load %arg7[%swap3A_1566] {strides = array<i32>} : memref<16384xi32, #tpu.memory_space<vmem>>, vector<16xi32>,
          tpu.vector_store %arg7[%swap3A_1566], %convert_element_type3A_1561 {strides = array<i32>} : memref<16384xi32, #tpu.memory_space<vmem>>, vector<16xi32>,
          %get3A_1568 = arith.constant 2384 : index
          %get3A_1569 = tpu.vector_load %arg8[%get3A_1568] {strides = array<i32>} : memref<4096xf32, #tpu.memory_space<vmem>>, vector<16xf32>,
          %convert_element_type3A_1570 = arith.fptosi %get3A_1569 : vector<16xf32> to vector<16xi32>
          %mul3A_1571 = arith.constant 4096 : i32
          %mul3A_1572 = arith.muli %scan3A_226, %mul3A_1571 : i32
          %add3A_1573 = arith.constant 2384 : i32
          %add3A_1574 = arith.addi %mul3A_1572, %add3A_1573 : i32
          %swap3A_1575 = arith.index_cast %add3A_1574 : i32 to index
          %swap3A_1576 = tpu.vector_load %arg7[%swap3A_1575] {strides = array<i32>} : memref<16384xi32, #tpu.memory_space<vmem>>, vector<16xi32>,
          tpu.vector_store %arg7[%swap3A_1575], %convert_element_type3A_1570 {strides = array<i32>} : memref<16384xi32, #tpu.memory_space<vmem>>, vector<16xi32>,
          %get3A_1577 = arith.constant 2400 : index
          %get3A_1578 = tpu.vector_load %arg8[%get3A_1577] {strides = array<i32>} : memref<4096xf32, #tpu.memory_space<vmem>>, vector<16xf32>,
          %convert_element_type3A_1579 = arith.fptosi %get3A_1578 : vector<16xf32> to vector<16xi32>
          %mul3A_1580 = arith.constant 4096 : i32
          %mul3A_1581 = arith.muli %scan3A_226, %mul3A_1580 : i32
          %add3A_1582 = arith.constant 2400 : i32
          %add3A_1583 = arith.addi %mul3A_1581, %add3A_1582 : i32
          %swap3A_1584 = arith.index_cast %add3A_1583 : i32 to index
          %swap3A_1585 = tpu.vector_load %arg7[%swap3A_1584] {strides = array<i32>} : memref<16384xi32, #tpu.memory_space<vmem>>, vector<16xi32>,
          tpu.vector_store %arg7[%swap3A_1584], %convert_element_type3A_1579 {strides = array<i32>} : memref<16384xi32, #tpu.memory_space<vmem>>, vector<16xi32>,
          %get3A_1586 = arith.constant 2416 : index
          %get3A_1587 = tpu.vector_load %arg8[%get3A_1586] {strides = array<i32>} : memref<4096xf32, #tpu.memory_space<vmem>>, vector<16xf32>,
          %convert_element_type3A_1588 = arith.fptosi %get3A_1587 : vector<16xf32> to vector<16xi32>
          %mul3A_1589 = arith.constant 4096 : i32
          %mul3A_1590 = arith.muli %scan3A_226, %mul3A_1589 : i32
          %add3A_1591 = arith.constant 2416 : i32
          %add3A_1592 = arith.addi %mul3A_1590, %add3A_1591 : i32
          %swap3A_1593 = arith.index_cast %add3A_1592 : i32 to index
          %swap3A_1594 = tpu.vector_load %arg7[%swap3A_1593] {strides = array<i32>} : memref<16384xi32, #tpu.memory_space<vmem>>, vector<16xi32>,
          tpu.vector_store %arg7[%swap3A_1593], %convert_element_type3A_1588 {strides = array<i32>} : memref<16384xi32, #tpu.memory_space<vmem>>, vector<16xi32>,
          %get3A_1595 = arith.constant 2432 : index
          %get3A_1596 = tpu.vector_load %arg8[%get3A_1595] {strides = array<i32>} : memref<4096xf32, #tpu.memory_space<vmem>>, vector<16xf32>,
          %convert_element_type3A_1597 = arith.fptosi %get3A_1596 : vector<16xf32> to vector<16xi32>
          %mul3A_1598 = arith.constant 4096 : i32
          %mul3A_1599 = arith.muli %scan3A_226, %mul3A_1598 : i32
          %add3A_1600 = arith.constant 2432 : i32
          %add3A_1601 = arith.addi %mul3A_1599, %add3A_1600 : i32
          %swap3A_1602 = arith.index_cast %add3A_1601 : i32 to index
          %swap3A_1603 = tpu.vector_load %arg7[%swap3A_1602] {strides = array<i32>} : memref<16384xi32, #tpu.memory_space<vmem>>, vector<16xi32>,
          tpu.vector_store %arg7[%swap3A_1602], %convert_element_type3A_1597 {strides = array<i32>} : memref<16384xi32, #tpu.memory_space<vmem>>, vector<16xi32>,
          %get3A_1604 = arith.constant 2448 : index
          %get3A_1605 = tpu.vector_load %arg8[%get3A_1604] {strides = array<i32>} : memref<4096xf32, #tpu.memory_space<vmem>>, vector<16xf32>,
          %convert_element_type3A_1606 = arith.fptosi %get3A_1605 : vector<16xf32> to vector<16xi32>
          %mul3A_1607 = arith.constant 4096 : i32
          %mul3A_1608 = arith.muli %scan3A_226, %mul3A_1607 : i32
          %add3A_1609 = arith.constant 2448 : i32
          %add3A_1610 = arith.addi %mul3A_1608, %add3A_1609 : i32
          %swap3A_1611 = arith.index_cast %add3A_1610 : i32 to index
          %swap3A_1612 = tpu.vector_load %arg7[%swap3A_1611] {strides = array<i32>} : memref<16384xi32, #tpu.memory_space<vmem>>, vector<16xi32>,
          tpu.vector_store %arg7[%swap3A_1611], %convert_element_type3A_1606 {strides = array<i32>} : memref<16384xi32, #tpu.memory_space<vmem>>, vector<16xi32>,
          %get3A_1613 = arith.constant 2464 : index
          %get3A_1614 = tpu.vector_load %arg8[%get3A_1613] {strides = array<i32>} : memref<4096xf32, #tpu.memory_space<vmem>>, vector<16xf32>,
          %convert_element_type3A_1615 = arith.fptosi %get3A_1614 : vector<16xf32> to vector<16xi32>
          %mul3A_1616 = arith.constant 4096 : i32
          %mul3A_1617 = arith.muli %scan3A_226, %mul3A_1616 : i32
          %add3A_1618 = arith.constant 2464 : i32
          %add3A_1619 = arith.addi %mul3A_1617, %add3A_1618 : i32
          %swap3A_1620 = arith.index_cast %add3A_1619 : i32 to index
          %swap3A_1621 = tpu.vector_load %arg7[%swap3A_1620] {strides = array<i32>} : memref<16384xi32, #tpu.memory_space<vmem>>, vector<16xi32>,
          tpu.vector_store %arg7[%swap3A_1620], %convert_element_type3A_1615 {strides = array<i32>} : memref<16384xi32, #tpu.memory_space<vmem>>, vector<16xi32>,
          %get3A_1622 = arith.constant 2480 : index
          %get3A_1623 = tpu.vector_load %arg8[%get3A_1622] {strides = array<i32>} : memref<4096xf32, #tpu.memory_space<vmem>>, vector<16xf32>,
          %convert_element_type3A_1624 = arith.fptosi %get3A_1623 : vector<16xf32> to vector<16xi32>
          %mul3A_1625 = arith.constant 4096 : i32
          %mul3A_1626 = arith.muli %scan3A_226, %mul3A_1625 : i32
          %add3A_1627 = arith.constant 2480 : i32
          %add3A_1628 = arith.addi %mul3A_1626, %add3A_1627 : i32
          %swap3A_1629 = arith.index_cast %add3A_1628 : i32 to index
          %swap3A_1630 = tpu.vector_load %arg7[%swap3A_1629] {strides = array<i32>} : memref<16384xi32, #tpu.memory_space<vmem>>, vector<16xi32>,
          tpu.vector_store %arg7[%swap3A_1629], %convert_element_type3A_1624 {strides = array<i32>} : memref<16384xi32, #tpu.memory_space<vmem>>, vector<16xi32>,
          %get3A_1631 = arith.constant 2496 : index
          %get3A_1632 = tpu.vector_load %arg8[%get3A_1631] {strides = array<i32>} : memref<4096xf32, #tpu.memory_space<vmem>>, vector<16xf32>,
          %convert_element_type3A_1633 = arith.fptosi %get3A_1632 : vector<16xf32> to vector<16xi32>
          %mul3A_1634 = arith.constant 4096 : i32
          %mul3A_1635 = arith.muli %scan3A_226, %mul3A_1634 : i32
          %add3A_1636 = arith.constant 2496 : i32
          %add3A_1637 = arith.addi %mul3A_1635, %add3A_1636 : i32
          %swap3A_1638 = arith.index_cast %add3A_1637 : i32 to index
          %swap3A_1639 = tpu.vector_load %arg7[%swap3A_1638] {strides = array<i32>} : memref<16384xi32, #tpu.memory_space<vmem>>, vector<16xi32>,
          tpu.vector_store %arg7[%swap3A_1638], %convert_element_type3A_1633 {strides = array<i32>} : memref<16384xi32, #tpu.memory_space<vmem>>, vector<16xi32>,
          %get3A_1640 = arith.constant 2512 : index
          %get3A_1641 = tpu.vector_load %arg8[%get3A_1640] {strides = array<i32>} : memref<4096xf32, #tpu.memory_space<vmem>>, vector<16xf32>,
          %convert_element_type3A_1642 = arith.fptosi %get3A_1641 : vector<16xf32> to vector<16xi32>
          %mul3A_1643 = arith.constant 4096 : i32
          %mul3A_1644 = arith.muli %scan3A_226, %mul3A_1643 : i32
          %add3A_1645 = arith.constant 2512 : i32
          %add3A_1646 = arith.addi %mul3A_1644, %add3A_1645 : i32
          %swap3A_1647 = arith.index_cast %add3A_1646 : i32 to index
          %swap3A_1648 = tpu.vector_load %arg7[%swap3A_1647] {strides = array<i32>} : memref<16384xi32, #tpu.memory_space<vmem>>, vector<16xi32>,
          tpu.vector_store %arg7[%swap3A_1647], %convert_element_type3A_1642 {strides = array<i32>} : memref<16384xi32, #tpu.memory_space<vmem>>, vector<16xi32>,
          %get3A_1649 = arith.constant 2528 : index
          %get3A_1650 = tpu.vector_load %arg8[%get3A_1649] {strides = array<i32>} : memref<4096xf32, #tpu.memory_space<vmem>>, vector<16xf32>,
          %convert_element_type3A_1651 = arith.fptosi %get3A_1650 : vector<16xf32> to vector<16xi32>
          %mul3A_1652 = arith.constant 4096 : i32
          %mul3A_1653 = arith.muli %scan3A_226, %mul3A_1652 : i32
          %add3A_1654 = arith.constant 2528 : i32
          %add3A_1655 = arith.addi %mul3A_1653, %add3A_1654 : i32
          %swap3A_1656 = arith.index_cast %add3A_1655 : i32 to index
          %swap3A_1657 = tpu.vector_load %arg7[%swap3A_1656] {strides = array<i32>} : memref<16384xi32, #tpu.memory_space<vmem>>, vector<16xi32>,
          tpu.vector_store %arg7[%swap3A_1656], %convert_element_type3A_1651 {strides = array<i32>} : memref<16384xi32, #tpu.memory_space<vmem>>, vector<16xi32>,
          %get3A_1658 = arith.constant 2544 : index
          %get3A_1659 = tpu.vector_load %arg8[%get3A_1658] {strides = array<i32>} : memref<4096xf32, #tpu.memory_space<vmem>>, vector<16xf32>,
          %convert_element_type3A_1660 = arith.fptosi %get3A_1659 : vector<16xf32> to vector<16xi32>
          %mul3A_1661 = arith.constant 4096 : i32
          %mul3A_1662 = arith.muli %scan3A_226, %mul3A_1661 : i32
          %add3A_1663 = arith.constant 2544 : i32
          %add3A_1664 = arith.addi %mul3A_1662, %add3A_1663 : i32
          %swap3A_1665 = arith.index_cast %add3A_1664 : i32 to index
          %swap3A_1666 = tpu.vector_load %arg7[%swap3A_1665] {strides = array<i32>} : memref<16384xi32, #tpu.memory_space<vmem>>, vector<16xi32>,
          tpu.vector_store %arg7[%swap3A_1665], %convert_element_type3A_1660 {strides = array<i32>} : memref<16384xi32, #tpu.memory_space<vmem>>, vector<16xi32>,
          %get3A_1667 = arith.constant 2560 : index
          %get3A_1668 = tpu.vector_load %arg8[%get3A_1667] {strides = array<i32>} : memref<4096xf32, #tpu.memory_space<vmem>>, vector<16xf32>,
          %convert_element_type3A_1669 = arith.fptosi %get3A_1668 : vector<16xf32> to vector<16xi32>
          %mul3A_1670 = arith.constant 4096 : i32
          %mul3A_1671 = arith.muli %scan3A_226, %mul3A_1670 : i32
          %add3A_1672 = arith.constant 2560 : i32
          %add3A_1673 = arith.addi %mul3A_1671, %add3A_1672 : i32
          %swap3A_1674 = arith.index_cast %add3A_1673 : i32 to index
          %swap3A_1675 = tpu.vector_load %arg7[%swap3A_1674] {strides = array<i32>} : memref<16384xi32, #tpu.memory_space<vmem>>, vector<16xi32>,
          tpu.vector_store %arg7[%swap3A_1674], %convert_element_type3A_1669 {strides = array<i32>} : memref<16384xi32, #tpu.memory_space<vmem>>, vector<16xi32>,
          %get3A_1676 = arith.constant 2576 : index
          %get3A_1677 = tpu.vector_load %arg8[%get3A_1676] {strides = array<i32>} : memref<4096xf32, #tpu.memory_space<vmem>>, vector<16xf32>,
          %convert_element_type3A_1678 = arith.fptosi %get3A_1677 : vector<16xf32> to vector<16xi32>
          %mul3A_1679 = arith.constant 4096 : i32
          %mul3A_1680 = arith.muli %scan3A_226, %mul3A_1679 : i32
          %add3A_1681 = arith.constant 2576 : i32
          %add3A_1682 = arith.addi %mul3A_1680, %add3A_1681 : i32
          %swap3A_1683 = arith.index_cast %add3A_1682 : i32 to index
          %swap3A_1684 = tpu.vector_load %arg7[%swap3A_1683] {strides = array<i32>} : memref<16384xi32, #tpu.memory_space<vmem>>, vector<16xi32>,
          tpu.vector_store %arg7[%swap3A_1683], %convert_element_type3A_1678 {strides = array<i32>} : memref<16384xi32, #tpu.memory_space<vmem>>, vector<16xi32>,
          %get3A_1685 = arith.constant 2592 : index
          %get3A_1686 = tpu.vector_load %arg8[%get3A_1685] {strides = array<i32>} : memref<4096xf32, #tpu.memory_space<vmem>>, vector<16xf32>,
          %convert_element_type3A_1687 = arith.fptosi %get3A_1686 : vector<16xf32> to vector<16xi32>
          %mul3A_1688 = arith.constant 4096 : i32
          %mul3A_1689 = arith.muli %scan3A_226, %mul3A_1688 : i32
          %add3A_1690 = arith.constant 2592 : i32
          %add3A_1691 = arith.addi %mul3A_1689, %add3A_1690 : i32
          %swap3A_1692 = arith.index_cast %add3A_1691 : i32 to index
          %swap3A_1693 = tpu.vector_load %arg7[%swap3A_1692] {strides = array<i32>} : memref<16384xi32, #tpu.memory_space<vmem>>, vector<16xi32>,
          tpu.vector_store %arg7[%swap3A_1692], %convert_element_type3A_1687 {strides = array<i32>} : memref<16384xi32, #tpu.memory_space<vmem>>, vector<16xi32>,
          %get3A_1694 = arith.constant 2608 : index
          %get3A_1695 = tpu.vector_load %arg8[%get3A_1694] {strides = array<i32>} : memref<4096xf32, #tpu.memory_space<vmem>>, vector<16xf32>,
          %convert_element_type3A_1696 = arith.fptosi %get3A_1695 : vector<16xf32> to vector<16xi32>
          %mul3A_1697 = arith.constant 4096 : i32
          %mul3A_1698 = arith.muli %scan3A_226, %mul3A_1697 : i32
          %add3A_1699 = arith.constant 2608 : i32
          %add3A_1700 = arith.addi %mul3A_1698, %add3A_1699 : i32
          %swap3A_1701 = arith.index_cast %add3A_1700 : i32 to index
          %swap3A_1702 = tpu.vector_load %arg7[%swap3A_1701] {strides = array<i32>} : memref<16384xi32, #tpu.memory_space<vmem>>, vector<16xi32>,
          tpu.vector_store %arg7[%swap3A_1701], %convert_element_type3A_1696 {strides = array<i32>} : memref<16384xi32, #tpu.memory_space<vmem>>, vector<16xi32>,
          %get3A_1703 = arith.constant 2624 : index
          %get3A_1704 = tpu.vector_load %arg8[%get3A_1703] {strides = array<i32>} : memref<4096xf32, #tpu.memory_space<vmem>>, vector<16xf32>,
          %convert_element_type3A_1705 = arith.fptosi %get3A_1704 : vector<16xf32> to vector<16xi32>
          %mul3A_1706 = arith.constant 4096 : i32
          %mul3A_1707 = arith.muli %scan3A_226, %mul3A_1706 : i32
          %add3A_1708 = arith.constant 2624 : i32
          %add3A_1709 = arith.addi %mul3A_1707, %add3A_1708 : i32
          %swap3A_1710 = arith.index_cast %add3A_1709 : i32 to index
          %swap3A_1711 = tpu.vector_load %arg7[%swap3A_1710] {strides = array<i32>} : memref<16384xi32, #tpu.memory_space<vmem>>, vector<16xi32>,
          tpu.vector_store %arg7[%swap3A_1710], %convert_element_type3A_1705 {strides = array<i32>} : memref<16384xi32, #tpu.memory_space<vmem>>, vector<16xi32>,
          %get3A_1712 = arith.constant 2640 : index
          %get3A_1713 = tpu.vector_load %arg8[%get3A_1712] {strides = array<i32>} : memref<4096xf32, #tpu.memory_space<vmem>>, vector<16xf32>,
          %convert_element_type3A_1714 = arith.fptosi %get3A_1713 : vector<16xf32> to vector<16xi32>
          %mul3A_1715 = arith.constant 4096 : i32
          %mul3A_1716 = arith.muli %scan3A_226, %mul3A_1715 : i32
          %add3A_1717 = arith.constant 2640 : i32
          %add3A_1718 = arith.addi %mul3A_1716, %add3A_1717 : i32
          %swap3A_1719 = arith.index_cast %add3A_1718 : i32 to index
          %swap3A_1720 = tpu.vector_load %arg7[%swap3A_1719] {strides = array<i32>} : memref<16384xi32, #tpu.memory_space<vmem>>, vector<16xi32>,
          tpu.vector_store %arg7[%swap3A_1719], %convert_element_type3A_1714 {strides = array<i32>} : memref<16384xi32, #tpu.memory_space<vmem>>, vector<16xi32>,
          %get3A_1721 = arith.constant 2656 : index
          %get3A_1722 = tpu.vector_load %arg8[%get3A_1721] {strides = array<i32>} : memref<4096xf32, #tpu.memory_space<vmem>>, vector<16xf32>,
          %convert_element_type3A_1723 = arith.fptosi %get3A_1722 : vector<16xf32> to vector<16xi32>
          %mul3A_1724 = arith.constant 4096 : i32
          %mul3A_1725 = arith.muli %scan3A_226, %mul3A_1724 : i32
          %add3A_1726 = arith.constant 2656 : i32
          %add3A_1727 = arith.addi %mul3A_1725, %add3A_1726 : i32
          %swap3A_1728 = arith.index_cast %add3A_1727 : i32 to index
          %swap3A_1729 = tpu.vector_load %arg7[%swap3A_1728] {strides = array<i32>} : memref<16384xi32, #tpu.memory_space<vmem>>, vector<16xi32>,
          tpu.vector_store %arg7[%swap3A_1728], %convert_element_type3A_1723 {strides = array<i32>} : memref<16384xi32, #tpu.memory_space<vmem>>, vector<16xi32>,
          %get3A_1730 = arith.constant 2672 : index
          %get3A_1731 = tpu.vector_load %arg8[%get3A_1730] {strides = array<i32>} : memref<4096xf32, #tpu.memory_space<vmem>>, vector<16xf32>,
          %convert_element_type3A_1732 = arith.fptosi %get3A_1731 : vector<16xf32> to vector<16xi32>
          %mul3A_1733 = arith.constant 4096 : i32
          %mul3A_1734 = arith.muli %scan3A_226, %mul3A_1733 : i32
          %add3A_1735 = arith.constant 2672 : i32
          %add3A_1736 = arith.addi %mul3A_1734, %add3A_1735 : i32
          %swap3A_1737 = arith.index_cast %add3A_1736 : i32 to index
          %swap3A_1738 = tpu.vector_load %arg7[%swap3A_1737] {strides = array<i32>} : memref<16384xi32, #tpu.memory_space<vmem>>, vector<16xi32>,
          tpu.vector_store %arg7[%swap3A_1737], %convert_element_type3A_1732 {strides = array<i32>} : memref<16384xi32, #tpu.memory_space<vmem>>, vector<16xi32>,
          %get3A_1739 = arith.constant 2688 : index
          %get3A_1740 = tpu.vector_load %arg8[%get3A_1739] {strides = array<i32>} : memref<4096xf32, #tpu.memory_space<vmem>>, vector<16xf32>,
          %convert_element_type3A_1741 = arith.fptosi %get3A_1740 : vector<16xf32> to vector<16xi32>
          %mul3A_1742 = arith.constant 4096 : i32
          %mul3A_1743 = arith.muli %scan3A_226, %mul3A_1742 : i32
          %add3A_1744 = arith.constant 2688 : i32
          %add3A_1745 = arith.addi %mul3A_1743, %add3A_1744 : i32
          %swap3A_1746 = arith.index_cast %add3A_1745 : i32 to index
          %swap3A_1747 = tpu.vector_load %arg7[%swap3A_1746] {strides = array<i32>} : memref<16384xi32, #tpu.memory_space<vmem>>, vector<16xi32>,
          tpu.vector_store %arg7[%swap3A_1746], %convert_element_type3A_1741 {strides = array<i32>} : memref<16384xi32, #tpu.memory_space<vmem>>, vector<16xi32>,
          %get3A_1748 = arith.constant 2704 : index
          %get3A_1749 = tpu.vector_load %arg8[%get3A_1748] {strides = array<i32>} : memref<4096xf32, #tpu.memory_space<vmem>>, vector<16xf32>,
          %convert_element_type3A_1750 = arith.fptosi %get3A_1749 : vector<16xf32> to vector<16xi32>
          %mul3A_1751 = arith.constant 4096 : i32
          %mul3A_1752 = arith.muli %scan3A_226, %mul3A_1751 : i32
          %add3A_1753 = arith.constant 2704 : i32
          %add3A_1754 = arith.addi %mul3A_1752, %add3A_1753 : i32
          %swap3A_1755 = arith.index_cast %add3A_1754 : i32 to index
          %swap3A_1756 = tpu.vector_load %arg7[%swap3A_1755] {strides = array<i32>} : memref<16384xi32, #tpu.memory_space<vmem>>, vector<16xi32>,
          tpu.vector_store %arg7[%swap3A_1755], %convert_element_type3A_1750 {strides = array<i32>} : memref<16384xi32, #tpu.memory_space<vmem>>, vector<16xi32>,
          %get3A_1757 = arith.constant 2720 : index
          %get3A_1758 = tpu.vector_load %arg8[%get3A_1757] {strides = array<i32>} : memref<4096xf32, #tpu.memory_space<vmem>>, vector<16xf32>,
          %convert_element_type3A_1759 = arith.fptosi %get3A_1758 : vector<16xf32> to vector<16xi32>
          %mul3A_1760 = arith.constant 4096 : i32
          %mul3A_1761 = arith.muli %scan3A_226, %mul3A_1760 : i32
          %add3A_1762 = arith.constant 2720 : i32
          %add3A_1763 = arith.addi %mul3A_1761, %add3A_1762 : i32
          %swap3A_1764 = arith.index_cast %add3A_1763 : i32 to index
          %swap3A_1765 = tpu.vector_load %arg7[%swap3A_1764] {strides = array<i32>} : memref<16384xi32, #tpu.memory_space<vmem>>, vector<16xi32>,
          tpu.vector_store %arg7[%swap3A_1764], %convert_element_type3A_1759 {strides = array<i32>} : memref<16384xi32, #tpu.memory_space<vmem>>, vector<16xi32>,
          %get3A_1766 = arith.constant 2736 : index
          %get3A_1767 = tpu.vector_load %arg8[%get3A_1766] {strides = array<i32>} : memref<4096xf32, #tpu.memory_space<vmem>>, vector<16xf32>,
          %convert_element_type3A_1768 = arith.fptosi %get3A_1767 : vector<16xf32> to vector<16xi32>
          %mul3A_1769 = arith.constant 4096 : i32
          %mul3A_1770 = arith.muli %scan3A_226, %mul3A_1769 : i32
          %add3A_1771 = arith.constant 2736 : i32
          %add3A_1772 = arith.addi %mul3A_1770, %add3A_1771 : i32
          %swap3A_1773 = arith.index_cast %add3A_1772 : i32 to index
          %swap3A_1774 = tpu.vector_load %arg7[%swap3A_1773] {strides = array<i32>} : memref<16384xi32, #tpu.memory_space<vmem>>, vector<16xi32>,
          tpu.vector_store %arg7[%swap3A_1773], %convert_element_type3A_1768 {strides = array<i32>} : memref<16384xi32, #tpu.memory_space<vmem>>, vector<16xi32>,
          %get3A_1775 = arith.constant 2752 : index
          %get3A_1776 = tpu.vector_load %arg8[%get3A_1775] {strides = array<i32>} : memref<4096xf32, #tpu.memory_space<vmem>>, vector<16xf32>,
          %convert_element_type3A_1777 = arith.fptosi %get3A_1776 : vector<16xf32> to vector<16xi32>
          %mul3A_1778 = arith.constant 4096 : i32
          %mul3A_1779 = arith.muli %scan3A_226, %mul3A_1778 : i32
          %add3A_1780 = arith.constant 2752 : i32
          %add3A_1781 = arith.addi %mul3A_1779, %add3A_1780 : i32
          %swap3A_1782 = arith.index_cast %add3A_1781 : i32 to index
          %swap3A_1783 = tpu.vector_load %arg7[%swap3A_1782] {strides = array<i32>} : memref<16384xi32, #tpu.memory_space<vmem>>, vector<16xi32>,
          tpu.vector_store %arg7[%swap3A_1782], %convert_element_type3A_1777 {strides = array<i32>} : memref<16384xi32, #tpu.memory_space<vmem>>, vector<16xi32>,
          %get3A_1784 = arith.constant 2768 : index
          %get3A_1785 = tpu.vector_load %arg8[%get3A_1784] {strides = array<i32>} : memref<4096xf32, #tpu.memory_space<vmem>>, vector<16xf32>,
          %convert_element_type3A_1786 = arith.fptosi %get3A_1785 : vector<16xf32> to vector<16xi32>
          %mul3A_1787 = arith.constant 4096 : i32
          %mul3A_1788 = arith.muli %scan3A_226, %mul3A_1787 : i32
          %add3A_1789 = arith.constant 2768 : i32
          %add3A_1790 = arith.addi %mul3A_1788, %add3A_1789 : i32
          %swap3A_1791 = arith.index_cast %add3A_1790 : i32 to index
          %swap3A_1792 = tpu.vector_load %arg7[%swap3A_1791] {strides = array<i32>} : memref<16384xi32, #tpu.memory_space<vmem>>, vector<16xi32>,
          tpu.vector_store %arg7[%swap3A_1791], %convert_element_type3A_1786 {strides = array<i32>} : memref<16384xi32, #tpu.memory_space<vmem>>, vector<16xi32>,
          %get3A_1793 = arith.constant 2784 : index
          %get3A_1794 = tpu.vector_load %arg8[%get3A_1793] {strides = array<i32>} : memref<4096xf32, #tpu.memory_space<vmem>>, vector<16xf32>,
          %convert_element_type3A_1795 = arith.fptosi %get3A_1794 : vector<16xf32> to vector<16xi32>
          %mul3A_1796 = arith.constant 4096 : i32
          %mul3A_1797 = arith.muli %scan3A_226, %mul3A_1796 : i32
          %add3A_1798 = arith.constant 2784 : i32
          %add3A_1799 = arith.addi %mul3A_1797, %add3A_1798 : i32
          %swap3A_1800 = arith.index_cast %add3A_1799 : i32 to index
          %swap3A_1801 = tpu.vector_load %arg7[%swap3A_1800] {strides = array<i32>} : memref<16384xi32, #tpu.memory_space<vmem>>, vector<16xi32>,
          tpu.vector_store %arg7[%swap3A_1800], %convert_element_type3A_1795 {strides = array<i32>} : memref<16384xi32, #tpu.memory_space<vmem>>, vector<16xi32>,
          %get3A_1802 = arith.constant 2800 : index
          %get3A_1803 = tpu.vector_load %arg8[%get3A_1802] {strides = array<i32>} : memref<4096xf32, #tpu.memory_space<vmem>>, vector<16xf32>,
          %convert_element_type3A_1804 = arith.fptosi %get3A_1803 : vector<16xf32> to vector<16xi32>
          %mul3A_1805 = arith.constant 4096 : i32
          %mul3A_1806 = arith.muli %scan3A_226, %mul3A_1805 : i32
          %add3A_1807 = arith.constant 2800 : i32
          %add3A_1808 = arith.addi %mul3A_1806, %add3A_1807 : i32
          %swap3A_1809 = arith.index_cast %add3A_1808 : i32 to index
          %swap3A_1810 = tpu.vector_load %arg7[%swap3A_1809] {strides = array<i32>} : memref<16384xi32, #tpu.memory_space<vmem>>, vector<16xi32>,
          tpu.vector_store %arg7[%swap3A_1809], %convert_element_type3A_1804 {strides = array<i32>} : memref<16384xi32, #tpu.memory_space<vmem>>, vector<16xi32>,
          %get3A_1811 = arith.constant 2816 : index
          %get3A_1812 = tpu.vector_load %arg8[%get3A_1811] {strides = array<i32>} : memref<4096xf32, #tpu.memory_space<vmem>>, vector<16xf32>,
          %convert_element_type3A_1813 = arith.fptosi %get3A_1812 : vector<16xf32> to vector<16xi32>
          %mul3A_1814 = arith.constant 4096 : i32
          %mul3A_1815 = arith.muli %scan3A_226, %mul3A_1814 : i32
          %add3A_1816 = arith.constant 2816 : i32
          %add3A_1817 = arith.addi %mul3A_1815, %add3A_1816 : i32
          %swap3A_1818 = arith.index_cast %add3A_1817 : i32 to index
          %swap3A_1819 = tpu.vector_load %arg7[%swap3A_1818] {strides = array<i32>} : memref<16384xi32, #tpu.memory_space<vmem>>, vector<16xi32>,
          tpu.vector_store %arg7[%swap3A_1818], %convert_element_type3A_1813 {strides = array<i32>} : memref<16384xi32, #tpu.memory_space<vmem>>, vector<16xi32>,
          %get3A_1820 = arith.constant 2832 : index
          %get3A_1821 = tpu.vector_load %arg8[%get3A_1820] {strides = array<i32>} : memref<4096xf32, #tpu.memory_space<vmem>>, vector<16xf32>,
          %convert_element_type3A_1822 = arith.fptosi %get3A_1821 : vector<16xf32> to vector<16xi32>
          %mul3A_1823 = arith.constant 4096 : i32
          %mul3A_1824 = arith.muli %scan3A_226, %mul3A_1823 : i32
          %add3A_1825 = arith.constant 2832 : i32
          %add3A_1826 = arith.addi %mul3A_1824, %add3A_1825 : i32
          %swap3A_1827 = arith.index_cast %add3A_1826 : i32 to index
          %swap3A_1828 = tpu.vector_load %arg7[%swap3A_1827] {strides = array<i32>} : memref<16384xi32, #tpu.memory_space<vmem>>, vector<16xi32>,
          tpu.vector_store %arg7[%swap3A_1827], %convert_element_type3A_1822 {strides = array<i32>} : memref<16384xi32, #tpu.memory_space<vmem>>, vector<16xi32>,
          %get3A_1829 = arith.constant 2848 : index
          %get3A_1830 = tpu.vector_load %arg8[%get3A_1829] {strides = array<i32>} : memref<4096xf32, #tpu.memory_space<vmem>>, vector<16xf32>,
          %convert_element_type3A_1831 = arith.fptosi %get3A_1830 : vector<16xf32> to vector<16xi32>
          %mul3A_1832 = arith.constant 4096 : i32
          %mul3A_1833 = arith.muli %scan3A_226, %mul3A_1832 : i32
          %add3A_1834 = arith.constant 2848 : i32
          %add3A_1835 = arith.addi %mul3A_1833, %add3A_1834 : i32
          %swap3A_1836 = arith.index_cast %add3A_1835 : i32 to index
          %swap3A_1837 = tpu.vector_load %arg7[%swap3A_1836] {strides = array<i32>} : memref<16384xi32, #tpu.memory_space<vmem>>, vector<16xi32>,
          tpu.vector_store %arg7[%swap3A_1836], %convert_element_type3A_1831 {strides = array<i32>} : memref<16384xi32, #tpu.memory_space<vmem>>, vector<16xi32>,
          %get3A_1838 = arith.constant 2864 : index
          %get3A_1839 = tpu.vector_load %arg8[%get3A_1838] {strides = array<i32>} : memref<4096xf32, #tpu.memory_space<vmem>>, vector<16xf32>,
          %convert_element_type3A_1840 = arith.fptosi %get3A_1839 : vector<16xf32> to vector<16xi32>
          %mul3A_1841 = arith.constant 4096 : i32
          %mul3A_1842 = arith.muli %scan3A_226, %mul3A_1841 : i32
          %add3A_1843 = arith.constant 2864 : i32
          %add3A_1844 = arith.addi %mul3A_1842, %add3A_1843 : i32
          %swap3A_1845 = arith.index_cast %add3A_1844 : i32 to index
          %swap3A_1846 = tpu.vector_load %arg7[%swap3A_1845] {strides = array<i32>} : memref<16384xi32, #tpu.memory_space<vmem>>, vector<16xi32>,
          tpu.vector_store %arg7[%swap3A_1845], %convert_element_type3A_1840 {strides = array<i32>} : memref<16384xi32, #tpu.memory_space<vmem>>, vector<16xi32>,
          %get3A_1847 = arith.constant 2880 : index
          %get3A_1848 = tpu.vector_load %arg8[%get3A_1847] {strides = array<i32>} : memref<4096xf32, #tpu.memory_space<vmem>>, vector<16xf32>,
          %convert_element_type3A_1849 = arith.fptosi %get3A_1848 : vector<16xf32> to vector<16xi32>
          %mul3A_1850 = arith.constant 4096 : i32
          %mul3A_1851 = arith.muli %scan3A_226, %mul3A_1850 : i32
          %add3A_1852 = arith.constant 2880 : i32
          %add3A_1853 = arith.addi %mul3A_1851, %add3A_1852 : i32
          %swap3A_1854 = arith.index_cast %add3A_1853 : i32 to index
          %swap3A_1855 = tpu.vector_load %arg7[%swap3A_1854] {strides = array<i32>} : memref<16384xi32, #tpu.memory_space<vmem>>, vector<16xi32>,
          tpu.vector_store %arg7[%swap3A_1854], %convert_element_type3A_1849 {strides = array<i32>} : memref<16384xi32, #tpu.memory_space<vmem>>, vector<16xi32>,
          %get3A_1856 = arith.constant 2896 : index
          %get3A_1857 = tpu.vector_load %arg8[%get3A_1856] {strides = array<i32>} : memref<4096xf32, #tpu.memory_space<vmem>>, vector<16xf32>,
          %convert_element_type3A_1858 = arith.fptosi %get3A_1857 : vector<16xf32> to vector<16xi32>
          %mul3A_1859 = arith.constant 4096 : i32
          %mul3A_1860 = arith.muli %scan3A_226, %mul3A_1859 : i32
          %add3A_1861 = arith.constant 2896 : i32
          %add3A_1862 = arith.addi %mul3A_1860, %add3A_1861 : i32
          %swap3A_1863 = arith.index_cast %add3A_1862 : i32 to index
          %swap3A_1864 = tpu.vector_load %arg7[%swap3A_1863] {strides = array<i32>} : memref<16384xi32, #tpu.memory_space<vmem>>, vector<16xi32>,
          tpu.vector_store %arg7[%swap3A_1863], %convert_element_type3A_1858 {strides = array<i32>} : memref<16384xi32, #tpu.memory_space<vmem>>, vector<16xi32>,
          %get3A_1865 = arith.constant 2912 : index
          %get3A_1866 = tpu.vector_load %arg8[%get3A_1865] {strides = array<i32>} : memref<4096xf32, #tpu.memory_space<vmem>>, vector<16xf32>,
          %convert_element_type3A_1867 = arith.fptosi %get3A_1866 : vector<16xf32> to vector<16xi32>
          %mul3A_1868 = arith.constant 4096 : i32
          %mul3A_1869 = arith.muli %scan3A_226, %mul3A_1868 : i32
          %add3A_1870 = arith.constant 2912 : i32
          %add3A_1871 = arith.addi %mul3A_1869, %add3A_1870 : i32
          %swap3A_1872 = arith.index_cast %add3A_1871 : i32 to index
          %swap3A_1873 = tpu.vector_load %arg7[%swap3A_1872] {strides = array<i32>} : memref<16384xi32, #tpu.memory_space<vmem>>, vector<16xi32>,
          tpu.vector_store %arg7[%swap3A_1872], %convert_element_type3A_1867 {strides = array<i32>} : memref<16384xi32, #tpu.memory_space<vmem>>, vector<16xi32>,
          %get3A_1874 = arith.constant 2928 : index
          %get3A_1875 = tpu.vector_load %arg8[%get3A_1874] {strides = array<i32>} : memref<4096xf32, #tpu.memory_space<vmem>>, vector<16xf32>,
          %convert_element_type3A_1876 = arith.fptosi %get3A_1875 : vector<16xf32> to vector<16xi32>
          %mul3A_1877 = arith.constant 4096 : i32
          %mul3A_1878 = arith.muli %scan3A_226, %mul3A_1877 : i32
          %add3A_1879 = arith.constant 2928 : i32
          %add3A_1880 = arith.addi %mul3A_1878, %add3A_1879 : i32
          %swap3A_1881 = arith.index_cast %add3A_1880 : i32 to index
          %swap3A_1882 = tpu.vector_load %arg7[%swap3A_1881] {strides = array<i32>} : memref<16384xi32, #tpu.memory_space<vmem>>, vector<16xi32>,
          tpu.vector_store %arg7[%swap3A_1881], %convert_element_type3A_1876 {strides = array<i32>} : memref<16384xi32, #tpu.memory_space<vmem>>, vector<16xi32>,
          %get3A_1883 = arith.constant 2944 : index
          %get3A_1884 = tpu.vector_load %arg8[%get3A_1883] {strides = array<i32>} : memref<4096xf32, #tpu.memory_space<vmem>>, vector<16xf32>,
          %convert_element_type3A_1885 = arith.fptosi %get3A_1884 : vector<16xf32> to vector<16xi32>
          %mul3A_1886 = arith.constant 4096 : i32
          %mul3A_1887 = arith.muli %scan3A_226, %mul3A_1886 : i32
          %add3A_1888 = arith.constant 2944 : i32
          %add3A_1889 = arith.addi %mul3A_1887, %add3A_1888 : i32
          %swap3A_1890 = arith.index_cast %add3A_1889 : i32 to index
          %swap3A_1891 = tpu.vector_load %arg7[%swap3A_1890] {strides = array<i32>} : memref<16384xi32, #tpu.memory_space<vmem>>, vector<16xi32>,
          tpu.vector_store %arg7[%swap3A_1890], %convert_element_type3A_1885 {strides = array<i32>} : memref<16384xi32, #tpu.memory_space<vmem>>, vector<16xi32>,
          %get3A_1892 = arith.constant 2960 : index
          %get3A_1893 = tpu.vector_load %arg8[%get3A_1892] {strides = array<i32>} : memref<4096xf32, #tpu.memory_space<vmem>>, vector<16xf32>,
          %convert_element_type3A_1894 = arith.fptosi %get3A_1893 : vector<16xf32> to vector<16xi32>
          %mul3A_1895 = arith.constant 4096 : i32
          %mul3A_1896 = arith.muli %scan3A_226, %mul3A_1895 : i32
          %add3A_1897 = arith.constant 2960 : i32
          %add3A_1898 = arith.addi %mul3A_1896, %add3A_1897 : i32
          %swap3A_1899 = arith.index_cast %add3A_1898 : i32 to index
          %swap3A_1900 = tpu.vector_load %arg7[%swap3A_1899] {strides = array<i32>} : memref<16384xi32, #tpu.memory_space<vmem>>, vector<16xi32>,
          tpu.vector_store %arg7[%swap3A_1899], %convert_element_type3A_1894 {strides = array<i32>} : memref<16384xi32, #tpu.memory_space<vmem>>, vector<16xi32>,
          %get3A_1901 = arith.constant 2976 : index
          %get3A_1902 = tpu.vector_load %arg8[%get3A_1901] {strides = array<i32>} : memref<4096xf32, #tpu.memory_space<vmem>>, vector<16xf32>,
          %convert_element_type3A_1903 = arith.fptosi %get3A_1902 : vector<16xf32> to vector<16xi32>
          %mul3A_1904 = arith.constant 4096 : i32
          %mul3A_1905 = arith.muli %scan3A_226, %mul3A_1904 : i32
          %add3A_1906 = arith.constant 2976 : i32
          %add3A_1907 = arith.addi %mul3A_1905, %add3A_1906 : i32
          %swap3A_1908 = arith.index_cast %add3A_1907 : i32 to index
          %swap3A_1909 = tpu.vector_load %arg7[%swap3A_1908] {strides = array<i32>} : memref<16384xi32, #tpu.memory_space<vmem>>, vector<16xi32>,
          tpu.vector_store %arg7[%swap3A_1908], %convert_element_type3A_1903 {strides = array<i32>} : memref<16384xi32, #tpu.memory_space<vmem>>, vector<16xi32>,
          %get3A_1910 = arith.constant 2992 : index
          %get3A_1911 = tpu.vector_load %arg8[%get3A_1910] {strides = array<i32>} : memref<4096xf32, #tpu.memory_space<vmem>>, vector<16xf32>,
          %convert_element_type3A_1912 = arith.fptosi %get3A_1911 : vector<16xf32> to vector<16xi32>
          %mul3A_1913 = arith.constant 4096 : i32
          %mul3A_1914 = arith.muli %scan3A_226, %mul3A_1913 : i32
          %add3A_1915 = arith.constant 2992 : i32
          %add3A_1916 = arith.addi %mul3A_1914, %add3A_1915 : i32
          %swap3A_1917 = arith.index_cast %add3A_1916 : i32 to index
          %swap3A_1918 = tpu.vector_load %arg7[%swap3A_1917] {strides = array<i32>} : memref<16384xi32, #tpu.memory_space<vmem>>, vector<16xi32>,
          tpu.vector_store %arg7[%swap3A_1917], %convert_element_type3A_1912 {strides = array<i32>} : memref<16384xi32, #tpu.memory_space<vmem>>, vector<16xi32>,
          %get3A_1919 = arith.constant 3008 : index
          %get3A_1920 = tpu.vector_load %arg8[%get3A_1919] {strides = array<i32>} : memref<4096xf32, #tpu.memory_space<vmem>>, vector<16xf32>,
          %convert_element_type3A_1921 = arith.fptosi %get3A_1920 : vector<16xf32> to vector<16xi32>
          %mul3A_1922 = arith.constant 4096 : i32
          %mul3A_1923 = arith.muli %scan3A_226, %mul3A_1922 : i32
          %add3A_1924 = arith.constant 3008 : i32
          %add3A_1925 = arith.addi %mul3A_1923, %add3A_1924 : i32
          %swap3A_1926 = arith.index_cast %add3A_1925 : i32 to index
          %swap3A_1927 = tpu.vector_load %arg7[%swap3A_1926] {strides = array<i32>} : memref<16384xi32, #tpu.memory_space<vmem>>, vector<16xi32>,
          tpu.vector_store %arg7[%swap3A_1926], %convert_element_type3A_1921 {strides = array<i32>} : memref<16384xi32, #tpu.memory_space<vmem>>, vector<16xi32>,
          %get3A_1928 = arith.constant 3024 : index
          %get3A_1929 = tpu.vector_load %arg8[%get3A_1928] {strides = array<i32>} : memref<4096xf32, #tpu.memory_space<vmem>>, vector<16xf32>,
          %convert_element_type3A_1930 = arith.fptosi %get3A_1929 : vector<16xf32> to vector<16xi32>
          %mul3A_1931 = arith.constant 4096 : i32
          %mul3A_1932 = arith.muli %scan3A_226, %mul3A_1931 : i32
          %add3A_1933 = arith.constant 3024 : i32
          %add3A_1934 = arith.addi %mul3A_1932, %add3A_1933 : i32
          %swap3A_1935 = arith.index_cast %add3A_1934 : i32 to index
          %swap3A_1936 = tpu.vector_load %arg7[%swap3A_1935] {strides = array<i32>} : memref<16384xi32, #tpu.memory_space<vmem>>, vector<16xi32>,
          tpu.vector_store %arg7[%swap3A_1935], %convert_element_type3A_1930 {strides = array<i32>} : memref<16384xi32, #tpu.memory_space<vmem>>, vector<16xi32>,
          %get3A_1937 = arith.constant 3040 : index
          %get3A_1938 = tpu.vector_load %arg8[%get3A_1937] {strides = array<i32>} : memref<4096xf32, #tpu.memory_space<vmem>>, vector<16xf32>,
          %convert_element_type3A_1939 = arith.fptosi %get3A_1938 : vector<16xf32> to vector<16xi32>
          %mul3A_1940 = arith.constant 4096 : i32
          %mul3A_1941 = arith.muli %scan3A_226, %mul3A_1940 : i32
          %add3A_1942 = arith.constant 3040 : i32
          %add3A_1943 = arith.addi %mul3A_1941, %add3A_1942 : i32
          %swap3A_1944 = arith.index_cast %add3A_1943 : i32 to index
          %swap3A_1945 = tpu.vector_load %arg7[%swap3A_1944] {strides = array<i32>} : memref<16384xi32, #tpu.memory_space<vmem>>, vector<16xi32>,
          tpu.vector_store %arg7[%swap3A_1944], %convert_element_type3A_1939 {strides = array<i32>} : memref<16384xi32, #tpu.memory_space<vmem>>, vector<16xi32>,
          %get3A_1946 = arith.constant 3056 : index
          %get3A_1947 = tpu.vector_load %arg8[%get3A_1946] {strides = array<i32>} : memref<4096xf32, #tpu.memory_space<vmem>>, vector<16xf32>,
          %convert_element_type3A_1948 = arith.fptosi %get3A_1947 : vector<16xf32> to vector<16xi32>
          %mul3A_1949 = arith.constant 4096 : i32
          %mul3A_1950 = arith.muli %scan3A_226, %mul3A_1949 : i32
          %add3A_1951 = arith.constant 3056 : i32
          %add3A_1952 = arith.addi %mul3A_1950, %add3A_1951 : i32
          %swap3A_1953 = arith.index_cast %add3A_1952 : i32 to index
          %swap3A_1954 = tpu.vector_load %arg7[%swap3A_1953] {strides = array<i32>} : memref<16384xi32, #tpu.memory_space<vmem>>, vector<16xi32>,
          tpu.vector_store %arg7[%swap3A_1953], %convert_element_type3A_1948 {strides = array<i32>} : memref<16384xi32, #tpu.memory_space<vmem>>, vector<16xi32>,
          %get3A_1955 = arith.constant 3072 : index
          %get3A_1956 = tpu.vector_load %arg8[%get3A_1955] {strides = array<i32>} : memref<4096xf32, #tpu.memory_space<vmem>>, vector<16xf32>,
          %convert_element_type3A_1957 = arith.fptosi %get3A_1956 : vector<16xf32> to vector<16xi32>
          %mul3A_1958 = arith.constant 4096 : i32
          %mul3A_1959 = arith.muli %scan3A_226, %mul3A_1958 : i32
          %add3A_1960 = arith.constant 3072 : i32
          %add3A_1961 = arith.addi %mul3A_1959, %add3A_1960 : i32
          %swap3A_1962 = arith.index_cast %add3A_1961 : i32 to index
          %swap3A_1963 = tpu.vector_load %arg7[%swap3A_1962] {strides = array<i32>} : memref<16384xi32, #tpu.memory_space<vmem>>, vector<16xi32>,
          tpu.vector_store %arg7[%swap3A_1962], %convert_element_type3A_1957 {strides = array<i32>} : memref<16384xi32, #tpu.memory_space<vmem>>, vector<16xi32>,
          %get3A_1964 = arith.constant 3088 : index
          %get3A_1965 = tpu.vector_load %arg8[%get3A_1964] {strides = array<i32>} : memref<4096xf32, #tpu.memory_space<vmem>>, vector<16xf32>,
          %convert_element_type3A_1966 = arith.fptosi %get3A_1965 : vector<16xf32> to vector<16xi32>
          %mul3A_1967 = arith.constant 4096 : i32
          %mul3A_1968 = arith.muli %scan3A_226, %mul3A_1967 : i32
          %add3A_1969 = arith.constant 3088 : i32
          %add3A_1970 = arith.addi %mul3A_1968, %add3A_1969 : i32
          %swap3A_1971 = arith.index_cast %add3A_1970 : i32 to index
          %swap3A_1972 = tpu.vector_load %arg7[%swap3A_1971] {strides = array<i32>} : memref<16384xi32, #tpu.memory_space<vmem>>, vector<16xi32>,
          tpu.vector_store %arg7[%swap3A_1971], %convert_element_type3A_1966 {strides = array<i32>} : memref<16384xi32, #tpu.memory_space<vmem>>, vector<16xi32>,
          %get3A_1973 = arith.constant 3104 : index
          %get3A_1974 = tpu.vector_load %arg8[%get3A_1973] {strides = array<i32>} : memref<4096xf32, #tpu.memory_space<vmem>>, vector<16xf32>,
          %convert_element_type3A_1975 = arith.fptosi %get3A_1974 : vector<16xf32> to vector<16xi32>
          %mul3A_1976 = arith.constant 4096 : i32
          %mul3A_1977 = arith.muli %scan3A_226, %mul3A_1976 : i32
          %add3A_1978 = arith.constant 3104 : i32
          %add3A_1979 = arith.addi %mul3A_1977, %add3A_1978 : i32
          %swap3A_1980 = arith.index_cast %add3A_1979 : i32 to index
          %swap3A_1981 = tpu.vector_load %arg7[%swap3A_1980] {strides = array<i32>} : memref<16384xi32, #tpu.memory_space<vmem>>, vector<16xi32>,
          tpu.vector_store %arg7[%swap3A_1980], %convert_element_type3A_1975 {strides = array<i32>} : memref<16384xi32, #tpu.memory_space<vmem>>, vector<16xi32>,
          %get3A_1982 = arith.constant 3120 : index
          %get3A_1983 = tpu.vector_load %arg8[%get3A_1982] {strides = array<i32>} : memref<4096xf32, #tpu.memory_space<vmem>>, vector<16xf32>,
          %convert_element_type3A_1984 = arith.fptosi %get3A_1983 : vector<16xf32> to vector<16xi32>
          %mul3A_1985 = arith.constant 4096 : i32
          %mul3A_1986 = arith.muli %scan3A_226, %mul3A_1985 : i32
          %add3A_1987 = arith.constant 3120 : i32
          %add3A_1988 = arith.addi %mul3A_1986, %add3A_1987 : i32
          %swap3A_1989 = arith.index_cast %add3A_1988 : i32 to index
          %swap3A_1990 = tpu.vector_load %arg7[%swap3A_1989] {strides = array<i32>} : memref<16384xi32, #tpu.memory_space<vmem>>, vector<16xi32>,
          tpu.vector_store %arg7[%swap3A_1989], %convert_element_type3A_1984 {strides = array<i32>} : memref<16384xi32, #tpu.memory_space<vmem>>, vector<16xi32>,
          %get3A_1991 = arith.constant 3136 : index
          %get3A_1992 = tpu.vector_load %arg8[%get3A_1991] {strides = array<i32>} : memref<4096xf32, #tpu.memory_space<vmem>>, vector<16xf32>,
          %convert_element_type3A_1993 = arith.fptosi %get3A_1992 : vector<16xf32> to vector<16xi32>
          %mul3A_1994 = arith.constant 4096 : i32
          %mul3A_1995 = arith.muli %scan3A_226, %mul3A_1994 : i32
          %add3A_1996 = arith.constant 3136 : i32
          %add3A_1997 = arith.addi %mul3A_1995, %add3A_1996 : i32
          %swap3A_1998 = arith.index_cast %add3A_1997 : i32 to index
          %swap3A_1999 = tpu.vector_load %arg7[%swap3A_1998] {strides = array<i32>} : memref<16384xi32, #tpu.memory_space<vmem>>, vector<16xi32>,
          tpu.vector_store %arg7[%swap3A_1998], %convert_element_type3A_1993 {strides = array<i32>} : memref<16384xi32, #tpu.memory_space<vmem>>, vector<16xi32>,
          %get3A_2000 = arith.constant 3152 : index
          %get3A_2001 = tpu.vector_load %arg8[%get3A_2000] {strides = array<i32>} : memref<4096xf32, #tpu.memory_space<vmem>>, vector<16xf32>,
          %convert_element_type3A_2002 = arith.fptosi %get3A_2001 : vector<16xf32> to vector<16xi32>
          %mul3A_2003 = arith.constant 4096 : i32
          %mul3A_2004 = arith.muli %scan3A_226, %mul3A_2003 : i32
          %add3A_2005 = arith.constant 3152 : i32
          %add3A_2006 = arith.addi %mul3A_2004, %add3A_2005 : i32
          %swap3A_2007 = arith.index_cast %add3A_2006 : i32 to index
          %swap3A_2008 = tpu.vector_load %arg7[%swap3A_2007] {strides = array<i32>} : memref<16384xi32, #tpu.memory_space<vmem>>, vector<16xi32>,
          tpu.vector_store %arg7[%swap3A_2007], %convert_element_type3A_2002 {strides = array<i32>} : memref<16384xi32, #tpu.memory_space<vmem>>, vector<16xi32>,
          %get3A_2009 = arith.constant 3168 : index
          %get3A_2010 = tpu.vector_load %arg8[%get3A_2009] {strides = array<i32>} : memref<4096xf32, #tpu.memory_space<vmem>>, vector<16xf32>,
          %convert_element_type3A_2011 = arith.fptosi %get3A_2010 : vector<16xf32> to vector<16xi32>
          %mul3A_2012 = arith.constant 4096 : i32
          %mul3A_2013 = arith.muli %scan3A_226, %mul3A_2012 : i32
          %add3A_2014 = arith.constant 3168 : i32
          %add3A_2015 = arith.addi %mul3A_2013, %add3A_2014 : i32
          %swap3A_2016 = arith.index_cast %add3A_2015 : i32 to index
          %swap3A_2017 = tpu.vector_load %arg7[%swap3A_2016] {strides = array<i32>} : memref<16384xi32, #tpu.memory_space<vmem>>, vector<16xi32>,
          tpu.vector_store %arg7[%swap3A_2016], %convert_element_type3A_2011 {strides = array<i32>} : memref<16384xi32, #tpu.memory_space<vmem>>, vector<16xi32>,
          %get3A_2018 = arith.constant 3184 : index
          %get3A_2019 = tpu.vector_load %arg8[%get3A_2018] {strides = array<i32>} : memref<4096xf32, #tpu.memory_space<vmem>>, vector<16xf32>,
          %convert_element_type3A_2020 = arith.fptosi %get3A_2019 : vector<16xf32> to vector<16xi32>
          %mul3A_2021 = arith.constant 4096 : i32
          %mul3A_2022 = arith.muli %scan3A_226, %mul3A_2021 : i32
          %add3A_2023 = arith.constant 3184 : i32
          %add3A_2024 = arith.addi %mul3A_2022, %add3A_2023 : i32
          %swap3A_2025 = arith.index_cast %add3A_2024 : i32 to index
          %swap3A_2026 = tpu.vector_load %arg7[%swap3A_2025] {strides = array<i32>} : memref<16384xi32, #tpu.memory_space<vmem>>, vector<16xi32>,
          tpu.vector_store %arg7[%swap3A_2025], %convert_element_type3A_2020 {strides = array<i32>} : memref<16384xi32, #tpu.memory_space<vmem>>, vector<16xi32>,
          %get3A_2027 = arith.constant 3200 : index
          %get3A_2028 = tpu.vector_load %arg8[%get3A_2027] {strides = array<i32>} : memref<4096xf32, #tpu.memory_space<vmem>>, vector<16xf32>,
          %convert_element_type3A_2029 = arith.fptosi %get3A_2028 : vector<16xf32> to vector<16xi32>
          %mul3A_2030 = arith.constant 4096 : i32
          %mul3A_2031 = arith.muli %scan3A_226, %mul3A_2030 : i32
          %add3A_2032 = arith.constant 3200 : i32
          %add3A_2033 = arith.addi %mul3A_2031, %add3A_2032 : i32
          %swap3A_2034 = arith.index_cast %add3A_2033 : i32 to index
          %swap3A_2035 = tpu.vector_load %arg7[%swap3A_2034] {strides = array<i32>} : memref<16384xi32, #tpu.memory_space<vmem>>, vector<16xi32>,
          tpu.vector_store %arg7[%swap3A_2034], %convert_element_type3A_2029 {strides = array<i32>} : memref<16384xi32, #tpu.memory_space<vmem>>, vector<16xi32>,
          %get3A_2036 = arith.constant 3216 : index
          %get3A_2037 = tpu.vector_load %arg8[%get3A_2036] {strides = array<i32>} : memref<4096xf32, #tpu.memory_space<vmem>>, vector<16xf32>,
          %convert_element_type3A_2038 = arith.fptosi %get3A_2037 : vector<16xf32> to vector<16xi32>
          %mul3A_2039 = arith.constant 4096 : i32
          %mul3A_2040 = arith.muli %scan3A_226, %mul3A_2039 : i32
          %add3A_2041 = arith.constant 3216 : i32
          %add3A_2042 = arith.addi %mul3A_2040, %add3A_2041 : i32
          %swap3A_2043 = arith.index_cast %add3A_2042 : i32 to index
          %swap3A_2044 = tpu.vector_load %arg7[%swap3A_2043] {strides = array<i32>} : memref<16384xi32, #tpu.memory_space<vmem>>, vector<16xi32>,
          tpu.vector_store %arg7[%swap3A_2043], %convert_element_type3A_2038 {strides = array<i32>} : memref<16384xi32, #tpu.memory_space<vmem>>, vector<16xi32>,
          %get3A_2045 = arith.constant 3232 : index
          %get3A_2046 = tpu.vector_load %arg8[%get3A_2045] {strides = array<i32>} : memref<4096xf32, #tpu.memory_space<vmem>>, vector<16xf32>,
          %convert_element_type3A_2047 = arith.fptosi %get3A_2046 : vector<16xf32> to vector<16xi32>
          %mul3A_2048 = arith.constant 4096 : i32
          %mul3A_2049 = arith.muli %scan3A_226, %mul3A_2048 : i32
          %add3A_2050 = arith.constant 3232 : i32
          %add3A_2051 = arith.addi %mul3A_2049, %add3A_2050 : i32
          %swap3A_2052 = arith.index_cast %add3A_2051 : i32 to index
          %swap3A_2053 = tpu.vector_load %arg7[%swap3A_2052] {strides = array<i32>} : memref<16384xi32, #tpu.memory_space<vmem>>, vector<16xi32>,
          tpu.vector_store %arg7[%swap3A_2052], %convert_element_type3A_2047 {strides = array<i32>} : memref<16384xi32, #tpu.memory_space<vmem>>, vector<16xi32>,
          %get3A_2054 = arith.constant 3248 : index
          %get3A_2055 = tpu.vector_load %arg8[%get3A_2054] {strides = array<i32>} : memref<4096xf32, #tpu.memory_space<vmem>>, vector<16xf32>,
          %convert_element_type3A_2056 = arith.fptosi %get3A_2055 : vector<16xf32> to vector<16xi32>
          %mul3A_2057 = arith.constant 4096 : i32
          %mul3A_2058 = arith.muli %scan3A_226, %mul3A_2057 : i32
          %add3A_2059 = arith.constant 3248 : i32
          %add3A_2060 = arith.addi %mul3A_2058, %add3A_2059 : i32
          %swap3A_2061 = arith.index_cast %add3A_2060 : i32 to index
          %swap3A_2062 = tpu.vector_load %arg7[%swap3A_2061] {strides = array<i32>} : memref<16384xi32, #tpu.memory_space<vmem>>, vector<16xi32>,
          tpu.vector_store %arg7[%swap3A_2061], %convert_element_type3A_2056 {strides = array<i32>} : memref<16384xi32, #tpu.memory_space<vmem>>, vector<16xi32>,
          %get3A_2063 = arith.constant 3264 : index
          %get3A_2064 = tpu.vector_load %arg8[%get3A_2063] {strides = array<i32>} : memref<4096xf32, #tpu.memory_space<vmem>>, vector<16xf32>,
          %convert_element_type3A_2065 = arith.fptosi %get3A_2064 : vector<16xf32> to vector<16xi32>
          %mul3A_2066 = arith.constant 4096 : i32
          %mul3A_2067 = arith.muli %scan3A_226, %mul3A_2066 : i32
          %add3A_2068 = arith.constant 3264 : i32
          %add3A_2069 = arith.addi %mul3A_2067, %add3A_2068 : i32
          %swap3A_2070 = arith.index_cast %add3A_2069 : i32 to index
          %swap3A_2071 = tpu.vector_load %arg7[%swap3A_2070] {strides = array<i32>} : memref<16384xi32, #tpu.memory_space<vmem>>, vector<16xi32>,
          tpu.vector_store %arg7[%swap3A_2070], %convert_element_type3A_2065 {strides = array<i32>} : memref<16384xi32, #tpu.memory_space<vmem>>, vector<16xi32>,
          %get3A_2072 = arith.constant 3280 : index
          %get3A_2073 = tpu.vector_load %arg8[%get3A_2072] {strides = array<i32>} : memref<4096xf32, #tpu.memory_space<vmem>>, vector<16xf32>,
          %convert_element_type3A_2074 = arith.fptosi %get3A_2073 : vector<16xf32> to vector<16xi32>
          %mul3A_2075 = arith.constant 4096 : i32
          %mul3A_2076 = arith.muli %scan3A_226, %mul3A_2075 : i32
          %add3A_2077 = arith.constant 3280 : i32
          %add3A_2078 = arith.addi %mul3A_2076, %add3A_2077 : i32
          %swap3A_2079 = arith.index_cast %add3A_2078 : i32 to index
          %swap3A_2080 = tpu.vector_load %arg7[%swap3A_2079] {strides = array<i32>} : memref<16384xi32, #tpu.memory_space<vmem>>, vector<16xi32>,
          tpu.vector_store %arg7[%swap3A_2079], %convert_element_type3A_2074 {strides = array<i32>} : memref<16384xi32, #tpu.memory_space<vmem>>, vector<16xi32>,
          %get3A_2081 = arith.constant 3296 : index
          %get3A_2082 = tpu.vector_load %arg8[%get3A_2081] {strides = array<i32>} : memref<4096xf32, #tpu.memory_space<vmem>>, vector<16xf32>,
          %convert_element_type3A_2083 = arith.fptosi %get3A_2082 : vector<16xf32> to vector<16xi32>
          %mul3A_2084 = arith.constant 4096 : i32
          %mul3A_2085 = arith.muli %scan3A_226, %mul3A_2084 : i32
          %add3A_2086 = arith.constant 3296 : i32
          %add3A_2087 = arith.addi %mul3A_2085, %add3A_2086 : i32
          %swap3A_2088 = arith.index_cast %add3A_2087 : i32 to index
          %swap3A_2089 = tpu.vector_load %arg7[%swap3A_2088] {strides = array<i32>} : memref<16384xi32, #tpu.memory_space<vmem>>, vector<16xi32>,
          tpu.vector_store %arg7[%swap3A_2088], %convert_element_type3A_2083 {strides = array<i32>} : memref<16384xi32, #tpu.memory_space<vmem>>, vector<16xi32>,
          %get3A_2090 = arith.constant 3312 : index
          %get3A_2091 = tpu.vector_load %arg8[%get3A_2090] {strides = array<i32>} : memref<4096xf32, #tpu.memory_space<vmem>>, vector<16xf32>,
          %convert_element_type3A_2092 = arith.fptosi %get3A_2091 : vector<16xf32> to vector<16xi32>
          %mul3A_2093 = arith.constant 4096 : i32
          %mul3A_2094 = arith.muli %scan3A_226, %mul3A_2093 : i32
          %add3A_2095 = arith.constant 3312 : i32
          %add3A_2096 = arith.addi %mul3A_2094, %add3A_2095 : i32
          %swap3A_2097 = arith.index_cast %add3A_2096 : i32 to index
          %swap3A_2098 = tpu.vector_load %arg7[%swap3A_2097] {strides = array<i32>} : memref<16384xi32, #tpu.memory_space<vmem>>, vector<16xi32>,
          tpu.vector_store %arg7[%swap3A_2097], %convert_element_type3A_2092 {strides = array<i32>} : memref<16384xi32, #tpu.memory_space<vmem>>, vector<16xi32>,
          %get3A_2099 = arith.constant 3328 : index
          %get3A_2100 = tpu.vector_load %arg8[%get3A_2099] {strides = array<i32>} : memref<4096xf32, #tpu.memory_space<vmem>>, vector<16xf32>,
          %convert_element_type3A_2101 = arith.fptosi %get3A_2100 : vector<16xf32> to vector<16xi32>
          %mul3A_2102 = arith.constant 4096 : i32
          %mul3A_2103 = arith.muli %scan3A_226, %mul3A_2102 : i32
          %add3A_2104 = arith.constant 3328 : i32
          %add3A_2105 = arith.addi %mul3A_2103, %add3A_2104 : i32
          %swap3A_2106 = arith.index_cast %add3A_2105 : i32 to index
          %swap3A_2107 = tpu.vector_load %arg7[%swap3A_2106] {strides = array<i32>} : memref<16384xi32, #tpu.memory_space<vmem>>, vector<16xi32>,
          tpu.vector_store %arg7[%swap3A_2106], %convert_element_type3A_2101 {strides = array<i32>} : memref<16384xi32, #tpu.memory_space<vmem>>, vector<16xi32>,
          %get3A_2108 = arith.constant 3344 : index
          %get3A_2109 = tpu.vector_load %arg8[%get3A_2108] {strides = array<i32>} : memref<4096xf32, #tpu.memory_space<vmem>>, vector<16xf32>,
          %convert_element_type3A_2110 = arith.fptosi %get3A_2109 : vector<16xf32> to vector<16xi32>
          %mul3A_2111 = arith.constant 4096 : i32
          %mul3A_2112 = arith.muli %scan3A_226, %mul3A_2111 : i32
          %add3A_2113 = arith.constant 3344 : i32
          %add3A_2114 = arith.addi %mul3A_2112, %add3A_2113 : i32
          %swap3A_2115 = arith.index_cast %add3A_2114 : i32 to index
          %swap3A_2116 = tpu.vector_load %arg7[%swap3A_2115] {strides = array<i32>} : memref<16384xi32, #tpu.memory_space<vmem>>, vector<16xi32>,
          tpu.vector_store %arg7[%swap3A_2115], %convert_element_type3A_2110 {strides = array<i32>} : memref<16384xi32, #tpu.memory_space<vmem>>, vector<16xi32>,
          %get3A_2117 = arith.constant 3360 : index
          %get3A_2118 = tpu.vector_load %arg8[%get3A_2117] {strides = array<i32>} : memref<4096xf32, #tpu.memory_space<vmem>>, vector<16xf32>,
          %convert_element_type3A_2119 = arith.fptosi %get3A_2118 : vector<16xf32> to vector<16xi32>
          %mul3A_2120 = arith.constant 4096 : i32
          %mul3A_2121 = arith.muli %scan3A_226, %mul3A_2120 : i32
          %add3A_2122 = arith.constant 3360 : i32
          %add3A_2123 = arith.addi %mul3A_2121, %add3A_2122 : i32
          %swap3A_2124 = arith.index_cast %add3A_2123 : i32 to index
          %swap3A_2125 = tpu.vector_load %arg7[%swap3A_2124] {strides = array<i32>} : memref<16384xi32, #tpu.memory_space<vmem>>, vector<16xi32>,
          tpu.vector_store %arg7[%swap3A_2124], %convert_element_type3A_2119 {strides = array<i32>} : memref<16384xi32, #tpu.memory_space<vmem>>, vector<16xi32>,
          %get3A_2126 = arith.constant 3376 : index
          %get3A_2127 = tpu.vector_load %arg8[%get3A_2126] {strides = array<i32>} : memref<4096xf32, #tpu.memory_space<vmem>>, vector<16xf32>,
          %convert_element_type3A_2128 = arith.fptosi %get3A_2127 : vector<16xf32> to vector<16xi32>
          %mul3A_2129 = arith.constant 4096 : i32
          %mul3A_2130 = arith.muli %scan3A_226, %mul3A_2129 : i32
          %add3A_2131 = arith.constant 3376 : i32
          %add3A_2132 = arith.addi %mul3A_2130, %add3A_2131 : i32
          %swap3A_2133 = arith.index_cast %add3A_2132 : i32 to index
          %swap3A_2134 = tpu.vector_load %arg7[%swap3A_2133] {strides = array<i32>} : memref<16384xi32, #tpu.memory_space<vmem>>, vector<16xi32>,
          tpu.vector_store %arg7[%swap3A_2133], %convert_element_type3A_2128 {strides = array<i32>} : memref<16384xi32, #tpu.memory_space<vmem>>, vector<16xi32>,
          %get3A_2135 = arith.constant 3392 : index
          %get3A_2136 = tpu.vector_load %arg8[%get3A_2135] {strides = array<i32>} : memref<4096xf32, #tpu.memory_space<vmem>>, vector<16xf32>,
          %convert_element_type3A_2137 = arith.fptosi %get3A_2136 : vector<16xf32> to vector<16xi32>
          %mul3A_2138 = arith.constant 4096 : i32
          %mul3A_2139 = arith.muli %scan3A_226, %mul3A_2138 : i32
          %add3A_2140 = arith.constant 3392 : i32
          %add3A_2141 = arith.addi %mul3A_2139, %add3A_2140 : i32
          %swap3A_2142 = arith.index_cast %add3A_2141 : i32 to index
          %swap3A_2143 = tpu.vector_load %arg7[%swap3A_2142] {strides = array<i32>} : memref<16384xi32, #tpu.memory_space<vmem>>, vector<16xi32>,
          tpu.vector_store %arg7[%swap3A_2142], %convert_element_type3A_2137 {strides = array<i32>} : memref<16384xi32, #tpu.memory_space<vmem>>, vector<16xi32>,
          %get3A_2144 = arith.constant 3408 : index
          %get3A_2145 = tpu.vector_load %arg8[%get3A_2144] {strides = array<i32>} : memref<4096xf32, #tpu.memory_space<vmem>>, vector<16xf32>,
          %convert_element_type3A_2146 = arith.fptosi %get3A_2145 : vector<16xf32> to vector<16xi32>
          %mul3A_2147 = arith.constant 4096 : i32
          %mul3A_2148 = arith.muli %scan3A_226, %mul3A_2147 : i32
          %add3A_2149 = arith.constant 3408 : i32
          %add3A_2150 = arith.addi %mul3A_2148, %add3A_2149 : i32
          %swap3A_2151 = arith.index_cast %add3A_2150 : i32 to index
          %swap3A_2152 = tpu.vector_load %arg7[%swap3A_2151] {strides = array<i32>} : memref<16384xi32, #tpu.memory_space<vmem>>, vector<16xi32>,
          tpu.vector_store %arg7[%swap3A_2151], %convert_element_type3A_2146 {strides = array<i32>} : memref<16384xi32, #tpu.memory_space<vmem>>, vector<16xi32>,
          %get3A_2153 = arith.constant 3424 : index
          %get3A_2154 = tpu.vector_load %arg8[%get3A_2153] {strides = array<i32>} : memref<4096xf32, #tpu.memory_space<vmem>>, vector<16xf32>,
          %convert_element_type3A_2155 = arith.fptosi %get3A_2154 : vector<16xf32> to vector<16xi32>
          %mul3A_2156 = arith.constant 4096 : i32
          %mul3A_2157 = arith.muli %scan3A_226, %mul3A_2156 : i32
          %add3A_2158 = arith.constant 3424 : i32
          %add3A_2159 = arith.addi %mul3A_2157, %add3A_2158 : i32
          %swap3A_2160 = arith.index_cast %add3A_2159 : i32 to index
          %swap3A_2161 = tpu.vector_load %arg7[%swap3A_2160] {strides = array<i32>} : memref<16384xi32, #tpu.memory_space<vmem>>, vector<16xi32>,
          tpu.vector_store %arg7[%swap3A_2160], %convert_element_type3A_2155 {strides = array<i32>} : memref<16384xi32, #tpu.memory_space<vmem>>, vector<16xi32>,
          %get3A_2162 = arith.constant 3440 : index
          %get3A_2163 = tpu.vector_load %arg8[%get3A_2162] {strides = array<i32>} : memref<4096xf32, #tpu.memory_space<vmem>>, vector<16xf32>,
          %convert_element_type3A_2164 = arith.fptosi %get3A_2163 : vector<16xf32> to vector<16xi32>
          %mul3A_2165 = arith.constant 4096 : i32
          %mul3A_2166 = arith.muli %scan3A_226, %mul3A_2165 : i32
          %add3A_2167 = arith.constant 3440 : i32
          %add3A_2168 = arith.addi %mul3A_2166, %add3A_2167 : i32
          %swap3A_2169 = arith.index_cast %add3A_2168 : i32 to index
          %swap3A_2170 = tpu.vector_load %arg7[%swap3A_2169] {strides = array<i32>} : memref<16384xi32, #tpu.memory_space<vmem>>, vector<16xi32>,
          tpu.vector_store %arg7[%swap3A_2169], %convert_element_type3A_2164 {strides = array<i32>} : memref<16384xi32, #tpu.memory_space<vmem>>, vector<16xi32>,
          %get3A_2171 = arith.constant 3456 : index
          %get3A_2172 = tpu.vector_load %arg8[%get3A_2171] {strides = array<i32>} : memref<4096xf32, #tpu.memory_space<vmem>>, vector<16xf32>,
          %convert_element_type3A_2173 = arith.fptosi %get3A_2172 : vector<16xf32> to vector<16xi32>
          %mul3A_2174 = arith.constant 4096 : i32
          %mul3A_2175 = arith.muli %scan3A_226, %mul3A_2174 : i32
          %add3A_2176 = arith.constant 3456 : i32
          %add3A_2177 = arith.addi %mul3A_2175, %add3A_2176 : i32
          %swap3A_2178 = arith.index_cast %add3A_2177 : i32 to index
          %swap3A_2179 = tpu.vector_load %arg7[%swap3A_2178] {strides = array<i32>} : memref<16384xi32, #tpu.memory_space<vmem>>, vector<16xi32>,
          tpu.vector_store %arg7[%swap3A_2178], %convert_element_type3A_2173 {strides = array<i32>} : memref<16384xi32, #tpu.memory_space<vmem>>, vector<16xi32>,
          %get3A_2180 = arith.constant 3472 : index
          %get3A_2181 = tpu.vector_load %arg8[%get3A_2180] {strides = array<i32>} : memref<4096xf32, #tpu.memory_space<vmem>>, vector<16xf32>,
          %convert_element_type3A_2182 = arith.fptosi %get3A_2181 : vector<16xf32> to vector<16xi32>
          %mul3A_2183 = arith.constant 4096 : i32
          %mul3A_2184 = arith.muli %scan3A_226, %mul3A_2183 : i32
          %add3A_2185 = arith.constant 3472 : i32
          %add3A_2186 = arith.addi %mul3A_2184, %add3A_2185 : i32
          %swap3A_2187 = arith.index_cast %add3A_2186 : i32 to index
          %swap3A_2188 = tpu.vector_load %arg7[%swap3A_2187] {strides = array<i32>} : memref<16384xi32, #tpu.memory_space<vmem>>, vector<16xi32>,
          tpu.vector_store %arg7[%swap3A_2187], %convert_element_type3A_2182 {strides = array<i32>} : memref<16384xi32, #tpu.memory_space<vmem>>, vector<16xi32>,
          %get3A_2189 = arith.constant 3488 : index
          %get3A_2190 = tpu.vector_load %arg8[%get3A_2189] {strides = array<i32>} : memref<4096xf32, #tpu.memory_space<vmem>>, vector<16xf32>,
          %convert_element_type3A_2191 = arith.fptosi %get3A_2190 : vector<16xf32> to vector<16xi32>
          %mul3A_2192 = arith.constant 4096 : i32
          %mul3A_2193 = arith.muli %scan3A_226, %mul3A_2192 : i32
          %add3A_2194 = arith.constant 3488 : i32
          %add3A_2195 = arith.addi %mul3A_2193, %add3A_2194 : i32
          %swap3A_2196 = arith.index_cast %add3A_2195 : i32 to index
          %swap3A_2197 = tpu.vector_load %arg7[%swap3A_2196] {strides = array<i32>} : memref<16384xi32, #tpu.memory_space<vmem>>, vector<16xi32>,
          tpu.vector_store %arg7[%swap3A_2196], %convert_element_type3A_2191 {strides = array<i32>} : memref<16384xi32, #tpu.memory_space<vmem>>, vector<16xi32>,
          %get3A_2198 = arith.constant 3504 : index
          %get3A_2199 = tpu.vector_load %arg8[%get3A_2198] {strides = array<i32>} : memref<4096xf32, #tpu.memory_space<vmem>>, vector<16xf32>,
          %convert_element_type3A_2200 = arith.fptosi %get3A_2199 : vector<16xf32> to vector<16xi32>
          %mul3A_2201 = arith.constant 4096 : i32
          %mul3A_2202 = arith.muli %scan3A_226, %mul3A_2201 : i32
          %add3A_2203 = arith.constant 3504 : i32
          %add3A_2204 = arith.addi %mul3A_2202, %add3A_2203 : i32
          %swap3A_2205 = arith.index_cast %add3A_2204 : i32 to index
          %swap3A_2206 = tpu.vector_load %arg7[%swap3A_2205] {strides = array<i32>} : memref<16384xi32, #tpu.memory_space<vmem>>, vector<16xi32>,
          tpu.vector_store %arg7[%swap3A_2205], %convert_element_type3A_2200 {strides = array<i32>} : memref<16384xi32, #tpu.memory_space<vmem>>, vector<16xi32>,
          %get3A_2207 = arith.constant 3520 : index
          %get3A_2208 = tpu.vector_load %arg8[%get3A_2207] {strides = array<i32>} : memref<4096xf32, #tpu.memory_space<vmem>>, vector<16xf32>,
          %convert_element_type3A_2209 = arith.fptosi %get3A_2208 : vector<16xf32> to vector<16xi32>
          %mul3A_2210 = arith.constant 4096 : i32
          %mul3A_2211 = arith.muli %scan3A_226, %mul3A_2210 : i32
          %add3A_2212 = arith.constant 3520 : i32
          %add3A_2213 = arith.addi %mul3A_2211, %add3A_2212 : i32
          %swap3A_2214 = arith.index_cast %add3A_2213 : i32 to index
          %swap3A_2215 = tpu.vector_load %arg7[%swap3A_2214] {strides = array<i32>} : memref<16384xi32, #tpu.memory_space<vmem>>, vector<16xi32>,
          tpu.vector_store %arg7[%swap3A_2214], %convert_element_type3A_2209 {strides = array<i32>} : memref<16384xi32, #tpu.memory_space<vmem>>, vector<16xi32>,
          %get3A_2216 = arith.constant 3536 : index
          %get3A_2217 = tpu.vector_load %arg8[%get3A_2216] {strides = array<i32>} : memref<4096xf32, #tpu.memory_space<vmem>>, vector<16xf32>,
          %convert_element_type3A_2218 = arith.fptosi %get3A_2217 : vector<16xf32> to vector<16xi32>
          %mul3A_2219 = arith.constant 4096 : i32
          %mul3A_2220 = arith.muli %scan3A_226, %mul3A_2219 : i32
          %add3A_2221 = arith.constant 3536 : i32
          %add3A_2222 = arith.addi %mul3A_2220, %add3A_2221 : i32
          %swap3A_2223 = arith.index_cast %add3A_2222 : i32 to index
          %swap3A_2224 = tpu.vector_load %arg7[%swap3A_2223] {strides = array<i32>} : memref<16384xi32, #tpu.memory_space<vmem>>, vector<16xi32>,
          tpu.vector_store %arg7[%swap3A_2223], %convert_element_type3A_2218 {strides = array<i32>} : memref<16384xi32, #tpu.memory_space<vmem>>, vector<16xi32>,
          %get3A_2225 = arith.constant 3552 : index
          %get3A_2226 = tpu.vector_load %arg8[%get3A_2225] {strides = array<i32>} : memref<4096xf32, #tpu.memory_space<vmem>>, vector<16xf32>,
          %convert_element_type3A_2227 = arith.fptosi %get3A_2226 : vector<16xf32> to vector<16xi32>
          %mul3A_2228 = arith.constant 4096 : i32
          %mul3A_2229 = arith.muli %scan3A_226, %mul3A_2228 : i32
          %add3A_2230 = arith.constant 3552 : i32
          %add3A_2231 = arith.addi %mul3A_2229, %add3A_2230 : i32
          %swap3A_2232 = arith.index_cast %add3A_2231 : i32 to index
          %swap3A_2233 = tpu.vector_load %arg7[%swap3A_2232] {strides = array<i32>} : memref<16384xi32, #tpu.memory_space<vmem>>, vector<16xi32>,
          tpu.vector_store %arg7[%swap3A_2232], %convert_element_type3A_2227 {strides = array<i32>} : memref<16384xi32, #tpu.memory_space<vmem>>, vector<16xi32>,
          %get3A_2234 = arith.constant 3568 : index
          %get3A_2235 = tpu.vector_load %arg8[%get3A_2234] {strides = array<i32>} : memref<4096xf32, #tpu.memory_space<vmem>>, vector<16xf32>,
          %convert_element_type3A_2236 = arith.fptosi %get3A_2235 : vector<16xf32> to vector<16xi32>
          %mul3A_2237 = arith.constant 4096 : i32
          %mul3A_2238 = arith.muli %scan3A_226, %mul3A_2237 : i32
          %add3A_2239 = arith.constant 3568 : i32
          %add3A_2240 = arith.addi %mul3A_2238, %add3A_2239 : i32
          %swap3A_2241 = arith.index_cast %add3A_2240 : i32 to index
          %swap3A_2242 = tpu.vector_load %arg7[%swap3A_2241] {strides = array<i32>} : memref<16384xi32, #tpu.memory_space<vmem>>, vector<16xi32>,
          tpu.vector_store %arg7[%swap3A_2241], %convert_element_type3A_2236 {strides = array<i32>} : memref<16384xi32, #tpu.memory_space<vmem>>, vector<16xi32>,
          %get3A_2243 = arith.constant 3584 : index
          %get3A_2244 = tpu.vector_load %arg8[%get3A_2243] {strides = array<i32>} : memref<4096xf32, #tpu.memory_space<vmem>>, vector<16xf32>,
          %convert_element_type3A_2245 = arith.fptosi %get3A_2244 : vector<16xf32> to vector<16xi32>
          %mul3A_2246 = arith.constant 4096 : i32
          %mul3A_2247 = arith.muli %scan3A_226, %mul3A_2246 : i32
          %add3A_2248 = arith.constant 3584 : i32
          %add3A_2249 = arith.addi %mul3A_2247, %add3A_2248 : i32
          %swap3A_2250 = arith.index_cast %add3A_2249 : i32 to index
          %swap3A_2251 = tpu.vector_load %arg7[%swap3A_2250] {strides = array<i32>} : memref<16384xi32, #tpu.memory_space<vmem>>, vector<16xi32>,
          tpu.vector_store %arg7[%swap3A_2250], %convert_element_type3A_2245 {strides = array<i32>} : memref<16384xi32, #tpu.memory_space<vmem>>, vector<16xi32>,
          %get3A_2252 = arith.constant 3600 : index
          %get3A_2253 = tpu.vector_load %arg8[%get3A_2252] {strides = array<i32>} : memref<4096xf32, #tpu.memory_space<vmem>>, vector<16xf32>,
          %convert_element_type3A_2254 = arith.fptosi %get3A_2253 : vector<16xf32> to vector<16xi32>
          %mul3A_2255 = arith.constant 4096 : i32
          %mul3A_2256 = arith.muli %scan3A_226, %mul3A_2255 : i32
          %add3A_2257 = arith.constant 3600 : i32
          %add3A_2258 = arith.addi %mul3A_2256, %add3A_2257 : i32
          %swap3A_2259 = arith.index_cast %add3A_2258 : i32 to index
          %swap3A_2260 = tpu.vector_load %arg7[%swap3A_2259] {strides = array<i32>} : memref<16384xi32, #tpu.memory_space<vmem>>, vector<16xi32>,
          tpu.vector_store %arg7[%swap3A_2259], %convert_element_type3A_2254 {strides = array<i32>} : memref<16384xi32, #tpu.memory_space<vmem>>, vector<16xi32>,
          %get3A_2261 = arith.constant 3616 : index
          %get3A_2262 = tpu.vector_load %arg8[%get3A_2261] {strides = array<i32>} : memref<4096xf32, #tpu.memory_space<vmem>>, vector<16xf32>,
          %convert_element_type3A_2263 = arith.fptosi %get3A_2262 : vector<16xf32> to vector<16xi32>
          %mul3A_2264 = arith.constant 4096 : i32
          %mul3A_2265 = arith.muli %scan3A_226, %mul3A_2264 : i32
          %add3A_2266 = arith.constant 3616 : i32
          %add3A_2267 = arith.addi %mul3A_2265, %add3A_2266 : i32
          %swap3A_2268 = arith.index_cast %add3A_2267 : i32 to index
          %swap3A_2269 = tpu.vector_load %arg7[%swap3A_2268] {strides = array<i32>} : memref<16384xi32, #tpu.memory_space<vmem>>, vector<16xi32>,
          tpu.vector_store %arg7[%swap3A_2268], %convert_element_type3A_2263 {strides = array<i32>} : memref<16384xi32, #tpu.memory_space<vmem>>, vector<16xi32>,
          %get3A_2270 = arith.constant 3632 : index
          %get3A_2271 = tpu.vector_load %arg8[%get3A_2270] {strides = array<i32>} : memref<4096xf32, #tpu.memory_space<vmem>>, vector<16xf32>,
          %convert_element_type3A_2272 = arith.fptosi %get3A_2271 : vector<16xf32> to vector<16xi32>
          %mul3A_2273 = arith.constant 4096 : i32
          %mul3A_2274 = arith.muli %scan3A_226, %mul3A_2273 : i32
          %add3A_2275 = arith.constant 3632 : i32
          %add3A_2276 = arith.addi %mul3A_2274, %add3A_2275 : i32
          %swap3A_2277 = arith.index_cast %add3A_2276 : i32 to index
          %swap3A_2278 = tpu.vector_load %arg7[%swap3A_2277] {strides = array<i32>} : memref<16384xi32, #tpu.memory_space<vmem>>, vector<16xi32>,
          tpu.vector_store %arg7[%swap3A_2277], %convert_element_type3A_2272 {strides = array<i32>} : memref<16384xi32, #tpu.memory_space<vmem>>, vector<16xi32>,
          %get3A_2279 = arith.constant 3648 : index
          %get3A_2280 = tpu.vector_load %arg8[%get3A_2279] {strides = array<i32>} : memref<4096xf32, #tpu.memory_space<vmem>>, vector<16xf32>,
          %convert_element_type3A_2281 = arith.fptosi %get3A_2280 : vector<16xf32> to vector<16xi32>
          %mul3A_2282 = arith.constant 4096 : i32
          %mul3A_2283 = arith.muli %scan3A_226, %mul3A_2282 : i32
          %add3A_2284 = arith.constant 3648 : i32
          %add3A_2285 = arith.addi %mul3A_2283, %add3A_2284 : i32
          %swap3A_2286 = arith.index_cast %add3A_2285 : i32 to index
          %swap3A_2287 = tpu.vector_load %arg7[%swap3A_2286] {strides = array<i32>} : memref<16384xi32, #tpu.memory_space<vmem>>, vector<16xi32>,
          tpu.vector_store %arg7[%swap3A_2286], %convert_element_type3A_2281 {strides = array<i32>} : memref<16384xi32, #tpu.memory_space<vmem>>, vector<16xi32>,
          %get3A_2288 = arith.constant 3664 : index
          %get3A_2289 = tpu.vector_load %arg8[%get3A_2288] {strides = array<i32>} : memref<4096xf32, #tpu.memory_space<vmem>>, vector<16xf32>,
          %convert_element_type3A_2290 = arith.fptosi %get3A_2289 : vector<16xf32> to vector<16xi32>
          %mul3A_2291 = arith.constant 4096 : i32
          %mul3A_2292 = arith.muli %scan3A_226, %mul3A_2291 : i32
          %add3A_2293 = arith.constant 3664 : i32
          %add3A_2294 = arith.addi %mul3A_2292, %add3A_2293 : i32
          %swap3A_2295 = arith.index_cast %add3A_2294 : i32 to index
          %swap3A_2296 = tpu.vector_load %arg7[%swap3A_2295] {strides = array<i32>} : memref<16384xi32, #tpu.memory_space<vmem>>, vector<16xi32>,
          tpu.vector_store %arg7[%swap3A_2295], %convert_element_type3A_2290 {strides = array<i32>} : memref<16384xi32, #tpu.memory_space<vmem>>, vector<16xi32>,
          %get3A_2297 = arith.constant 3680 : index
          %get3A_2298 = tpu.vector_load %arg8[%get3A_2297] {strides = array<i32>} : memref<4096xf32, #tpu.memory_space<vmem>>, vector<16xf32>,
          %convert_element_type3A_2299 = arith.fptosi %get3A_2298 : vector<16xf32> to vector<16xi32>
          %mul3A_2300 = arith.constant 4096 : i32
          %mul3A_2301 = arith.muli %scan3A_226, %mul3A_2300 : i32
          %add3A_2302 = arith.constant 3680 : i32
          %add3A_2303 = arith.addi %mul3A_2301, %add3A_2302 : i32
          %swap3A_2304 = arith.index_cast %add3A_2303 : i32 to index
          %swap3A_2305 = tpu.vector_load %arg7[%swap3A_2304] {strides = array<i32>} : memref<16384xi32, #tpu.memory_space<vmem>>, vector<16xi32>,
          tpu.vector_store %arg7[%swap3A_2304], %convert_element_type3A_2299 {strides = array<i32>} : memref<16384xi32, #tpu.memory_space<vmem>>, vector<16xi32>,
          %get3A_2306 = arith.constant 3696 : index
          %get3A_2307 = tpu.vector_load %arg8[%get3A_2306] {strides = array<i32>} : memref<4096xf32, #tpu.memory_space<vmem>>, vector<16xf32>,
          %convert_element_type3A_2308 = arith.fptosi %get3A_2307 : vector<16xf32> to vector<16xi32>
          %mul3A_2309 = arith.constant 4096 : i32
          %mul3A_2310 = arith.muli %scan3A_226, %mul3A_2309 : i32
          %add3A_2311 = arith.constant 3696 : i32
          %add3A_2312 = arith.addi %mul3A_2310, %add3A_2311 : i32
          %swap3A_2313 = arith.index_cast %add3A_2312 : i32 to index
          %swap3A_2314 = tpu.vector_load %arg7[%swap3A_2313] {strides = array<i32>} : memref<16384xi32, #tpu.memory_space<vmem>>, vector<16xi32>,
          tpu.vector_store %arg7[%swap3A_2313], %convert_element_type3A_2308 {strides = array<i32>} : memref<16384xi32, #tpu.memory_space<vmem>>, vector<16xi32>,
          %get3A_2315 = arith.constant 3712 : index
          %get3A_2316 = tpu.vector_load %arg8[%get3A_2315] {strides = array<i32>} : memref<4096xf32, #tpu.memory_space<vmem>>, vector<16xf32>,
          %convert_element_type3A_2317 = arith.fptosi %get3A_2316 : vector<16xf32> to vector<16xi32>
          %mul3A_2318 = arith.constant 4096 : i32
          %mul3A_2319 = arith.muli %scan3A_226, %mul3A_2318 : i32
          %add3A_2320 = arith.constant 3712 : i32
          %add3A_2321 = arith.addi %mul3A_2319, %add3A_2320 : i32
          %swap3A_2322 = arith.index_cast %add3A_2321 : i32 to index
          %swap3A_2323 = tpu.vector_load %arg7[%swap3A_2322] {strides = array<i32>} : memref<16384xi32, #tpu.memory_space<vmem>>, vector<16xi32>,
          tpu.vector_store %arg7[%swap3A_2322], %convert_element_type3A_2317 {strides = array<i32>} : memref<16384xi32, #tpu.memory_space<vmem>>, vector<16xi32>,
          %get3A_2324 = arith.constant 3728 : index
          %get3A_2325 = tpu.vector_load %arg8[%get3A_2324] {strides = array<i32>} : memref<4096xf32, #tpu.memory_space<vmem>>, vector<16xf32>,
          %convert_element_type3A_2326 = arith.fptosi %get3A_2325 : vector<16xf32> to vector<16xi32>
          %mul3A_2327 = arith.constant 4096 : i32
          %mul3A_2328 = arith.muli %scan3A_226, %mul3A_2327 : i32
          %add3A_2329 = arith.constant 3728 : i32
          %add3A_2330 = arith.addi %mul3A_2328, %add3A_2329 : i32
          %swap3A_2331 = arith.index_cast %add3A_2330 : i32 to index
          %swap3A_2332 = tpu.vector_load %arg7[%swap3A_2331] {strides = array<i32>} : memref<16384xi32, #tpu.memory_space<vmem>>, vector<16xi32>,
          tpu.vector_store %arg7[%swap3A_2331], %convert_element_type3A_2326 {strides = array<i32>} : memref<16384xi32, #tpu.memory_space<vmem>>, vector<16xi32>,
          %get3A_2333 = arith.constant 3744 : index
          %get3A_2334 = tpu.vector_load %arg8[%get3A_2333] {strides = array<i32>} : memref<4096xf32, #tpu.memory_space<vmem>>, vector<16xf32>,
          %convert_element_type3A_2335 = arith.fptosi %get3A_2334 : vector<16xf32> to vector<16xi32>
          %mul3A_2336 = arith.constant 4096 : i32
          %mul3A_2337 = arith.muli %scan3A_226, %mul3A_2336 : i32
          %add3A_2338 = arith.constant 3744 : i32
          %add3A_2339 = arith.addi %mul3A_2337, %add3A_2338 : i32
          %swap3A_2340 = arith.index_cast %add3A_2339 : i32 to index
          %swap3A_2341 = tpu.vector_load %arg7[%swap3A_2340] {strides = array<i32>} : memref<16384xi32, #tpu.memory_space<vmem>>, vector<16xi32>,
          tpu.vector_store %arg7[%swap3A_2340], %convert_element_type3A_2335 {strides = array<i32>} : memref<16384xi32, #tpu.memory_space<vmem>>, vector<16xi32>,
          %get3A_2342 = arith.constant 3760 : index
          %get3A_2343 = tpu.vector_load %arg8[%get3A_2342] {strides = array<i32>} : memref<4096xf32, #tpu.memory_space<vmem>>, vector<16xf32>,
          %convert_element_type3A_2344 = arith.fptosi %get3A_2343 : vector<16xf32> to vector<16xi32>
          %mul3A_2345 = arith.constant 4096 : i32
          %mul3A_2346 = arith.muli %scan3A_226, %mul3A_2345 : i32
          %add3A_2347 = arith.constant 3760 : i32
          %add3A_2348 = arith.addi %mul3A_2346, %add3A_2347 : i32
          %swap3A_2349 = arith.index_cast %add3A_2348 : i32 to index
          %swap3A_2350 = tpu.vector_load %arg7[%swap3A_2349] {strides = array<i32>} : memref<16384xi32, #tpu.memory_space<vmem>>, vector<16xi32>,
          tpu.vector_store %arg7[%swap3A_2349], %convert_element_type3A_2344 {strides = array<i32>} : memref<16384xi32, #tpu.memory_space<vmem>>, vector<16xi32>,
          %get3A_2351 = arith.constant 3776 : index
          %get3A_2352 = tpu.vector_load %arg8[%get3A_2351] {strides = array<i32>} : memref<4096xf32, #tpu.memory_space<vmem>>, vector<16xf32>,
          %convert_element_type3A_2353 = arith.fptosi %get3A_2352 : vector<16xf32> to vector<16xi32>
          %mul3A_2354 = arith.constant 4096 : i32
          %mul3A_2355 = arith.muli %scan3A_226, %mul3A_2354 : i32
          %add3A_2356 = arith.constant 3776 : i32
          %add3A_2357 = arith.addi %mul3A_2355, %add3A_2356 : i32
          %swap3A_2358 = arith.index_cast %add3A_2357 : i32 to index
          %swap3A_2359 = tpu.vector_load %arg7[%swap3A_2358] {strides = array<i32>} : memref<16384xi32, #tpu.memory_space<vmem>>, vector<16xi32>,
          tpu.vector_store %arg7[%swap3A_2358], %convert_element_type3A_2353 {strides = array<i32>} : memref<16384xi32, #tpu.memory_space<vmem>>, vector<16xi32>,
          %get3A_2360 = arith.constant 3792 : index
          %get3A_2361 = tpu.vector_load %arg8[%get3A_2360] {strides = array<i32>} : memref<4096xf32, #tpu.memory_space<vmem>>, vector<16xf32>,
          %convert_element_type3A_2362 = arith.fptosi %get3A_2361 : vector<16xf32> to vector<16xi32>
          %mul3A_2363 = arith.constant 4096 : i32
          %mul3A_2364 = arith.muli %scan3A_226, %mul3A_2363 : i32
          %add3A_2365 = arith.constant 3792 : i32
          %add3A_2366 = arith.addi %mul3A_2364, %add3A_2365 : i32
          %swap3A_2367 = arith.index_cast %add3A_2366 : i32 to index
          %swap3A_2368 = tpu.vector_load %arg7[%swap3A_2367] {strides = array<i32>} : memref<16384xi32, #tpu.memory_space<vmem>>, vector<16xi32>,
          tpu.vector_store %arg7[%swap3A_2367], %convert_element_type3A_2362 {strides = array<i32>} : memref<16384xi32, #tpu.memory_space<vmem>>, vector<16xi32>,
          %get3A_2369 = arith.constant 3808 : index
          %get3A_2370 = tpu.vector_load %arg8[%get3A_2369] {strides = array<i32>} : memref<4096xf32, #tpu.memory_space<vmem>>, vector<16xf32>,
          %convert_element_type3A_2371 = arith.fptosi %get3A_2370 : vector<16xf32> to vector<16xi32>
          %mul3A_2372 = arith.constant 4096 : i32
          %mul3A_2373 = arith.muli %scan3A_226, %mul3A_2372 : i32
          %add3A_2374 = arith.constant 3808 : i32
          %add3A_2375 = arith.addi %mul3A_2373, %add3A_2374 : i32
          %swap3A_2376 = arith.index_cast %add3A_2375 : i32 to index
          %swap3A_2377 = tpu.vector_load %arg7[%swap3A_2376] {strides = array<i32>} : memref<16384xi32, #tpu.memory_space<vmem>>, vector<16xi32>,
          tpu.vector_store %arg7[%swap3A_2376], %convert_element_type3A_2371 {strides = array<i32>} : memref<16384xi32, #tpu.memory_space<vmem>>, vector<16xi32>,
          %get3A_2378 = arith.constant 3824 : index
          %get3A_2379 = tpu.vector_load %arg8[%get3A_2378] {strides = array<i32>} : memref<4096xf32, #tpu.memory_space<vmem>>, vector<16xf32>,
          %convert_element_type3A_2380 = arith.fptosi %get3A_2379 : vector<16xf32> to vector<16xi32>
          %mul3A_2381 = arith.constant 4096 : i32
          %mul3A_2382 = arith.muli %scan3A_226, %mul3A_2381 : i32
          %add3A_2383 = arith.constant 3824 : i32
          %add3A_2384 = arith.addi %mul3A_2382, %add3A_2383 : i32
          %swap3A_2385 = arith.index_cast %add3A_2384 : i32 to index
          %swap3A_2386 = tpu.vector_load %arg7[%swap3A_2385] {strides = array<i32>} : memref<16384xi32, #tpu.memory_space<vmem>>, vector<16xi32>,
          tpu.vector_store %arg7[%swap3A_2385], %convert_element_type3A_2380 {strides = array<i32>} : memref<16384xi32, #tpu.memory_space<vmem>>, vector<16xi32>,
          %get3A_2387 = arith.constant 3840 : index
          %get3A_2388 = tpu.vector_load %arg8[%get3A_2387] {strides = array<i32>} : memref<4096xf32, #tpu.memory_space<vmem>>, vector<16xf32>,
          %convert_element_type3A_2389 = arith.fptosi %get3A_2388 : vector<16xf32> to vector<16xi32>
          %mul3A_2390 = arith.constant 4096 : i32
          %mul3A_2391 = arith.muli %scan3A_226, %mul3A_2390 : i32
          %add3A_2392 = arith.constant 3840 : i32
          %add3A_2393 = arith.addi %mul3A_2391, %add3A_2392 : i32
          %swap3A_2394 = arith.index_cast %add3A_2393 : i32 to index
          %swap3A_2395 = tpu.vector_load %arg7[%swap3A_2394] {strides = array<i32>} : memref<16384xi32, #tpu.memory_space<vmem>>, vector<16xi32>,
          tpu.vector_store %arg7[%swap3A_2394], %convert_element_type3A_2389 {strides = array<i32>} : memref<16384xi32, #tpu.memory_space<vmem>>, vector<16xi32>,
          %get3A_2396 = arith.constant 3856 : index
          %get3A_2397 = tpu.vector_load %arg8[%get3A_2396] {strides = array<i32>} : memref<4096xf32, #tpu.memory_space<vmem>>, vector<16xf32>,
          %convert_element_type3A_2398 = arith.fptosi %get3A_2397 : vector<16xf32> to vector<16xi32>
          %mul3A_2399 = arith.constant 4096 : i32
          %mul3A_2400 = arith.muli %scan3A_226, %mul3A_2399 : i32
          %add3A_2401 = arith.constant 3856 : i32
          %add3A_2402 = arith.addi %mul3A_2400, %add3A_2401 : i32
          %swap3A_2403 = arith.index_cast %add3A_2402 : i32 to index
          %swap3A_2404 = tpu.vector_load %arg7[%swap3A_2403] {strides = array<i32>} : memref<16384xi32, #tpu.memory_space<vmem>>, vector<16xi32>,
          tpu.vector_store %arg7[%swap3A_2403], %convert_element_type3A_2398 {strides = array<i32>} : memref<16384xi32, #tpu.memory_space<vmem>>, vector<16xi32>,
          %get3A_2405 = arith.constant 3872 : index
          %get3A_2406 = tpu.vector_load %arg8[%get3A_2405] {strides = array<i32>} : memref<4096xf32, #tpu.memory_space<vmem>>, vector<16xf32>,
          %convert_element_type3A_2407 = arith.fptosi %get3A_2406 : vector<16xf32> to vector<16xi32>
          %mul3A_2408 = arith.constant 4096 : i32
          %mul3A_2409 = arith.muli %scan3A_226, %mul3A_2408 : i32
          %add3A_2410 = arith.constant 3872 : i32
          %add3A_2411 = arith.addi %mul3A_2409, %add3A_2410 : i32
          %swap3A_2412 = arith.index_cast %add3A_2411 : i32 to index
          %swap3A_2413 = tpu.vector_load %arg7[%swap3A_2412] {strides = array<i32>} : memref<16384xi32, #tpu.memory_space<vmem>>, vector<16xi32>,
          tpu.vector_store %arg7[%swap3A_2412], %convert_element_type3A_2407 {strides = array<i32>} : memref<16384xi32, #tpu.memory_space<vmem>>, vector<16xi32>,
          %get3A_2414 = arith.constant 3888 : index
          %get3A_2415 = tpu.vector_load %arg8[%get3A_2414] {strides = array<i32>} : memref<4096xf32, #tpu.memory_space<vmem>>, vector<16xf32>,
          %convert_element_type3A_2416 = arith.fptosi %get3A_2415 : vector<16xf32> to vector<16xi32>
          %mul3A_2417 = arith.constant 4096 : i32
          %mul3A_2418 = arith.muli %scan3A_226, %mul3A_2417 : i32
          %add3A_2419 = arith.constant 3888 : i32
          %add3A_2420 = arith.addi %mul3A_2418, %add3A_2419 : i32
          %swap3A_2421 = arith.index_cast %add3A_2420 : i32 to index
          %swap3A_2422 = tpu.vector_load %arg7[%swap3A_2421] {strides = array<i32>} : memref<16384xi32, #tpu.memory_space<vmem>>, vector<16xi32>,
          tpu.vector_store %arg7[%swap3A_2421], %convert_element_type3A_2416 {strides = array<i32>} : memref<16384xi32, #tpu.memory_space<vmem>>, vector<16xi32>,
          %get3A_2423 = arith.constant 3904 : index
          %get3A_2424 = tpu.vector_load %arg8[%get3A_2423] {strides = array<i32>} : memref<4096xf32, #tpu.memory_space<vmem>>, vector<16xf32>,
          %convert_element_type3A_2425 = arith.fptosi %get3A_2424 : vector<16xf32> to vector<16xi32>
          %mul3A_2426 = arith.constant 4096 : i32
          %mul3A_2427 = arith.muli %scan3A_226, %mul3A_2426 : i32
          %add3A_2428 = arith.constant 3904 : i32
          %add3A_2429 = arith.addi %mul3A_2427, %add3A_2428 : i32
          %swap3A_2430 = arith.index_cast %add3A_2429 : i32 to index
          %swap3A_2431 = tpu.vector_load %arg7[%swap3A_2430] {strides = array<i32>} : memref<16384xi32, #tpu.memory_space<vmem>>, vector<16xi32>,
          tpu.vector_store %arg7[%swap3A_2430], %convert_element_type3A_2425 {strides = array<i32>} : memref<16384xi32, #tpu.memory_space<vmem>>, vector<16xi32>,
          %get3A_2432 = arith.constant 3920 : index
          %get3A_2433 = tpu.vector_load %arg8[%get3A_2432] {strides = array<i32>} : memref<4096xf32, #tpu.memory_space<vmem>>, vector<16xf32>,
          %convert_element_type3A_2434 = arith.fptosi %get3A_2433 : vector<16xf32> to vector<16xi32>
          %mul3A_2435 = arith.constant 4096 : i32
          %mul3A_2436 = arith.muli %scan3A_226, %mul3A_2435 : i32
          %add3A_2437 = arith.constant 3920 : i32
          %add3A_2438 = arith.addi %mul3A_2436, %add3A_2437 : i32
          %swap3A_2439 = arith.index_cast %add3A_2438 : i32 to index
          %swap3A_2440 = tpu.vector_load %arg7[%swap3A_2439] {strides = array<i32>} : memref<16384xi32, #tpu.memory_space<vmem>>, vector<16xi32>,
          tpu.vector_store %arg7[%swap3A_2439], %convert_element_type3A_2434 {strides = array<i32>} : memref<16384xi32, #tpu.memory_space<vmem>>, vector<16xi32>,
          %get3A_2441 = arith.constant 3936 : index
          %get3A_2442 = tpu.vector_load %arg8[%get3A_2441] {strides = array<i32>} : memref<4096xf32, #tpu.memory_space<vmem>>, vector<16xf32>,
          %convert_element_type3A_2443 = arith.fptosi %get3A_2442 : vector<16xf32> to vector<16xi32>
          %mul3A_2444 = arith.constant 4096 : i32
          %mul3A_2445 = arith.muli %scan3A_226, %mul3A_2444 : i32
          %add3A_2446 = arith.constant 3936 : i32
          %add3A_2447 = arith.addi %mul3A_2445, %add3A_2446 : i32
          %swap3A_2448 = arith.index_cast %add3A_2447 : i32 to index
          %swap3A_2449 = tpu.vector_load %arg7[%swap3A_2448] {strides = array<i32>} : memref<16384xi32, #tpu.memory_space<vmem>>, vector<16xi32>,
          tpu.vector_store %arg7[%swap3A_2448], %convert_element_type3A_2443 {strides = array<i32>} : memref<16384xi32, #tpu.memory_space<vmem>>, vector<16xi32>,
          %get3A_2450 = arith.constant 3952 : index
          %get3A_2451 = tpu.vector_load %arg8[%get3A_2450] {strides = array<i32>} : memref<4096xf32, #tpu.memory_space<vmem>>, vector<16xf32>,
          %convert_element_type3A_2452 = arith.fptosi %get3A_2451 : vector<16xf32> to vector<16xi32>
          %mul3A_2453 = arith.constant 4096 : i32
          %mul3A_2454 = arith.muli %scan3A_226, %mul3A_2453 : i32
          %add3A_2455 = arith.constant 3952 : i32
          %add3A_2456 = arith.addi %mul3A_2454, %add3A_2455 : i32
          %swap3A_2457 = arith.index_cast %add3A_2456 : i32 to index
          %swap3A_2458 = tpu.vector_load %arg7[%swap3A_2457] {strides = array<i32>} : memref<16384xi32, #tpu.memory_space<vmem>>, vector<16xi32>,
          tpu.vector_store %arg7[%swap3A_2457], %convert_element_type3A_2452 {strides = array<i32>} : memref<16384xi32, #tpu.memory_space<vmem>>, vector<16xi32>,
          %get3A_2459 = arith.constant 3968 : index
          %get3A_2460 = tpu.vector_load %arg8[%get3A_2459] {strides = array<i32>} : memref<4096xf32, #tpu.memory_space<vmem>>, vector<16xf32>,
          %convert_element_type3A_2461 = arith.fptosi %get3A_2460 : vector<16xf32> to vector<16xi32>
          %mul3A_2462 = arith.constant 4096 : i32
          %mul3A_2463 = arith.muli %scan3A_226, %mul3A_2462 : i32
          %add3A_2464 = arith.constant 3968 : i32
          %add3A_2465 = arith.addi %mul3A_2463, %add3A_2464 : i32
          %swap3A_2466 = arith.index_cast %add3A_2465 : i32 to index
          %swap3A_2467 = tpu.vector_load %arg7[%swap3A_2466] {strides = array<i32>} : memref<16384xi32, #tpu.memory_space<vmem>>, vector<16xi32>,
          tpu.vector_store %arg7[%swap3A_2466], %convert_element_type3A_2461 {strides = array<i32>} : memref<16384xi32, #tpu.memory_space<vmem>>, vector<16xi32>,
          %get3A_2468 = arith.constant 3984 : index
          %get3A_2469 = tpu.vector_load %arg8[%get3A_2468] {strides = array<i32>} : memref<4096xf32, #tpu.memory_space<vmem>>, vector<16xf32>,
          %convert_element_type3A_2470 = arith.fptosi %get3A_2469 : vector<16xf32> to vector<16xi32>
          %mul3A_2471 = arith.constant 4096 : i32
          %mul3A_2472 = arith.muli %scan3A_226, %mul3A_2471 : i32
          %add3A_2473 = arith.constant 3984 : i32
          %add3A_2474 = arith.addi %mul3A_2472, %add3A_2473 : i32
          %swap3A_2475 = arith.index_cast %add3A_2474 : i32 to index
          %swap3A_2476 = tpu.vector_load %arg7[%swap3A_2475] {strides = array<i32>} : memref<16384xi32, #tpu.memory_space<vmem>>, vector<16xi32>,
          tpu.vector_store %arg7[%swap3A_2475], %convert_element_type3A_2470 {strides = array<i32>} : memref<16384xi32, #tpu.memory_space<vmem>>, vector<16xi32>,
          %get3A_2477 = arith.constant 4000 : index
          %get3A_2478 = tpu.vector_load %arg8[%get3A_2477] {strides = array<i32>} : memref<4096xf32, #tpu.memory_space<vmem>>, vector<16xf32>,
          %convert_element_type3A_2479 = arith.fptosi %get3A_2478 : vector<16xf32> to vector<16xi32>
          %mul3A_2480 = arith.constant 4096 : i32
          %mul3A_2481 = arith.muli %scan3A_226, %mul3A_2480 : i32
          %add3A_2482 = arith.constant 4000 : i32
          %add3A_2483 = arith.addi %mul3A_2481, %add3A_2482 : i32
          %swap3A_2484 = arith.index_cast %add3A_2483 : i32 to index
          %swap3A_2485 = tpu.vector_load %arg7[%swap3A_2484] {strides = array<i32>} : memref<16384xi32, #tpu.memory_space<vmem>>, vector<16xi32>,
          tpu.vector_store %arg7[%swap3A_2484], %convert_element_type3A_2479 {strides = array<i32>} : memref<16384xi32, #tpu.memory_space<vmem>>, vector<16xi32>,
          %get3A_2486 = arith.constant 4016 : index
          %get3A_2487 = tpu.vector_load %arg8[%get3A_2486] {strides = array<i32>} : memref<4096xf32, #tpu.memory_space<vmem>>, vector<16xf32>,
          %convert_element_type3A_2488 = arith.fptosi %get3A_2487 : vector<16xf32> to vector<16xi32>
          %mul3A_2489 = arith.constant 4096 : i32
          %mul3A_2490 = arith.muli %scan3A_226, %mul3A_2489 : i32
          %add3A_2491 = arith.constant 4016 : i32
          %add3A_2492 = arith.addi %mul3A_2490, %add3A_2491 : i32
          %swap3A_2493 = arith.index_cast %add3A_2492 : i32 to index
          %swap3A_2494 = tpu.vector_load %arg7[%swap3A_2493] {strides = array<i32>} : memref<16384xi32, #tpu.memory_space<vmem>>, vector<16xi32>,
          tpu.vector_store %arg7[%swap3A_2493], %convert_element_type3A_2488 {strides = array<i32>} : memref<16384xi32, #tpu.memory_space<vmem>>, vector<16xi32>,
          %get3A_2495 = arith.constant 4032 : index
          %get3A_2496 = tpu.vector_load %arg8[%get3A_2495] {strides = array<i32>} : memref<4096xf32, #tpu.memory_space<vmem>>, vector<16xf32>,
          %convert_element_type3A_2497 = arith.fptosi %get3A_2496 : vector<16xf32> to vector<16xi32>
          %mul3A_2498 = arith.constant 4096 : i32
          %mul3A_2499 = arith.muli %scan3A_226, %mul3A_2498 : i32
          %add3A_2500 = arith.constant 4032 : i32
          %add3A_2501 = arith.addi %mul3A_2499, %add3A_2500 : i32
          %swap3A_2502 = arith.index_cast %add3A_2501 : i32 to index
          %swap3A_2503 = tpu.vector_load %arg7[%swap3A_2502] {strides = array<i32>} : memref<16384xi32, #tpu.memory_space<vmem>>, vector<16xi32>,
          tpu.vector_store %arg7[%swap3A_2502], %convert_element_type3A_2497 {strides = array<i32>} : memref<16384xi32, #tpu.memory_space<vmem>>, vector<16xi32>,
          %get3A_2504 = arith.constant 4048 : index
          %get3A_2505 = tpu.vector_load %arg8[%get3A_2504] {strides = array<i32>} : memref<4096xf32, #tpu.memory_space<vmem>>, vector<16xf32>,
          %convert_element_type3A_2506 = arith.fptosi %get3A_2505 : vector<16xf32> to vector<16xi32>
          %mul3A_2507 = arith.constant 4096 : i32
          %mul3A_2508 = arith.muli %scan3A_226, %mul3A_2507 : i32
          %add3A_2509 = arith.constant 4048 : i32
          %add3A_2510 = arith.addi %mul3A_2508, %add3A_2509 : i32
          %swap3A_2511 = arith.index_cast %add3A_2510 : i32 to index
          %swap3A_2512 = tpu.vector_load %arg7[%swap3A_2511] {strides = array<i32>} : memref<16384xi32, #tpu.memory_space<vmem>>, vector<16xi32>,
          tpu.vector_store %arg7[%swap3A_2511], %convert_element_type3A_2506 {strides = array<i32>} : memref<16384xi32, #tpu.memory_space<vmem>>, vector<16xi32>,
          %get3A_2513 = arith.constant 4064 : index
          %get3A_2514 = tpu.vector_load %arg8[%get3A_2513] {strides = array<i32>} : memref<4096xf32, #tpu.memory_space<vmem>>, vector<16xf32>,
          %convert_element_type3A_2515 = arith.fptosi %get3A_2514 : vector<16xf32> to vector<16xi32>
          %mul3A_2516 = arith.constant 4096 : i32
          %mul3A_2517 = arith.muli %scan3A_226, %mul3A_2516 : i32
          %add3A_2518 = arith.constant 4064 : i32
          %add3A_2519 = arith.addi %mul3A_2517, %add3A_2518 : i32
          %swap3A_2520 = arith.index_cast %add3A_2519 : i32 to index
          %swap3A_2521 = tpu.vector_load %arg7[%swap3A_2520] {strides = array<i32>} : memref<16384xi32, #tpu.memory_space<vmem>>, vector<16xi32>,
          tpu.vector_store %arg7[%swap3A_2520], %convert_element_type3A_2515 {strides = array<i32>} : memref<16384xi32, #tpu.memory_space<vmem>>, vector<16xi32>,
          %get3A_2522 = arith.constant 4080 : index
          %get3A_2523 = tpu.vector_load %arg8[%get3A_2522] {strides = array<i32>} : memref<4096xf32, #tpu.memory_space<vmem>>, vector<16xf32>,
          %convert_element_type3A_2524 = arith.fptosi %get3A_2523 : vector<16xf32> to vector<16xi32>
          %mul3A_2525 = arith.constant 4096 : i32
          %mul3A_2526 = arith.muli %scan3A_226, %mul3A_2525 : i32
          %add3A_2527 = arith.constant 4080 : i32
          %add3A_2528 = arith.addi %mul3A_2526, %add3A_2527 : i32
          %swap3A_2529 = arith.index_cast %add3A_2528 : i32 to index
          %swap3A_2530 = tpu.vector_load %arg7[%swap3A_2529] {strides = array<i32>} : memref<16384xi32, #tpu.memory_space<vmem>>, vector<16xi32>,
          tpu.vector_store %arg7[%swap3A_2529], %convert_element_type3A_2524 {strides = array<i32>} : memref<16384xi32, #tpu.memory_space<vmem>>, vector<16xi32>,
        }
        %scan3A_225 = arith.constant 4 : i32
      } else {
      }
      %dma_start3A = arith.constant 0 : i32
      %dma_start3A_50 = tpu.memref_slice %arg6[%dma_start3A] : memref<100096xf32, #tpu.memory_space<vmem>> -> memref<24960xf32, #tpu.memory_space<vmem>>
      %dma_start3A_51 = arith.constant 0 : i32
      %dma_start3A_52 = tpu.memref_slice %arg3[%select_n3A, %select_n3A_42, %dma_start3A_51] : memref<26x32x100000xf32, #tpu.memory_space<hbm>> -> memref<1x1x24960xf32, #tpu.memory_space<hbm>>
      %dma_start3A_53 = tpu.memref_squeeze %dma_start3A_52 : memref<1x1x24960xf32, #tpu.memory_space<hbm>> -> memref<24960xf32, #tpu.memory_space<hbm>>
      %dma_start3A_54 = arith.constant 0 : i32
      %dma_start3A_55 = tpu.memref_slice %arg6[%dma_start3A_54] : memref<100096xf32, #tpu.memory_space<vmem>> -> memref<24960xf32, #tpu.memory_space<vmem>>
      %dma_start3A_56 = arith.constant 0 : i32
      %dma_start3A_57 = tpu.memref_slice %arg3[%select_n3A, %select_n3A_42, %dma_start3A_56] : memref<26x32x100000xf32, #tpu.memory_space<hbm>> -> memref<1x1x24960xf32, #tpu.memory_space<hbm>>
      %dma_start3A_58 = tpu.memref_squeeze %dma_start3A_57 : memref<1x1x24960xf32, #tpu.memory_space<hbm>> -> memref<24960xf32, #tpu.memory_space<hbm>>
      tpu.enqueue_dma source(%dma_start3A_58 : memref<24960xf32, #tpu.memory_space<hbm>>) target(%dma_start3A_55 : memref<24960xf32, #tpu.memory_space<vmem>>) target_semaphore(%arg11 : memref<!tpu.dma_semaphore, #tpu.memory_space<semaphore_mem>>)
      %dma_start3A_59 = arith.constant 24960 : i32
      %dma_start3A_60 = tpu.memref_slice %arg6[%dma_start3A_59] : memref<100096xf32, #tpu.memory_space<vmem>> -> memref<24960xf32, #tpu.memory_space<vmem>>
      %dma_start3A_61 = arith.constant 24960 : i32
      %dma_start3A_62 = tpu.memref_slice %arg3[%select_n3A, %select_n3A_42, %dma_start3A_61] : memref<26x32x100000xf32, #tpu.memory_space<hbm>> -> memref<1x1x24960xf32, #tpu.memory_space<hbm>>
      %dma_start3A_63 = tpu.memref_squeeze %dma_start3A_62 : memref<1x1x24960xf32, #tpu.memory_space<hbm>> -> memref<24960xf32, #tpu.memory_space<hbm>>
      %dma_start3A_64 = arith.constant 24960 : i32
      %dma_start3A_65 = tpu.memref_slice %arg6[%dma_start3A_64] : memref<100096xf32, #tpu.memory_space<vmem>> -> memref<24960xf32, #tpu.memory_space<vmem>>
      %dma_start3A_66 = arith.constant 24960 : i32
      %dma_start3A_67 = tpu.memref_slice %arg3[%select_n3A, %select_n3A_42, %dma_start3A_66] : memref<26x32x100000xf32, #tpu.memory_space<hbm>> -> memref<1x1x24960xf32, #tpu.memory_space<hbm>>
      %dma_start3A_68 = tpu.memref_squeeze %dma_start3A_67 : memref<1x1x24960xf32, #tpu.memory_space<hbm>> -> memref<24960xf32, #tpu.memory_space<hbm>>
      tpu.enqueue_dma source(%dma_start3A_68 : memref<24960xf32, #tpu.memory_space<hbm>>) target(%dma_start3A_65 : memref<24960xf32, #tpu.memory_space<vmem>>) target_semaphore(%arg11 : memref<!tpu.dma_semaphore, #tpu.memory_space<semaphore_mem>>)
      %dma_start3A_69 = arith.constant 49920 : i32
      %dma_start3A_70 = tpu.memref_slice %arg6[%dma_start3A_69] : memref<100096xf32, #tpu.memory_space<vmem>> -> memref<24960xf32, #tpu.memory_space<vmem>>
      %dma_start3A_71 = arith.constant 49920 : i32
      %dma_start3A_72 = tpu.memref_slice %arg3[%select_n3A, %select_n3A_42, %dma_start3A_71] : memref<26x32x100000xf32, #tpu.memory_space<hbm>> -> memref<1x1x24960xf32, #tpu.memory_space<hbm>>
      %dma_start3A_73 = tpu.memref_squeeze %dma_start3A_72 : memref<1x1x24960xf32, #tpu.memory_space<hbm>> -> memref<24960xf32, #tpu.memory_space<hbm>>
      %dma_start3A_74 = arith.constant 49920 : i32
      %dma_start3A_75 = tpu.memref_slice %arg6[%dma_start3A_74] : memref<100096xf32, #tpu.memory_space<vmem>> -> memref<24960xf32, #tpu.memory_space<vmem>>
      %dma_start3A_76 = arith.constant 49920 : i32
      %dma_start3A_77 = tpu.memref_slice %arg3[%select_n3A, %select_n3A_42, %dma_start3A_76] : memref<26x32x100000xf32, #tpu.memory_space<hbm>> -> memref<1x1x24960xf32, #tpu.memory_space<hbm>>
      %dma_start3A_78 = tpu.memref_squeeze %dma_start3A_77 : memref<1x1x24960xf32, #tpu.memory_space<hbm>> -> memref<24960xf32, #tpu.memory_space<hbm>>
      tpu.enqueue_dma source(%dma_start3A_78 : memref<24960xf32, #tpu.memory_space<hbm>>) target(%dma_start3A_75 : memref<24960xf32, #tpu.memory_space<vmem>>) target_semaphore(%arg11 : memref<!tpu.dma_semaphore, #tpu.memory_space<semaphore_mem>>)
      %dma_start3A_79 = arith.constant 74880 : i32
      %dma_start3A_80 = tpu.memref_slice %arg6[%dma_start3A_79] : memref<100096xf32, #tpu.memory_space<vmem>> -> memref<24960xf32, #tpu.memory_space<vmem>>
      %dma_start3A_81 = arith.constant 74880 : i32
      %dma_start3A_82 = tpu.memref_slice %arg3[%select_n3A, %select_n3A_42, %dma_start3A_81] : memref<26x32x100000xf32, #tpu.memory_space<hbm>> -> memref<1x1x24960xf32, #tpu.memory_space<hbm>>
      %dma_start3A_83 = tpu.memref_squeeze %dma_start3A_82 : memref<1x1x24960xf32, #tpu.memory_space<hbm>> -> memref<24960xf32, #tpu.memory_space<hbm>>
      %dma_start3A_84 = arith.constant 74880 : i32
      %dma_start3A_85 = tpu.memref_slice %arg6[%dma_start3A_84] : memref<100096xf32, #tpu.memory_space<vmem>> -> memref<24960xf32, #tpu.memory_space<vmem>>
      %dma_start3A_86 = arith.constant 74880 : i32
      %dma_start3A_87 = tpu.memref_slice %arg3[%select_n3A, %select_n3A_42, %dma_start3A_86] : memref<26x32x100000xf32, #tpu.memory_space<hbm>> -> memref<1x1x24960xf32, #tpu.memory_space<hbm>>
      %dma_start3A_88 = tpu.memref_squeeze %dma_start3A_87 : memref<1x1x24960xf32, #tpu.memory_space<hbm>> -> memref<24960xf32, #tpu.memory_space<hbm>>
      tpu.enqueue_dma source(%dma_start3A_88 : memref<24960xf32, #tpu.memory_space<hbm>>) target(%dma_start3A_85 : memref<24960xf32, #tpu.memory_space<vmem>>) target_semaphore(%arg11 : memref<!tpu.dma_semaphore, #tpu.memory_space<semaphore_mem>>)
      %dma_start3A_89 = arith.constant 99840 : i32
      %dma_start3A_90 = tpu.memref_slice %arg6[%dma_start3A_89] : memref<100096xf32, #tpu.memory_space<vmem>> -> memref<256xf32, #tpu.memory_space<vmem>>
      %dma_start3A_91 = arith.constant 0 : i32
      %dma_start3A_92 = tpu.memref_slice %arg4[%select_n3A, %select_n3A_42, %dma_start3A_91] : memref<26x32x256xf32, #tpu.memory_space<hbm>> -> memref<1x1x256xf32, #tpu.memory_space<hbm>>
      %dma_start3A_93 = tpu.memref_squeeze %dma_start3A_92 : memref<1x1x256xf32, #tpu.memory_space<hbm>> -> memref<256xf32, #tpu.memory_space<hbm>>
      %dma_start3A_94 = arith.constant 99840 : i32
      %dma_start3A_95 = tpu.memref_slice %arg6[%dma_start3A_94] : memref<100096xf32, #tpu.memory_space<vmem>> -> memref<256xf32, #tpu.memory_space<vmem>>
      %dma_start3A_96 = arith.constant 0 : i32
      %dma_start3A_97 = tpu.memref_slice %arg4[%select_n3A, %select_n3A_42, %dma_start3A_96] : memref<26x32x256xf32, #tpu.memory_space<hbm>> -> memref<1x1x256xf32, #tpu.memory_space<hbm>>
      %dma_start3A_98 = tpu.memref_squeeze %dma_start3A_97 : memref<1x1x256xf32, #tpu.memory_space<hbm>> -> memref<256xf32, #tpu.memory_space<hbm>>
      tpu.enqueue_dma source(%dma_start3A_98 : memref<256xf32, #tpu.memory_space<hbm>>) target(%dma_start3A_95 : memref<256xf32, #tpu.memory_space<vmem>>) target_semaphore(%arg11 : memref<!tpu.dma_semaphore, #tpu.memory_space<semaphore_mem>>)
      %dma_wait3A = arith.constant 0 : i32
      %dma_wait3A_99 = tpu.memref_slice %arg6[%dma_wait3A] : memref<100096xf32, #tpu.memory_space<vmem>> -> memref<24960xf32, #tpu.memory_space<vmem>>
      %dma_wait3A_100 = arith.constant 0 : i32
      %dma_wait3A_101 = tpu.memref_slice %arg3[%select_n3A, %select_n3A_42, %dma_wait3A_100] : memref<26x32x100000xf32, #tpu.memory_space<hbm>> -> memref<1x1x24960xf32, #tpu.memory_space<hbm>>
      %dma_wait3A_102 = tpu.memref_squeeze %dma_wait3A_101 : memref<1x1x24960xf32, #tpu.memory_space<hbm>> -> memref<24960xf32, #tpu.memory_space<hbm>>
      %dma_wait3A_103 = arith.constant 0 : i32
      %dma_wait3A_104 = tpu.memref_slice %arg6[%dma_wait3A_103] : memref<100096xf32, #tpu.memory_space<vmem>> -> memref<24960xf32, #tpu.memory_space<vmem>>
      %dma_wait3A_105 = arith.constant 0 : i32
      %dma_wait3A_106 = tpu.memref_slice %arg3[%select_n3A, %select_n3A_42, %dma_wait3A_105] : memref<26x32x100000xf32, #tpu.memory_space<hbm>> -> memref<1x1x24960xf32, #tpu.memory_space<hbm>>
      %dma_wait3A_107 = tpu.memref_squeeze %dma_wait3A_106 : memref<1x1x24960xf32, #tpu.memory_space<hbm>> -> memref<24960xf32, #tpu.memory_space<hbm>>
      tpu.wait_dma2 semaphore(%arg11 : memref<!tpu.dma_semaphore, #tpu.memory_space<semaphore_mem>>) src(%dma_wait3A_107 : memref<24960xf32, #tpu.memory_space<hbm>>) dst(%dma_wait3A_104 : memref<24960xf32, #tpu.memory_space<vmem>>)
      %dma_wait3A_108 = arith.constant 24960 : i32
      %dma_wait3A_109 = tpu.memref_slice %arg6[%dma_wait3A_108] : memref<100096xf32, #tpu.memory_space<vmem>> -> memref<24960xf32, #tpu.memory_space<vmem>>
      %dma_wait3A_110 = arith.constant 24960 : i32
      %dma_wait3A_111 = tpu.memref_slice %arg3[%select_n3A, %select_n3A_42, %dma_wait3A_110] : memref<26x32x100000xf32, #tpu.memory_space<hbm>> -> memref<1x1x24960xf32, #tpu.memory_space<hbm>>
      %dma_wait3A_112 = tpu.memref_squeeze %dma_wait3A_111 : memref<1x1x24960xf32, #tpu.memory_space<hbm>> -> memref<24960xf32, #tpu.memory_space<hbm>>
      %dma_wait3A_113 = arith.constant 24960 : i32
      %dma_wait3A_114 = tpu.memref_slice %arg6[%dma_wait3A_113] : memref<100096xf32, #tpu.memory_space<vmem>> -> memref<24960xf32, #tpu.memory_space<vmem>>
      %dma_wait3A_115 = arith.constant 24960 : i32
      %dma_wait3A_116 = tpu.memref_slice %arg3[%select_n3A, %select_n3A_42, %dma_wait3A_115] : memref<26x32x100000xf32, #tpu.memory_space<hbm>> -> memref<1x1x24960xf32, #tpu.memory_space<hbm>>
      %dma_wait3A_117 = tpu.memref_squeeze %dma_wait3A_116 : memref<1x1x24960xf32, #tpu.memory_space<hbm>> -> memref<24960xf32, #tpu.memory_space<hbm>>
      tpu.wait_dma2 semaphore(%arg11 : memref<!tpu.dma_semaphore, #tpu.memory_space<semaphore_mem>>) src(%dma_wait3A_117 : memref<24960xf32, #tpu.memory_space<hbm>>) dst(%dma_wait3A_114 : memref<24960xf32, #tpu.memory_space<vmem>>)
      %dma_wait3A_118 = arith.constant 49920 : i32
      %dma_wait3A_119 = tpu.memref_slice %arg6[%dma_wait3A_118] : memref<100096xf32, #tpu.memory_space<vmem>> -> memref<24960xf32, #tpu.memory_space<vmem>>
      %dma_wait3A_120 = arith.constant 49920 : i32
      %dma_wait3A_121 = tpu.memref_slice %arg3[%select_n3A, %select_n3A_42, %dma_wait3A_120] : memref<26x32x100000xf32, #tpu.memory_space<hbm>> -> memref<1x1x24960xf32, #tpu.memory_space<hbm>>
      %dma_wait3A_122 = tpu.memref_squeeze %dma_wait3A_121 : memref<1x1x24960xf32, #tpu.memory_space<hbm>> -> memref<24960xf32, #tpu.memory_space<hbm>>
      %dma_wait3A_123 = arith.constant 49920 : i32
      %dma_wait3A_124 = tpu.memref_slice %arg6[%dma_wait3A_123] : memref<100096xf32, #tpu.memory_space<vmem>> -> memref<24960xf32, #tpu.memory_space<vmem>>
      %dma_wait3A_125 = arith.constant 49920 : i32
      %dma_wait3A_126 = tpu.memref_slice %arg3[%select_n3A, %select_n3A_42, %dma_wait3A_125] : memref<26x32x100000xf32, #tpu.memory_space<hbm>> -> memref<1x1x24960xf32, #tpu.memory_space<hbm>>
      %dma_wait3A_127 = tpu.memref_squeeze %dma_wait3A_126 : memref<1x1x24960xf32, #tpu.memory_space<hbm>> -> memref<24960xf32, #tpu.memory_space<hbm>>
      tpu.wait_dma2 semaphore(%arg11 : memref<!tpu.dma_semaphore, #tpu.memory_space<semaphore_mem>>) src(%dma_wait3A_127 : memref<24960xf32, #tpu.memory_space<hbm>>) dst(%dma_wait3A_124 : memref<24960xf32, #tpu.memory_space<vmem>>)
      %dma_wait3A_128 = arith.constant 74880 : i32
      %dma_wait3A_129 = tpu.memref_slice %arg6[%dma_wait3A_128] : memref<100096xf32, #tpu.memory_space<vmem>> -> memref<24960xf32, #tpu.memory_space<vmem>>
      %dma_wait3A_130 = arith.constant 74880 : i32
      %dma_wait3A_131 = tpu.memref_slice %arg3[%select_n3A, %select_n3A_42, %dma_wait3A_130] : memref<26x32x100000xf32, #tpu.memory_space<hbm>> -> memref<1x1x24960xf32, #tpu.memory_space<hbm>>
      %dma_wait3A_132 = tpu.memref_squeeze %dma_wait3A_131 : memref<1x1x24960xf32, #tpu.memory_space<hbm>> -> memref<24960xf32, #tpu.memory_space<hbm>>
      %dma_wait3A_133 = arith.constant 74880 : i32
      %dma_wait3A_134 = tpu.memref_slice %arg6[%dma_wait3A_133] : memref<100096xf32, #tpu.memory_space<vmem>> -> memref<24960xf32, #tpu.memory_space<vmem>>
      %dma_wait3A_135 = arith.constant 74880 : i32
      %dma_wait3A_136 = tpu.memref_slice %arg3[%select_n3A, %select_n3A_42, %dma_wait3A_135] : memref<26x32x100000xf32, #tpu.memory_space<hbm>> -> memref<1x1x24960xf32, #tpu.memory_space<hbm>>
      %dma_wait3A_137 = tpu.memref_squeeze %dma_wait3A_136 : memref<1x1x24960xf32, #tpu.memory_space<hbm>> -> memref<24960xf32, #tpu.memory_space<hbm>>
      tpu.wait_dma2 semaphore(%arg11 : memref<!tpu.dma_semaphore, #tpu.memory_space<semaphore_mem>>) src(%dma_wait3A_137 : memref<24960xf32, #tpu.memory_space<hbm>>) dst(%dma_wait3A_134 : memref<24960xf32, #tpu.memory_space<vmem>>)
      %dma_wait3A_138 = arith.constant 99840 : i32
      %dma_wait3A_139 = tpu.memref_slice %arg6[%dma_wait3A_138] : memref<100096xf32, #tpu.memory_space<vmem>> -> memref<256xf32, #tpu.memory_space<vmem>>
      %dma_wait3A_140 = arith.constant 0 : i32
      %dma_wait3A_141 = tpu.memref_slice %arg4[%select_n3A, %select_n3A_42, %dma_wait3A_140] : memref<26x32x256xf32, #tpu.memory_space<hbm>> -> memref<1x1x256xf32, #tpu.memory_space<hbm>>
      %dma_wait3A_142 = tpu.memref_squeeze %dma_wait3A_141 : memref<1x1x256xf32, #tpu.memory_space<hbm>> -> memref<256xf32, #tpu.memory_space<hbm>>
      %dma_wait3A_143 = arith.constant 99840 : i32
      %dma_wait3A_144 = tpu.memref_slice %arg6[%dma_wait3A_143] : memref<100096xf32, #tpu.memory_space<vmem>> -> memref<256xf32, #tpu.memory_space<vmem>>
      %dma_wait3A_145 = arith.constant 0 : i32
      %dma_wait3A_146 = tpu.memref_slice %arg4[%select_n3A, %select_n3A_42, %dma_wait3A_145] : memref<26x32x256xf32, #tpu.memory_space<hbm>> -> memref<1x1x256xf32, #tpu.memory_space<hbm>>
      %dma_wait3A_147 = tpu.memref_squeeze %dma_wait3A_146 : memref<1x1x256xf32, #tpu.memory_space<hbm>> -> memref<256xf32, #tpu.memory_space<hbm>>
      tpu.wait_dma2 semaphore(%arg11 : memref<!tpu.dma_semaphore, #tpu.memory_space<semaphore_mem>>) src(%dma_wait3A_147 : memref<256xf32, #tpu.memory_space<hbm>>) dst(%dma_wait3A_144 : memref<256xf32, #tpu.memory_space<vmem>>)
      %scan3A_148 = arith.constant 0 : i32
      %scan3A_149 = arith.constant 0 : i32
      %scan3A_150 = arith.constant 16 : i32
      %scan3A_151 = arith.addi %scan3A_149, %scan3A_150 : i32
      %scan3A_152 = arith.constant 1 : i32
      scf.for %scan3A_220 = %scan3A_149 to %scan3A_151 step %scan3A_152  : i32 {
        %mul3A_221 = arith.constant 256 : i32
        %mul3A_222 = arith.muli %scan3A_220, %mul3A_221 : i32
        %add3A_223 = arith.constant 0 : i32
        %add3A_224 = arith.addi %mul3A_222, %add3A_223 : i32
        %add3A_225 = arith.constant 0 : i32
        %add3A_226 = arith.addi %add3A_225, %add3A_224 : i32
        %get3A = arith.index_cast %add3A_226 : i32 to index
        %get3A_227 = tpu.vector_load %arg7[%get3A] {strides = array<i32>} : memref<16384xi32, #tpu.memory_space<vmem>>, vector<16xi32>,
        %gather3A = tpu.vector_load_idx %arg6[%get3A_227] : memref<100096xf32, #tpu.memory_space<vmem>>[vector<16xi32>], vector<16xf32>,
        %swap3A = arith.index_cast %add3A_224 : i32 to index
        %swap3A_228 = tpu.vector_load %arg9[%swap3A] {strides = array<i32>} : memref<4096xf32, #tpu.memory_space<vmem>>, vector<16xf32>,
        tpu.vector_store %arg9[%swap3A], %gather3A {strides = array<i32>} : memref<4096xf32, #tpu.memory_space<vmem>>, vector<16xf32>,
        %mul3A_229 = arith.constant 256 : i32
        %mul3A_230 = arith.muli %scan3A_220, %mul3A_229 : i32
        %add3A_231 = arith.constant 16 : i32
        %add3A_232 = arith.addi %mul3A_230, %add3A_231 : i32
        %add3A_233 = arith.constant 0 : i32
        %add3A_234 = arith.addi %add3A_233, %add3A_232 : i32
        %get3A_235 = arith.index_cast %add3A_234 : i32 to index
        %get3A_236 = tpu.vector_load %arg7[%get3A_235] {strides = array<i32>} : memref<16384xi32, #tpu.memory_space<vmem>>, vector<16xi32>,
        %gather3A_237 = tpu.vector_load_idx %arg6[%get3A_236] : memref<100096xf32, #tpu.memory_space<vmem>>[vector<16xi32>], vector<16xf32>,
        %swap3A_238 = arith.index_cast %add3A_232 : i32 to index
        %swap3A_239 = tpu.vector_load %arg9[%swap3A_238] {strides = array<i32>} : memref<4096xf32, #tpu.memory_space<vmem>>, vector<16xf32>,
        tpu.vector_store %arg9[%swap3A_238], %gather3A_237 {strides = array<i32>} : memref<4096xf32, #tpu.memory_space<vmem>>, vector<16xf32>,
        %mul3A_240 = arith.constant 256 : i32
        %mul3A_241 = arith.muli %scan3A_220, %mul3A_240 : i32
        %add3A_242 = arith.constant 32 : i32
        %add3A_243 = arith.addi %mul3A_241, %add3A_242 : i32
        %add3A_244 = arith.constant 0 : i32
        %add3A_245 = arith.addi %add3A_244, %add3A_243 : i32
        %get3A_246 = arith.index_cast %add3A_245 : i32 to index
        %get3A_247 = tpu.vector_load %arg7[%get3A_246] {strides = array<i32>} : memref<16384xi32, #tpu.memory_space<vmem>>, vector<16xi32>,
        %gather3A_248 = tpu.vector_load_idx %arg6[%get3A_247] : memref<100096xf32, #tpu.memory_space<vmem>>[vector<16xi32>], vector<16xf32>,
        %swap3A_249 = arith.index_cast %add3A_243 : i32 to index
        %swap3A_250 = tpu.vector_load %arg9[%swap3A_249] {strides = array<i32>} : memref<4096xf32, #tpu.memory_space<vmem>>, vector<16xf32>,
        tpu.vector_store %arg9[%swap3A_249], %gather3A_248 {strides = array<i32>} : memref<4096xf32, #tpu.memory_space<vmem>>, vector<16xf32>,
        %mul3A_251 = arith.constant 256 : i32
        %mul3A_252 = arith.muli %scan3A_220, %mul3A_251 : i32
        %add3A_253 = arith.constant 48 : i32
        %add3A_254 = arith.addi %mul3A_252, %add3A_253 : i32
        %add3A_255 = arith.constant 0 : i32
        %add3A_256 = arith.addi %add3A_255, %add3A_254 : i32
        %get3A_257 = arith.index_cast %add3A_256 : i32 to index
        %get3A_258 = tpu.vector_load %arg7[%get3A_257] {strides = array<i32>} : memref<16384xi32, #tpu.memory_space<vmem>>, vector<16xi32>,
        %gather3A_259 = tpu.vector_load_idx %arg6[%get3A_258] : memref<100096xf32, #tpu.memory_space<vmem>>[vector<16xi32>], vector<16xf32>,
        %swap3A_260 = arith.index_cast %add3A_254 : i32 to index
        %swap3A_261 = tpu.vector_load %arg9[%swap3A_260] {strides = array<i32>} : memref<4096xf32, #tpu.memory_space<vmem>>, vector<16xf32>,
        tpu.vector_store %arg9[%swap3A_260], %gather3A_259 {strides = array<i32>} : memref<4096xf32, #tpu.memory_space<vmem>>, vector<16xf32>,
        %mul3A_262 = arith.constant 256 : i32
        %mul3A_263 = arith.muli %scan3A_220, %mul3A_262 : i32
        %add3A_264 = arith.constant 64 : i32
        %add3A_265 = arith.addi %mul3A_263, %add3A_264 : i32
        %add3A_266 = arith.constant 0 : i32
        %add3A_267 = arith.addi %add3A_266, %add3A_265 : i32
        %get3A_268 = arith.index_cast %add3A_267 : i32 to index
        %get3A_269 = tpu.vector_load %arg7[%get3A_268] {strides = array<i32>} : memref<16384xi32, #tpu.memory_space<vmem>>, vector<16xi32>,
        %gather3A_270 = tpu.vector_load_idx %arg6[%get3A_269] : memref<100096xf32, #tpu.memory_space<vmem>>[vector<16xi32>], vector<16xf32>,
        %swap3A_271 = arith.index_cast %add3A_265 : i32 to index
        %swap3A_272 = tpu.vector_load %arg9[%swap3A_271] {strides = array<i32>} : memref<4096xf32, #tpu.memory_space<vmem>>, vector<16xf32>,
        tpu.vector_store %arg9[%swap3A_271], %gather3A_270 {strides = array<i32>} : memref<4096xf32, #tpu.memory_space<vmem>>, vector<16xf32>,
        %mul3A_273 = arith.constant 256 : i32
        %mul3A_274 = arith.muli %scan3A_220, %mul3A_273 : i32
        %add3A_275 = arith.constant 80 : i32
        %add3A_276 = arith.addi %mul3A_274, %add3A_275 : i32
        %add3A_277 = arith.constant 0 : i32
        %add3A_278 = arith.addi %add3A_277, %add3A_276 : i32
        %get3A_279 = arith.index_cast %add3A_278 : i32 to index
        %get3A_280 = tpu.vector_load %arg7[%get3A_279] {strides = array<i32>} : memref<16384xi32, #tpu.memory_space<vmem>>, vector<16xi32>,
        %gather3A_281 = tpu.vector_load_idx %arg6[%get3A_280] : memref<100096xf32, #tpu.memory_space<vmem>>[vector<16xi32>], vector<16xf32>,
        %swap3A_282 = arith.index_cast %add3A_276 : i32 to index
        %swap3A_283 = tpu.vector_load %arg9[%swap3A_282] {strides = array<i32>} : memref<4096xf32, #tpu.memory_space<vmem>>, vector<16xf32>,
        tpu.vector_store %arg9[%swap3A_282], %gather3A_281 {strides = array<i32>} : memref<4096xf32, #tpu.memory_space<vmem>>, vector<16xf32>,
        %mul3A_284 = arith.constant 256 : i32
        %mul3A_285 = arith.muli %scan3A_220, %mul3A_284 : i32
        %add3A_286 = arith.constant 96 : i32
        %add3A_287 = arith.addi %mul3A_285, %add3A_286 : i32
        %add3A_288 = arith.constant 0 : i32
        %add3A_289 = arith.addi %add3A_288, %add3A_287 : i32
        %get3A_290 = arith.index_cast %add3A_289 : i32 to index
        %get3A_291 = tpu.vector_load %arg7[%get3A_290] {strides = array<i32>} : memref<16384xi32, #tpu.memory_space<vmem>>, vector<16xi32>,
        %gather3A_292 = tpu.vector_load_idx %arg6[%get3A_291] : memref<100096xf32, #tpu.memory_space<vmem>>[vector<16xi32>], vector<16xf32>,
        %swap3A_293 = arith.index_cast %add3A_287 : i32 to index
        %swap3A_294 = tpu.vector_load %arg9[%swap3A_293] {strides = array<i32>} : memref<4096xf32, #tpu.memory_space<vmem>>, vector<16xf32>,
        tpu.vector_store %arg9[%swap3A_293], %gather3A_292 {strides = array<i32>} : memref<4096xf32, #tpu.memory_space<vmem>>, vector<16xf32>,
        %mul3A_295 = arith.constant 256 : i32
        %mul3A_296 = arith.muli %scan3A_220, %mul3A_295 : i32
        %add3A_297 = arith.constant 112 : i32
        %add3A_298 = arith.addi %mul3A_296, %add3A_297 : i32
        %add3A_299 = arith.constant 0 : i32
        %add3A_300 = arith.addi %add3A_299, %add3A_298 : i32
        %get3A_301 = arith.index_cast %add3A_300 : i32 to index
        %get3A_302 = tpu.vector_load %arg7[%get3A_301] {strides = array<i32>} : memref<16384xi32, #tpu.memory_space<vmem>>, vector<16xi32>,
        %gather3A_303 = tpu.vector_load_idx %arg6[%get3A_302] : memref<100096xf32, #tpu.memory_space<vmem>>[vector<16xi32>], vector<16xf32>,
        %swap3A_304 = arith.index_cast %add3A_298 : i32 to index
        %swap3A_305 = tpu.vector_load %arg9[%swap3A_304] {strides = array<i32>} : memref<4096xf32, #tpu.memory_space<vmem>>, vector<16xf32>,
        tpu.vector_store %arg9[%swap3A_304], %gather3A_303 {strides = array<i32>} : memref<4096xf32, #tpu.memory_space<vmem>>, vector<16xf32>,
        %mul3A_306 = arith.constant 256 : i32
        %mul3A_307 = arith.muli %scan3A_220, %mul3A_306 : i32
        %add3A_308 = arith.constant 128 : i32
        %add3A_309 = arith.addi %mul3A_307, %add3A_308 : i32
        %add3A_310 = arith.constant 0 : i32
        %add3A_311 = arith.addi %add3A_310, %add3A_309 : i32
        %get3A_312 = arith.index_cast %add3A_311 : i32 to index
        %get3A_313 = tpu.vector_load %arg7[%get3A_312] {strides = array<i32>} : memref<16384xi32, #tpu.memory_space<vmem>>, vector<16xi32>,
        %gather3A_314 = tpu.vector_load_idx %arg6[%get3A_313] : memref<100096xf32, #tpu.memory_space<vmem>>[vector<16xi32>], vector<16xf32>,
        %swap3A_315 = arith.index_cast %add3A_309 : i32 to index
        %swap3A_316 = tpu.vector_load %arg9[%swap3A_315] {strides = array<i32>} : memref<4096xf32, #tpu.memory_space<vmem>>, vector<16xf32>,
        tpu.vector_store %arg9[%swap3A_315], %gather3A_314 {strides = array<i32>} : memref<4096xf32, #tpu.memory_space<vmem>>, vector<16xf32>,
        %mul3A_317 = arith.constant 256 : i32
        %mul3A_318 = arith.muli %scan3A_220, %mul3A_317 : i32
        %add3A_319 = arith.constant 144 : i32
        %add3A_320 = arith.addi %mul3A_318, %add3A_319 : i32
        %add3A_321 = arith.constant 0 : i32
        %add3A_322 = arith.addi %add3A_321, %add3A_320 : i32
        %get3A_323 = arith.index_cast %add3A_322 : i32 to index
        %get3A_324 = tpu.vector_load %arg7[%get3A_323] {strides = array<i32>} : memref<16384xi32, #tpu.memory_space<vmem>>, vector<16xi32>,
        %gather3A_325 = tpu.vector_load_idx %arg6[%get3A_324] : memref<100096xf32, #tpu.memory_space<vmem>>[vector<16xi32>], vector<16xf32>,
        %swap3A_326 = arith.index_cast %add3A_320 : i32 to index
        %swap3A_327 = tpu.vector_load %arg9[%swap3A_326] {strides = array<i32>} : memref<4096xf32, #tpu.memory_space<vmem>>, vector<16xf32>,
        tpu.vector_store %arg9[%swap3A_326], %gather3A_325 {strides = array<i32>} : memref<4096xf32, #tpu.memory_space<vmem>>, vector<16xf32>,
        %mul3A_328 = arith.constant 256 : i32
        %mul3A_329 = arith.muli %scan3A_220, %mul3A_328 : i32
        %add3A_330 = arith.constant 160 : i32
        %add3A_331 = arith.addi %mul3A_329, %add3A_330 : i32
        %add3A_332 = arith.constant 0 : i32
        %add3A_333 = arith.addi %add3A_332, %add3A_331 : i32
        %get3A_334 = arith.index_cast %add3A_333 : i32 to index
        %get3A_335 = tpu.vector_load %arg7[%get3A_334] {strides = array<i32>} : memref<16384xi32, #tpu.memory_space<vmem>>, vector<16xi32>,
        %gather3A_336 = tpu.vector_load_idx %arg6[%get3A_335] : memref<100096xf32, #tpu.memory_space<vmem>>[vector<16xi32>], vector<16xf32>,
        %swap3A_337 = arith.index_cast %add3A_331 : i32 to index
        %swap3A_338 = tpu.vector_load %arg9[%swap3A_337] {strides = array<i32>} : memref<4096xf32, #tpu.memory_space<vmem>>, vector<16xf32>,
        tpu.vector_store %arg9[%swap3A_337], %gather3A_336 {strides = array<i32>} : memref<4096xf32, #tpu.memory_space<vmem>>, vector<16xf32>,
        %mul3A_339 = arith.constant 256 : i32
        %mul3A_340 = arith.muli %scan3A_220, %mul3A_339 : i32
        %add3A_341 = arith.constant 176 : i32
        %add3A_342 = arith.addi %mul3A_340, %add3A_341 : i32
        %add3A_343 = arith.constant 0 : i32
        %add3A_344 = arith.addi %add3A_343, %add3A_342 : i32
        %get3A_345 = arith.index_cast %add3A_344 : i32 to index
        %get3A_346 = tpu.vector_load %arg7[%get3A_345] {strides = array<i32>} : memref<16384xi32, #tpu.memory_space<vmem>>, vector<16xi32>,
        %gather3A_347 = tpu.vector_load_idx %arg6[%get3A_346] : memref<100096xf32, #tpu.memory_space<vmem>>[vector<16xi32>], vector<16xf32>,
        %swap3A_348 = arith.index_cast %add3A_342 : i32 to index
        %swap3A_349 = tpu.vector_load %arg9[%swap3A_348] {strides = array<i32>} : memref<4096xf32, #tpu.memory_space<vmem>>, vector<16xf32>,
        tpu.vector_store %arg9[%swap3A_348], %gather3A_347 {strides = array<i32>} : memref<4096xf32, #tpu.memory_space<vmem>>, vector<16xf32>,
        %mul3A_350 = arith.constant 256 : i32
        %mul3A_351 = arith.muli %scan3A_220, %mul3A_350 : i32
        %add3A_352 = arith.constant 192 : i32
        %add3A_353 = arith.addi %mul3A_351, %add3A_352 : i32
        %add3A_354 = arith.constant 0 : i32
        %add3A_355 = arith.addi %add3A_354, %add3A_353 : i32
        %get3A_356 = arith.index_cast %add3A_355 : i32 to index
        %get3A_357 = tpu.vector_load %arg7[%get3A_356] {strides = array<i32>} : memref<16384xi32, #tpu.memory_space<vmem>>, vector<16xi32>,
        %gather3A_358 = tpu.vector_load_idx %arg6[%get3A_357] : memref<100096xf32, #tpu.memory_space<vmem>>[vector<16xi32>], vector<16xf32>,
        %swap3A_359 = arith.index_cast %add3A_353 : i32 to index
        %swap3A_360 = tpu.vector_load %arg9[%swap3A_359] {strides = array<i32>} : memref<4096xf32, #tpu.memory_space<vmem>>, vector<16xf32>,
        tpu.vector_store %arg9[%swap3A_359], %gather3A_358 {strides = array<i32>} : memref<4096xf32, #tpu.memory_space<vmem>>, vector<16xf32>,
        %mul3A_361 = arith.constant 256 : i32
        %mul3A_362 = arith.muli %scan3A_220, %mul3A_361 : i32
        %add3A_363 = arith.constant 208 : i32
        %add3A_364 = arith.addi %mul3A_362, %add3A_363 : i32
        %add3A_365 = arith.constant 0 : i32
        %add3A_366 = arith.addi %add3A_365, %add3A_364 : i32
        %get3A_367 = arith.index_cast %add3A_366 : i32 to index
        %get3A_368 = tpu.vector_load %arg7[%get3A_367] {strides = array<i32>} : memref<16384xi32, #tpu.memory_space<vmem>>, vector<16xi32>,
        %gather3A_369 = tpu.vector_load_idx %arg6[%get3A_368] : memref<100096xf32, #tpu.memory_space<vmem>>[vector<16xi32>], vector<16xf32>,
        %swap3A_370 = arith.index_cast %add3A_364 : i32 to index
        %swap3A_371 = tpu.vector_load %arg9[%swap3A_370] {strides = array<i32>} : memref<4096xf32, #tpu.memory_space<vmem>>, vector<16xf32>,
        tpu.vector_store %arg9[%swap3A_370], %gather3A_369 {strides = array<i32>} : memref<4096xf32, #tpu.memory_space<vmem>>, vector<16xf32>,
        %mul3A_372 = arith.constant 256 : i32
        %mul3A_373 = arith.muli %scan3A_220, %mul3A_372 : i32
        %add3A_374 = arith.constant 224 : i32
        %add3A_375 = arith.addi %mul3A_373, %add3A_374 : i32
        %add3A_376 = arith.constant 0 : i32
        %add3A_377 = arith.addi %add3A_376, %add3A_375 : i32
        %get3A_378 = arith.index_cast %add3A_377 : i32 to index
        %get3A_379 = tpu.vector_load %arg7[%get3A_378] {strides = array<i32>} : memref<16384xi32, #tpu.memory_space<vmem>>, vector<16xi32>,
        %gather3A_380 = tpu.vector_load_idx %arg6[%get3A_379] : memref<100096xf32, #tpu.memory_space<vmem>>[vector<16xi32>], vector<16xf32>,
        %swap3A_381 = arith.index_cast %add3A_375 : i32 to index
        %swap3A_382 = tpu.vector_load %arg9[%swap3A_381] {strides = array<i32>} : memref<4096xf32, #tpu.memory_space<vmem>>, vector<16xf32>,
        tpu.vector_store %arg9[%swap3A_381], %gather3A_380 {strides = array<i32>} : memref<4096xf32, #tpu.memory_space<vmem>>, vector<16xf32>,
        %mul3A_383 = arith.constant 256 : i32
        %mul3A_384 = arith.muli %scan3A_220, %mul3A_383 : i32
        %add3A_385 = arith.constant 240 : i32
        %add3A_386 = arith.addi %mul3A_384, %add3A_385 : i32
        %add3A_387 = arith.constant 0 : i32
        %add3A_388 = arith.addi %add3A_387, %add3A_386 : i32
        %get3A_389 = arith.index_cast %add3A_388 : i32 to index
        %get3A_390 = tpu.vector_load %arg7[%get3A_389] {strides = array<i32>} : memref<16384xi32, #tpu.memory_space<vmem>>, vector<16xi32>,
        %gather3A_391 = tpu.vector_load_idx %arg6[%get3A_390] : memref<100096xf32, #tpu.memory_space<vmem>>[vector<16xi32>], vector<16xf32>,
        %swap3A_392 = arith.index_cast %add3A_386 : i32 to index
        %swap3A_393 = tpu.vector_load %arg9[%swap3A_392] {strides = array<i32>} : memref<4096xf32, #tpu.memory_space<vmem>>, vector<16xf32>,
        tpu.vector_store %arg9[%swap3A_392], %gather3A_391 {strides = array<i32>} : memref<4096xf32, #tpu.memory_space<vmem>>, vector<16xf32>,
      }
      %scan3A_153 = arith.constant 16 : i32
      %dma_start3A_154 = arith.constant 0 : i32
      %dma_start3A_155 = tpu.memref_slice %arg5[%add3A_11, %dma_start3A_154] : memref<845x16384xf32, #tpu.memory_space<hbm>> -> memref<1x4096xf32, #tpu.memory_space<hbm>>
      %dma_start3A_156 = tpu.memref_squeeze %dma_start3A_155 : memref<1x4096xf32, #tpu.memory_space<hbm>> -> memref<4096xf32, #tpu.memory_space<hbm>>
      %dma_start3A_157 = arith.constant 0 : i32
      %dma_start3A_158 = tpu.memref_slice %arg5[%add3A_11, %dma_start3A_157] : memref<845x16384xf32, #tpu.memory_space<hbm>> -> memref<1x4096xf32, #tpu.memory_space<hbm>>
      %dma_start3A_159 = tpu.memref_squeeze %dma_start3A_158 : memref<1x4096xf32, #tpu.memory_space<hbm>> -> memref<4096xf32, #tpu.memory_space<hbm>>
      tpu.enqueue_dma source(%arg9 : memref<4096xf32, #tpu.memory_space<vmem>>) target(%dma_start3A_159 : memref<4096xf32, #tpu.memory_space<hbm>>) target_semaphore(%arg12 : memref<!tpu.dma_semaphore, #tpu.memory_space<semaphore_mem>>)
      %scan3A_160 = arith.constant 0 : i32
      %scan3A_161 = arith.constant 0 : i32
      %scan3A_162 = arith.constant 16 : i32
      %scan3A_163 = arith.addi %scan3A_161, %scan3A_162 : i32
      %scan3A_164 = arith.constant 1 : i32
      scf.for %scan3A_220 = %scan3A_161 to %scan3A_163 step %scan3A_164  : i32 {
        %mul3A_221 = arith.constant 256 : i32
        %mul3A_222 = arith.muli %scan3A_220, %mul3A_221 : i32
        %add3A_223 = arith.constant 0 : i32
        %add3A_224 = arith.addi %mul3A_222, %add3A_223 : i32
        %add3A_225 = arith.constant 4096 : i32
        %add3A_226 = arith.addi %add3A_225, %add3A_224 : i32
        %get3A = arith.index_cast %add3A_226 : i32 to index
        %get3A_227 = tpu.vector_load %arg7[%get3A] {strides = array<i32>} : memref<16384xi32, #tpu.memory_space<vmem>>, vector<16xi32>,
        %gather3A = tpu.vector_load_idx %arg6[%get3A_227] : memref<100096xf32, #tpu.memory_space<vmem>>[vector<16xi32>], vector<16xf32>,
        %swap3A = arith.index_cast %add3A_224 : i32 to index
        %swap3A_228 = tpu.vector_load %arg10[%swap3A] {strides = array<i32>} : memref<4096xf32, #tpu.memory_space<vmem>>, vector<16xf32>,
        tpu.vector_store %arg10[%swap3A], %gather3A {strides = array<i32>} : memref<4096xf32, #tpu.memory_space<vmem>>, vector<16xf32>,
        %mul3A_229 = arith.constant 256 : i32
        %mul3A_230 = arith.muli %scan3A_220, %mul3A_229 : i32
        %add3A_231 = arith.constant 16 : i32
        %add3A_232 = arith.addi %mul3A_230, %add3A_231 : i32
        %add3A_233 = arith.constant 4096 : i32
        %add3A_234 = arith.addi %add3A_233, %add3A_232 : i32
        %get3A_235 = arith.index_cast %add3A_234 : i32 to index
        %get3A_236 = tpu.vector_load %arg7[%get3A_235] {strides = array<i32>} : memref<16384xi32, #tpu.memory_space<vmem>>, vector<16xi32>,
        %gather3A_237 = tpu.vector_load_idx %arg6[%get3A_236] : memref<100096xf32, #tpu.memory_space<vmem>>[vector<16xi32>], vector<16xf32>,
        %swap3A_238 = arith.index_cast %add3A_232 : i32 to index
        %swap3A_239 = tpu.vector_load %arg10[%swap3A_238] {strides = array<i32>} : memref<4096xf32, #tpu.memory_space<vmem>>, vector<16xf32>,
        tpu.vector_store %arg10[%swap3A_238], %gather3A_237 {strides = array<i32>} : memref<4096xf32, #tpu.memory_space<vmem>>, vector<16xf32>,
        %mul3A_240 = arith.constant 256 : i32
        %mul3A_241 = arith.muli %scan3A_220, %mul3A_240 : i32
        %add3A_242 = arith.constant 32 : i32
        %add3A_243 = arith.addi %mul3A_241, %add3A_242 : i32
        %add3A_244 = arith.constant 4096 : i32
        %add3A_245 = arith.addi %add3A_244, %add3A_243 : i32
        %get3A_246 = arith.index_cast %add3A_245 : i32 to index
        %get3A_247 = tpu.vector_load %arg7[%get3A_246] {strides = array<i32>} : memref<16384xi32, #tpu.memory_space<vmem>>, vector<16xi32>,
        %gather3A_248 = tpu.vector_load_idx %arg6[%get3A_247] : memref<100096xf32, #tpu.memory_space<vmem>>[vector<16xi32>], vector<16xf32>,
        %swap3A_249 = arith.index_cast %add3A_243 : i32 to index
        %swap3A_250 = tpu.vector_load %arg10[%swap3A_249] {strides = array<i32>} : memref<4096xf32, #tpu.memory_space<vmem>>, vector<16xf32>,
        tpu.vector_store %arg10[%swap3A_249], %gather3A_248 {strides = array<i32>} : memref<4096xf32, #tpu.memory_space<vmem>>, vector<16xf32>,
        %mul3A_251 = arith.constant 256 : i32
        %mul3A_252 = arith.muli %scan3A_220, %mul3A_251 : i32
        %add3A_253 = arith.constant 48 : i32
        %add3A_254 = arith.addi %mul3A_252, %add3A_253 : i32
        %add3A_255 = arith.constant 4096 : i32
        %add3A_256 = arith.addi %add3A_255, %add3A_254 : i32
        %get3A_257 = arith.index_cast %add3A_256 : i32 to index
        %get3A_258 = tpu.vector_load %arg7[%get3A_257] {strides = array<i32>} : memref<16384xi32, #tpu.memory_space<vmem>>, vector<16xi32>,
        %gather3A_259 = tpu.vector_load_idx %arg6[%get3A_258] : memref<100096xf32, #tpu.memory_space<vmem>>[vector<16xi32>], vector<16xf32>,
        %swap3A_260 = arith.index_cast %add3A_254 : i32 to index
        %swap3A_261 = tpu.vector_load %arg10[%swap3A_260] {strides = array<i32>} : memref<4096xf32, #tpu.memory_space<vmem>>, vector<16xf32>,
        tpu.vector_store %arg10[%swap3A_260], %gather3A_259 {strides = array<i32>} : memref<4096xf32, #tpu.memory_space<vmem>>, vector<16xf32>,
        %mul3A_262 = arith.constant 256 : i32
        %mul3A_263 = arith.muli %scan3A_220, %mul3A_262 : i32
        %add3A_264 = arith.constant 64 : i32
        %add3A_265 = arith.addi %mul3A_263, %add3A_264 : i32
        %add3A_266 = arith.constant 4096 : i32
        %add3A_267 = arith.addi %add3A_266, %add3A_265 : i32
        %get3A_268 = arith.index_cast %add3A_267 : i32 to index
        %get3A_269 = tpu.vector_load %arg7[%get3A_268] {strides = array<i32>} : memref<16384xi32, #tpu.memory_space<vmem>>, vector<16xi32>,
        %gather3A_270 = tpu.vector_load_idx %arg6[%get3A_269] : memref<100096xf32, #tpu.memory_space<vmem>>[vector<16xi32>], vector<16xf32>,
        %swap3A_271 = arith.index_cast %add3A_265 : i32 to index
        %swap3A_272 = tpu.vector_load %arg10[%swap3A_271] {strides = array<i32>} : memref<4096xf32, #tpu.memory_space<vmem>>, vector<16xf32>,
        tpu.vector_store %arg10[%swap3A_271], %gather3A_270 {strides = array<i32>} : memref<4096xf32, #tpu.memory_space<vmem>>, vector<16xf32>,
        %mul3A_273 = arith.constant 256 : i32
        %mul3A_274 = arith.muli %scan3A_220, %mul3A_273 : i32
        %add3A_275 = arith.constant 80 : i32
        %add3A_276 = arith.addi %mul3A_274, %add3A_275 : i32
        %add3A_277 = arith.constant 4096 : i32
        %add3A_278 = arith.addi %add3A_277, %add3A_276 : i32
        %get3A_279 = arith.index_cast %add3A_278 : i32 to index
        %get3A_280 = tpu.vector_load %arg7[%get3A_279] {strides = array<i32>} : memref<16384xi32, #tpu.memory_space<vmem>>, vector<16xi32>,
        %gather3A_281 = tpu.vector_load_idx %arg6[%get3A_280] : memref<100096xf32, #tpu.memory_space<vmem>>[vector<16xi32>], vector<16xf32>,
        %swap3A_282 = arith.index_cast %add3A_276 : i32 to index
        %swap3A_283 = tpu.vector_load %arg10[%swap3A_282] {strides = array<i32>} : memref<4096xf32, #tpu.memory_space<vmem>>, vector<16xf32>,
        tpu.vector_store %arg10[%swap3A_282], %gather3A_281 {strides = array<i32>} : memref<4096xf32, #tpu.memory_space<vmem>>, vector<16xf32>,
        %mul3A_284 = arith.constant 256 : i32
        %mul3A_285 = arith.muli %scan3A_220, %mul3A_284 : i32
        %add3A_286 = arith.constant 96 : i32
        %add3A_287 = arith.addi %mul3A_285, %add3A_286 : i32
        %add3A_288 = arith.constant 4096 : i32
        %add3A_289 = arith.addi %add3A_288, %add3A_287 : i32
        %get3A_290 = arith.index_cast %add3A_289 : i32 to index
        %get3A_291 = tpu.vector_load %arg7[%get3A_290] {strides = array<i32>} : memref<16384xi32, #tpu.memory_space<vmem>>, vector<16xi32>,
        %gather3A_292 = tpu.vector_load_idx %arg6[%get3A_291] : memref<100096xf32, #tpu.memory_space<vmem>>[vector<16xi32>], vector<16xf32>,
        %swap3A_293 = arith.index_cast %add3A_287 : i32 to index
        %swap3A_294 = tpu.vector_load %arg10[%swap3A_293] {strides = array<i32>} : memref<4096xf32, #tpu.memory_space<vmem>>, vector<16xf32>,
        tpu.vector_store %arg10[%swap3A_293], %gather3A_292 {strides = array<i32>} : memref<4096xf32, #tpu.memory_space<vmem>>, vector<16xf32>,
        %mul3A_295 = arith.constant 256 : i32
        %mul3A_296 = arith.muli %scan3A_220, %mul3A_295 : i32
        %add3A_297 = arith.constant 112 : i32
        %add3A_298 = arith.addi %mul3A_296, %add3A_297 : i32
        %add3A_299 = arith.constant 4096 : i32
        %add3A_300 = arith.addi %add3A_299, %add3A_298 : i32
        %get3A_301 = arith.index_cast %add3A_300 : i32 to index
        %get3A_302 = tpu.vector_load %arg7[%get3A_301] {strides = array<i32>} : memref<16384xi32, #tpu.memory_space<vmem>>, vector<16xi32>,
        %gather3A_303 = tpu.vector_load_idx %arg6[%get3A_302] : memref<100096xf32, #tpu.memory_space<vmem>>[vector<16xi32>], vector<16xf32>,
        %swap3A_304 = arith.index_cast %add3A_298 : i32 to index
        %swap3A_305 = tpu.vector_load %arg10[%swap3A_304] {strides = array<i32>} : memref<4096xf32, #tpu.memory_space<vmem>>, vector<16xf32>,
        tpu.vector_store %arg10[%swap3A_304], %gather3A_303 {strides = array<i32>} : memref<4096xf32, #tpu.memory_space<vmem>>, vector<16xf32>,
        %mul3A_306 = arith.constant 256 : i32
        %mul3A_307 = arith.muli %scan3A_220, %mul3A_306 : i32
        %add3A_308 = arith.constant 128 : i32
        %add3A_309 = arith.addi %mul3A_307, %add3A_308 : i32
        %add3A_310 = arith.constant 4096 : i32
        %add3A_311 = arith.addi %add3A_310, %add3A_309 : i32
        %get3A_312 = arith.index_cast %add3A_311 : i32 to index
        %get3A_313 = tpu.vector_load %arg7[%get3A_312] {strides = array<i32>} : memref<16384xi32, #tpu.memory_space<vmem>>, vector<16xi32>,
        %gather3A_314 = tpu.vector_load_idx %arg6[%get3A_313] : memref<100096xf32, #tpu.memory_space<vmem>>[vector<16xi32>], vector<16xf32>,
        %swap3A_315 = arith.index_cast %add3A_309 : i32 to index
        %swap3A_316 = tpu.vector_load %arg10[%swap3A_315] {strides = array<i32>} : memref<4096xf32, #tpu.memory_space<vmem>>, vector<16xf32>,
        tpu.vector_store %arg10[%swap3A_315], %gather3A_314 {strides = array<i32>} : memref<4096xf32, #tpu.memory_space<vmem>>, vector<16xf32>,
        %mul3A_317 = arith.constant 256 : i32
        %mul3A_318 = arith.muli %scan3A_220, %mul3A_317 : i32
        %add3A_319 = arith.constant 144 : i32
        %add3A_320 = arith.addi %mul3A_318, %add3A_319 : i32
        %add3A_321 = arith.constant 4096 : i32
        %add3A_322 = arith.addi %add3A_321, %add3A_320 : i32
        %get3A_323 = arith.index_cast %add3A_322 : i32 to index
        %get3A_324 = tpu.vector_load %arg7[%get3A_323] {strides = array<i32>} : memref<16384xi32, #tpu.memory_space<vmem>>, vector<16xi32>,
        %gather3A_325 = tpu.vector_load_idx %arg6[%get3A_324] : memref<100096xf32, #tpu.memory_space<vmem>>[vector<16xi32>], vector<16xf32>,
        %swap3A_326 = arith.index_cast %add3A_320 : i32 to index
        %swap3A_327 = tpu.vector_load %arg10[%swap3A_326] {strides = array<i32>} : memref<4096xf32, #tpu.memory_space<vmem>>, vector<16xf32>,
        tpu.vector_store %arg10[%swap3A_326], %gather3A_325 {strides = array<i32>} : memref<4096xf32, #tpu.memory_space<vmem>>, vector<16xf32>,
        %mul3A_328 = arith.constant 256 : i32
        %mul3A_329 = arith.muli %scan3A_220, %mul3A_328 : i32
        %add3A_330 = arith.constant 160 : i32
        %add3A_331 = arith.addi %mul3A_329, %add3A_330 : i32
        %add3A_332 = arith.constant 4096 : i32
        %add3A_333 = arith.addi %add3A_332, %add3A_331 : i32
        %get3A_334 = arith.index_cast %add3A_333 : i32 to index
        %get3A_335 = tpu.vector_load %arg7[%get3A_334] {strides = array<i32>} : memref<16384xi32, #tpu.memory_space<vmem>>, vector<16xi32>,
        %gather3A_336 = tpu.vector_load_idx %arg6[%get3A_335] : memref<100096xf32, #tpu.memory_space<vmem>>[vector<16xi32>], vector<16xf32>,
        %swap3A_337 = arith.index_cast %add3A_331 : i32 to index
        %swap3A_338 = tpu.vector_load %arg10[%swap3A_337] {strides = array<i32>} : memref<4096xf32, #tpu.memory_space<vmem>>, vector<16xf32>,
        tpu.vector_store %arg10[%swap3A_337], %gather3A_336 {strides = array<i32>} : memref<4096xf32, #tpu.memory_space<vmem>>, vector<16xf32>,
        %mul3A_339 = arith.constant 256 : i32
        %mul3A_340 = arith.muli %scan3A_220, %mul3A_339 : i32
        %add3A_341 = arith.constant 176 : i32
        %add3A_342 = arith.addi %mul3A_340, %add3A_341 : i32
        %add3A_343 = arith.constant 4096 : i32
        %add3A_344 = arith.addi %add3A_343, %add3A_342 : i32
        %get3A_345 = arith.index_cast %add3A_344 : i32 to index
        %get3A_346 = tpu.vector_load %arg7[%get3A_345] {strides = array<i32>} : memref<16384xi32, #tpu.memory_space<vmem>>, vector<16xi32>,
        %gather3A_347 = tpu.vector_load_idx %arg6[%get3A_346] : memref<100096xf32, #tpu.memory_space<vmem>>[vector<16xi32>], vector<16xf32>,
        %swap3A_348 = arith.index_cast %add3A_342 : i32 to index
        %swap3A_349 = tpu.vector_load %arg10[%swap3A_348] {strides = array<i32>} : memref<4096xf32, #tpu.memory_space<vmem>>, vector<16xf32>,
        tpu.vector_store %arg10[%swap3A_348], %gather3A_347 {strides = array<i32>} : memref<4096xf32, #tpu.memory_space<vmem>>, vector<16xf32>,
        %mul3A_350 = arith.constant 256 : i32
        %mul3A_351 = arith.muli %scan3A_220, %mul3A_350 : i32
        %add3A_352 = arith.constant 192 : i32
        %add3A_353 = arith.addi %mul3A_351, %add3A_352 : i32
        %add3A_354 = arith.constant 4096 : i32
        %add3A_355 = arith.addi %add3A_354, %add3A_353 : i32
        %get3A_356 = arith.index_cast %add3A_355 : i32 to index
        %get3A_357 = tpu.vector_load %arg7[%get3A_356] {strides = array<i32>} : memref<16384xi32, #tpu.memory_space<vmem>>, vector<16xi32>,
        %gather3A_358 = tpu.vector_load_idx %arg6[%get3A_357] : memref<100096xf32, #tpu.memory_space<vmem>>[vector<16xi32>], vector<16xf32>,
        %swap3A_359 = arith.index_cast %add3A_353 : i32 to index
        %swap3A_360 = tpu.vector_load %arg10[%swap3A_359] {strides = array<i32>} : memref<4096xf32, #tpu.memory_space<vmem>>, vector<16xf32>,
        tpu.vector_store %arg10[%swap3A_359], %gather3A_358 {strides = array<i32>} : memref<4096xf32, #tpu.memory_space<vmem>>, vector<16xf32>,
        %mul3A_361 = arith.constant 256 : i32
        %mul3A_362 = arith.muli %scan3A_220, %mul3A_361 : i32
        %add3A_363 = arith.constant 208 : i32
        %add3A_364 = arith.addi %mul3A_362, %add3A_363 : i32
        %add3A_365 = arith.constant 4096 : i32
        %add3A_366 = arith.addi %add3A_365, %add3A_364 : i32
        %get3A_367 = arith.index_cast %add3A_366 : i32 to index
        %get3A_368 = tpu.vector_load %arg7[%get3A_367] {strides = array<i32>} : memref<16384xi32, #tpu.memory_space<vmem>>, vector<16xi32>,
        %gather3A_369 = tpu.vector_load_idx %arg6[%get3A_368] : memref<100096xf32, #tpu.memory_space<vmem>>[vector<16xi32>], vector<16xf32>,
        %swap3A_370 = arith.index_cast %add3A_364 : i32 to index
        %swap3A_371 = tpu.vector_load %arg10[%swap3A_370] {strides = array<i32>} : memref<4096xf32, #tpu.memory_space<vmem>>, vector<16xf32>,
        tpu.vector_store %arg10[%swap3A_370], %gather3A_369 {strides = array<i32>} : memref<4096xf32, #tpu.memory_space<vmem>>, vector<16xf32>,
        %mul3A_372 = arith.constant 256 : i32
        %mul3A_373 = arith.muli %scan3A_220, %mul3A_372 : i32
        %add3A_374 = arith.constant 224 : i32
        %add3A_375 = arith.addi %mul3A_373, %add3A_374 : i32
        %add3A_376 = arith.constant 4096 : i32
        %add3A_377 = arith.addi %add3A_376, %add3A_375 : i32
        %get3A_378 = arith.index_cast %add3A_377 : i32 to index
        %get3A_379 = tpu.vector_load %arg7[%get3A_378] {strides = array<i32>} : memref<16384xi32, #tpu.memory_space<vmem>>, vector<16xi32>,
        %gather3A_380 = tpu.vector_load_idx %arg6[%get3A_379] : memref<100096xf32, #tpu.memory_space<vmem>>[vector<16xi32>], vector<16xf32>,
        %swap3A_381 = arith.index_cast %add3A_375 : i32 to index
        %swap3A_382 = tpu.vector_load %arg10[%swap3A_381] {strides = array<i32>} : memref<4096xf32, #tpu.memory_space<vmem>>, vector<16xf32>,
        tpu.vector_store %arg10[%swap3A_381], %gather3A_380 {strides = array<i32>} : memref<4096xf32, #tpu.memory_space<vmem>>, vector<16xf32>,
        %mul3A_383 = arith.constant 256 : i32
        %mul3A_384 = arith.muli %scan3A_220, %mul3A_383 : i32
        %add3A_385 = arith.constant 240 : i32
        %add3A_386 = arith.addi %mul3A_384, %add3A_385 : i32
        %add3A_387 = arith.constant 4096 : i32
        %add3A_388 = arith.addi %add3A_387, %add3A_386 : i32
        %get3A_389 = arith.index_cast %add3A_388 : i32 to index
        %get3A_390 = tpu.vector_load %arg7[%get3A_389] {strides = array<i32>} : memref<16384xi32, #tpu.memory_space<vmem>>, vector<16xi32>,
        %gather3A_391 = tpu.vector_load_idx %arg6[%get3A_390] : memref<100096xf32, #tpu.memory_space<vmem>>[vector<16xi32>], vector<16xf32>,
        %swap3A_392 = arith.index_cast %add3A_386 : i32 to index
        %swap3A_393 = tpu.vector_load %arg10[%swap3A_392] {strides = array<i32>} : memref<4096xf32, #tpu.memory_space<vmem>>, vector<16xf32>,
        tpu.vector_store %arg10[%swap3A_392], %gather3A_391 {strides = array<i32>} : memref<4096xf32, #tpu.memory_space<vmem>>, vector<16xf32>,
      }
      %scan3A_165 = arith.constant 16 : i32
      %dma_start3A_166 = arith.constant 4096 : i32
      %dma_start3A_167 = tpu.memref_slice %arg5[%add3A_11, %dma_start3A_166] : memref<845x16384xf32, #tpu.memory_space<hbm>> -> memref<1x4096xf32, #tpu.memory_space<hbm>>
      %dma_start3A_168 = tpu.memref_squeeze %dma_start3A_167 : memref<1x4096xf32, #tpu.memory_space<hbm>> -> memref<4096xf32, #tpu.memory_space<hbm>>
      %dma_start3A_169 = arith.constant 4096 : i32
      %dma_start3A_170 = tpu.memref_slice %arg5[%add3A_11, %dma_start3A_169] : memref<845x16384xf32, #tpu.memory_space<hbm>> -> memref<1x4096xf32, #tpu.memory_space<hbm>>
      %dma_start3A_171 = tpu.memref_squeeze %dma_start3A_170 : memref<1x4096xf32, #tpu.memory_space<hbm>> -> memref<4096xf32, #tpu.memory_space<hbm>>
      tpu.enqueue_dma source(%arg10 : memref<4096xf32, #tpu.memory_space<vmem>>) target(%dma_start3A_171 : memref<4096xf32, #tpu.memory_space<hbm>>) target_semaphore(%arg12 : memref<!tpu.dma_semaphore, #tpu.memory_space<semaphore_mem>>)
      %dma_wait3A_172 = arith.constant 0 : i32
      %dma_wait3A_173 = tpu.memref_slice %arg5[%add3A_11, %dma_wait3A_172] : memref<845x16384xf32, #tpu.memory_space<hbm>> -> memref<1x4096xf32, #tpu.memory_space<hbm>>
      %dma_wait3A_174 = tpu.memref_squeeze %dma_wait3A_173 : memref<1x4096xf32, #tpu.memory_space<hbm>> -> memref<4096xf32, #tpu.memory_space<hbm>>
      %dma_wait3A_175 = arith.constant 0 : i32
      %dma_wait3A_176 = tpu.memref_slice %arg5[%add3A_11, %dma_wait3A_175] : memref<845x16384xf32, #tpu.memory_space<hbm>> -> memref<1x4096xf32, #tpu.memory_space<hbm>>
      %dma_wait3A_177 = tpu.memref_squeeze %dma_wait3A_176 : memref<1x4096xf32, #tpu.memory_space<hbm>> -> memref<4096xf32, #tpu.memory_space<hbm>>
      tpu.wait_dma2 semaphore(%arg12 : memref<!tpu.dma_semaphore, #tpu.memory_space<semaphore_mem>>) src(%arg9 : memref<4096xf32, #tpu.memory_space<vmem>>) dst(%dma_wait3A_177 : memref<4096xf32, #tpu.memory_space<hbm>>)
      %scan3A_178 = arith.constant 0 : i32
      %scan3A_179 = arith.constant 0 : i32
      %scan3A_180 = arith.constant 16 : i32
      %scan3A_181 = arith.addi %scan3A_179, %scan3A_180 : i32
      %scan3A_182 = arith.constant 1 : i32
      scf.for %scan3A_220 = %scan3A_179 to %scan3A_181 step %scan3A_182  : i32 {
        %mul3A_221 = arith.constant 256 : i32
        %mul3A_222 = arith.muli %scan3A_220, %mul3A_221 : i32
        %add3A_223 = arith.constant 0 : i32
        %add3A_224 = arith.addi %mul3A_222, %add3A_223 : i32
        %add3A_225 = arith.constant 8192 : i32
        %add3A_226 = arith.addi %add3A_225, %add3A_224 : i32
        %get3A = arith.index_cast %add3A_226 : i32 to index
        %get3A_227 = tpu.vector_load %arg7[%get3A] {strides = array<i32>} : memref<16384xi32, #tpu.memory_space<vmem>>, vector<16xi32>,
        %gather3A = tpu.vector_load_idx %arg6[%get3A_227] : memref<100096xf32, #tpu.memory_space<vmem>>[vector<16xi32>], vector<16xf32>,
        %swap3A = arith.index_cast %add3A_224 : i32 to index
        %swap3A_228 = tpu.vector_load %arg9[%swap3A] {strides = array<i32>} : memref<4096xf32, #tpu.memory_space<vmem>>, vector<16xf32>,
        tpu.vector_store %arg9[%swap3A], %gather3A {strides = array<i32>} : memref<4096xf32, #tpu.memory_space<vmem>>, vector<16xf32>,
        %mul3A_229 = arith.constant 256 : i32
        %mul3A_230 = arith.muli %scan3A_220, %mul3A_229 : i32
        %add3A_231 = arith.constant 16 : i32
        %add3A_232 = arith.addi %mul3A_230, %add3A_231 : i32
        %add3A_233 = arith.constant 8192 : i32
        %add3A_234 = arith.addi %add3A_233, %add3A_232 : i32
        %get3A_235 = arith.index_cast %add3A_234 : i32 to index
        %get3A_236 = tpu.vector_load %arg7[%get3A_235] {strides = array<i32>} : memref<16384xi32, #tpu.memory_space<vmem>>, vector<16xi32>,
        %gather3A_237 = tpu.vector_load_idx %arg6[%get3A_236] : memref<100096xf32, #tpu.memory_space<vmem>>[vector<16xi32>], vector<16xf32>,
        %swap3A_238 = arith.index_cast %add3A_232 : i32 to index
        %swap3A_239 = tpu.vector_load %arg9[%swap3A_238] {strides = array<i32>} : memref<4096xf32, #tpu.memory_space<vmem>>, vector<16xf32>,
        tpu.vector_store %arg9[%swap3A_238], %gather3A_237 {strides = array<i32>} : memref<4096xf32, #tpu.memory_space<vmem>>, vector<16xf32>,
        %mul3A_240 = arith.constant 256 : i32
        %mul3A_241 = arith.muli %scan3A_220, %mul3A_240 : i32
        %add3A_242 = arith.constant 32 : i32
        %add3A_243 = arith.addi %mul3A_241, %add3A_242 : i32
        %add3A_244 = arith.constant 8192 : i32
        %add3A_245 = arith.addi %add3A_244, %add3A_243 : i32
        %get3A_246 = arith.index_cast %add3A_245 : i32 to index
        %get3A_247 = tpu.vector_load %arg7[%get3A_246] {strides = array<i32>} : memref<16384xi32, #tpu.memory_space<vmem>>, vector<16xi32>,
        %gather3A_248 = tpu.vector_load_idx %arg6[%get3A_247] : memref<100096xf32, #tpu.memory_space<vmem>>[vector<16xi32>], vector<16xf32>,
        %swap3A_249 = arith.index_cast %add3A_243 : i32 to index
        %swap3A_250 = tpu.vector_load %arg9[%swap3A_249] {strides = array<i32>} : memref<4096xf32, #tpu.memory_space<vmem>>, vector<16xf32>,
        tpu.vector_store %arg9[%swap3A_249], %gather3A_248 {strides = array<i32>} : memref<4096xf32, #tpu.memory_space<vmem>>, vector<16xf32>,
        %mul3A_251 = arith.constant 256 : i32
        %mul3A_252 = arith.muli %scan3A_220, %mul3A_251 : i32
        %add3A_253 = arith.constant 48 : i32
        %add3A_254 = arith.addi %mul3A_252, %add3A_253 : i32
        %add3A_255 = arith.constant 8192 : i32
        %add3A_256 = arith.addi %add3A_255, %add3A_254 : i32
        %get3A_257 = arith.index_cast %add3A_256 : i32 to index
        %get3A_258 = tpu.vector_load %arg7[%get3A_257] {strides = array<i32>} : memref<16384xi32, #tpu.memory_space<vmem>>, vector<16xi32>,
        %gather3A_259 = tpu.vector_load_idx %arg6[%get3A_258] : memref<100096xf32, #tpu.memory_space<vmem>>[vector<16xi32>], vector<16xf32>,
        %swap3A_260 = arith.index_cast %add3A_254 : i32 to index
        %swap3A_261 = tpu.vector_load %arg9[%swap3A_260] {strides = array<i32>} : memref<4096xf32, #tpu.memory_space<vmem>>, vector<16xf32>,
        tpu.vector_store %arg9[%swap3A_260], %gather3A_259 {strides = array<i32>} : memref<4096xf32, #tpu.memory_space<vmem>>, vector<16xf32>,
        %mul3A_262 = arith.constant 256 : i32
        %mul3A_263 = arith.muli %scan3A_220, %mul3A_262 : i32
        %add3A_264 = arith.constant 64 : i32
        %add3A_265 = arith.addi %mul3A_263, %add3A_264 : i32
        %add3A_266 = arith.constant 8192 : i32
        %add3A_267 = arith.addi %add3A_266, %add3A_265 : i32
        %get3A_268 = arith.index_cast %add3A_267 : i32 to index
        %get3A_269 = tpu.vector_load %arg7[%get3A_268] {strides = array<i32>} : memref<16384xi32, #tpu.memory_space<vmem>>, vector<16xi32>,
        %gather3A_270 = tpu.vector_load_idx %arg6[%get3A_269] : memref<100096xf32, #tpu.memory_space<vmem>>[vector<16xi32>], vector<16xf32>,
        %swap3A_271 = arith.index_cast %add3A_265 : i32 to index
        %swap3A_272 = tpu.vector_load %arg9[%swap3A_271] {strides = array<i32>} : memref<4096xf32, #tpu.memory_space<vmem>>, vector<16xf32>,
        tpu.vector_store %arg9[%swap3A_271], %gather3A_270 {strides = array<i32>} : memref<4096xf32, #tpu.memory_space<vmem>>, vector<16xf32>,
        %mul3A_273 = arith.constant 256 : i32
        %mul3A_274 = arith.muli %scan3A_220, %mul3A_273 : i32
        %add3A_275 = arith.constant 80 : i32
        %add3A_276 = arith.addi %mul3A_274, %add3A_275 : i32
        %add3A_277 = arith.constant 8192 : i32
        %add3A_278 = arith.addi %add3A_277, %add3A_276 : i32
        %get3A_279 = arith.index_cast %add3A_278 : i32 to index
        %get3A_280 = tpu.vector_load %arg7[%get3A_279] {strides = array<i32>} : memref<16384xi32, #tpu.memory_space<vmem>>, vector<16xi32>,
        %gather3A_281 = tpu.vector_load_idx %arg6[%get3A_280] : memref<100096xf32, #tpu.memory_space<vmem>>[vector<16xi32>], vector<16xf32>,
        %swap3A_282 = arith.index_cast %add3A_276 : i32 to index
        %swap3A_283 = tpu.vector_load %arg9[%swap3A_282] {strides = array<i32>} : memref<4096xf32, #tpu.memory_space<vmem>>, vector<16xf32>,
        tpu.vector_store %arg9[%swap3A_282], %gather3A_281 {strides = array<i32>} : memref<4096xf32, #tpu.memory_space<vmem>>, vector<16xf32>,
        %mul3A_284 = arith.constant 256 : i32
        %mul3A_285 = arith.muli %scan3A_220, %mul3A_284 : i32
        %add3A_286 = arith.constant 96 : i32
        %add3A_287 = arith.addi %mul3A_285, %add3A_286 : i32
        %add3A_288 = arith.constant 8192 : i32
        %add3A_289 = arith.addi %add3A_288, %add3A_287 : i32
        %get3A_290 = arith.index_cast %add3A_289 : i32 to index
        %get3A_291 = tpu.vector_load %arg7[%get3A_290] {strides = array<i32>} : memref<16384xi32, #tpu.memory_space<vmem>>, vector<16xi32>,
        %gather3A_292 = tpu.vector_load_idx %arg6[%get3A_291] : memref<100096xf32, #tpu.memory_space<vmem>>[vector<16xi32>], vector<16xf32>,
        %swap3A_293 = arith.index_cast %add3A_287 : i32 to index
        %swap3A_294 = tpu.vector_load %arg9[%swap3A_293] {strides = array<i32>} : memref<4096xf32, #tpu.memory_space<vmem>>, vector<16xf32>,
        tpu.vector_store %arg9[%swap3A_293], %gather3A_292 {strides = array<i32>} : memref<4096xf32, #tpu.memory_space<vmem>>, vector<16xf32>,
        %mul3A_295 = arith.constant 256 : i32
        %mul3A_296 = arith.muli %scan3A_220, %mul3A_295 : i32
        %add3A_297 = arith.constant 112 : i32
        %add3A_298 = arith.addi %mul3A_296, %add3A_297 : i32
        %add3A_299 = arith.constant 8192 : i32
        %add3A_300 = arith.addi %add3A_299, %add3A_298 : i32
        %get3A_301 = arith.index_cast %add3A_300 : i32 to index
        %get3A_302 = tpu.vector_load %arg7[%get3A_301] {strides = array<i32>} : memref<16384xi32, #tpu.memory_space<vmem>>, vector<16xi32>,
        %gather3A_303 = tpu.vector_load_idx %arg6[%get3A_302] : memref<100096xf32, #tpu.memory_space<vmem>>[vector<16xi32>], vector<16xf32>,
        %swap3A_304 = arith.index_cast %add3A_298 : i32 to index
        %swap3A_305 = tpu.vector_load %arg9[%swap3A_304] {strides = array<i32>} : memref<4096xf32, #tpu.memory_space<vmem>>, vector<16xf32>,
        tpu.vector_store %arg9[%swap3A_304], %gather3A_303 {strides = array<i32>} : memref<4096xf32, #tpu.memory_space<vmem>>, vector<16xf32>,
        %mul3A_306 = arith.constant 256 : i32
        %mul3A_307 = arith.muli %scan3A_220, %mul3A_306 : i32
        %add3A_308 = arith.constant 128 : i32
        %add3A_309 = arith.addi %mul3A_307, %add3A_308 : i32
        %add3A_310 = arith.constant 8192 : i32
        %add3A_311 = arith.addi %add3A_310, %add3A_309 : i32
        %get3A_312 = arith.index_cast %add3A_311 : i32 to index
        %get3A_313 = tpu.vector_load %arg7[%get3A_312] {strides = array<i32>} : memref<16384xi32, #tpu.memory_space<vmem>>, vector<16xi32>,
        %gather3A_314 = tpu.vector_load_idx %arg6[%get3A_313] : memref<100096xf32, #tpu.memory_space<vmem>>[vector<16xi32>], vector<16xf32>,
        %swap3A_315 = arith.index_cast %add3A_309 : i32 to index
        %swap3A_316 = tpu.vector_load %arg9[%swap3A_315] {strides = array<i32>} : memref<4096xf32, #tpu.memory_space<vmem>>, vector<16xf32>,
        tpu.vector_store %arg9[%swap3A_315], %gather3A_314 {strides = array<i32>} : memref<4096xf32, #tpu.memory_space<vmem>>, vector<16xf32>,
        %mul3A_317 = arith.constant 256 : i32
        %mul3A_318 = arith.muli %scan3A_220, %mul3A_317 : i32
        %add3A_319 = arith.constant 144 : i32
        %add3A_320 = arith.addi %mul3A_318, %add3A_319 : i32
        %add3A_321 = arith.constant 8192 : i32
        %add3A_322 = arith.addi %add3A_321, %add3A_320 : i32
        %get3A_323 = arith.index_cast %add3A_322 : i32 to index
        %get3A_324 = tpu.vector_load %arg7[%get3A_323] {strides = array<i32>} : memref<16384xi32, #tpu.memory_space<vmem>>, vector<16xi32>,
        %gather3A_325 = tpu.vector_load_idx %arg6[%get3A_324] : memref<100096xf32, #tpu.memory_space<vmem>>[vector<16xi32>], vector<16xf32>,
        %swap3A_326 = arith.index_cast %add3A_320 : i32 to index
        %swap3A_327 = tpu.vector_load %arg9[%swap3A_326] {strides = array<i32>} : memref<4096xf32, #tpu.memory_space<vmem>>, vector<16xf32>,
        tpu.vector_store %arg9[%swap3A_326], %gather3A_325 {strides = array<i32>} : memref<4096xf32, #tpu.memory_space<vmem>>, vector<16xf32>,
        %mul3A_328 = arith.constant 256 : i32
        %mul3A_329 = arith.muli %scan3A_220, %mul3A_328 : i32
        %add3A_330 = arith.constant 160 : i32
        %add3A_331 = arith.addi %mul3A_329, %add3A_330 : i32
        %add3A_332 = arith.constant 8192 : i32
        %add3A_333 = arith.addi %add3A_332, %add3A_331 : i32
        %get3A_334 = arith.index_cast %add3A_333 : i32 to index
        %get3A_335 = tpu.vector_load %arg7[%get3A_334] {strides = array<i32>} : memref<16384xi32, #tpu.memory_space<vmem>>, vector<16xi32>,
        %gather3A_336 = tpu.vector_load_idx %arg6[%get3A_335] : memref<100096xf32, #tpu.memory_space<vmem>>[vector<16xi32>], vector<16xf32>,
        %swap3A_337 = arith.index_cast %add3A_331 : i32 to index
        %swap3A_338 = tpu.vector_load %arg9[%swap3A_337] {strides = array<i32>} : memref<4096xf32, #tpu.memory_space<vmem>>, vector<16xf32>,
        tpu.vector_store %arg9[%swap3A_337], %gather3A_336 {strides = array<i32>} : memref<4096xf32, #tpu.memory_space<vmem>>, vector<16xf32>,
        %mul3A_339 = arith.constant 256 : i32
        %mul3A_340 = arith.muli %scan3A_220, %mul3A_339 : i32
        %add3A_341 = arith.constant 176 : i32
        %add3A_342 = arith.addi %mul3A_340, %add3A_341 : i32
        %add3A_343 = arith.constant 8192 : i32
        %add3A_344 = arith.addi %add3A_343, %add3A_342 : i32
        %get3A_345 = arith.index_cast %add3A_344 : i32 to index
        %get3A_346 = tpu.vector_load %arg7[%get3A_345] {strides = array<i32>} : memref<16384xi32, #tpu.memory_space<vmem>>, vector<16xi32>,
        %gather3A_347 = tpu.vector_load_idx %arg6[%get3A_346] : memref<100096xf32, #tpu.memory_space<vmem>>[vector<16xi32>], vector<16xf32>,
        %swap3A_348 = arith.index_cast %add3A_342 : i32 to index
        %swap3A_349 = tpu.vector_load %arg9[%swap3A_348] {strides = array<i32>} : memref<4096xf32, #tpu.memory_space<vmem>>, vector<16xf32>,
        tpu.vector_store %arg9[%swap3A_348], %gather3A_347 {strides = array<i32>} : memref<4096xf32, #tpu.memory_space<vmem>>, vector<16xf32>,
        %mul3A_350 = arith.constant 256 : i32
        %mul3A_351 = arith.muli %scan3A_220, %mul3A_350 : i32
        %add3A_352 = arith.constant 192 : i32
        %add3A_353 = arith.addi %mul3A_351, %add3A_352 : i32
        %add3A_354 = arith.constant 8192 : i32
        %add3A_355 = arith.addi %add3A_354, %add3A_353 : i32
        %get3A_356 = arith.index_cast %add3A_355 : i32 to index
        %get3A_357 = tpu.vector_load %arg7[%get3A_356] {strides = array<i32>} : memref<16384xi32, #tpu.memory_space<vmem>>, vector<16xi32>,
        %gather3A_358 = tpu.vector_load_idx %arg6[%get3A_357] : memref<100096xf32, #tpu.memory_space<vmem>>[vector<16xi32>], vector<16xf32>,
        %swap3A_359 = arith.index_cast %add3A_353 : i32 to index
        %swap3A_360 = tpu.vector_load %arg9[%swap3A_359] {strides = array<i32>} : memref<4096xf32, #tpu.memory_space<vmem>>, vector<16xf32>,
        tpu.vector_store %arg9[%swap3A_359], %gather3A_358 {strides = array<i32>} : memref<4096xf32, #tpu.memory_space<vmem>>, vector<16xf32>,
        %mul3A_361 = arith.constant 256 : i32
        %mul3A_362 = arith.muli %scan3A_220, %mul3A_361 : i32
        %add3A_363 = arith.constant 208 : i32
        %add3A_364 = arith.addi %mul3A_362, %add3A_363 : i32
        %add3A_365 = arith.constant 8192 : i32
        %add3A_366 = arith.addi %add3A_365, %add3A_364 : i32
        %get3A_367 = arith.index_cast %add3A_366 : i32 to index
        %get3A_368 = tpu.vector_load %arg7[%get3A_367] {strides = array<i32>} : memref<16384xi32, #tpu.memory_space<vmem>>, vector<16xi32>,
        %gather3A_369 = tpu.vector_load_idx %arg6[%get3A_368] : memref<100096xf32, #tpu.memory_space<vmem>>[vector<16xi32>], vector<16xf32>,
        %swap3A_370 = arith.index_cast %add3A_364 : i32 to index
        %swap3A_371 = tpu.vector_load %arg9[%swap3A_370] {strides = array<i32>} : memref<4096xf32, #tpu.memory_space<vmem>>, vector<16xf32>,
        tpu.vector_store %arg9[%swap3A_370], %gather3A_369 {strides = array<i32>} : memref<4096xf32, #tpu.memory_space<vmem>>, vector<16xf32>,
        %mul3A_372 = arith.constant 256 : i32
        %mul3A_373 = arith.muli %scan3A_220, %mul3A_372 : i32
        %add3A_374 = arith.constant 224 : i32
        %add3A_375 = arith.addi %mul3A_373, %add3A_374 : i32
        %add3A_376 = arith.constant 8192 : i32
        %add3A_377 = arith.addi %add3A_376, %add3A_375 : i32
        %get3A_378 = arith.index_cast %add3A_377 : i32 to index
        %get3A_379 = tpu.vector_load %arg7[%get3A_378] {strides = array<i32>} : memref<16384xi32, #tpu.memory_space<vmem>>, vector<16xi32>,
        %gather3A_380 = tpu.vector_load_idx %arg6[%get3A_379] : memref<100096xf32, #tpu.memory_space<vmem>>[vector<16xi32>], vector<16xf32>,
        %swap3A_381 = arith.index_cast %add3A_375 : i32 to index
        %swap3A_382 = tpu.vector_load %arg9[%swap3A_381] {strides = array<i32>} : memref<4096xf32, #tpu.memory_space<vmem>>, vector<16xf32>,
        tpu.vector_store %arg9[%swap3A_381], %gather3A_380 {strides = array<i32>} : memref<4096xf32, #tpu.memory_space<vmem>>, vector<16xf32>,
        %mul3A_383 = arith.constant 256 : i32
        %mul3A_384 = arith.muli %scan3A_220, %mul3A_383 : i32
        %add3A_385 = arith.constant 240 : i32
        %add3A_386 = arith.addi %mul3A_384, %add3A_385 : i32
        %add3A_387 = arith.constant 8192 : i32
        %add3A_388 = arith.addi %add3A_387, %add3A_386 : i32
        %get3A_389 = arith.index_cast %add3A_388 : i32 to index
        %get3A_390 = tpu.vector_load %arg7[%get3A_389] {strides = array<i32>} : memref<16384xi32, #tpu.memory_space<vmem>>, vector<16xi32>,
        %gather3A_391 = tpu.vector_load_idx %arg6[%get3A_390] : memref<100096xf32, #tpu.memory_space<vmem>>[vector<16xi32>], vector<16xf32>,
        %swap3A_392 = arith.index_cast %add3A_386 : i32 to index
        %swap3A_393 = tpu.vector_load %arg9[%swap3A_392] {strides = array<i32>} : memref<4096xf32, #tpu.memory_space<vmem>>, vector<16xf32>,
        tpu.vector_store %arg9[%swap3A_392], %gather3A_391 {strides = array<i32>} : memref<4096xf32, #tpu.memory_space<vmem>>, vector<16xf32>,
      }
      %scan3A_183 = arith.constant 16 : i32
      %dma_start3A_184 = arith.constant 8192 : i32
      %dma_start3A_185 = tpu.memref_slice %arg5[%add3A_11, %dma_start3A_184] : memref<845x16384xf32, #tpu.memory_space<hbm>> -> memref<1x4096xf32, #tpu.memory_space<hbm>>
      %dma_start3A_186 = tpu.memref_squeeze %dma_start3A_185 : memref<1x4096xf32, #tpu.memory_space<hbm>> -> memref<4096xf32, #tpu.memory_space<hbm>>
      %dma_start3A_187 = arith.constant 8192 : i32
      %dma_start3A_188 = tpu.memref_slice %arg5[%add3A_11, %dma_start3A_187] : memref<845x16384xf32, #tpu.memory_space<hbm>> -> memref<1x4096xf32, #tpu.memory_space<hbm>>
      %dma_start3A_189 = tpu.memref_squeeze %dma_start3A_188 : memref<1x4096xf32, #tpu.memory_space<hbm>> -> memref<4096xf32, #tpu.memory_space<hbm>>
      tpu.enqueue_dma source(%arg9 : memref<4096xf32, #tpu.memory_space<vmem>>) target(%dma_start3A_189 : memref<4096xf32, #tpu.memory_space<hbm>>) target_semaphore(%arg12 : memref<!tpu.dma_semaphore, #tpu.memory_space<semaphore_mem>>)
      %dma_wait3A_190 = arith.constant 4096 : i32
      %dma_wait3A_191 = tpu.memref_slice %arg5[%add3A_11, %dma_wait3A_190] : memref<845x16384xf32, #tpu.memory_space<hbm>> -> memref<1x4096xf32, #tpu.memory_space<hbm>>
      %dma_wait3A_192 = tpu.memref_squeeze %dma_wait3A_191 : memref<1x4096xf32, #tpu.memory_space<hbm>> -> memref<4096xf32, #tpu.memory_space<hbm>>
      %dma_wait3A_193 = arith.constant 4096 : i32
      %dma_wait3A_194 = tpu.memref_slice %arg5[%add3A_11, %dma_wait3A_193] : memref<845x16384xf32, #tpu.memory_space<hbm>> -> memref<1x4096xf32, #tpu.memory_space<hbm>>
      %dma_wait3A_195 = tpu.memref_squeeze %dma_wait3A_194 : memref<1x4096xf32, #tpu.memory_space<hbm>> -> memref<4096xf32, #tpu.memory_space<hbm>>
      tpu.wait_dma2 semaphore(%arg12 : memref<!tpu.dma_semaphore, #tpu.memory_space<semaphore_mem>>) src(%arg10 : memref<4096xf32, #tpu.memory_space<vmem>>) dst(%dma_wait3A_195 : memref<4096xf32, #tpu.memory_space<hbm>>)
      %scan3A_196 = arith.constant 0 : i32
      %scan3A_197 = arith.constant 0 : i32
      %scan3A_198 = arith.constant 16 : i32
      %scan3A_199 = arith.addi %scan3A_197, %scan3A_198 : i32
      %scan3A_200 = arith.constant 1 : i32
      scf.for %scan3A_220 = %scan3A_197 to %scan3A_199 step %scan3A_200  : i32 {
        %mul3A_221 = arith.constant 256 : i32
        %mul3A_222 = arith.muli %scan3A_220, %mul3A_221 : i32
        %add3A_223 = arith.constant 0 : i32
        %add3A_224 = arith.addi %mul3A_222, %add3A_223 : i32
        %add3A_225 = arith.constant 12288 : i32
        %add3A_226 = arith.addi %add3A_225, %add3A_224 : i32
        %get3A = arith.index_cast %add3A_226 : i32 to index
        %get3A_227 = tpu.vector_load %arg7[%get3A] {strides = array<i32>} : memref<16384xi32, #tpu.memory_space<vmem>>, vector<16xi32>,
        %gather3A = tpu.vector_load_idx %arg6[%get3A_227] : memref<100096xf32, #tpu.memory_space<vmem>>[vector<16xi32>], vector<16xf32>,
        %swap3A = arith.index_cast %add3A_224 : i32 to index
        %swap3A_228 = tpu.vector_load %arg10[%swap3A] {strides = array<i32>} : memref<4096xf32, #tpu.memory_space<vmem>>, vector<16xf32>,
        tpu.vector_store %arg10[%swap3A], %gather3A {strides = array<i32>} : memref<4096xf32, #tpu.memory_space<vmem>>, vector<16xf32>,
        %mul3A_229 = arith.constant 256 : i32
        %mul3A_230 = arith.muli %scan3A_220, %mul3A_229 : i32
        %add3A_231 = arith.constant 16 : i32
        %add3A_232 = arith.addi %mul3A_230, %add3A_231 : i32
        %add3A_233 = arith.constant 12288 : i32
        %add3A_234 = arith.addi %add3A_233, %add3A_232 : i32
        %get3A_235 = arith.index_cast %add3A_234 : i32 to index
        %get3A_236 = tpu.vector_load %arg7[%get3A_235] {strides = array<i32>} : memref<16384xi32, #tpu.memory_space<vmem>>, vector<16xi32>,
        %gather3A_237 = tpu.vector_load_idx %arg6[%get3A_236] : memref<100096xf32, #tpu.memory_space<vmem>>[vector<16xi32>], vector<16xf32>,
        %swap3A_238 = arith.index_cast %add3A_232 : i32 to index
        %swap3A_239 = tpu.vector_load %arg10[%swap3A_238] {strides = array<i32>} : memref<4096xf32, #tpu.memory_space<vmem>>, vector<16xf32>,
        tpu.vector_store %arg10[%swap3A_238], %gather3A_237 {strides = array<i32>} : memref<4096xf32, #tpu.memory_space<vmem>>, vector<16xf32>,
        %mul3A_240 = arith.constant 256 : i32
        %mul3A_241 = arith.muli %scan3A_220, %mul3A_240 : i32
        %add3A_242 = arith.constant 32 : i32
        %add3A_243 = arith.addi %mul3A_241, %add3A_242 : i32
        %add3A_244 = arith.constant 12288 : i32
        %add3A_245 = arith.addi %add3A_244, %add3A_243 : i32
        %get3A_246 = arith.index_cast %add3A_245 : i32 to index
        %get3A_247 = tpu.vector_load %arg7[%get3A_246] {strides = array<i32>} : memref<16384xi32, #tpu.memory_space<vmem>>, vector<16xi32>,
        %gather3A_248 = tpu.vector_load_idx %arg6[%get3A_247] : memref<100096xf32, #tpu.memory_space<vmem>>[vector<16xi32>], vector<16xf32>,
        %swap3A_249 = arith.index_cast %add3A_243 : i32 to index
        %swap3A_250 = tpu.vector_load %arg10[%swap3A_249] {strides = array<i32>} : memref<4096xf32, #tpu.memory_space<vmem>>, vector<16xf32>,
        tpu.vector_store %arg10[%swap3A_249], %gather3A_248 {strides = array<i32>} : memref<4096xf32, #tpu.memory_space<vmem>>, vector<16xf32>,
        %mul3A_251 = arith.constant 256 : i32
        %mul3A_252 = arith.muli %scan3A_220, %mul3A_251 : i32
        %add3A_253 = arith.constant 48 : i32
        %add3A_254 = arith.addi %mul3A_252, %add3A_253 : i32
        %add3A_255 = arith.constant 12288 : i32
        %add3A_256 = arith.addi %add3A_255, %add3A_254 : i32
        %get3A_257 = arith.index_cast %add3A_256 : i32 to index
        %get3A_258 = tpu.vector_load %arg7[%get3A_257] {strides = array<i32>} : memref<16384xi32, #tpu.memory_space<vmem>>, vector<16xi32>,
        %gather3A_259 = tpu.vector_load_idx %arg6[%get3A_258] : memref<100096xf32, #tpu.memory_space<vmem>>[vector<16xi32>], vector<16xf32>,
        %swap3A_260 = arith.index_cast %add3A_254 : i32 to index
        %swap3A_261 = tpu.vector_load %arg10[%swap3A_260] {strides = array<i32>} : memref<4096xf32, #tpu.memory_space<vmem>>, vector<16xf32>,
        tpu.vector_store %arg10[%swap3A_260], %gather3A_259 {strides = array<i32>} : memref<4096xf32, #tpu.memory_space<vmem>>, vector<16xf32>,
        %mul3A_262 = arith.constant 256 : i32
        %mul3A_263 = arith.muli %scan3A_220, %mul3A_262 : i32
        %add3A_264 = arith.constant 64 : i32
        %add3A_265 = arith.addi %mul3A_263, %add3A_264 : i32
        %add3A_266 = arith.constant 12288 : i32
        %add3A_267 = arith.addi %add3A_266, %add3A_265 : i32
        %get3A_268 = arith.index_cast %add3A_267 : i32 to index
        %get3A_269 = tpu.vector_load %arg7[%get3A_268] {strides = array<i32>} : memref<16384xi32, #tpu.memory_space<vmem>>, vector<16xi32>,
        %gather3A_270 = tpu.vector_load_idx %arg6[%get3A_269] : memref<100096xf32, #tpu.memory_space<vmem>>[vector<16xi32>], vector<16xf32>,
        %swap3A_271 = arith.index_cast %add3A_265 : i32 to index
        %swap3A_272 = tpu.vector_load %arg10[%swap3A_271] {strides = array<i32>} : memref<4096xf32, #tpu.memory_space<vmem>>, vector<16xf32>,
        tpu.vector_store %arg10[%swap3A_271], %gather3A_270 {strides = array<i32>} : memref<4096xf32, #tpu.memory_space<vmem>>, vector<16xf32>,
        %mul3A_273 = arith.constant 256 : i32
        %mul3A_274 = arith.muli %scan3A_220, %mul3A_273 : i32
        %add3A_275 = arith.constant 80 : i32
        %add3A_276 = arith.addi %mul3A_274, %add3A_275 : i32
        %add3A_277 = arith.constant 12288 : i32
        %add3A_278 = arith.addi %add3A_277, %add3A_276 : i32
        %get3A_279 = arith.index_cast %add3A_278 : i32 to index
        %get3A_280 = tpu.vector_load %arg7[%get3A_279] {strides = array<i32>} : memref<16384xi32, #tpu.memory_space<vmem>>, vector<16xi32>,
        %gather3A_281 = tpu.vector_load_idx %arg6[%get3A_280] : memref<100096xf32, #tpu.memory_space<vmem>>[vector<16xi32>], vector<16xf32>,
        %swap3A_282 = arith.index_cast %add3A_276 : i32 to index
        %swap3A_283 = tpu.vector_load %arg10[%swap3A_282] {strides = array<i32>} : memref<4096xf32, #tpu.memory_space<vmem>>, vector<16xf32>,
        tpu.vector_store %arg10[%swap3A_282], %gather3A_281 {strides = array<i32>} : memref<4096xf32, #tpu.memory_space<vmem>>, vector<16xf32>,
        %mul3A_284 = arith.constant 256 : i32
        %mul3A_285 = arith.muli %scan3A_220, %mul3A_284 : i32
        %add3A_286 = arith.constant 96 : i32
        %add3A_287 = arith.addi %mul3A_285, %add3A_286 : i32
        %add3A_288 = arith.constant 12288 : i32
        %add3A_289 = arith.addi %add3A_288, %add3A_287 : i32
        %get3A_290 = arith.index_cast %add3A_289 : i32 to index
        %get3A_291 = tpu.vector_load %arg7[%get3A_290] {strides = array<i32>} : memref<16384xi32, #tpu.memory_space<vmem>>, vector<16xi32>,
        %gather3A_292 = tpu.vector_load_idx %arg6[%get3A_291] : memref<100096xf32, #tpu.memory_space<vmem>>[vector<16xi32>], vector<16xf32>,
        %swap3A_293 = arith.index_cast %add3A_287 : i32 to index
        %swap3A_294 = tpu.vector_load %arg10[%swap3A_293] {strides = array<i32>} : memref<4096xf32, #tpu.memory_space<vmem>>, vector<16xf32>,
        tpu.vector_store %arg10[%swap3A_293], %gather3A_292 {strides = array<i32>} : memref<4096xf32, #tpu.memory_space<vmem>>, vector<16xf32>,
        %mul3A_295 = arith.constant 256 : i32
        %mul3A_296 = arith.muli %scan3A_220, %mul3A_295 : i32
        %add3A_297 = arith.constant 112 : i32
        %add3A_298 = arith.addi %mul3A_296, %add3A_297 : i32
        %add3A_299 = arith.constant 12288 : i32
        %add3A_300 = arith.addi %add3A_299, %add3A_298 : i32
        %get3A_301 = arith.index_cast %add3A_300 : i32 to index
        %get3A_302 = tpu.vector_load %arg7[%get3A_301] {strides = array<i32>} : memref<16384xi32, #tpu.memory_space<vmem>>, vector<16xi32>,
        %gather3A_303 = tpu.vector_load_idx %arg6[%get3A_302] : memref<100096xf32, #tpu.memory_space<vmem>>[vector<16xi32>], vector<16xf32>,
        %swap3A_304 = arith.index_cast %add3A_298 : i32 to index
        %swap3A_305 = tpu.vector_load %arg10[%swap3A_304] {strides = array<i32>} : memref<4096xf32, #tpu.memory_space<vmem>>, vector<16xf32>,
        tpu.vector_store %arg10[%swap3A_304], %gather3A_303 {strides = array<i32>} : memref<4096xf32, #tpu.memory_space<vmem>>, vector<16xf32>,
        %mul3A_306 = arith.constant 256 : i32
        %mul3A_307 = arith.muli %scan3A_220, %mul3A_306 : i32
        %add3A_308 = arith.constant 128 : i32
        %add3A_309 = arith.addi %mul3A_307, %add3A_308 : i32
        %add3A_310 = arith.constant 12288 : i32
        %add3A_311 = arith.addi %add3A_310, %add3A_309 : i32
        %get3A_312 = arith.index_cast %add3A_311 : i32 to index
        %get3A_313 = tpu.vector_load %arg7[%get3A_312] {strides = array<i32>} : memref<16384xi32, #tpu.memory_space<vmem>>, vector<16xi32>,
        %gather3A_314 = tpu.vector_load_idx %arg6[%get3A_313] : memref<100096xf32, #tpu.memory_space<vmem>>[vector<16xi32>], vector<16xf32>,
        %swap3A_315 = arith.index_cast %add3A_309 : i32 to index
        %swap3A_316 = tpu.vector_load %arg10[%swap3A_315] {strides = array<i32>} : memref<4096xf32, #tpu.memory_space<vmem>>, vector<16xf32>,
        tpu.vector_store %arg10[%swap3A_315], %gather3A_314 {strides = array<i32>} : memref<4096xf32, #tpu.memory_space<vmem>>, vector<16xf32>,
        %mul3A_317 = arith.constant 256 : i32
        %mul3A_318 = arith.muli %scan3A_220, %mul3A_317 : i32
        %add3A_319 = arith.constant 144 : i32
        %add3A_320 = arith.addi %mul3A_318, %add3A_319 : i32
        %add3A_321 = arith.constant 12288 : i32
        %add3A_322 = arith.addi %add3A_321, %add3A_320 : i32
        %get3A_323 = arith.index_cast %add3A_322 : i32 to index
        %get3A_324 = tpu.vector_load %arg7[%get3A_323] {strides = array<i32>} : memref<16384xi32, #tpu.memory_space<vmem>>, vector<16xi32>,
        %gather3A_325 = tpu.vector_load_idx %arg6[%get3A_324] : memref<100096xf32, #tpu.memory_space<vmem>>[vector<16xi32>], vector<16xf32>,
        %swap3A_326 = arith.index_cast %add3A_320 : i32 to index
        %swap3A_327 = tpu.vector_load %arg10[%swap3A_326] {strides = array<i32>} : memref<4096xf32, #tpu.memory_space<vmem>>, vector<16xf32>,
        tpu.vector_store %arg10[%swap3A_326], %gather3A_325 {strides = array<i32>} : memref<4096xf32, #tpu.memory_space<vmem>>, vector<16xf32>,
        %mul3A_328 = arith.constant 256 : i32
        %mul3A_329 = arith.muli %scan3A_220, %mul3A_328 : i32
        %add3A_330 = arith.constant 160 : i32
        %add3A_331 = arith.addi %mul3A_329, %add3A_330 : i32
        %add3A_332 = arith.constant 12288 : i32
        %add3A_333 = arith.addi %add3A_332, %add3A_331 : i32
        %get3A_334 = arith.index_cast %add3A_333 : i32 to index
        %get3A_335 = tpu.vector_load %arg7[%get3A_334] {strides = array<i32>} : memref<16384xi32, #tpu.memory_space<vmem>>, vector<16xi32>,
        %gather3A_336 = tpu.vector_load_idx %arg6[%get3A_335] : memref<100096xf32, #tpu.memory_space<vmem>>[vector<16xi32>], vector<16xf32>,
        %swap3A_337 = arith.index_cast %add3A_331 : i32 to index
        %swap3A_338 = tpu.vector_load %arg10[%swap3A_337] {strides = array<i32>} : memref<4096xf32, #tpu.memory_space<vmem>>, vector<16xf32>,
        tpu.vector_store %arg10[%swap3A_337], %gather3A_336 {strides = array<i32>} : memref<4096xf32, #tpu.memory_space<vmem>>, vector<16xf32>,
        %mul3A_339 = arith.constant 256 : i32
        %mul3A_340 = arith.muli %scan3A_220, %mul3A_339 : i32
        %add3A_341 = arith.constant 176 : i32
        %add3A_342 = arith.addi %mul3A_340, %add3A_341 : i32
        %add3A_343 = arith.constant 12288 : i32
        %add3A_344 = arith.addi %add3A_343, %add3A_342 : i32
        %get3A_345 = arith.index_cast %add3A_344 : i32 to index
        %get3A_346 = tpu.vector_load %arg7[%get3A_345] {strides = array<i32>} : memref<16384xi32, #tpu.memory_space<vmem>>, vector<16xi32>,
        %gather3A_347 = tpu.vector_load_idx %arg6[%get3A_346] : memref<100096xf32, #tpu.memory_space<vmem>>[vector<16xi32>], vector<16xf32>,
        %swap3A_348 = arith.index_cast %add3A_342 : i32 to index
        %swap3A_349 = tpu.vector_load %arg10[%swap3A_348] {strides = array<i32>} : memref<4096xf32, #tpu.memory_space<vmem>>, vector<16xf32>,
        tpu.vector_store %arg10[%swap3A_348], %gather3A_347 {strides = array<i32>} : memref<4096xf32, #tpu.memory_space<vmem>>, vector<16xf32>,
        %mul3A_350 = arith.constant 256 : i32
        %mul3A_351 = arith.muli %scan3A_220, %mul3A_350 : i32
        %add3A_352 = arith.constant 192 : i32
        %add3A_353 = arith.addi %mul3A_351, %add3A_352 : i32
        %add3A_354 = arith.constant 12288 : i32
        %add3A_355 = arith.addi %add3A_354, %add3A_353 : i32
        %get3A_356 = arith.index_cast %add3A_355 : i32 to index
        %get3A_357 = tpu.vector_load %arg7[%get3A_356] {strides = array<i32>} : memref<16384xi32, #tpu.memory_space<vmem>>, vector<16xi32>,
        %gather3A_358 = tpu.vector_load_idx %arg6[%get3A_357] : memref<100096xf32, #tpu.memory_space<vmem>>[vector<16xi32>], vector<16xf32>,
        %swap3A_359 = arith.index_cast %add3A_353 : i32 to index
        %swap3A_360 = tpu.vector_load %arg10[%swap3A_359] {strides = array<i32>} : memref<4096xf32, #tpu.memory_space<vmem>>, vector<16xf32>,
        tpu.vector_store %arg10[%swap3A_359], %gather3A_358 {strides = array<i32>} : memref<4096xf32, #tpu.memory_space<vmem>>, vector<16xf32>,
        %mul3A_361 = arith.constant 256 : i32
        %mul3A_362 = arith.muli %scan3A_220, %mul3A_361 : i32
        %add3A_363 = arith.constant 208 : i32
        %add3A_364 = arith.addi %mul3A_362, %add3A_363 : i32
        %add3A_365 = arith.constant 12288 : i32
        %add3A_366 = arith.addi %add3A_365, %add3A_364 : i32
        %get3A_367 = arith.index_cast %add3A_366 : i32 to index
        %get3A_368 = tpu.vector_load %arg7[%get3A_367] {strides = array<i32>} : memref<16384xi32, #tpu.memory_space<vmem>>, vector<16xi32>,
        %gather3A_369 = tpu.vector_load_idx %arg6[%get3A_368] : memref<100096xf32, #tpu.memory_space<vmem>>[vector<16xi32>], vector<16xf32>,
        %swap3A_370 = arith.index_cast %add3A_364 : i32 to index
        %swap3A_371 = tpu.vector_load %arg10[%swap3A_370] {strides = array<i32>} : memref<4096xf32, #tpu.memory_space<vmem>>, vector<16xf32>,
        tpu.vector_store %arg10[%swap3A_370], %gather3A_369 {strides = array<i32>} : memref<4096xf32, #tpu.memory_space<vmem>>, vector<16xf32>,
        %mul3A_372 = arith.constant 256 : i32
        %mul3A_373 = arith.muli %scan3A_220, %mul3A_372 : i32
        %add3A_374 = arith.constant 224 : i32
        %add3A_375 = arith.addi %mul3A_373, %add3A_374 : i32
        %add3A_376 = arith.constant 12288 : i32
        %add3A_377 = arith.addi %add3A_376, %add3A_375 : i32
        %get3A_378 = arith.index_cast %add3A_377 : i32 to index
        %get3A_379 = tpu.vector_load %arg7[%get3A_378] {strides = array<i32>} : memref<16384xi32, #tpu.memory_space<vmem>>, vector<16xi32>,
        %gather3A_380 = tpu.vector_load_idx %arg6[%get3A_379] : memref<100096xf32, #tpu.memory_space<vmem>>[vector<16xi32>], vector<16xf32>,
        %swap3A_381 = arith.index_cast %add3A_375 : i32 to index
        %swap3A_382 = tpu.vector_load %arg10[%swap3A_381] {strides = array<i32>} : memref<4096xf32, #tpu.memory_space<vmem>>, vector<16xf32>,
        tpu.vector_store %arg10[%swap3A_381], %gather3A_380 {strides = array<i32>} : memref<4096xf32, #tpu.memory_space<vmem>>, vector<16xf32>,
        %mul3A_383 = arith.constant 256 : i32
        %mul3A_384 = arith.muli %scan3A_220, %mul3A_383 : i32
        %add3A_385 = arith.constant 240 : i32
        %add3A_386 = arith.addi %mul3A_384, %add3A_385 : i32
        %add3A_387 = arith.constant 12288 : i32
        %add3A_388 = arith.addi %add3A_387, %add3A_386 : i32
        %get3A_389 = arith.index_cast %add3A_388 : i32 to index
        %get3A_390 = tpu.vector_load %arg7[%get3A_389] {strides = array<i32>} : memref<16384xi32, #tpu.memory_space<vmem>>, vector<16xi32>,
        %gather3A_391 = tpu.vector_load_idx %arg6[%get3A_390] : memref<100096xf32, #tpu.memory_space<vmem>>[vector<16xi32>], vector<16xf32>,
        %swap3A_392 = arith.index_cast %add3A_386 : i32 to index
        %swap3A_393 = tpu.vector_load %arg10[%swap3A_392] {strides = array<i32>} : memref<4096xf32, #tpu.memory_space<vmem>>, vector<16xf32>,
        tpu.vector_store %arg10[%swap3A_392], %gather3A_391 {strides = array<i32>} : memref<4096xf32, #tpu.memory_space<vmem>>, vector<16xf32>,
      }
      %scan3A_201 = arith.constant 16 : i32
      %dma_start3A_202 = arith.constant 12288 : i32
      %dma_start3A_203 = tpu.memref_slice %arg5[%add3A_11, %dma_start3A_202] : memref<845x16384xf32, #tpu.memory_space<hbm>> -> memref<1x4096xf32, #tpu.memory_space<hbm>>
      %dma_start3A_204 = tpu.memref_squeeze %dma_start3A_203 : memref<1x4096xf32, #tpu.memory_space<hbm>> -> memref<4096xf32, #tpu.memory_space<hbm>>
      %dma_start3A_205 = arith.constant 12288 : i32
      %dma_start3A_206 = tpu.memref_slice %arg5[%add3A_11, %dma_start3A_205] : memref<845x16384xf32, #tpu.memory_space<hbm>> -> memref<1x4096xf32, #tpu.memory_space<hbm>>
      %dma_start3A_207 = tpu.memref_squeeze %dma_start3A_206 : memref<1x4096xf32, #tpu.memory_space<hbm>> -> memref<4096xf32, #tpu.memory_space<hbm>>
      tpu.enqueue_dma source(%arg10 : memref<4096xf32, #tpu.memory_space<vmem>>) target(%dma_start3A_207 : memref<4096xf32, #tpu.memory_space<hbm>>) target_semaphore(%arg12 : memref<!tpu.dma_semaphore, #tpu.memory_space<semaphore_mem>>)
      %dma_wait3A_208 = arith.constant 8192 : i32
      %dma_wait3A_209 = tpu.memref_slice %arg5[%add3A_11, %dma_wait3A_208] : memref<845x16384xf32, #tpu.memory_space<hbm>> -> memref<1x4096xf32, #tpu.memory_space<hbm>>
      %dma_wait3A_210 = tpu.memref_squeeze %dma_wait3A_209 : memref<1x4096xf32, #tpu.memory_space<hbm>> -> memref<4096xf32, #tpu.memory_space<hbm>>
      %dma_wait3A_211 = arith.constant 8192 : i32
      %dma_wait3A_212 = tpu.memref_slice %arg5[%add3A_11, %dma_wait3A_211] : memref<845x16384xf32, #tpu.memory_space<hbm>> -> memref<1x4096xf32, #tpu.memory_space<hbm>>
      %dma_wait3A_213 = tpu.memref_squeeze %dma_wait3A_212 : memref<1x4096xf32, #tpu.memory_space<hbm>> -> memref<4096xf32, #tpu.memory_space<hbm>>
      tpu.wait_dma2 semaphore(%arg12 : memref<!tpu.dma_semaphore, #tpu.memory_space<semaphore_mem>>) src(%arg9 : memref<4096xf32, #tpu.memory_space<vmem>>) dst(%dma_wait3A_213 : memref<4096xf32, #tpu.memory_space<hbm>>)
      %dma_wait3A_214 = arith.constant 12288 : i32
      %dma_wait3A_215 = tpu.memref_slice %arg5[%add3A_11, %dma_wait3A_214] : memref<845x16384xf32, #tpu.memory_space<hbm>> -> memref<1x4096xf32, #tpu.memory_space<hbm>>
      %dma_wait3A_216 = tpu.memref_squeeze %dma_wait3A_215 : memref<1x4096xf32, #tpu.memory_space<hbm>> -> memref<4096xf32, #tpu.memory_space<hbm>>
      %dma_wait3A_217 = arith.constant 12288 : i32
      %dma_wait3A_218 = tpu.memref_slice %arg5[%add3A_11, %dma_wait3A_217] : memref<845x16384xf32, #tpu.memory_space<hbm>> -> memref<1x4096xf32, #tpu.memory_space<hbm>>
      %dma_wait3A_219 = tpu.memref_squeeze %dma_wait3A_218 : memref<1x4096xf32, #tpu.memory_space<hbm>> -> memref<4096xf32, #tpu.memory_space<hbm>>
      tpu.wait_dma2 semaphore(%arg12 : memref<!tpu.dma_semaphore, #tpu.memory_space<semaphore_mem>>) src(%arg10 : memref<4096xf32, #tpu.memory_space<vmem>>) dst(%dma_wait3A_219 : memref<4096xf32, #tpu.memory_space<hbm>>)
    }
    %scan3A_7 = arith.constant 26 : i32
    %lt3A = arith.constant 13 : i32
    %lt3A_8 = arith.cmpi slt, %add3A, %lt3A : i32
    %convert_element_type3A = arith.extui %lt3A_8 : i1 to i32
    %cond3A = arith.constant 0 : i32
    %cond3A_9 = arith.cmpi ne, %convert_element_type3A, %cond3A : i32
    scf.if %cond3A_9 {
      %scan3A_10 = arith.constant 0 : i32
      %scan3A_11 = arith.constant 0 : i32
      %scan3A_12 = arith.constant 4 : i32
      %scan3A_13 = arith.addi %scan3A_11, %scan3A_12 : i32
      %scan3A_14 = arith.constant 1 : i32
      scf.for %scan3A_16 = %scan3A_11 to %scan3A_13 step %scan3A_14  : i32 {
        %add3A_17 = arith.constant 26 : i32
        %add3A_18 = arith.addi %add3A_17, %add3A : i32
        %mul3A_19 = arith.constant 4096 : i32
        %mul3A_20 = arith.muli %scan3A_16, %mul3A_19 : i32
        "tpu.region"() ({
          %run_scoped3A = tpu.sem_alloc : memref<!tpu.dma_semaphore, #tpu.memory_space<semaphore_mem>>
          %dma_start3A = tpu.memref_slice %arg2[%add3A_18, %mul3A_20] : memref<39x16384xf32, #tpu.memory_space<hbm>> -> memref<1x4096xf32, #tpu.memory_space<hbm>>
          %dma_start3A_25 = tpu.memref_squeeze %dma_start3A : memref<1x4096xf32, #tpu.memory_space<hbm>> -> memref<4096xf32, #tpu.memory_space<hbm>>
          %dma_start3A_26 = tpu.memref_slice %arg2[%add3A_18, %mul3A_20] : memref<39x16384xf32, #tpu.memory_space<hbm>> -> memref<1x4096xf32, #tpu.memory_space<hbm>>
          %dma_start3A_27 = tpu.memref_squeeze %dma_start3A_26 : memref<1x4096xf32, #tpu.memory_space<hbm>> -> memref<4096xf32, #tpu.memory_space<hbm>>
          tpu.enqueue_dma source(%dma_start3A_27 : memref<4096xf32, #tpu.memory_space<hbm>>) target(%arg8 : memref<4096xf32, #tpu.memory_space<vmem>>) target_semaphore(%run_scoped3A : memref<!tpu.dma_semaphore, #tpu.memory_space<semaphore_mem>>)
          %dma_wait3A = tpu.memref_slice %arg2[%add3A_18, %mul3A_20] : memref<39x16384xf32, #tpu.memory_space<hbm>> -> memref<1x4096xf32, #tpu.memory_space<hbm>>
          %dma_wait3A_28 = tpu.memref_squeeze %dma_wait3A : memref<1x4096xf32, #tpu.memory_space<hbm>> -> memref<4096xf32, #tpu.memory_space<hbm>>
          %dma_wait3A_29 = tpu.memref_slice %arg2[%add3A_18, %mul3A_20] : memref<39x16384xf32, #tpu.memory_space<hbm>> -> memref<1x4096xf32, #tpu.memory_space<hbm>>
          %dma_wait3A_30 = tpu.memref_squeeze %dma_wait3A_29 : memref<1x4096xf32, #tpu.memory_space<hbm>> -> memref<4096xf32, #tpu.memory_space<hbm>>
          tpu.wait_dma2 semaphore(%run_scoped3A : memref<!tpu.dma_semaphore, #tpu.memory_space<semaphore_mem>>) src(%dma_wait3A_30 : memref<4096xf32, #tpu.memory_space<hbm>>) dst(%arg8 : memref<4096xf32, #tpu.memory_space<vmem>>)
          tpu.yield
        }) : () -> ()
        %add3A_21 = arith.constant 832 : i32
        %add3A_22 = arith.addi %add3A_21, %add3A : i32
        %mul3A_23 = arith.constant 4096 : i32
        %mul3A_24 = arith.muli %scan3A_16, %mul3A_23 : i32
        "tpu.region"() ({
          %run_scoped3A = tpu.sem_alloc : memref<!tpu.dma_semaphore, #tpu.memory_space<semaphore_mem>>
          %dma_start3A = tpu.memref_slice %arg5[%add3A_22, %mul3A_24] : memref<845x16384xf32, #tpu.memory_space<hbm>> -> memref<1x4096xf32, #tpu.memory_space<hbm>>
          %dma_start3A_25 = tpu.memref_squeeze %dma_start3A : memref<1x4096xf32, #tpu.memory_space<hbm>> -> memref<4096xf32, #tpu.memory_space<hbm>>
          %dma_start3A_26 = tpu.memref_slice %arg5[%add3A_22, %mul3A_24] : memref<845x16384xf32, #tpu.memory_space<hbm>> -> memref<1x4096xf32, #tpu.memory_space<hbm>>
          %dma_start3A_27 = tpu.memref_squeeze %dma_start3A_26 : memref<1x4096xf32, #tpu.memory_space<hbm>> -> memref<4096xf32, #tpu.memory_space<hbm>>
          tpu.enqueue_dma source(%arg8 : memref<4096xf32, #tpu.memory_space<vmem>>) target(%dma_start3A_27 : memref<4096xf32, #tpu.memory_space<hbm>>) target_semaphore(%run_scoped3A : memref<!tpu.dma_semaphore, #tpu.memory_space<semaphore_mem>>)
          %dma_wait3A = tpu.memref_slice %arg5[%add3A_22, %mul3A_24] : memref<845x16384xf32, #tpu.memory_space<hbm>> -> memref<1x4096xf32, #tpu.memory_space<hbm>>
          %dma_wait3A_28 = tpu.memref_squeeze %dma_wait3A : memref<1x4096xf32, #tpu.memory_space<hbm>> -> memref<4096xf32, #tpu.memory_space<hbm>>
          %dma_wait3A_29 = tpu.memref_slice %arg5[%add3A_22, %mul3A_24] : memref<845x16384xf32, #tpu.memory_space<hbm>> -> memref<1x4096xf32, #tpu.memory_space<hbm>>
          %dma_wait3A_30 = tpu.memref_squeeze %dma_wait3A_29 : memref<1x4096xf32, #tpu.memory_space<hbm>> -> memref<4096xf32, #tpu.memory_space<hbm>>
          tpu.wait_dma2 semaphore(%run_scoped3A : memref<!tpu.dma_semaphore, #tpu.memory_space<semaphore_mem>>) src(%arg8 : memref<4096xf32, #tpu.memory_space<vmem>>) dst(%dma_wait3A_30 : memref<4096xf32, #tpu.memory_space<hbm>>)
          tpu.yield
        }) : () -> ()
      }
      %scan3A_15 = arith.constant 4 : i32
    } else {
    }
    return
  }
}

</mosaic_0001>

<sc_bundles>
// kernel: kernel.3.cloned.1.call-start
scs
__scs_entry_jumppad:
0x0: {  	(pc) =	sbr.rel $0x88, $3  }
0x1: {  	(tag) =	ssettag $0x0;
	lr =	simm.s32 $0x1  }
0x2: {  	[smem:$0x3F9F] =	sst lr;
	_ =	strace $0xD0000000  }
0x3: {  	_ = 	snop  }
0x4: {  	_ = 	snop  }
0x5: {  	_ = 	snop  }
0x6: {  	_ = 	snop  }
0x7: {  	_ = 	snop  }
__scs_overlays_trampoline_lowered:
0x8: {  	[smem:$0x3FAE] =	sst s0  }
0x9: {  	[smem:$0x3FAF] =	sst s1  }
0xa: {  	[smem:$0x3FB0] =	sst s2  }
0xb: {  	[smem:$0x3FB1] =	sst s3  }
0xc: {  	[smem:$0x3FB2] =	sst s4  }
0xd: {  	[smem:$0x3FB3] =	sst s5  }
0xe: {  	[smem:$0x3FB4] =	sst s6  }
0xf: {  	[smem:$0x3FB5] =	sst s7  }
0x10: {  	[smem:$0x3FB6] =	sst s8  }
0x11: {  	[smem:$0x3FB7] =	sst s9;
	s0 =	simm.s32 @!p0 $0x0  }
0x12: {  	s1 =	sld [smem:$0x3F9D];
	s0 =	simm.s32 @p0 $0x1  }
0x13: {  	[smem:$0x3FB8] =	sst s0;
	s0 =	simm.s32 @!p1 $0x0  }
0x14: {  	s2 =	sld [smem:$0x3F9C];
	s0 =	simm.s32 @p1 $0x1  }
0x15: {  	[smem:$0x3FB9] =	sst s0;
	s0 =	simm.s32 @!p2 $0x0  }
0x16: {  	s3 =	sld [smem:$0x3FDB];
	s0 =	simm.s32 @p2 $0x1  }
0x17: {  	s4 =	simm.s32 $0x1BF5;
	[smem:$0x3FBB] =	sst s0  }
0x18: {  	s0 =	sld [smem:$0x3F9E];
	_ =	swait.ge [sflag:s4], $0x0  }
0x19: {  	s7 =	sld [smem:$0x3F9F]  }
0x1a: {  	s8 =	sadd.s32 $0xFFFFE003, lr  }
0x1b: {  	s9 =	sadd.s32 $0xFFFFFEF7, lr;
	s5 =	simm.s32 $0xFFFFFFFF;
	p2 =	slt.u32 s8, $0xFFFFF086  }
0x1c: {  	p1 =	slt.u32 s9, $0xF7A;
	s5 =	simm.s32 @!p2 $0x0  }
0x1d: {  	s5 =	simm.s32 @p1 $0x1;
	p0 =	seq.s32 s7, s2  }
0x1e: {  	s7 =	smul.u32 @!p0 $0xF7A, s2;
	p2 =	seq.s32 @!p0 s5, $0x0  }
0x1f: {  	s9 =	smul.u32 $0xF7A, s1;
	s8 =	simm.s32 @!p0 $0x1BF5;
	p2 =	por !p2, p0  }
0x20: {  	[sflag:s8] =	ssyncset.s32 @!p0 $0xFFFFF086;
	s6 =	sadd.s32 @!p0 s3, s7;
	s7 =	simm.s32 @!p0 $0x108  }
0x21: {  	s3 =	sadd.s32 s3, s9;
	s6 =	sadd.s32 @!p0 $0x88, s6;
	s7 =	simm.s32 @p2 $0x1082  }
0x22: {  	[simem:s7], [sflag:s8] =	dma.local @!p0 [hbm:s6], $0xF7A  }
0x23: {  	s9 =	sor.u32 $0xD0000000, s2;
	s6 =	simm.s32 $0x108;
	_ =	swait.ge @!p0 [sflag:s8], $0x0  }
0x24: {  	s3 =	sadd.s32 $0x88, s3;
	s6 =	simm.s32 @!p1 $0x1082;
	[sflag:s4] =	ssyncset.s32 $0xFFFFF086  }
0x25: {  	[simem:s6], [sflag:s4] =	dma.local [hbm:s3], $0xF7A  }
0x26: {  	[smem:$0x3F9F] =	sst s1;
	(tag) =	ssettag s2;
	_ =	strace s9  }
0x27: {  	s1 =	sld [smem:$0x3FAF]  }
0x28: {  	s2 =	sld [smem:$0x3FB0]  }
0x29: {  	s4 =	sld [smem:$0x3FB2]  }
0x2a: {  	p0 =	seq.s32 s5, $0x0;
	s5 =	sld [smem:$0x3FB3]  }
0x2b: {  	s6 =	sld [smem:$0x3FB4]  }
0x2c: {  	s7 =	sld [smem:$0x3FB5]  }
0x2d: {  	s3 =	simm.s32 $0x108;
	s8 =	sld [smem:$0x3FB6]  }
0x2e: {  	s3 =	simm.s32 @!p0 $0x1082;
	s9 =	sld [smem:$0x3FB7]  }
0x2f: {  	lr =	sadd.s32 s0, s3;
	s0 =	sld [smem:$0x3FAE]  }
0x30: {  	s3 =	sld [smem:$0x3FB1]  }
0x31: {  	[smem:$0x3FBA] =	sst s10  }
0x32: {  	s10 =	sld [smem:$0x3FB8];
	_ =	sdelay $0x3  }
0x33: {  	p0 =	seq.s32 s10, $0x1;
	s10 =	sld [smem:$0x3FBA];
	_ =	sdelay $0x3  }
0x34: {  	[smem:$0x3FBA] =	sst s10  }
0x35: {  	s10 =	sld [smem:$0x3FB9];
	_ =	sdelay $0x3  }
0x36: {  	p1 =	seq.s32 s10, $0x1;
	s10 =	sld [smem:$0x3FBA];
	_ =	sdelay $0x3  }
0x37: {  	[smem:$0x3FBA] =	sst s10  }
0x38: {  	s10 =	sld [smem:$0x3FBB]  }
0x39: {  	_ = 	snop;
	(pc) =	sbr.ind lr, $3  }
0x3a: {  	_ = 	snop  }
0x3b: {  	_ = 	snop  }
0x3c: {  	p2 =	seq.s32 s10, $0x1;
	s10 =	sld [smem:$0x3FBA]  }
0x3d: {  	_ =	shalt  }
0x3e: {  	_ =	shalt  }
0x3f: {  	_ =	shalt  }
0x40: {  	_ =	shalt  }
0x41: {  	_ =	shalt  }
0x42: {  	_ =	shalt  }
0x43: {  	_ =	shalt  }
0x44: {  	_ =	shalt  }
0x45: {  	_ =	shalt  }
0x46: {  	_ =	shalt  }
0x47: {  	_ =	shalt  }
0x48: {  	_ =	shalt  }
0x49: {  	_ =	shalt  }
0x4a: {  	_ =	shalt  }
0x4b: {  	_ =	shalt  }
0x4c: {  	_ =	shalt  }
0x4d: {  	_ =	shalt  }
0x4e: {  	_ =	shalt  }
0x4f: {  	_ =	shalt  }
0x50: {  	_ =	shalt  }
0x51: {  	_ =	shalt  }
0x52: {  	_ =	shalt  }
0x53: {  	_ =	shalt  }
0x54: {  	_ =	shalt  }
0x55: {  	_ =	shalt  }
0x56: {  	_ =	shalt  }
0x57: {  	_ =	shalt  }
0x58: {  	_ =	shalt  }
0x59: {  	_ =	shalt  }
0x5a: {  	_ =	shalt  }
0x5b: {  	_ =	shalt  }
0x5c: {  	_ =	shalt  }
0x5d: {  	_ =	shalt  }
0x5e: {  	_ =	shalt  }
0x5f: {  	_ =	shalt  }
0x60: {  	_ =	shalt  }
0x61: {  	_ =	shalt  }
0x62: {  	_ =	shalt  }
0x63: {  	_ =	shalt  }
0x64: {  	_ =	shalt  }
0x65: {  	_ =	shalt  }
0x66: {  	_ =	shalt  }
0x67: {  	_ =	shalt  }
0x68: {  	_ =	shalt  }
0x69: {  	_ =	shalt  }
0x6a: {  	_ =	shalt  }
0x6b: {  	_ =	shalt  }
0x6c: {  	_ =	shalt  }
0x6d: {  	_ =	shalt  }
0x6e: {  	_ =	shalt  }
0x6f: {  	_ =	shalt  }
0x70: {  	_ =	shalt  }
0x71: {  	_ =	shalt  }
0x72: {  	_ =	shalt  }
0x73: {  	_ =	shalt  }
0x74: {  	_ =	shalt  }
0x75: {  	_ =	shalt  }
0x76: {  	_ =	shalt  }
0x77: {  	_ =	shalt  }
0x78: {  	_ =	shalt  }
0x79: {  	_ =	shalt  }
0x7a: {  	_ =	shalt  }
0x7b: {  	_ =	shalt  }
0x7c: {  	_ =	shalt  }
0x7d: {  	_ =	shalt  }
0x7e: {  	_ =	shalt  }
0x7f: {  	_ =	shalt  }
0x80: {  	_ =	shalt  }
0x81: {  	_ =	shalt  }
0x82: {  	_ =	shalt  }
0x83: {  	_ =	shalt  }
0x84: {  	_ =	shalt  }
0x85: {  	_ =	shalt  }
0x86: {  	_ =	shalt  }
0x87: {  	_ =	shalt  }
.Lfunc_end0:
.L_simem_size_0:
called_computation_lowered:
.L_overlay_start_0:
0x88: {  	s2 =	sld [smem:$0x3FD9]  }
0x89: {  	s3 =	sld [smem:$0x3FFE];
	_ =	sdelay $0x1  }
0x8a: {  	s1 =	srdreg.scid  }
0x8b: {  	s0 =	sand.u32 $0x1, s1  }
0x8c: {  	s17 =	sshll.u32 s0, $0xA;
	s2 =	sadd.s32 s3, s2  }
0x8d: {  	s2 =	sadd.s32 s2, s17  }
0x8e: {  	[smem:$0x3FC6] =	sst s2  }
0x8f: {  	_ = 	snop  }
0x90: {  	s2 =	sld [smem:$0x3FC9]  }
0x91: {  	s18 =	sld [smem:$0x3FC8]  }
0x92: {  	s4 =	sld [smem:$0x3FD0];
	(tm) =	ssettm $0x1  }
0x93: {  	s5 =	sld [smem:$0x3FFB];
	_ =	sdelay $0x3  }
0x94: {  	_ =	strace s5  }
0x95: {  	s5 =	sld [smem:$0x3FFC];
	_ =	sdelay $0x3  }
0x96: {  	_ =	strace s5  }
0x97: {  	s5 =	sld [smem:$0x3FFD];
	_ =	sdelay $0x3  }
0x98: {  	_ =	strace s5  }
0x99: {  	_ =	strace $0x8FFFFFFF  }
0x9a: {  	s19 =	sld [smem:$0x3FDB];
	_ =	sdelay $0x1  }
0x9b: {  	s6 =	simm.s32 $_scs_section_size  }
0x9c: {  	s7 =	simm.s32 $_size__tile_overlayer_lowered;
	s8 =	simm.s32 $_tile_overlayer_lowered  }
0x9d: {  	s22 =	simm.s32 $0x1BFF;
	s21 =	sshll.u32 s8, $0x1;
	s5 =	sadd.s32 s6, s19  }
0x9e: {  	s9 =	simm.s32 $0x0;
	s20 =	sshll.u32 s7, $0x1;
	s7 =	sadd.s32 s21, s5  }
0x9f: {  	[timem:s9], [sflag:s22] =	dma.local [hbm:s7], s20  }
0xa0: {  	_ =	swait.ge [sflag:s22], s20  }
0xa1: {  	s6 =	ssub.s32 $0x0, s20;
	[sflag:s22] =	ssyncset.done $0x0  }
0xa2: {  	[sflag:s22] =	ssyncadd.s32 s6;
	_ =	sdelay $0x1  }
0xa3: {  	s23 =	simm.s32 $0x1B8B  }
0xa4: {  	_ =	swait.ge [sflag:s23], $0x1  }
0xa5: {  	[sflag:s23] =	ssyncset.done $0x0  }
0xa6: {  	s25 =	simm.s32 $0x1B8E;
	s24 =	sld [smem:$0x3FFE];
	[sflag:s23] =	ssyncadd.s32 $0xFFFFFFFF  }
0xa7: {  	s26 =	simm.s32 $execute0_lowered;
	[smem:$0x3FD2] =	sst s25  }
0xa8: {  	s7 =	sshll.u32 s26, $0x1;
	_ =	strace $0x80000046;
	[dreg:$0x1] =	wrdreg $0xFFFFFFFF  }
0xa9: {  	s28 =	simm.s32 $_size_execute0_lowered;
	s5 =	sadd.s32 s5, s7;
	[dreg:$0x0] =	wrdreg $0x0  }
0xaa: {  	s7 =	sshll.u32 s28, $0x1;
	[dreg:$0x2] =	wrdreg s5  }
0xab: {  	[dreg:$0x3] =	wrdreg s7  }
0xac: {  	[dreg:$0x4] =	wrdreg $0xC0  }
0xad: {  	_ =	task [dreg:s9], $0x5FFFF  }
0xae: {  	[dreg:$0x1] =	wrdreg $0xFFFFFFFF  }
0xaf: {  	[dreg:$0x0] =	wrdreg $0x60  }
0xb0: {  	[dreg:$0x2] =	wrdreg s2  }
0xb1: {  	[dreg:$0x3] =	wrdreg s18  }
0xb2: {  	[dreg:$0x4] =	wrdreg s24  }
0xb3: {  	[dreg:$0x5] =	wrdreg s4  }
0xb4: {  	[dreg:$0x6] =	wrdreg $0x9  }
0xb5: {  	_ =	task.clear_ibuf [dreg:s9], $0x7FFFF;
	_ =	strace $0x90000046  }
0xb6: {  	s29 =	simm.s32 $0x9;
	_ =	strace $0x80000048  }
0xb7: {  	_ =	swait.ge [sflag:s29], $0x1  }
0xb8: {  	[sflag:s29] =	ssyncadd.s32 $0xFFFFFFFF  }
0xb9: {  	_ =	strace $0x90000048  }
0xba: {  	_ =	sfence  }
0xbb: {  	s30 =	sld [smem:$0x0];
	_ =	sdelay $0x2  }
0xbc: {  	s31 =	sshll.u32 s1, $0xD;
	s1 =	sshrl.u32 s1, $0x2  }
0xbd: {  	s3 =	sand.u32 $0x4000, s31;
	s1 =	sadd.s32 s1, s30  }
0xbe: {  	s0 =	sor.u32 s3, s0;
	s1 =	sshll.u32 s1, $0x11  }
0xbf: {  	s0 =	sor.u32 s1, s0  }
0xc0: {  	s0 =	sadd.s32 $0x8F2B, s0  }
0xc1: {  	[sflag:s0] =	ssyncadd.remote.s32 $0x1  }
0xc2: {  	_ =	sfence.sel $0xFFFF  }
0xc3: {  	[dreg:$0x0] =	wrdreg $0xFFFFFFFF;
	(pc) =	sbr.abs _section_cstart, $3  }
0xc4: {  	[dreg:$0x1] =	wrdreg $0xFFFFFFFF  }
0xc5: {  	_ =	task.clear_ibuf [dreg:s9], $0x2FFFF;
	_ =	strace $0x9FFFFFFF  }
0xc6: {  	(tm) =	ssettm $0x7FFFFFFF  }
0xc7: {  	_ =	shalt  }
tec
execute0_lowered:
.L_overlay_start_1:
0x0: {  	(tag) =	ssettag $0x1  }
0x1: {  	s1 =	rddreg [dreg:$0x0]  }
0x2: {  	s2 =	rddreg [dreg:$0x1]  }
0x3: {  	s0 =	rddreg [dreg:$0x2]  }
0x4: {  	s4 =	rddreg [dreg:$0x3]  }
0x5: {  	s3 =	srdreg.scid;
	s5 =	simm.s32 $0x0;
	s13 =	stileid.u32  }
0x6: {  	s28 =	simm.s32 $0x18600;
	s29 =	simm.s32 $0x1;
	s30 =	simm.s32 $0x1D700  }
0x7: {  	s31 =	simm.s32 $0x1E700;
	s3 =	sand.u32 $0x1, s3;
	[smem:$0x7FF] =	sst s5  }
0x8: {  	s6 =	sshll.u32 s13, $0x1;
	s13 =	sshll.u32 s13, $0xC;
	s7 =	ssub.s32 $0x2, s3  }
0x9: {  	_ =	strace $0x80000047;
	s3 =	sor.u32 s3, s6;
	s6 =	sadd.s32 $0x400, s0  }
0xa: {  	s8 =	sshrl.u32 s7, $0x1;
	s9 =	sadd.s32 $0x1A, s3;
	s12 =	sshll.u32 s3, $0x4  }
0xb: {  	p0 =	sgt.u32 s3, $0xC;
	s18 =	ssub.s32 s7, s8;
	s7 =	smul.u32 $0x1A, s3  }
0xc: {  	s8 =	sadd.s32 $0x1000, s4;
	s10 =	sshll.u32 s9, $0x4;
	s12 =	sor.u32 s13, s12  }
0xd: {  	s11 =	sshll.u32 s9, $0xB;
	s9 =	sadd.s32 $0x2000, s4;
	s12 =	sand.u32 $0xC070, s12  }
0xe: {  	s3 =	simm.s32 $0x0;
	s0 =	smax.u32 s18, $0x1;
	s19 =	sadd.s32 s12, s4  }
0xf: {  	s11 =	sor.u32 s10, s11;
	[dreg:$0x5] =	wrdreg s0;
	s20 =	sadd.s32 $0x1A0000, s19  }
0x10: {  	s10 =	sadd.s32 $0x3000, s4;
	s22 =	sadd.s32 $0x1A1000, s19;
	[dreg:$0x6] =	wrdreg s20  }
0x11: {  	s11 =	sand.u32 $0x1C070, s11;
	s24 =	sadd.s32 $0x1A2000, s19;
	[dreg:$0x8] =	wrdreg s22  }
0x12: {  	s12 =	sadd.s32 s1, s11;
	s26 =	sadd.s32 $0x1A3000, s19;
	[dreg:$0xa] =	wrdreg s24  }
0x13: {  	s0 =	simm.s32 $0x2;
	s21 =	sadd.s32 $0x1000, s12;
	[dreg:$0xc] =	wrdreg s26  }
0x14: {  	s23 =	sadd.s32 $0x2000, s12;
	s25 =	sadd.s32 $0x3000, s12;
	[dreg:$0x7] =	wrdreg s21  }
0x15: {  	s20 =	simm.s32 $0x80;
	s22 =	simm.s32 $0x1C700;
	[dreg:$0x9] =	wrdreg s23  }
0x16: {  	s24 =	simm.s32 $0x6180;
	s26 =	simm.s32 $0x12480;
	[dreg:$0xb] =	wrdreg s25  }
0x17: {  	s21 =	simm.s32 $0x400;
	s23 =	simm.s32 $0x3;
	s25 =	simm.s32 $0xC300  }
.LBB2_1:
0x18: {  	s11 =	simm.s32 $0x0  }
.LBB2_2:
0x19: {  	s13 =	sadd.s32 s7, s11  }
0x1a: {  	p1 =	seq.s32 s11, $0x0;
	s15 =	sand.u32 $0x1F, s13  }
0x1b: {  	p2 =	sne.s32 @!p1 s15, $0x0  }
0x1c: {  	p1 =	por p1, !p2  }
.Ltmp0:
0x1d: {  	_ = 	snop;
	(pc) =	sbr.rel @!p1 .LBB2_5-.Ltmp0, $2  }
0x1e: {  	_ =	sdelay $0x2  }
0x1f: {  	s14 =	sshrl.u32 s13, $0x5  }
0x20: {  	s16 =	sshll.u32 s14, $0xB;
	s17 =	sshll.u32 s14, $0x4  }
0x21: {  	s16 =	sand.u32 $0xFFFC000, s16;
	s17 =	sand.u32 $0x70, s17  }
0x22: {  	s16 =	sor.u32 s17, s16  }
0x23: {  	s17 =	simm.s32 $0x0;
	s16 =	sadd.s32 s1, s16  }
.LBB2_4:
0x24: {  	s18 =	sshll.u32 s17, $0xC  }
0x25: {  	s19 =	sadd.s32 s18, s16  }
0x26: {  	[tilespmem:s22], [sflag:$0x3] =	stream.strided.gather [hbm4b:s19+s20], $0x1000, s21, s20, $0x38;
	[tilespmem:$0x1F700] =	vst v63  }
0x27: {  	_ =	swait.ge [sflag:s23], $0x1000  }
0x28: {  	[sflag:s23] =	ssyncset.done $0x0  }
0x29: {  	[sflag:s23] =	ssyncadd.s32 $0xFFFFF000  }
0x2a: {  	v0 =	vld [tilespmem:$0x1C700];
	_ =	sdelay $0x4  }
0x2b: {  	v0 =	vtrunc.f32 v0  }
0x2c: {  	v0 =	vcvt.f32.s32 v0;
	_ =	sdelay $0x1  }
0x2d: {  	[tilespmem:s18+$0x18700] =	vst v0  }
0x2e: {  	v0 =	vld [tilespmem:$0x1C710];
	_ =	sdelay $0x4  }
0x2f: {  	v0 =	vtrunc.f32 v0  }
0x30: {  	v0 =	vcvt.f32.s32 v0;
	_ =	sdelay $0x1  }
0x31: {  	[tilespmem:s18+$0x18710] =	vst v0  }
0x32: {  	v0 =	vld [tilespmem:$0x1C720];
	_ =	sdelay $0x4  }
0x33: {  	v0 =	vtrunc.f32 v0  }
0x34: {  	v0 =	vcvt.f32.s32 v0;
	_ =	sdelay $0x1  }
0x35: {  	[tilespmem:s18+$0x18720] =	vst v0  }
0x36: {  	v0 =	vld [tilespmem:$0x1C730];
	_ =	sdelay $0x4  }
0x37: {  	v0 =	vtrunc.f32 v0  }
0x38: {  	v0 =	vcvt.f32.s32 v0;
	_ =	sdelay $0x1  }
0x39: {  	[tilespmem:s18+$0x18730] =	vst v0  }
0x3a: {  	v0 =	vld [tilespmem:$0x1C740];
	_ =	sdelay $0x4  }
0x3b: {  	v0 =	vtrunc.f32 v0  }
0x3c: {  	v0 =	vcvt.f32.s32 v0;
	_ =	sdelay $0x1  }
0x3d: {  	[tilespmem:s18+$0x18740] =	vst v0  }
0x3e: {  	v0 =	vld [tilespmem:$0x1C750];
	_ =	sdelay $0x4  }
0x3f: {  	v0 =	vtrunc.f32 v0  }
0x40: {  	v0 =	vcvt.f32.s32 v0;
	_ =	sdelay $0x1  }
0x41: {  	[tilespmem:s18+$0x18750] =	vst v0  }
0x42: {  	v0 =	vld [tilespmem:$0x1C760];
	_ =	sdelay $0x4  }
0x43: {  	v0 =	vtrunc.f32 v0  }
0x44: {  	v0 =	vcvt.f32.s32 v0;
	_ =	sdelay $0x1  }
0x45: {  	[tilespmem:s18+$0x18760] =	vst v0  }
0x46: {  	v0 =	vld [tilespmem:$0x1C770];
	_ =	sdelay $0x4  }
0x47: {  	v0 =	vtrunc.f32 v0  }
0x48: {  	v0 =	vcvt.f32.s32 v0;
	_ =	sdelay $0x1  }
0x49: {  	[tilespmem:s18+$0x18770] =	vst v0  }
0x4a: {  	v0 =	vld [tilespmem:$0x1C780];
	_ =	sdelay $0x4  }
0x4b: {  	v0 =	vtrunc.f32 v0  }
0x4c: {  	v0 =	vcvt.f32.s32 v0;
	_ =	sdelay $0x1  }
0x4d: {  	[tilespmem:s18+$0x18780] =	vst v0  }
0x4e: {  	v0 =	vld [tilespmem:$0x1C790];
	_ =	sdelay $0x4  }
0x4f: {  	v0 =	vtrunc.f32 v0  }
0x50: {  	v0 =	vcvt.f32.s32 v0;
	_ =	sdelay $0x1  }
0x51: {  	[tilespmem:s18+$0x18790] =	vst v0  }
0x52: {  	v0 =	vld [tilespmem:$0x1C7A0];
	_ =	sdelay $0x4  }
0x53: {  	v0 =	vtrunc.f32 v0  }
0x54: {  	v0 =	vcvt.f32.s32 v0;
	_ =	sdelay $0x1  }
0x55: {  	[tilespmem:s18+$0x187A0] =	vst v0  }
0x56: {  	v0 =	vld [tilespmem:$0x1C7B0];
	_ =	sdelay $0x4  }
0x57: {  	v0 =	vtrunc.f32 v0  }
0x58: {  	v0 =	vcvt.f32.s32 v0;
	_ =	sdelay $0x1  }
0x59: {  	[tilespmem:s18+$0x187B0] =	vst v0  }
0x5a: {  	v0 =	vld [tilespmem:$0x1C7C0];
	_ =	sdelay $0x4  }
0x5b: {  	v0 =	vtrunc.f32 v0  }
0x5c: {  	v0 =	vcvt.f32.s32 v0;
	_ =	sdelay $0x1  }
0x5d: {  	[tilespmem:s18+$0x187C0] =	vst v0  }
0x5e: {  	v0 =	vld [tilespmem:$0x1C7D0];
	_ =	sdelay $0x4  }
0x5f: {  	v0 =	vtrunc.f32 v0  }
0x60: {  	v0 =	vcvt.f32.s32 v0;
	_ =	sdelay $0x1  }
0x61: {  	[tilespmem:s18+$0x187D0] =	vst v0  }
0x62: {  	v0 =	vld [tilespmem:$0x1C7E0];
	_ =	sdelay $0x4  }
0x63: {  	v0 =	vtrunc.f32 v0  }
0x64: {  	v0 =	vcvt.f32.s32 v0;
	_ =	sdelay $0x1  }
0x65: {  	[tilespmem:s18+$0x187E0] =	vst v0  }
0x66: {  	v0 =	vld [tilespmem:$0x1C7F0];
	_ =	sdelay $0x4  }
0x67: {  	v0 =	vtrunc.f32 v0  }
0x68: {  	v0 =	vcvt.f32.s32 v0;
	_ =	sdelay $0x1  }
0x69: {  	[tilespmem:s18+$0x187F0] =	vst v0  }
0x6a: {  	v0 =	vld [tilespmem:$0x1C800];
	_ =	sdelay $0x4  }
0x6b: {  	v0 =	vtrunc.f32 v0  }
0x6c: {  	v0 =	vcvt.f32.s32 v0;
	_ =	sdelay $0x1  }
0x6d: {  	[tilespmem:s18+$0x18800] =	vst v0  }
0x6e: {  	v0 =	vld [tilespmem:$0x1C810];
	_ =	sdelay $0x4  }
0x6f: {  	v0 =	vtrunc.f32 v0  }
0x70: {  	v0 =	vcvt.f32.s32 v0;
	_ =	sdelay $0x1  }
0x71: {  	[tilespmem:s18+$0x18810] =	vst v0  }
0x72: {  	v0 =	vld [tilespmem:$0x1C820];
	_ =	sdelay $0x4  }
0x73: {  	v0 =	vtrunc.f32 v0  }
0x74: {  	v0 =	vcvt.f32.s32 v0;
	_ =	sdelay $0x1  }
0x75: {  	[tilespmem:s18+$0x18820] =	vst v0  }
0x76: {  	v0 =	vld [tilespmem:$0x1C830];
	_ =	sdelay $0x4  }
0x77: {  	v0 =	vtrunc.f32 v0  }
0x78: {  	v0 =	vcvt.f32.s32 v0;
	_ =	sdelay $0x1  }
0x79: {  	[tilespmem:s18+$0x18830] =	vst v0  }
0x7a: {  	v0 =	vld [tilespmem:$0x1C840];
	_ =	sdelay $0x4  }
0x7b: {  	v0 =	vtrunc.f32 v0  }
0x7c: {  	v0 =	vcvt.f32.s32 v0;
	_ =	sdelay $0x1  }
0x7d: {  	[tilespmem:s18+$0x18840] =	vst v0  }
0x7e: {  	v0 =	vld [tilespmem:$0x1C850];
	_ =	sdelay $0x4  }
0x7f: {  	v0 =	vtrunc.f32 v0  }
0x80: {  	v0 =	vcvt.f32.s32 v0;
	_ =	sdelay $0x1  }
0x81: {  	[tilespmem:s18+$0x18850] =	vst v0  }
0x82: {  	v0 =	vld [tilespmem:$0x1C860];
	_ =	sdelay $0x4  }
0x83: {  	v0 =	vtrunc.f32 v0  }
0x84: {  	v0 =	vcvt.f32.s32 v0;
	_ =	sdelay $0x1  }
0x85: {  	[tilespmem:s18+$0x18860] =	vst v0  }
0x86: {  	v0 =	vld [tilespmem:$0x1C870];
	_ =	sdelay $0x4  }
0x87: {  	v0 =	vtrunc.f32 v0  }
0x88: {  	v0 =	vcvt.f32.s32 v0;
	_ =	sdelay $0x1  }
0x89: {  	[tilespmem:s18+$0x18870] =	vst v0  }
0x8a: {  	v0 =	vld [tilespmem:$0x1C880];
	_ =	sdelay $0x4  }
0x8b: {  	v0 =	vtrunc.f32 v0  }
0x8c: {  	v0 =	vcvt.f32.s32 v0;
	_ =	sdelay $0x1  }
0x8d: {  	[tilespmem:s18+$0x18880] =	vst v0  }
0x8e: {  	v0 =	vld [tilespmem:$0x1C890];
	_ =	sdelay $0x4  }
0x8f: {  	v0 =	vtrunc.f32 v0  }
0x90: {  	v0 =	vcvt.f32.s32 v0;
	_ =	sdelay $0x1  }
0x91: {  	[tilespmem:s18+$0x18890] =	vst v0  }
0x92: {  	v0 =	vld [tilespmem:$0x1C8A0];
	_ =	sdelay $0x4  }
0x93: {  	v0 =	vtrunc.f32 v0  }
0x94: {  	v0 =	vcvt.f32.s32 v0;
	_ =	sdelay $0x1  }
0x95: {  	[tilespmem:s18+$0x188A0] =	vst v0  }
0x96: {  	v0 =	vld [tilespmem:$0x1C8B0];
	_ =	sdelay $0x4  }
0x97: {  	v0 =	vtrunc.f32 v0  }
0x98: {  	v0 =	vcvt.f32.s32 v0;
	_ =	sdelay $0x1  }
0x99: {  	[tilespmem:s18+$0x188B0] =	vst v0  }
0x9a: {  	v0 =	vld [tilespmem:$0x1C8C0];
	_ =	sdelay $0x4  }
0x9b: {  	v0 =	vtrunc.f32 v0  }
0x9c: {  	v0 =	vcvt.f32.s32 v0;
	_ =	sdelay $0x1  }
0x9d: {  	[tilespmem:s18+$0x188C0] =	vst v0  }
0x9e: {  	v0 =	vld [tilespmem:$0x1C8D0];
	_ =	sdelay $0x4  }
0x9f: {  	v0 =	vtrunc.f32 v0  }
0xa0: {  	v0 =	vcvt.f32.s32 v0;
	_ =	sdelay $0x1  }
0xa1: {  	[tilespmem:s18+$0x188D0] =	vst v0  }
0xa2: {  	v0 =	vld [tilespmem:$0x1C8E0];
	_ =	sdelay $0x4  }
0xa3: {  	v0 =	vtrunc.f32 v0  }
0xa4: {  	v0 =	vcvt.f32.s32 v0;
	_ =	sdelay $0x1  }
0xa5: {  	[tilespmem:s18+$0x188E0] =	vst v0  }
0xa6: {  	v0 =	vld [tilespmem:$0x1C8F0];
	_ =	sdelay $0x4  }
0xa7: {  	v0 =	vtrunc.f32 v0  }
0xa8: {  	v0 =	vcvt.f32.s32 v0;
	_ =	sdelay $0x1  }
0xa9: {  	[tilespmem:s18+$0x188F0] =	vst v0  }
0xaa: {  	v0 =	vld [tilespmem:$0x1C900];
	_ =	sdelay $0x4  }
0xab: {  	v0 =	vtrunc.f32 v0  }
0xac: {  	v0 =	vcvt.f32.s32 v0;
	_ =	sdelay $0x1  }
0xad: {  	[tilespmem:s18+$0x18900] =	vst v0  }
0xae: {  	v0 =	vld [tilespmem:$0x1C910];
	_ =	sdelay $0x4  }
0xaf: {  	v0 =	vtrunc.f32 v0  }
0xb0: {  	v0 =	vcvt.f32.s32 v0;
	_ =	sdelay $0x1  }
0xb1: {  	[tilespmem:s18+$0x18910] =	vst v0  }
0xb2: {  	v0 =	vld [tilespmem:$0x1C920];
	_ =	sdelay $0x4  }
0xb3: {  	v0 =	vtrunc.f32 v0  }
0xb4: {  	v0 =	vcvt.f32.s32 v0;
	_ =	sdelay $0x1  }
0xb5: {  	[tilespmem:s18+$0x18920] =	vst v0  }
0xb6: {  	v0 =	vld [tilespmem:$0x1C930];
	_ =	sdelay $0x4  }
0xb7: {  	v0 =	vtrunc.f32 v0  }
0xb8: {  	v0 =	vcvt.f32.s32 v0;
	_ =	sdelay $0x1  }
0xb9: {  	[tilespmem:s18+$0x18930] =	vst v0  }
0xba: {  	v0 =	vld [tilespmem:$0x1C940];
	_ =	sdelay $0x4  }
0xbb: {  	v0 =	vtrunc.f32 v0  }
0xbc: {  	v0 =	vcvt.f32.s32 v0;
	_ =	sdelay $0x1  }
0xbd: {  	[tilespmem:s18+$0x18940] =	vst v0  }
0xbe: {  	v0 =	vld [tilespmem:$0x1C950];
	_ =	sdelay $0x4  }
0xbf: {  	v0 =	vtrunc.f32 v0  }
0xc0: {  	v0 =	vcvt.f32.s32 v0;
	_ =	sdelay $0x1  }
0xc1: {  	[tilespmem:s18+$0x18950] =	vst v0  }
0xc2: {  	v0 =	vld [tilespmem:$0x1C960];
	_ =	sdelay $0x4  }
0xc3: {  	v0 =	vtrunc.f32 v0  }
0xc4: {  	v0 =	vcvt.f32.s32 v0;
	_ =	sdelay $0x1  }
0xc5: {  	[tilespmem:s18+$0x18960] =	vst v0  }
0xc6: {  	v0 =	vld [tilespmem:$0x1C970];
	_ =	sdelay $0x4  }
0xc7: {  	v0 =	vtrunc.f32 v0  }
0xc8: {  	v0 =	vcvt.f32.s32 v0;
	_ =	sdelay $0x1  }
0xc9: {  	[tilespmem:s18+$0x18970] =	vst v0  }
0xca: {  	v0 =	vld [tilespmem:$0x1C980];
	_ =	sdelay $0x4  }
0xcb: {  	v0 =	vtrunc.f32 v0  }
0xcc: {  	v0 =	vcvt.f32.s32 v0;
	_ =	sdelay $0x1  }
0xcd: {  	[tilespmem:s18+$0x18980] =	vst v0  }
0xce: {  	v0 =	vld [tilespmem:$0x1C990];
	_ =	sdelay $0x4  }
0xcf: {  	v0 =	vtrunc.f32 v0  }
0xd0: {  	v0 =	vcvt.f32.s32 v0;
	_ =	sdelay $0x1  }
0xd1: {  	[tilespmem:s18+$0x18990] =	vst v0  }
0xd2: {  	v0 =	vld [tilespmem:$0x1C9A0];
	_ =	sdelay $0x4  }
0xd3: {  	v0 =	vtrunc.f32 v0  }
0xd4: {  	v0 =	vcvt.f32.s32 v0;
	_ =	sdelay $0x1  }
0xd5: {  	[tilespmem:s18+$0x189A0] =	vst v0  }
0xd6: {  	v0 =	vld [tilespmem:$0x1C9B0];
	_ =	sdelay $0x4  }
0xd7: {  	v0 =	vtrunc.f32 v0  }
0xd8: {  	v0 =	vcvt.f32.s32 v0;
	_ =	sdelay $0x1  }
0xd9: {  	[tilespmem:s18+$0x189B0] =	vst v0  }
0xda: {  	v0 =	vld [tilespmem:$0x1C9C0];
	_ =	sdelay $0x4  }
0xdb: {  	v0 =	vtrunc.f32 v0  }
0xdc: {  	v0 =	vcvt.f32.s32 v0;
	_ =	sdelay $0x1  }
0xdd: {  	[tilespmem:s18+$0x189C0] =	vst v0  }
0xde: {  	v0 =	vld [tilespmem:$0x1C9D0];
	_ =	sdelay $0x4  }
0xdf: {  	v0 =	vtrunc.f32 v0  }
0xe0: {  	v0 =	vcvt.f32.s32 v0;
	_ =	sdelay $0x1  }
0xe1: {  	[tilespmem:s18+$0x189D0] =	vst v0  }
0xe2: {  	v0 =	vld [tilespmem:$0x1C9E0];
	_ =	sdelay $0x4  }
0xe3: {  	v0 =	vtrunc.f32 v0  }
0xe4: {  	v0 =	vcvt.f32.s32 v0;
	_ =	sdelay $0x1  }
0xe5: {  	[tilespmem:s18+$0x189E0] =	vst v0  }
0xe6: {  	v0 =	vld [tilespmem:$0x1C9F0];
	_ =	sdelay $0x4  }
0xe7: {  	v0 =	vtrunc.f32 v0  }
0xe8: {  	v0 =	vcvt.f32.s32 v0;
	_ =	sdelay $0x1  }
0xe9: {  	[tilespmem:s18+$0x189F0] =	vst v0  }
0xea: {  	v0 =	vld [tilespmem:$0x1CA00];
	_ =	sdelay $0x4  }
0xeb: {  	v0 =	vtrunc.f32 v0  }
0xec: {  	v0 =	vcvt.f32.s32 v0;
	_ =	sdelay $0x1  }
0xed: {  	[tilespmem:s18+$0x18A00] =	vst v0  }
0xee: {  	v0 =	vld [tilespmem:$0x1CA10];
	_ =	sdelay $0x4  }
0xef: {  	v0 =	vtrunc.f32 v0  }
0xf0: {  	v0 =	vcvt.f32.s32 v0;
	_ =	sdelay $0x1  }
0xf1: {  	[tilespmem:s18+$0x18A10] =	vst v0  }
0xf2: {  	v0 =	vld [tilespmem:$0x1CA20];
	_ =	sdelay $0x4  }
0xf3: {  	v0 =	vtrunc.f32 v0  }
0xf4: {  	v0 =	vcvt.f32.s32 v0;
	_ =	sdelay $0x1  }
0xf5: {  	[tilespmem:s18+$0x18A20] =	vst v0  }
0xf6: {  	v0 =	vld [tilespmem:$0x1CA30];
	_ =	sdelay $0x4  }
0xf7: {  	v0 =	vtrunc.f32 v0  }
0xf8: {  	v0 =	vcvt.f32.s32 v0;
	_ =	sdelay $0x1  }
0xf9: {  	[tilespmem:s18+$0x18A30] =	vst v0  }
0xfa: {  	v0 =	vld [tilespmem:$0x1CA40];
	_ =	sdelay $0x4  }
0xfb: {  	v0 =	vtrunc.f32 v0  }
0xfc: {  	v0 =	vcvt.f32.s32 v0;
	_ =	sdelay $0x1  }
0xfd: {  	[tilespmem:s18+$0x18A40] =	vst v0  }
0xfe: {  	v0 =	vld [tilespmem:$0x1CA50];
	_ =	sdelay $0x4  }
0xff: {  	v0 =	vtrunc.f32 v0  }
0x100: {  	v0 =	vcvt.f32.s32 v0;
	_ =	sdelay $0x1  }
0x101: {  	[tilespmem:s18+$0x18A50] =	vst v0  }
0x102: {  	v0 =	vld [tilespmem:$0x1CA60];
	_ =	sdelay $0x4  }
0x103: {  	v0 =	vtrunc.f32 v0  }
0x104: {  	v0 =	vcvt.f32.s32 v0;
	_ =	sdelay $0x1  }
0x105: {  	[tilespmem:s18+$0x18A60] =	vst v0  }
0x106: {  	v0 =	vld [tilespmem:$0x1CA70];
	_ =	sdelay $0x4  }
0x107: {  	v0 =	vtrunc.f32 v0  }
0x108: {  	v0 =	vcvt.f32.s32 v0;
	_ =	sdelay $0x1  }
0x109: {  	[tilespmem:s18+$0x18A70] =	vst v0  }
0x10a: {  	v0 =	vld [tilespmem:$0x1CA80];
	_ =	sdelay $0x4  }
0x10b: {  	v0 =	vtrunc.f32 v0  }
0x10c: {  	v0 =	vcvt.f32.s32 v0;
	_ =	sdelay $0x1  }
0x10d: {  	[tilespmem:s18+$0x18A80] =	vst v0  }
0x10e: {  	v0 =	vld [tilespmem:$0x1CA90];
	_ =	sdelay $0x4  }
0x10f: {  	v0 =	vtrunc.f32 v0  }
0x110: {  	v0 =	vcvt.f32.s32 v0;
	_ =	sdelay $0x1  }
0x111: {  	[tilespmem:s18+$0x18A90] =	vst v0  }
0x112: {  	v0 =	vld [tilespmem:$0x1CAA0];
	_ =	sdelay $0x4  }
0x113: {  	v0 =	vtrunc.f32 v0  }
0x114: {  	v0 =	vcvt.f32.s32 v0;
	_ =	sdelay $0x1  }
0x115: {  	[tilespmem:s18+$0x18AA0] =	vst v0  }
0x116: {  	v0 =	vld [tilespmem:$0x1CAB0];
	_ =	sdelay $0x4  }
0x117: {  	v0 =	vtrunc.f32 v0  }
0x118: {  	v0 =	vcvt.f32.s32 v0;
	_ =	sdelay $0x1  }
0x119: {  	[tilespmem:s18+$0x18AB0] =	vst v0  }
0x11a: {  	v0 =	vld [tilespmem:$0x1CAC0];
	_ =	sdelay $0x4  }
0x11b: {  	v0 =	vtrunc.f32 v0  }
0x11c: {  	v0 =	vcvt.f32.s32 v0;
	_ =	sdelay $0x1  }
0x11d: {  	[tilespmem:s18+$0x18AC0] =	vst v0  }
0x11e: {  	v0 =	vld [tilespmem:$0x1CAD0];
	_ =	sdelay $0x4  }
0x11f: {  	v0 =	vtrunc.f32 v0  }
0x120: {  	v0 =	vcvt.f32.s32 v0;
	_ =	sdelay $0x1  }
0x121: {  	[tilespmem:s18+$0x18AD0] =	vst v0  }
0x122: {  	v0 =	vld [tilespmem:$0x1CAE0];
	_ =	sdelay $0x4  }
0x123: {  	v0 =	vtrunc.f32 v0  }
0x124: {  	v0 =	vcvt.f32.s32 v0;
	_ =	sdelay $0x1  }
0x125: {  	[tilespmem:s18+$0x18AE0] =	vst v0  }
0x126: {  	v0 =	vld [tilespmem:$0x1CAF0];
	_ =	sdelay $0x4  }
0x127: {  	v0 =	vtrunc.f32 v0  }
0x128: {  	v0 =	vcvt.f32.s32 v0;
	_ =	sdelay $0x1  }
0x129: {  	[tilespmem:s18+$0x18AF0] =	vst v0  }
0x12a: {  	v0 =	vld [tilespmem:$0x1CB00];
	_ =	sdelay $0x4  }
0x12b: {  	v0 =	vtrunc.f32 v0  }
0x12c: {  	v0 =	vcvt.f32.s32 v0;
	_ =	sdelay $0x1  }
0x12d: {  	[tilespmem:s18+$0x18B00] =	vst v0  }
0x12e: {  	v0 =	vld [tilespmem:$0x1CB10];
	_ =	sdelay $0x4  }
0x12f: {  	v0 =	vtrunc.f32 v0  }
0x130: {  	v0 =	vcvt.f32.s32 v0;
	_ =	sdelay $0x1  }
0x131: {  	[tilespmem:s18+$0x18B10] =	vst v0  }
0x132: {  	v0 =	vld [tilespmem:$0x1CB20];
	_ =	sdelay $0x4  }
0x133: {  	v0 =	vtrunc.f32 v0  }
0x134: {  	v0 =	vcvt.f32.s32 v0;
	_ =	sdelay $0x1  }
0x135: {  	[tilespmem:s18+$0x18B20] =	vst v0  }
0x136: {  	v0 =	vld [tilespmem:$0x1CB30];
	_ =	sdelay $0x4  }
0x137: {  	v0 =	vtrunc.f32 v0  }
0x138: {  	v0 =	vcvt.f32.s32 v0;
	_ =	sdelay $0x1  }
0x139: {  	[tilespmem:s18+$0x18B30] =	vst v0  }
0x13a: {  	v0 =	vld [tilespmem:$0x1CB40];
	_ =	sdelay $0x4  }
0x13b: {  	v0 =	vtrunc.f32 v0  }
0x13c: {  	v0 =	vcvt.f32.s32 v0;
	_ =	sdelay $0x1  }
0x13d: {  	[tilespmem:s18+$0x18B40] =	vst v0  }
0x13e: {  	v0 =	vld [tilespmem:$0x1CB50];
	_ =	sdelay $0x4  }
0x13f: {  	v0 =	vtrunc.f32 v0  }
0x140: {  	v0 =	vcvt.f32.s32 v0;
	_ =	sdelay $0x1  }
0x141: {  	[tilespmem:s18+$0x18B50] =	vst v0  }
0x142: {  	v0 =	vld [tilespmem:$0x1CB60];
	_ =	sdelay $0x4  }
0x143: {  	v0 =	vtrunc.f32 v0  }
0x144: {  	v0 =	vcvt.f32.s32 v0;
	_ =	sdelay $0x1  }
0x145: {  	[tilespmem:s18+$0x18B60] =	vst v0  }
0x146: {  	v0 =	vld [tilespmem:$0x1CB70];
	_ =	sdelay $0x4  }
0x147: {  	v0 =	vtrunc.f32 v0  }
0x148: {  	v0 =	vcvt.f32.s32 v0;
	_ =	sdelay $0x1  }
0x149: {  	[tilespmem:s18+$0x18B70] =	vst v0  }
0x14a: {  	v0 =	vld [tilespmem:$0x1CB80];
	_ =	sdelay $0x4  }
0x14b: {  	v0 =	vtrunc.f32 v0  }
0x14c: {  	v0 =	vcvt.f32.s32 v0;
	_ =	sdelay $0x1  }
0x14d: {  	[tilespmem:s18+$0x18B80] =	vst v0  }
0x14e: {  	v0 =	vld [tilespmem:$0x1CB90];
	_ =	sdelay $0x4  }
0x14f: {  	v0 =	vtrunc.f32 v0  }
0x150: {  	v0 =	vcvt.f32.s32 v0;
	_ =	sdelay $0x1  }
0x151: {  	[tilespmem:s18+$0x18B90] =	vst v0  }
0x152: {  	v0 =	vld [tilespmem:$0x1CBA0];
	_ =	sdelay $0x4  }
0x153: {  	v0 =	vtrunc.f32 v0  }
0x154: {  	v0 =	vcvt.f32.s32 v0;
	_ =	sdelay $0x1  }
0x155: {  	[tilespmem:s18+$0x18BA0] =	vst v0  }
0x156: {  	v0 =	vld [tilespmem:$0x1CBB0];
	_ =	sdelay $0x4  }
0x157: {  	v0 =	vtrunc.f32 v0  }
0x158: {  	v0 =	vcvt.f32.s32 v0;
	_ =	sdelay $0x1  }
0x159: {  	[tilespmem:s18+$0x18BB0] =	vst v0  }
0x15a: {  	v0 =	vld [tilespmem:$0x1CBC0];
	_ =	sdelay $0x4  }
0x15b: {  	v0 =	vtrunc.f32 v0  }
0x15c: {  	v0 =	vcvt.f32.s32 v0;
	_ =	sdelay $0x1  }
0x15d: {  	[tilespmem:s18+$0x18BC0] =	vst v0  }
0x15e: {  	v0 =	vld [tilespmem:$0x1CBD0];
	_ =	sdelay $0x4  }
0x15f: {  	v0 =	vtrunc.f32 v0  }
0x160: {  	v0 =	vcvt.f32.s32 v0;
	_ =	sdelay $0x1  }
0x161: {  	[tilespmem:s18+$0x18BD0] =	vst v0  }
0x162: {  	v0 =	vld [tilespmem:$0x1CBE0];
	_ =	sdelay $0x4  }
0x163: {  	v0 =	vtrunc.f32 v0  }
0x164: {  	v0 =	vcvt.f32.s32 v0;
	_ =	sdelay $0x1  }
0x165: {  	[tilespmem:s18+$0x18BE0] =	vst v0  }
0x166: {  	v0 =	vld [tilespmem:$0x1CBF0];
	_ =	sdelay $0x4  }
0x167: {  	v0 =	vtrunc.f32 v0  }
0x168: {  	v0 =	vcvt.f32.s32 v0;
	_ =	sdelay $0x1  }
0x169: {  	[tilespmem:s18+$0x18BF0] =	vst v0  }
0x16a: {  	v0 =	vld [tilespmem:$0x1CC00];
	_ =	sdelay $0x4  }
0x16b: {  	v0 =	vtrunc.f32 v0  }
0x16c: {  	v0 =	vcvt.f32.s32 v0;
	_ =	sdelay $0x1  }
0x16d: {  	[tilespmem:s18+$0x18C00] =	vst v0  }
0x16e: {  	v0 =	vld [tilespmem:$0x1CC10];
	_ =	sdelay $0x4  }
0x16f: {  	v0 =	vtrunc.f32 v0  }
0x170: {  	v0 =	vcvt.f32.s32 v0;
	_ =	sdelay $0x1  }
0x171: {  	[tilespmem:s18+$0x18C10] =	vst v0  }
0x172: {  	v0 =	vld [tilespmem:$0x1CC20];
	_ =	sdelay $0x4  }
0x173: {  	v0 =	vtrunc.f32 v0  }
0x174: {  	v0 =	vcvt.f32.s32 v0;
	_ =	sdelay $0x1  }
0x175: {  	[tilespmem:s18+$0x18C20] =	vst v0  }
0x176: {  	v0 =	vld [tilespmem:$0x1CC30];
	_ =	sdelay $0x4  }
0x177: {  	v0 =	vtrunc.f32 v0  }
0x178: {  	v0 =	vcvt.f32.s32 v0;
	_ =	sdelay $0x1  }
0x179: {  	[tilespmem:s18+$0x18C30] =	vst v0  }
0x17a: {  	v0 =	vld [tilespmem:$0x1CC40];
	_ =	sdelay $0x4  }
0x17b: {  	v0 =	vtrunc.f32 v0  }
0x17c: {  	v0 =	vcvt.f32.s32 v0;
	_ =	sdelay $0x1  }
0x17d: {  	[tilespmem:s18+$0x18C40] =	vst v0  }
0x17e: {  	v0 =	vld [tilespmem:$0x1CC50];
	_ =	sdelay $0x4  }
0x17f: {  	v0 =	vtrunc.f32 v0  }
0x180: {  	v0 =	vcvt.f32.s32 v0;
	_ =	sdelay $0x1  }
0x181: {  	[tilespmem:s18+$0x18C50] =	vst v0  }
0x182: {  	v0 =	vld [tilespmem:$0x1CC60];
	_ =	sdelay $0x4  }
0x183: {  	v0 =	vtrunc.f32 v0  }
0x184: {  	v0 =	vcvt.f32.s32 v0;
	_ =	sdelay $0x1  }
0x185: {  	[tilespmem:s18+$0x18C60] =	vst v0  }
0x186: {  	v0 =	vld [tilespmem:$0x1CC70];
	_ =	sdelay $0x4  }
0x187: {  	v0 =	vtrunc.f32 v0  }
0x188: {  	v0 =	vcvt.f32.s32 v0;
	_ =	sdelay $0x1  }
0x189: {  	[tilespmem:s18+$0x18C70] =	vst v0  }
0x18a: {  	v0 =	vld [tilespmem:$0x1CC80];
	_ =	sdelay $0x4  }
0x18b: {  	v0 =	vtrunc.f32 v0  }
0x18c: {  	v0 =	vcvt.f32.s32 v0;
	_ =	sdelay $0x1  }
0x18d: {  	[tilespmem:s18+$0x18C80] =	vst v0  }
0x18e: {  	v0 =	vld [tilespmem:$0x1CC90];
	_ =	sdelay $0x4  }
0x18f: {  	v0 =	vtrunc.f32 v0  }
0x190: {  	v0 =	vcvt.f32.s32 v0;
	_ =	sdelay $0x1  }
0x191: {  	[tilespmem:s18+$0x18C90] =	vst v0  }
0x192: {  	v0 =	vld [tilespmem:$0x1CCA0];
	_ =	sdelay $0x4  }
0x193: {  	v0 =	vtrunc.f32 v0  }
0x194: {  	v0 =	vcvt.f32.s32 v0;
	_ =	sdelay $0x1  }
0x195: {  	[tilespmem:s18+$0x18CA0] =	vst v0  }
0x196: {  	v0 =	vld [tilespmem:$0x1CCB0];
	_ =	sdelay $0x4  }
0x197: {  	v0 =	vtrunc.f32 v0  }
0x198: {  	v0 =	vcvt.f32.s32 v0;
	_ =	sdelay $0x1  }
0x199: {  	[tilespmem:s18+$0x18CB0] =	vst v0  }
0x19a: {  	v0 =	vld [tilespmem:$0x1CCC0];
	_ =	sdelay $0x4  }
0x19b: {  	v0 =	vtrunc.f32 v0  }
0x19c: {  	v0 =	vcvt.f32.s32 v0;
	_ =	sdelay $0x1  }
0x19d: {  	[tilespmem:s18+$0x18CC0] =	vst v0  }
0x19e: {  	v0 =	vld [tilespmem:$0x1CCD0];
	_ =	sdelay $0x4  }
0x19f: {  	v0 =	vtrunc.f32 v0  }
0x1a0: {  	v0 =	vcvt.f32.s32 v0;
	_ =	sdelay $0x1  }
0x1a1: {  	[tilespmem:s18+$0x18CD0] =	vst v0  }
0x1a2: {  	v0 =	vld [tilespmem:$0x1CCE0];
	_ =	sdelay $0x4  }
0x1a3: {  	v0 =	vtrunc.f32 v0  }
0x1a4: {  	v0 =	vcvt.f32.s32 v0;
	_ =	sdelay $0x1  }
0x1a5: {  	[tilespmem:s18+$0x18CE0] =	vst v0  }
0x1a6: {  	v0 =	vld [tilespmem:$0x1CCF0];
	_ =	sdelay $0x4  }
0x1a7: {  	v0 =	vtrunc.f32 v0  }
0x1a8: {  	v0 =	vcvt.f32.s32 v0;
	_ =	sdelay $0x1  }
0x1a9: {  	[tilespmem:s18+$0x18CF0] =	vst v0  }
0x1aa: {  	v0 =	vld [tilespmem:$0x1CD00];
	_ =	sdelay $0x4  }
0x1ab: {  	v0 =	vtrunc.f32 v0  }
0x1ac: {  	v0 =	vcvt.f32.s32 v0;
	_ =	sdelay $0x1  }
0x1ad: {  	[tilespmem:s18+$0x18D00] =	vst v0  }
0x1ae: {  	v0 =	vld [tilespmem:$0x1CD10];
	_ =	sdelay $0x4  }
0x1af: {  	v0 =	vtrunc.f32 v0  }
0x1b0: {  	v0 =	vcvt.f32.s32 v0;
	_ =	sdelay $0x1  }
0x1b1: {  	[tilespmem:s18+$0x18D10] =	vst v0  }
0x1b2: {  	v0 =	vld [tilespmem:$0x1CD20];
	_ =	sdelay $0x4  }
0x1b3: {  	v0 =	vtrunc.f32 v0  }
0x1b4: {  	v0 =	vcvt.f32.s32 v0;
	_ =	sdelay $0x1  }
0x1b5: {  	[tilespmem:s18+$0x18D20] =	vst v0  }
0x1b6: {  	v0 =	vld [tilespmem:$0x1CD30];
	_ =	sdelay $0x4  }
0x1b7: {  	v0 =	vtrunc.f32 v0  }
0x1b8: {  	v0 =	vcvt.f32.s32 v0;
	_ =	sdelay $0x1  }
0x1b9: {  	[tilespmem:s18+$0x18D30] =	vst v0  }
0x1ba: {  	v0 =	vld [tilespmem:$0x1CD40];
	_ =	sdelay $0x4  }
0x1bb: {  	v0 =	vtrunc.f32 v0  }
0x1bc: {  	v0 =	vcvt.f32.s32 v0;
	_ =	sdelay $0x1  }
0x1bd: {  	[tilespmem:s18+$0x18D40] =	vst v0  }
0x1be: {  	v0 =	vld [tilespmem:$0x1CD50];
	_ =	sdelay $0x4  }
0x1bf: {  	v0 =	vtrunc.f32 v0  }
0x1c0: {  	v0 =	vcvt.f32.s32 v0;
	_ =	sdelay $0x1  }
0x1c1: {  	[tilespmem:s18+$0x18D50] =	vst v0  }
0x1c2: {  	v0 =	vld [tilespmem:$0x1CD60];
	_ =	sdelay $0x4  }
0x1c3: {  	v0 =	vtrunc.f32 v0  }
0x1c4: {  	v0 =	vcvt.f32.s32 v0;
	_ =	sdelay $0x1  }
0x1c5: {  	[tilespmem:s18+$0x18D60] =	vst v0  }
0x1c6: {  	v0 =	vld [tilespmem:$0x1CD70];
	_ =	sdelay $0x4  }
0x1c7: {  	v0 =	vtrunc.f32 v0  }
0x1c8: {  	v0 =	vcvt.f32.s32 v0;
	_ =	sdelay $0x1  }
0x1c9: {  	[tilespmem:s18+$0x18D70] =	vst v0  }
0x1ca: {  	v0 =	vld [tilespmem:$0x1CD80];
	_ =	sdelay $0x4  }
0x1cb: {  	v0 =	vtrunc.f32 v0  }
0x1cc: {  	v0 =	vcvt.f32.s32 v0;
	_ =	sdelay $0x1  }
0x1cd: {  	[tilespmem:s18+$0x18D80] =	vst v0  }
0x1ce: {  	v0 =	vld [tilespmem:$0x1CD90];
	_ =	sdelay $0x4  }
0x1cf: {  	v0 =	vtrunc.f32 v0  }
0x1d0: {  	v0 =	vcvt.f32.s32 v0;
	_ =	sdelay $0x1  }
0x1d1: {  	[tilespmem:s18+$0x18D90] =	vst v0  }
0x1d2: {  	v0 =	vld [tilespmem:$0x1CDA0];
	_ =	sdelay $0x4  }
0x1d3: {  	v0 =	vtrunc.f32 v0  }
0x1d4: {  	v0 =	vcvt.f32.s32 v0;
	_ =	sdelay $0x1  }
0x1d5: {  	[tilespmem:s18+$0x18DA0] =	vst v0  }
0x1d6: {  	v0 =	vld [tilespmem:$0x1CDB0];
	_ =	sdelay $0x4  }
0x1d7: {  	v0 =	vtrunc.f32 v0  }
0x1d8: {  	v0 =	vcvt.f32.s32 v0;
	_ =	sdelay $0x1  }
0x1d9: {  	[tilespmem:s18+$0x18DB0] =	vst v0  }
0x1da: {  	v0 =	vld [tilespmem:$0x1CDC0];
	_ =	sdelay $0x4  }
0x1db: {  	v0 =	vtrunc.f32 v0  }
0x1dc: {  	v0 =	vcvt.f32.s32 v0;
	_ =	sdelay $0x1  }
0x1dd: {  	[tilespmem:s18+$0x18DC0] =	vst v0  }
0x1de: {  	v0 =	vld [tilespmem:$0x1CDD0];
	_ =	sdelay $0x4  }
0x1df: {  	v0 =	vtrunc.f32 v0  }
0x1e0: {  	v0 =	vcvt.f32.s32 v0;
	_ =	sdelay $0x1  }
0x1e1: {  	[tilespmem:s18+$0x18DD0] =	vst v0  }
0x1e2: {  	v0 =	vld [tilespmem:$0x1CDE0];
	_ =	sdelay $0x4  }
0x1e3: {  	v0 =	vtrunc.f32 v0  }
0x1e4: {  	v0 =	vcvt.f32.s32 v0;
	_ =	sdelay $0x1  }
0x1e5: {  	[tilespmem:s18+$0x18DE0] =	vst v0  }
0x1e6: {  	v0 =	vld [tilespmem:$0x1CDF0];
	_ =	sdelay $0x4  }
0x1e7: {  	v0 =	vtrunc.f32 v0  }
0x1e8: {  	v0 =	vcvt.f32.s32 v0;
	_ =	sdelay $0x1  }
0x1e9: {  	[tilespmem:s18+$0x18DF0] =	vst v0  }
0x1ea: {  	v0 =	vld [tilespmem:$0x1CE00];
	_ =	sdelay $0x4  }
0x1eb: {  	v0 =	vtrunc.f32 v0  }
0x1ec: {  	v0 =	vcvt.f32.s32 v0;
	_ =	sdelay $0x1  }
0x1ed: {  	[tilespmem:s18+$0x18E00] =	vst v0  }
0x1ee: {  	v0 =	vld [tilespmem:$0x1CE10];
	_ =	sdelay $0x4  }
0x1ef: {  	v0 =	vtrunc.f32 v0  }
0x1f0: {  	v0 =	vcvt.f32.s32 v0;
	_ =	sdelay $0x1  }
0x1f1: {  	[tilespmem:s18+$0x18E10] =	vst v0  }
0x1f2: {  	v0 =	vld [tilespmem:$0x1CE20];
	_ =	sdelay $0x4  }
0x1f3: {  	v0 =	vtrunc.f32 v0  }
0x1f4: {  	v0 =	vcvt.f32.s32 v0;
	_ =	sdelay $0x1  }
0x1f5: {  	[tilespmem:s18+$0x18E20] =	vst v0  }
0x1f6: {  	v0 =	vld [tilespmem:$0x1CE30];
	_ =	sdelay $0x4  }
0x1f7: {  	v0 =	vtrunc.f32 v0  }
0x1f8: {  	v0 =	vcvt.f32.s32 v0;
	_ =	sdelay $0x1  }
0x1f9: {  	[tilespmem:s18+$0x18E30] =	vst v0  }
0x1fa: {  	v0 =	vld [tilespmem:$0x1CE40];
	_ =	sdelay $0x4  }
0x1fb: {  	v0 =	vtrunc.f32 v0  }
0x1fc: {  	v0 =	vcvt.f32.s32 v0;
	_ =	sdelay $0x1  }
0x1fd: {  	[tilespmem:s18+$0x18E40] =	vst v0  }
0x1fe: {  	v0 =	vld [tilespmem:$0x1CE50];
	_ =	sdelay $0x4  }
0x1ff: {  	v0 =	vtrunc.f32 v0  }
0x200: {  	v0 =	vcvt.f32.s32 v0;
	_ =	sdelay $0x1  }
0x201: {  	[tilespmem:s18+$0x18E50] =	vst v0  }
0x202: {  	v0 =	vld [tilespmem:$0x1CE60];
	_ =	sdelay $0x4  }
0x203: {  	v0 =	vtrunc.f32 v0  }
0x204: {  	v0 =	vcvt.f32.s32 v0;
	_ =	sdelay $0x1  }
0x205: {  	[tilespmem:s18+$0x18E60] =	vst v0  }
0x206: {  	v0 =	vld [tilespmem:$0x1CE70];
	_ =	sdelay $0x4  }
0x207: {  	v0 =	vtrunc.f32 v0  }
0x208: {  	v0 =	vcvt.f32.s32 v0;
	_ =	sdelay $0x1  }
0x209: {  	[tilespmem:s18+$0x18E70] =	vst v0  }
0x20a: {  	v0 =	vld [tilespmem:$0x1CE80];
	_ =	sdelay $0x4  }
0x20b: {  	v0 =	vtrunc.f32 v0  }
0x20c: {  	v0 =	vcvt.f32.s32 v0;
	_ =	sdelay $0x1  }
0x20d: {  	[tilespmem:s18+$0x18E80] =	vst v0  }
0x20e: {  	v0 =	vld [tilespmem:$0x1CE90];
	_ =	sdelay $0x4  }
0x20f: {  	v0 =	vtrunc.f32 v0  }
0x210: {  	v0 =	vcvt.f32.s32 v0;
	_ =	sdelay $0x1  }
0x211: {  	[tilespmem:s18+$0x18E90] =	vst v0  }
0x212: {  	v0 =	vld [tilespmem:$0x1CEA0];
	_ =	sdelay $0x4  }
0x213: {  	v0 =	vtrunc.f32 v0  }
0x214: {  	v0 =	vcvt.f32.s32 v0;
	_ =	sdelay $0x1  }
0x215: {  	[tilespmem:s18+$0x18EA0] =	vst v0  }
0x216: {  	v0 =	vld [tilespmem:$0x1CEB0];
	_ =	sdelay $0x4  }
0x217: {  	v0 =	vtrunc.f32 v0  }
0x218: {  	v0 =	vcvt.f32.s32 v0;
	_ =	sdelay $0x1  }
0x219: {  	[tilespmem:s18+$0x18EB0] =	vst v0  }
0x21a: {  	v0 =	vld [tilespmem:$0x1CEC0];
	_ =	sdelay $0x4  }
0x21b: {  	v0 =	vtrunc.f32 v0  }
0x21c: {  	v0 =	vcvt.f32.s32 v0;
	_ =	sdelay $0x1  }
0x21d: {  	[tilespmem:s18+$0x18EC0] =	vst v0  }
0x21e: {  	v0 =	vld [tilespmem:$0x1CED0];
	_ =	sdelay $0x4  }
0x21f: {  	v0 =	vtrunc.f32 v0  }
0x220: {  	v0 =	vcvt.f32.s32 v0;
	_ =	sdelay $0x1  }
0x221: {  	[tilespmem:s18+$0x18ED0] =	vst v0  }
0x222: {  	v0 =	vld [tilespmem:$0x1CEE0];
	_ =	sdelay $0x4  }
0x223: {  	v0 =	vtrunc.f32 v0  }
0x224: {  	v0 =	vcvt.f32.s32 v0;
	_ =	sdelay $0x1  }
0x225: {  	[tilespmem:s18+$0x18EE0] =	vst v0  }
0x226: {  	v0 =	vld [tilespmem:$0x1CEF0];
	_ =	sdelay $0x4  }
0x227: {  	v0 =	vtrunc.f32 v0  }
0x228: {  	v0 =	vcvt.f32.s32 v0;
	_ =	sdelay $0x1  }
0x229: {  	[tilespmem:s18+$0x18EF0] =	vst v0  }
0x22a: {  	v0 =	vld [tilespmem:$0x1CF00];
	_ =	sdelay $0x4  }
0x22b: {  	v0 =	vtrunc.f32 v0  }
0x22c: {  	v0 =	vcvt.f32.s32 v0;
	_ =	sdelay $0x1  }
0x22d: {  	[tilespmem:s18+$0x18F00] =	vst v0  }
0x22e: {  	v0 =	vld [tilespmem:$0x1CF10];
	_ =	sdelay $0x4  }
0x22f: {  	v0 =	vtrunc.f32 v0  }
0x230: {  	v0 =	vcvt.f32.s32 v0;
	_ =	sdelay $0x1  }
0x231: {  	[tilespmem:s18+$0x18F10] =	vst v0  }
0x232: {  	v0 =	vld [tilespmem:$0x1CF20];
	_ =	sdelay $0x4  }
0x233: {  	v0 =	vtrunc.f32 v0  }
0x234: {  	v0 =	vcvt.f32.s32 v0;
	_ =	sdelay $0x1  }
0x235: {  	[tilespmem:s18+$0x18F20] =	vst v0  }
0x236: {  	v0 =	vld [tilespmem:$0x1CF30];
	_ =	sdelay $0x4  }
0x237: {  	v0 =	vtrunc.f32 v0  }
0x238: {  	v0 =	vcvt.f32.s32 v0;
	_ =	sdelay $0x1  }
0x239: {  	[tilespmem:s18+$0x18F30] =	vst v0  }
0x23a: {  	v0 =	vld [tilespmem:$0x1CF40];
	_ =	sdelay $0x4  }
0x23b: {  	v0 =	vtrunc.f32 v0  }
0x23c: {  	v0 =	vcvt.f32.s32 v0;
	_ =	sdelay $0x1  }
0x23d: {  	[tilespmem:s18+$0x18F40] =	vst v0  }
0x23e: {  	v0 =	vld [tilespmem:$0x1CF50];
	_ =	sdelay $0x4  }
0x23f: {  	v0 =	vtrunc.f32 v0  }
0x240: {  	v0 =	vcvt.f32.s32 v0;
	_ =	sdelay $0x1  }
0x241: {  	[tilespmem:s18+$0x18F50] =	vst v0  }
0x242: {  	v0 =	vld [tilespmem:$0x1CF60];
	_ =	sdelay $0x4  }
0x243: {  	v0 =	vtrunc.f32 v0  }
0x244: {  	v0 =	vcvt.f32.s32 v0;
	_ =	sdelay $0x1  }
0x245: {  	[tilespmem:s18+$0x18F60] =	vst v0  }
0x246: {  	v0 =	vld [tilespmem:$0x1CF70];
	_ =	sdelay $0x4  }
0x247: {  	v0 =	vtrunc.f32 v0  }
0x248: {  	v0 =	vcvt.f32.s32 v0;
	_ =	sdelay $0x1  }
0x249: {  	[tilespmem:s18+$0x18F70] =	vst v0  }
0x24a: {  	v0 =	vld [tilespmem:$0x1CF80];
	_ =	sdelay $0x4  }
0x24b: {  	v0 =	vtrunc.f32 v0  }
0x24c: {  	v0 =	vcvt.f32.s32 v0;
	_ =	sdelay $0x1  }
0x24d: {  	[tilespmem:s18+$0x18F80] =	vst v0  }
0x24e: {  	v0 =	vld [tilespmem:$0x1CF90];
	_ =	sdelay $0x4  }
0x24f: {  	v0 =	vtrunc.f32 v0  }
0x250: {  	v0 =	vcvt.f32.s32 v0;
	_ =	sdelay $0x1  }
0x251: {  	[tilespmem:s18+$0x18F90] =	vst v0  }
0x252: {  	v0 =	vld [tilespmem:$0x1CFA0];
	_ =	sdelay $0x4  }
0x253: {  	v0 =	vtrunc.f32 v0  }
0x254: {  	v0 =	vcvt.f32.s32 v0;
	_ =	sdelay $0x1  }
0x255: {  	[tilespmem:s18+$0x18FA0] =	vst v0  }
0x256: {  	v0 =	vld [tilespmem:$0x1CFB0];
	_ =	sdelay $0x4  }
0x257: {  	v0 =	vtrunc.f32 v0  }
0x258: {  	v0 =	vcvt.f32.s32 v0;
	_ =	sdelay $0x1  }
0x259: {  	[tilespmem:s18+$0x18FB0] =	vst v0  }
0x25a: {  	v0 =	vld [tilespmem:$0x1CFC0];
	_ =	sdelay $0x4  }
0x25b: {  	v0 =	vtrunc.f32 v0  }
0x25c: {  	v0 =	vcvt.f32.s32 v0;
	_ =	sdelay $0x1  }
0x25d: {  	[tilespmem:s18+$0x18FC0] =	vst v0  }
0x25e: {  	v0 =	vld [tilespmem:$0x1CFD0];
	_ =	sdelay $0x4  }
0x25f: {  	v0 =	vtrunc.f32 v0  }
0x260: {  	v0 =	vcvt.f32.s32 v0;
	_ =	sdelay $0x1  }
0x261: {  	[tilespmem:s18+$0x18FD0] =	vst v0  }
0x262: {  	v0 =	vld [tilespmem:$0x1CFE0];
	_ =	sdelay $0x4  }
0x263: {  	v0 =	vtrunc.f32 v0  }
0x264: {  	v0 =	vcvt.f32.s32 v0;
	_ =	sdelay $0x1  }
0x265: {  	[tilespmem:s18+$0x18FE0] =	vst v0  }
0x266: {  	v0 =	vld [tilespmem:$0x1CFF0];
	_ =	sdelay $0x4  }
0x267: {  	v0 =	vtrunc.f32 v0  }
0x268: {  	v0 =	vcvt.f32.s32 v0;
	_ =	sdelay $0x1  }
0x269: {  	[tilespmem:s18+$0x18FF0] =	vst v0  }
0x26a: {  	v0 =	vld [tilespmem:$0x1D000];
	_ =	sdelay $0x4  }
0x26b: {  	v0 =	vtrunc.f32 v0  }
0x26c: {  	v0 =	vcvt.f32.s32 v0;
	_ =	sdelay $0x1  }
0x26d: {  	[tilespmem:s18+$0x19000] =	vst v0  }
0x26e: {  	v0 =	vld [tilespmem:$0x1D010];
	_ =	sdelay $0x4  }
0x26f: {  	v0 =	vtrunc.f32 v0  }
0x270: {  	v0 =	vcvt.f32.s32 v0;
	_ =	sdelay $0x1  }
0x271: {  	[tilespmem:s18+$0x19010] =	vst v0  }
0x272: {  	v0 =	vld [tilespmem:$0x1D020];
	_ =	sdelay $0x4  }
0x273: {  	v0 =	vtrunc.f32 v0  }
0x274: {  	v0 =	vcvt.f32.s32 v0;
	_ =	sdelay $0x1  }
0x275: {  	[tilespmem:s18+$0x19020] =	vst v0  }
0x276: {  	v0 =	vld [tilespmem:$0x1D030];
	_ =	sdelay $0x4  }
0x277: {  	v0 =	vtrunc.f32 v0  }
0x278: {  	v0 =	vcvt.f32.s32 v0;
	_ =	sdelay $0x1  }
0x279: {  	[tilespmem:s18+$0x19030] =	vst v0  }
0x27a: {  	v0 =	vld [tilespmem:$0x1D040];
	_ =	sdelay $0x4  }
0x27b: {  	v0 =	vtrunc.f32 v0  }
0x27c: {  	v0 =	vcvt.f32.s32 v0;
	_ =	sdelay $0x1  }
0x27d: {  	[tilespmem:s18+$0x19040] =	vst v0  }
0x27e: {  	v0 =	vld [tilespmem:$0x1D050];
	_ =	sdelay $0x4  }
0x27f: {  	v0 =	vtrunc.f32 v0  }
0x280: {  	v0 =	vcvt.f32.s32 v0;
	_ =	sdelay $0x1  }
0x281: {  	[tilespmem:s18+$0x19050] =	vst v0  }
0x282: {  	v0 =	vld [tilespmem:$0x1D060];
	_ =	sdelay $0x4  }
0x283: {  	v0 =	vtrunc.f32 v0  }
0x284: {  	v0 =	vcvt.f32.s32 v0;
	_ =	sdelay $0x1  }
0x285: {  	[tilespmem:s18+$0x19060] =	vst v0  }
0x286: {  	v0 =	vld [tilespmem:$0x1D070];
	_ =	sdelay $0x4  }
0x287: {  	v0 =	vtrunc.f32 v0  }
0x288: {  	v0 =	vcvt.f32.s32 v0;
	_ =	sdelay $0x1  }
0x289: {  	[tilespmem:s18+$0x19070] =	vst v0  }
0x28a: {  	v0 =	vld [tilespmem:$0x1D080];
	_ =	sdelay $0x4  }
0x28b: {  	v0 =	vtrunc.f32 v0  }
0x28c: {  	v0 =	vcvt.f32.s32 v0;
	_ =	sdelay $0x1  }
0x28d: {  	[tilespmem:s18+$0x19080] =	vst v0  }
0x28e: {  	v0 =	vld [tilespmem:$0x1D090];
	_ =	sdelay $0x4  }
0x28f: {  	v0 =	vtrunc.f32 v0  }
0x290: {  	v0 =	vcvt.f32.s32 v0;
	_ =	sdelay $0x1  }
0x291: {  	[tilespmem:s18+$0x19090] =	vst v0  }
0x292: {  	v0 =	vld [tilespmem:$0x1D0A0];
	_ =	sdelay $0x4  }
0x293: {  	v0 =	vtrunc.f32 v0  }
0x294: {  	v0 =	vcvt.f32.s32 v0;
	_ =	sdelay $0x1  }
0x295: {  	[tilespmem:s18+$0x190A0] =	vst v0  }
0x296: {  	v0 =	vld [tilespmem:$0x1D0B0];
	_ =	sdelay $0x4  }
0x297: {  	v0 =	vtrunc.f32 v0  }
0x298: {  	v0 =	vcvt.f32.s32 v0;
	_ =	sdelay $0x1  }
0x299: {  	[tilespmem:s18+$0x190B0] =	vst v0  }
0x29a: {  	v0 =	vld [tilespmem:$0x1D0C0];
	_ =	sdelay $0x4  }
0x29b: {  	v0 =	vtrunc.f32 v0  }
0x29c: {  	v0 =	vcvt.f32.s32 v0;
	_ =	sdelay $0x1  }
0x29d: {  	[tilespmem:s18+$0x190C0] =	vst v0  }
0x29e: {  	v0 =	vld [tilespmem:$0x1D0D0];
	_ =	sdelay $0x4  }
0x29f: {  	v0 =	vtrunc.f32 v0  }
0x2a0: {  	v0 =	vcvt.f32.s32 v0;
	_ =	sdelay $0x1  }
0x2a1: {  	[tilespmem:s18+$0x190D0] =	vst v0  }
0x2a2: {  	v0 =	vld [tilespmem:$0x1D0E0];
	_ =	sdelay $0x4  }
0x2a3: {  	v0 =	vtrunc.f32 v0  }
0x2a4: {  	v0 =	vcvt.f32.s32 v0;
	_ =	sdelay $0x1  }
0x2a5: {  	[tilespmem:s18+$0x190E0] =	vst v0  }
0x2a6: {  	v0 =	vld [tilespmem:$0x1D0F0];
	_ =	sdelay $0x4  }
0x2a7: {  	v0 =	vtrunc.f32 v0  }
0x2a8: {  	v0 =	vcvt.f32.s32 v0;
	_ =	sdelay $0x1  }
0x2a9: {  	[tilespmem:s18+$0x190F0] =	vst v0  }
0x2aa: {  	v0 =	vld [tilespmem:$0x1D100];
	_ =	sdelay $0x4  }
0x2ab: {  	v0 =	vtrunc.f32 v0  }
0x2ac: {  	v0 =	vcvt.f32.s32 v0;
	_ =	sdelay $0x1  }
0x2ad: {  	[tilespmem:s18+$0x19100] =	vst v0  }
0x2ae: {  	v0 =	vld [tilespmem:$0x1D110];
	_ =	sdelay $0x4  }
0x2af: {  	v0 =	vtrunc.f32 v0  }
0x2b0: {  	v0 =	vcvt.f32.s32 v0;
	_ =	sdelay $0x1  }
0x2b1: {  	[tilespmem:s18+$0x19110] =	vst v0  }
0x2b2: {  	v0 =	vld [tilespmem:$0x1D120];
	_ =	sdelay $0x4  }
0x2b3: {  	v0 =	vtrunc.f32 v0  }
0x2b4: {  	v0 =	vcvt.f32.s32 v0;
	_ =	sdelay $0x1  }
0x2b5: {  	[tilespmem:s18+$0x19120] =	vst v0  }
0x2b6: {  	v0 =	vld [tilespmem:$0x1D130];
	_ =	sdelay $0x4  }
0x2b7: {  	v0 =	vtrunc.f32 v0  }
0x2b8: {  	v0 =	vcvt.f32.s32 v0;
	_ =	sdelay $0x1  }
0x2b9: {  	[tilespmem:s18+$0x19130] =	vst v0  }
0x2ba: {  	v0 =	vld [tilespmem:$0x1D140];
	_ =	sdelay $0x4  }
0x2bb: {  	v0 =	vtrunc.f32 v0  }
0x2bc: {  	v0 =	vcvt.f32.s32 v0;
	_ =	sdelay $0x1  }
0x2bd: {  	[tilespmem:s18+$0x19140] =	vst v0  }
0x2be: {  	v0 =	vld [tilespmem:$0x1D150];
	_ =	sdelay $0x4  }
0x2bf: {  	v0 =	vtrunc.f32 v0  }
0x2c0: {  	v0 =	vcvt.f32.s32 v0;
	_ =	sdelay $0x1  }
0x2c1: {  	[tilespmem:s18+$0x19150] =	vst v0  }
0x2c2: {  	v0 =	vld [tilespmem:$0x1D160];
	_ =	sdelay $0x4  }
0x2c3: {  	v0 =	vtrunc.f32 v0  }
0x2c4: {  	v0 =	vcvt.f32.s32 v0;
	_ =	sdelay $0x1  }
0x2c5: {  	[tilespmem:s18+$0x19160] =	vst v0  }
0x2c6: {  	v0 =	vld [tilespmem:$0x1D170];
	_ =	sdelay $0x4  }
0x2c7: {  	v0 =	vtrunc.f32 v0  }
0x2c8: {  	v0 =	vcvt.f32.s32 v0;
	_ =	sdelay $0x1  }
0x2c9: {  	[tilespmem:s18+$0x19170] =	vst v0  }
0x2ca: {  	v0 =	vld [tilespmem:$0x1D180];
	_ =	sdelay $0x4  }
0x2cb: {  	v0 =	vtrunc.f32 v0  }
0x2cc: {  	v0 =	vcvt.f32.s32 v0;
	_ =	sdelay $0x1  }
0x2cd: {  	[tilespmem:s18+$0x19180] =	vst v0  }
0x2ce: {  	v0 =	vld [tilespmem:$0x1D190];
	_ =	sdelay $0x4  }
0x2cf: {  	v0 =	vtrunc.f32 v0  }
0x2d0: {  	v0 =	vcvt.f32.s32 v0;
	_ =	sdelay $0x1  }
0x2d1: {  	[tilespmem:s18+$0x19190] =	vst v0  }
0x2d2: {  	v0 =	vld [tilespmem:$0x1D1A0];
	_ =	sdelay $0x4  }
0x2d3: {  	v0 =	vtrunc.f32 v0  }
0x2d4: {  	v0 =	vcvt.f32.s32 v0;
	_ =	sdelay $0x1  }
0x2d5: {  	[tilespmem:s18+$0x191A0] =	vst v0  }
0x2d6: {  	v0 =	vld [tilespmem:$0x1D1B0];
	_ =	sdelay $0x4  }
0x2d7: {  	v0 =	vtrunc.f32 v0  }
0x2d8: {  	v0 =	vcvt.f32.s32 v0;
	_ =	sdelay $0x1  }
0x2d9: {  	[tilespmem:s18+$0x191B0] =	vst v0  }
0x2da: {  	v0 =	vld [tilespmem:$0x1D1C0];
	_ =	sdelay $0x4  }
0x2db: {  	v0 =	vtrunc.f32 v0  }
0x2dc: {  	v0 =	vcvt.f32.s32 v0;
	_ =	sdelay $0x1  }
0x2dd: {  	[tilespmem:s18+$0x191C0] =	vst v0  }
0x2de: {  	v0 =	vld [tilespmem:$0x1D1D0];
	_ =	sdelay $0x4  }
0x2df: {  	v0 =	vtrunc.f32 v0  }
0x2e0: {  	v0 =	vcvt.f32.s32 v0;
	_ =	sdelay $0x1  }
0x2e1: {  	[tilespmem:s18+$0x191D0] =	vst v0  }
0x2e2: {  	v0 =	vld [tilespmem:$0x1D1E0];
	_ =	sdelay $0x4  }
0x2e3: {  	v0 =	vtrunc.f32 v0  }
0x2e4: {  	v0 =	vcvt.f32.s32 v0;
	_ =	sdelay $0x1  }
0x2e5: {  	[tilespmem:s18+$0x191E0] =	vst v0  }
0x2e6: {  	v0 =	vld [tilespmem:$0x1D1F0];
	_ =	sdelay $0x4  }
0x2e7: {  	v0 =	vtrunc.f32 v0  }
0x2e8: {  	v0 =	vcvt.f32.s32 v0;
	_ =	sdelay $0x1  }
0x2e9: {  	[tilespmem:s18+$0x191F0] =	vst v0  }
0x2ea: {  	v0 =	vld [tilespmem:$0x1D200];
	_ =	sdelay $0x4  }
0x2eb: {  	v0 =	vtrunc.f32 v0  }
0x2ec: {  	v0 =	vcvt.f32.s32 v0;
	_ =	sdelay $0x1  }
0x2ed: {  	[tilespmem:s18+$0x19200] =	vst v0  }
0x2ee: {  	v0 =	vld [tilespmem:$0x1D210];
	_ =	sdelay $0x4  }
0x2ef: {  	v0 =	vtrunc.f32 v0  }
0x2f0: {  	v0 =	vcvt.f32.s32 v0;
	_ =	sdelay $0x1  }
0x2f1: {  	[tilespmem:s18+$0x19210] =	vst v0  }
0x2f2: {  	v0 =	vld [tilespmem:$0x1D220];
	_ =	sdelay $0x4  }
0x2f3: {  	v0 =	vtrunc.f32 v0  }
0x2f4: {  	v0 =	vcvt.f32.s32 v0;
	_ =	sdelay $0x1  }
0x2f5: {  	[tilespmem:s18+$0x19220] =	vst v0  }
0x2f6: {  	v0 =	vld [tilespmem:$0x1D230];
	_ =	sdelay $0x4  }
0x2f7: {  	v0 =	vtrunc.f32 v0  }
0x2f8: {  	v0 =	vcvt.f32.s32 v0;
	_ =	sdelay $0x1  }
0x2f9: {  	[tilespmem:s18+$0x19230] =	vst v0  }
0x2fa: {  	v0 =	vld [tilespmem:$0x1D240];
	_ =	sdelay $0x4  }
0x2fb: {  	v0 =	vtrunc.f32 v0  }
0x2fc: {  	v0 =	vcvt.f32.s32 v0;
	_ =	sdelay $0x1  }
0x2fd: {  	[tilespmem:s18+$0x19240] =	vst v0  }
0x2fe: {  	v0 =	vld [tilespmem:$0x1D250];
	_ =	sdelay $0x4  }
0x2ff: {  	v0 =	vtrunc.f32 v0  }
0x300: {  	v0 =	vcvt.f32.s32 v0;
	_ =	sdelay $0x1  }
0x301: {  	[tilespmem:s18+$0x19250] =	vst v0  }
0x302: {  	v0 =	vld [tilespmem:$0x1D260];
	_ =	sdelay $0x4  }
0x303: {  	v0 =	vtrunc.f32 v0  }
0x304: {  	v0 =	vcvt.f32.s32 v0;
	_ =	sdelay $0x1  }
0x305: {  	[tilespmem:s18+$0x19260] =	vst v0  }
0x306: {  	v0 =	vld [tilespmem:$0x1D270];
	_ =	sdelay $0x4  }
0x307: {  	v0 =	vtrunc.f32 v0  }
0x308: {  	v0 =	vcvt.f32.s32 v0;
	_ =	sdelay $0x1  }
0x309: {  	[tilespmem:s18+$0x19270] =	vst v0  }
0x30a: {  	v0 =	vld [tilespmem:$0x1D280];
	_ =	sdelay $0x4  }
0x30b: {  	v0 =	vtrunc.f32 v0  }
0x30c: {  	v0 =	vcvt.f32.s32 v0;
	_ =	sdelay $0x1  }
0x30d: {  	[tilespmem:s18+$0x19280] =	vst v0  }
0x30e: {  	v0 =	vld [tilespmem:$0x1D290];
	_ =	sdelay $0x4  }
0x30f: {  	v0 =	vtrunc.f32 v0  }
0x310: {  	v0 =	vcvt.f32.s32 v0;
	_ =	sdelay $0x1  }
0x311: {  	[tilespmem:s18+$0x19290] =	vst v0  }
0x312: {  	v0 =	vld [tilespmem:$0x1D2A0];
	_ =	sdelay $0x4  }
0x313: {  	v0 =	vtrunc.f32 v0  }
0x314: {  	v0 =	vcvt.f32.s32 v0;
	_ =	sdelay $0x1  }
0x315: {  	[tilespmem:s18+$0x192A0] =	vst v0  }
0x316: {  	v0 =	vld [tilespmem:$0x1D2B0];
	_ =	sdelay $0x4  }
0x317: {  	v0 =	vtrunc.f32 v0  }
0x318: {  	v0 =	vcvt.f32.s32 v0;
	_ =	sdelay $0x1  }
0x319: {  	[tilespmem:s18+$0x192B0] =	vst v0  }
0x31a: {  	v0 =	vld [tilespmem:$0x1D2C0];
	_ =	sdelay $0x4  }
0x31b: {  	v0 =	vtrunc.f32 v0  }
0x31c: {  	v0 =	vcvt.f32.s32 v0;
	_ =	sdelay $0x1  }
0x31d: {  	[tilespmem:s18+$0x192C0] =	vst v0  }
0x31e: {  	v0 =	vld [tilespmem:$0x1D2D0];
	_ =	sdelay $0x4  }
0x31f: {  	v0 =	vtrunc.f32 v0  }
0x320: {  	v0 =	vcvt.f32.s32 v0;
	_ =	sdelay $0x1  }
0x321: {  	[tilespmem:s18+$0x192D0] =	vst v0  }
0x322: {  	v0 =	vld [tilespmem:$0x1D2E0];
	_ =	sdelay $0x4  }
0x323: {  	v0 =	vtrunc.f32 v0  }
0x324: {  	v0 =	vcvt.f32.s32 v0;
	_ =	sdelay $0x1  }
0x325: {  	[tilespmem:s18+$0x192E0] =	vst v0  }
0x326: {  	v0 =	vld [tilespmem:$0x1D2F0];
	_ =	sdelay $0x4  }
0x327: {  	v0 =	vtrunc.f32 v0  }
0x328: {  	v0 =	vcvt.f32.s32 v0;
	_ =	sdelay $0x1  }
0x329: {  	[tilespmem:s18+$0x192F0] =	vst v0  }
0x32a: {  	v0 =	vld [tilespmem:$0x1D300];
	_ =	sdelay $0x4  }
0x32b: {  	v0 =	vtrunc.f32 v0  }
0x32c: {  	v0 =	vcvt.f32.s32 v0;
	_ =	sdelay $0x1  }
0x32d: {  	[tilespmem:s18+$0x19300] =	vst v0  }
0x32e: {  	v0 =	vld [tilespmem:$0x1D310];
	_ =	sdelay $0x4  }
0x32f: {  	v0 =	vtrunc.f32 v0  }
0x330: {  	v0 =	vcvt.f32.s32 v0;
	_ =	sdelay $0x1  }
0x331: {  	[tilespmem:s18+$0x19310] =	vst v0  }
0x332: {  	v0 =	vld [tilespmem:$0x1D320];
	_ =	sdelay $0x4  }
0x333: {  	v0 =	vtrunc.f32 v0  }
0x334: {  	v0 =	vcvt.f32.s32 v0;
	_ =	sdelay $0x1  }
0x335: {  	[tilespmem:s18+$0x19320] =	vst v0  }
0x336: {  	v0 =	vld [tilespmem:$0x1D330];
	_ =	sdelay $0x4  }
0x337: {  	v0 =	vtrunc.f32 v0  }
0x338: {  	v0 =	vcvt.f32.s32 v0;
	_ =	sdelay $0x1  }
0x339: {  	[tilespmem:s18+$0x19330] =	vst v0  }
0x33a: {  	v0 =	vld [tilespmem:$0x1D340];
	_ =	sdelay $0x4  }
0x33b: {  	v0 =	vtrunc.f32 v0  }
0x33c: {  	v0 =	vcvt.f32.s32 v0;
	_ =	sdelay $0x1  }
0x33d: {  	[tilespmem:s18+$0x19340] =	vst v0  }
0x33e: {  	v0 =	vld [tilespmem:$0x1D350];
	_ =	sdelay $0x4  }
0x33f: {  	v0 =	vtrunc.f32 v0  }
0x340: {  	v0 =	vcvt.f32.s32 v0;
	_ =	sdelay $0x1  }
0x341: {  	[tilespmem:s18+$0x19350] =	vst v0  }
0x342: {  	v0 =	vld [tilespmem:$0x1D360];
	_ =	sdelay $0x4  }
0x343: {  	v0 =	vtrunc.f32 v0  }
0x344: {  	v0 =	vcvt.f32.s32 v0;
	_ =	sdelay $0x1  }
0x345: {  	[tilespmem:s18+$0x19360] =	vst v0  }
0x346: {  	v0 =	vld [tilespmem:$0x1D370];
	_ =	sdelay $0x4  }
0x347: {  	v0 =	vtrunc.f32 v0  }
0x348: {  	v0 =	vcvt.f32.s32 v0;
	_ =	sdelay $0x1  }
0x349: {  	[tilespmem:s18+$0x19370] =	vst v0  }
0x34a: {  	v0 =	vld [tilespmem:$0x1D380];
	_ =	sdelay $0x4  }
0x34b: {  	v0 =	vtrunc.f32 v0  }
0x34c: {  	v0 =	vcvt.f32.s32 v0;
	_ =	sdelay $0x1  }
0x34d: {  	[tilespmem:s18+$0x19380] =	vst v0  }
0x34e: {  	v0 =	vld [tilespmem:$0x1D390];
	_ =	sdelay $0x4  }
0x34f: {  	v0 =	vtrunc.f32 v0  }
0x350: {  	v0 =	vcvt.f32.s32 v0;
	_ =	sdelay $0x1  }
0x351: {  	[tilespmem:s18+$0x19390] =	vst v0  }
0x352: {  	v0 =	vld [tilespmem:$0x1D3A0];
	_ =	sdelay $0x4  }
0x353: {  	v0 =	vtrunc.f32 v0  }
0x354: {  	v0 =	vcvt.f32.s32 v0;
	_ =	sdelay $0x1  }
0x355: {  	[tilespmem:s18+$0x193A0] =	vst v0  }
0x356: {  	v0 =	vld [tilespmem:$0x1D3B0];
	_ =	sdelay $0x4  }
0x357: {  	v0 =	vtrunc.f32 v0  }
0x358: {  	v0 =	vcvt.f32.s32 v0;
	_ =	sdelay $0x1  }
0x359: {  	[tilespmem:s18+$0x193B0] =	vst v0  }
0x35a: {  	v0 =	vld [tilespmem:$0x1D3C0];
	_ =	sdelay $0x4  }
0x35b: {  	v0 =	vtrunc.f32 v0  }
0x35c: {  	v0 =	vcvt.f32.s32 v0;
	_ =	sdelay $0x1  }
0x35d: {  	[tilespmem:s18+$0x193C0] =	vst v0  }
0x35e: {  	v0 =	vld [tilespmem:$0x1D3D0];
	_ =	sdelay $0x4  }
0x35f: {  	v0 =	vtrunc.f32 v0  }
0x360: {  	v0 =	vcvt.f32.s32 v0;
	_ =	sdelay $0x1  }
0x361: {  	[tilespmem:s18+$0x193D0] =	vst v0  }
0x362: {  	v0 =	vld [tilespmem:$0x1D3E0];
	_ =	sdelay $0x4  }
0x363: {  	v0 =	vtrunc.f32 v0  }
0x364: {  	v0 =	vcvt.f32.s32 v0;
	_ =	sdelay $0x1  }
0x365: {  	[tilespmem:s18+$0x193E0] =	vst v0  }
0x366: {  	v0 =	vld [tilespmem:$0x1D3F0];
	_ =	sdelay $0x4  }
0x367: {  	v0 =	vtrunc.f32 v0  }
0x368: {  	v0 =	vcvt.f32.s32 v0;
	_ =	sdelay $0x1  }
0x369: {  	[tilespmem:s18+$0x193F0] =	vst v0  }
0x36a: {  	v0 =	vld [tilespmem:$0x1D400];
	_ =	sdelay $0x4  }
0x36b: {  	v0 =	vtrunc.f32 v0  }
0x36c: {  	v0 =	vcvt.f32.s32 v0;
	_ =	sdelay $0x1  }
0x36d: {  	[tilespmem:s18+$0x19400] =	vst v0  }
0x36e: {  	v0 =	vld [tilespmem:$0x1D410];
	_ =	sdelay $0x4  }
0x36f: {  	v0 =	vtrunc.f32 v0  }
0x370: {  	v0 =	vcvt.f32.s32 v0;
	_ =	sdelay $0x1  }
0x371: {  	[tilespmem:s18+$0x19410] =	vst v0  }
0x372: {  	v0 =	vld [tilespmem:$0x1D420];
	_ =	sdelay $0x4  }
0x373: {  	v0 =	vtrunc.f32 v0  }
0x374: {  	v0 =	vcvt.f32.s32 v0;
	_ =	sdelay $0x1  }
0x375: {  	[tilespmem:s18+$0x19420] =	vst v0  }
0x376: {  	v0 =	vld [tilespmem:$0x1D430];
	_ =	sdelay $0x4  }
0x377: {  	v0 =	vtrunc.f32 v0  }
0x378: {  	v0 =	vcvt.f32.s32 v0;
	_ =	sdelay $0x1  }
0x379: {  	[tilespmem:s18+$0x19430] =	vst v0  }
0x37a: {  	v0 =	vld [tilespmem:$0x1D440];
	_ =	sdelay $0x4  }
0x37b: {  	v0 =	vtrunc.f32 v0  }
0x37c: {  	v0 =	vcvt.f32.s32 v0;
	_ =	sdelay $0x1  }
0x37d: {  	[tilespmem:s18+$0x19440] =	vst v0  }
0x37e: {  	v0 =	vld [tilespmem:$0x1D450];
	_ =	sdelay $0x4  }
0x37f: {  	v0 =	vtrunc.f32 v0  }
0x380: {  	v0 =	vcvt.f32.s32 v0;
	_ =	sdelay $0x1  }
0x381: {  	[tilespmem:s18+$0x19450] =	vst v0  }
0x382: {  	v0 =	vld [tilespmem:$0x1D460];
	_ =	sdelay $0x4  }
0x383: {  	v0 =	vtrunc.f32 v0  }
0x384: {  	v0 =	vcvt.f32.s32 v0;
	_ =	sdelay $0x1  }
0x385: {  	[tilespmem:s18+$0x19460] =	vst v0  }
0x386: {  	v0 =	vld [tilespmem:$0x1D470];
	_ =	sdelay $0x4  }
0x387: {  	v0 =	vtrunc.f32 v0  }
0x388: {  	v0 =	vcvt.f32.s32 v0;
	_ =	sdelay $0x1  }
0x389: {  	[tilespmem:s18+$0x19470] =	vst v0  }
0x38a: {  	v0 =	vld [tilespmem:$0x1D480];
	_ =	sdelay $0x4  }
0x38b: {  	v0 =	vtrunc.f32 v0  }
0x38c: {  	v0 =	vcvt.f32.s32 v0;
	_ =	sdelay $0x1  }
0x38d: {  	[tilespmem:s18+$0x19480] =	vst v0  }
0x38e: {  	v0 =	vld [tilespmem:$0x1D490];
	_ =	sdelay $0x4  }
0x38f: {  	v0 =	vtrunc.f32 v0  }
0x390: {  	v0 =	vcvt.f32.s32 v0;
	_ =	sdelay $0x1  }
0x391: {  	[tilespmem:s18+$0x19490] =	vst v0  }
0x392: {  	v0 =	vld [tilespmem:$0x1D4A0];
	_ =	sdelay $0x4  }
0x393: {  	v0 =	vtrunc.f32 v0  }
0x394: {  	v0 =	vcvt.f32.s32 v0;
	_ =	sdelay $0x1  }
0x395: {  	[tilespmem:s18+$0x194A0] =	vst v0  }
0x396: {  	v0 =	vld [tilespmem:$0x1D4B0];
	_ =	sdelay $0x4  }
0x397: {  	v0 =	vtrunc.f32 v0  }
0x398: {  	v0 =	vcvt.f32.s32 v0;
	_ =	sdelay $0x1  }
0x399: {  	[tilespmem:s18+$0x194B0] =	vst v0  }
0x39a: {  	v0 =	vld [tilespmem:$0x1D4C0];
	_ =	sdelay $0x4  }
0x39b: {  	v0 =	vtrunc.f32 v0  }
0x39c: {  	v0 =	vcvt.f32.s32 v0;
	_ =	sdelay $0x1  }
0x39d: {  	[tilespmem:s18+$0x194C0] =	vst v0  }
0x39e: {  	v0 =	vld [tilespmem:$0x1D4D0];
	_ =	sdelay $0x4  }
0x39f: {  	v0 =	vtrunc.f32 v0  }
0x3a0: {  	v0 =	vcvt.f32.s32 v0;
	_ =	sdelay $0x1  }
0x3a1: {  	[tilespmem:s18+$0x194D0] =	vst v0  }
0x3a2: {  	v0 =	vld [tilespmem:$0x1D4E0];
	_ =	sdelay $0x4  }
0x3a3: {  	v0 =	vtrunc.f32 v0  }
0x3a4: {  	v0 =	vcvt.f32.s32 v0;
	_ =	sdelay $0x1  }
0x3a5: {  	[tilespmem:s18+$0x194E0] =	vst v0  }
0x3a6: {  	v0 =	vld [tilespmem:$0x1D4F0];
	_ =	sdelay $0x4  }
0x3a7: {  	v0 =	vtrunc.f32 v0  }
0x3a8: {  	v0 =	vcvt.f32.s32 v0;
	_ =	sdelay $0x1  }
0x3a9: {  	[tilespmem:s18+$0x194F0] =	vst v0  }
0x3aa: {  	v0 =	vld [tilespmem:$0x1D500];
	_ =	sdelay $0x4  }
0x3ab: {  	v0 =	vtrunc.f32 v0  }
0x3ac: {  	v0 =	vcvt.f32.s32 v0;
	_ =	sdelay $0x1  }
0x3ad: {  	[tilespmem:s18+$0x19500] =	vst v0  }
0x3ae: {  	v0 =	vld [tilespmem:$0x1D510];
	_ =	sdelay $0x4  }
0x3af: {  	v0 =	vtrunc.f32 v0  }
0x3b0: {  	v0 =	vcvt.f32.s32 v0;
	_ =	sdelay $0x1  }
0x3b1: {  	[tilespmem:s18+$0x19510] =	vst v0  }
0x3b2: {  	v0 =	vld [tilespmem:$0x1D520];
	_ =	sdelay $0x4  }
0x3b3: {  	v0 =	vtrunc.f32 v0  }
0x3b4: {  	v0 =	vcvt.f32.s32 v0;
	_ =	sdelay $0x1  }
0x3b5: {  	[tilespmem:s18+$0x19520] =	vst v0  }
0x3b6: {  	v0 =	vld [tilespmem:$0x1D530];
	_ =	sdelay $0x4  }
0x3b7: {  	v0 =	vtrunc.f32 v0  }
0x3b8: {  	v0 =	vcvt.f32.s32 v0;
	_ =	sdelay $0x1  }
0x3b9: {  	[tilespmem:s18+$0x19530] =	vst v0  }
0x3ba: {  	v0 =	vld [tilespmem:$0x1D540];
	_ =	sdelay $0x4  }
0x3bb: {  	v0 =	vtrunc.f32 v0  }
0x3bc: {  	v0 =	vcvt.f32.s32 v0;
	_ =	sdelay $0x1  }
0x3bd: {  	[tilespmem:s18+$0x19540] =	vst v0  }
0x3be: {  	v0 =	vld [tilespmem:$0x1D550];
	_ =	sdelay $0x4  }
0x3bf: {  	v0 =	vtrunc.f32 v0  }
0x3c0: {  	v0 =	vcvt.f32.s32 v0;
	_ =	sdelay $0x1  }
0x3c1: {  	[tilespmem:s18+$0x19550] =	vst v0  }
0x3c2: {  	v0 =	vld [tilespmem:$0x1D560];
	_ =	sdelay $0x4  }
0x3c3: {  	v0 =	vtrunc.f32 v0  }
0x3c4: {  	v0 =	vcvt.f32.s32 v0;
	_ =	sdelay $0x1  }
0x3c5: {  	[tilespmem:s18+$0x19560] =	vst v0  }
0x3c6: {  	v0 =	vld [tilespmem:$0x1D570];
	_ =	sdelay $0x4  }
0x3c7: {  	v0 =	vtrunc.f32 v0  }
0x3c8: {  	v0 =	vcvt.f32.s32 v0;
	_ =	sdelay $0x1  }
0x3c9: {  	[tilespmem:s18+$0x19570] =	vst v0  }
0x3ca: {  	v0 =	vld [tilespmem:$0x1D580];
	_ =	sdelay $0x4  }
0x3cb: {  	v0 =	vtrunc.f32 v0  }
0x3cc: {  	v0 =	vcvt.f32.s32 v0;
	_ =	sdelay $0x1  }
0x3cd: {  	[tilespmem:s18+$0x19580] =	vst v0  }
0x3ce: {  	v0 =	vld [tilespmem:$0x1D590];
	_ =	sdelay $0x4  }
0x3cf: {  	v0 =	vtrunc.f32 v0  }
0x3d0: {  	v0 =	vcvt.f32.s32 v0;
	_ =	sdelay $0x1  }
0x3d1: {  	[tilespmem:s18+$0x19590] =	vst v0  }
0x3d2: {  	v0 =	vld [tilespmem:$0x1D5A0];
	_ =	sdelay $0x4  }
0x3d3: {  	v0 =	vtrunc.f32 v0  }
0x3d4: {  	v0 =	vcvt.f32.s32 v0;
	_ =	sdelay $0x1  }
0x3d5: {  	[tilespmem:s18+$0x195A0] =	vst v0  }
0x3d6: {  	v0 =	vld [tilespmem:$0x1D5B0];
	_ =	sdelay $0x4  }
0x3d7: {  	v0 =	vtrunc.f32 v0  }
0x3d8: {  	v0 =	vcvt.f32.s32 v0;
	_ =	sdelay $0x1  }
0x3d9: {  	[tilespmem:s18+$0x195B0] =	vst v0  }
0x3da: {  	v0 =	vld [tilespmem:$0x1D5C0];
	_ =	sdelay $0x4  }
0x3db: {  	v0 =	vtrunc.f32 v0  }
0x3dc: {  	v0 =	vcvt.f32.s32 v0;
	_ =	sdelay $0x1  }
0x3dd: {  	[tilespmem:s18+$0x195C0] =	vst v0  }
0x3de: {  	v0 =	vld [tilespmem:$0x1D5D0];
	_ =	sdelay $0x4  }
0x3df: {  	v0 =	vtrunc.f32 v0  }
0x3e0: {  	v0 =	vcvt.f32.s32 v0;
	_ =	sdelay $0x1  }
0x3e1: {  	[tilespmem:s18+$0x195D0] =	vst v0  }
0x3e2: {  	v0 =	vld [tilespmem:$0x1D5E0];
	_ =	sdelay $0x4  }
0x3e3: {  	v0 =	vtrunc.f32 v0  }
0x3e4: {  	v0 =	vcvt.f32.s32 v0;
	_ =	sdelay $0x1  }
0x3e5: {  	[tilespmem:s18+$0x195E0] =	vst v0  }
0x3e6: {  	v0 =	vld [tilespmem:$0x1D5F0];
	_ =	sdelay $0x4  }
0x3e7: {  	v0 =	vtrunc.f32 v0  }
0x3e8: {  	v0 =	vcvt.f32.s32 v0;
	_ =	sdelay $0x1  }
0x3e9: {  	[tilespmem:s18+$0x195F0] =	vst v0  }
0x3ea: {  	v0 =	vld [tilespmem:$0x1D600];
	_ =	sdelay $0x4  }
0x3eb: {  	v0 =	vtrunc.f32 v0  }
0x3ec: {  	v0 =	vcvt.f32.s32 v0;
	_ =	sdelay $0x1  }
0x3ed: {  	[tilespmem:s18+$0x19600] =	vst v0  }
0x3ee: {  	v0 =	vld [tilespmem:$0x1D610];
	_ =	sdelay $0x4  }
0x3ef: {  	v0 =	vtrunc.f32 v0  }
0x3f0: {  	v0 =	vcvt.f32.s32 v0;
	_ =	sdelay $0x1  }
0x3f1: {  	[tilespmem:s18+$0x19610] =	vst v0  }
0x3f2: {  	v0 =	vld [tilespmem:$0x1D620];
	_ =	sdelay $0x4  }
0x3f3: {  	v0 =	vtrunc.f32 v0  }
0x3f4: {  	v0 =	vcvt.f32.s32 v0;
	_ =	sdelay $0x1  }
0x3f5: {  	[tilespmem:s18+$0x19620] =	vst v0  }
0x3f6: {  	v0 =	vld [tilespmem:$0x1D630];
	_ =	sdelay $0x4  }
0x3f7: {  	v0 =	vtrunc.f32 v0  }
0x3f8: {  	v0 =	vcvt.f32.s32 v0;
	_ =	sdelay $0x1  }
0x3f9: {  	[tilespmem:s18+$0x19630] =	vst v0  }
0x3fa: {  	v0 =	vld [tilespmem:$0x1D640];
	_ =	sdelay $0x4  }
0x3fb: {  	v0 =	vtrunc.f32 v0  }
0x3fc: {  	v0 =	vcvt.f32.s32 v0;
	_ =	sdelay $0x1  }
0x3fd: {  	[tilespmem:s18+$0x19640] =	vst v0  }
0x3fe: {  	v0 =	vld [tilespmem:$0x1D650];
	_ =	sdelay $0x4  }
0x3ff: {  	v0 =	vtrunc.f32 v0  }
0x400: {  	v0 =	vcvt.f32.s32 v0;
	_ =	sdelay $0x1  }
0x401: {  	[tilespmem:s18+$0x19650] =	vst v0  }
0x402: {  	v0 =	vld [tilespmem:$0x1D660];
	_ =	sdelay $0x4  }
0x403: {  	v0 =	vtrunc.f32 v0  }
0x404: {  	v0 =	vcvt.f32.s32 v0;
	_ =	sdelay $0x1  }
0x405: {  	[tilespmem:s18+$0x19660] =	vst v0  }
0x406: {  	v0 =	vld [tilespmem:$0x1D670];
	_ =	sdelay $0x4  }
0x407: {  	v0 =	vtrunc.f32 v0  }
0x408: {  	v0 =	vcvt.f32.s32 v0;
	_ =	sdelay $0x1  }
0x409: {  	[tilespmem:s18+$0x19670] =	vst v0  }
0x40a: {  	v0 =	vld [tilespmem:$0x1D680];
	_ =	sdelay $0x4  }
0x40b: {  	v0 =	vtrunc.f32 v0  }
0x40c: {  	v0 =	vcvt.f32.s32 v0;
	_ =	sdelay $0x1  }
0x40d: {  	[tilespmem:s18+$0x19680] =	vst v0  }
0x40e: {  	v0 =	vld [tilespmem:$0x1D690];
	_ =	sdelay $0x4  }
0x40f: {  	v0 =	vtrunc.f32 v0  }
0x410: {  	v0 =	vcvt.f32.s32 v0;
	_ =	sdelay $0x1  }
0x411: {  	[tilespmem:s18+$0x19690] =	vst v0  }
0x412: {  	v0 =	vld [tilespmem:$0x1D6A0];
	_ =	sdelay $0x4  }
0x413: {  	v0 =	vtrunc.f32 v0  }
0x414: {  	v0 =	vcvt.f32.s32 v0;
	_ =	sdelay $0x1  }
0x415: {  	[tilespmem:s18+$0x196A0] =	vst v0  }
0x416: {  	v0 =	vld [tilespmem:$0x1D6B0];
	_ =	sdelay $0x4  }
0x417: {  	v0 =	vtrunc.f32 v0  }
0x418: {  	v0 =	vcvt.f32.s32 v0;
	_ =	sdelay $0x1  }
0x419: {  	[tilespmem:s18+$0x196B0] =	vst v0  }
0x41a: {  	v0 =	vld [tilespmem:$0x1D6C0];
	_ =	sdelay $0x4  }
0x41b: {  	v0 =	vtrunc.f32 v0  }
0x41c: {  	v0 =	vcvt.f32.s32 v0;
	_ =	sdelay $0x1  }
0x41d: {  	[tilespmem:s18+$0x196C0] =	vst v0  }
0x41e: {  	v0 =	vld [tilespmem:$0x1D6D0];
	_ =	sdelay $0x4  }
0x41f: {  	v0 =	vtrunc.f32 v0  }
0x420: {  	v0 =	vcvt.f32.s32 v0;
	_ =	sdelay $0x1  }
0x421: {  	[tilespmem:s18+$0x196D0] =	vst v0  }
0x422: {  	v0 =	vld [tilespmem:$0x1D6E0];
	_ =	sdelay $0x4  }
0x423: {  	v0 =	vtrunc.f32 v0  }
0x424: {  	v0 =	vcvt.f32.s32 v0;
	_ =	sdelay $0x1  }
0x425: {  	[tilespmem:s18+$0x196E0] =	vst v0  }
0x426: {  	v0 =	vld [tilespmem:$0x1D6F0];
	_ =	sdelay $0x2  }
0x427: {  	p1 =	sne.s32 s17, $0x3  }
.Ltmp1:
0x428: {  	_ = 	snop;
	(pc) =	sbr.rel @p1 .LBB2_4-.Ltmp1, $3  }
0x429: {  	v0 =	vtrunc.f32 v0  }
0x42a: {  	v0 =	vcvt.f32.s32 v0;
	_ =	sdelay $0x1  }
0x42b: {  	s17 =	sadd.s32 $0x1, s17;
	[tilespmem:s18+$0x196F0] =	vst v0  }
.LBB2_5:
0x42c: {  	s16 =	sshrl.u32 s15, $0x3;
	s17 =	smul.u32 $0x30E000, s14  }
0x42d: {  	s18 =	smul.u32 $0xC3800, s16  }
0x42e: {  	s19 =	sshll.u32 s15, $0x7  }
0x42f: {  	s15 =	sand.u32 $0x380, s19;
	s17 =	sadd.s32 s17, s18  }
0x430: {  	s17 =	sor.u32 s15, s17  }
0x431: {  	s19 =	sshrl.u32 s17, $0x3  }
0x432: {  	s18 =	sadd.s32 s2, s19;
	s19 =	simm.s32 $0x0  }
0x433: {  	[tilespmem:s19], [sflag:$0x1] =	stream.strided.gather [hbm4b:s18+s20], $0x6180, s21, s20, $0x38;
	[tilespmem:$0x1F700] =	vst v63  }
0x434: {  	s19 =	sadd.s32 $0x30C00, s17  }
0x435: {  	s18 =	sshrl.u32 s19, $0x3  }
0x436: {  	s19 =	sadd.s32 $0x61800, s17;
	s18 =	sadd.s32 s2, s18  }
0x437: {  	[tilespmem:s24], [sflag:$0x1] =	stream.strided.gather [hbm4b:s18+s20], $0x6180, s21, s20, $0x38;
	[tilespmem:$0x1F700] =	vst v63  }
0x438: {  	s16 =	sshll.u32 s16, $0xB;
	s18 =	sshrl.u32 s19, $0x3;
	s19 =	sshll.u32 s14, $0xD  }
0x439: {  	s17 =	sadd.s32 $0x92400, s17;
	s18 =	sadd.s32 s2, s18;
	s14 =	sor.u32 s19, s16  }
0x43a: {  	[tilespmem:s25], [sflag:$0x1] =	stream.strided.gather [hbm4b:s18+s20], $0x6180, s21, s20, $0x38;
	[tilespmem:$0x1F700] =	vst v63  }
0x43b: {  	s17 =	sshrl.u32 s17, $0x3;
	s14 =	sor.u32 s15, s14  }
0x43c: {  	s17 =	sadd.s32 s2, s17;
	s14 =	sshrl.u32 s14, $0x3  }
0x43d: {  	[tilespmem:s26], [sflag:$0x1] =	stream.strided.gather [hbm4b:s17+s20], $0x6180, s21, s20, $0x38;
	[tilespmem:$0x1F700] =	vst v63  }
0x43e: {  	s14 =	sadd.s32 s6, s14  }
0x43f: {  	[tilespmem:s28], [sflag:$0x1] =	stream.strided.gather [hbm4b:s14+s20], $0x100, s21, s20, $0x38;
	[tilespmem:$0x1F700] =	vst v63  }
0x440: {  	_ =	swait.ge [sflag:s29], $0x6180  }
0x441: {  	[sflag:s29] =	ssyncset.done $0x0  }
0x442: {  	[sflag:s29] =	ssyncadd.s32 $0xFFFF9E80  }
0x443: {  	_ =	swait.ge [sflag:s29], $0x6180  }
0x444: {  	[sflag:s29] =	ssyncset.done $0x0  }
0x445: {  	[sflag:s29] =	ssyncadd.s32 $0xFFFF9E80  }
0x446: {  	_ =	swait.ge [sflag:s29], $0x6180  }
0x447: {  	[sflag:s29] =	ssyncset.done $0x0  }
0x448: {  	[sflag:s29] =	ssyncadd.s32 $0xFFFF9E80  }
0x449: {  	_ =	swait.ge [sflag:s29], $0x6180  }
0x44a: {  	[sflag:s29] =	ssyncset.done $0x0  }
0x44b: {  	[sflag:s29] =	ssyncadd.s32 $0xFFFF9E80  }
0x44c: {  	_ =	swait.ge [sflag:s29], $0x100  }
0x44d: {  	[sflag:s29] =	ssyncset.done $0x0  }
0x44e: {  	s14 =	simm.s32 $0x0;
	[sflag:s29] =	ssyncadd.s32 $0xFFFFFF00  }
0x44f: {  	v0 =	vld [tilespmem:s14+$0x18700];
	_ =	sdelay $0x5  }
0x450: {  	v1 =	vld [tilespmem:s14+$0x18710];
	_ =	sdelay $0x1  }
0x451: {  	v0 =	vld.idx.msk [tilespmem:v0+s5+$0x0], $0xffff;
	_ =	sdelay $0x4  }
0x452: {  	[tilespmem:s14+$0x1D700] =	vst v0;
	v0 =	vld [tilespmem:s14+$0x18720]  }
0x453: {  	v1 =	vld.idx.msk [tilespmem:v1+s5+$0x0], $0xffff;
	_ =	sdelay $0x4  }
0x454: {  	[tilespmem:s14+$0x1D710] =	vst v1;
	v1 =	vld [tilespmem:s14+$0x18730];
	_ =	sdelay $0x1  }
0x455: {  	v0 =	vld.idx.msk [tilespmem:v0+s5+$0x0], $0xffff;
	_ =	sdelay $0x4  }
0x456: {  	[tilespmem:s14+$0x1D720] =	vst v0;
	v0 =	vld [tilespmem:s14+$0x18740]  }
0x457: {  	v1 =	vld.idx.msk [tilespmem:v1+s5+$0x0], $0xffff;
	_ =	sdelay $0x4  }
0x458: {  	[tilespmem:s14+$0x1D730] =	vst v1;
	v1 =	vld [tilespmem:s14+$0x18750];
	_ =	sdelay $0x1  }
0x459: {  	v0 =	vld.idx.msk [tilespmem:v0+s5+$0x0], $0xffff;
	_ =	sdelay $0x4  }
0x45a: {  	[tilespmem:s14+$0x1D740] =	vst v0;
	v0 =	vld [tilespmem:s14+$0x18760]  }
0x45b: {  	v1 =	vld.idx.msk [tilespmem:v1+s5+$0x0], $0xffff;
	_ =	sdelay $0x4  }
0x45c: {  	[tilespmem:s14+$0x1D750] =	vst v1;
	v1 =	vld [tilespmem:s14+$0x18770];
	_ =	sdelay $0x1  }
0x45d: {  	v0 =	vld.idx.msk [tilespmem:v0+s5+$0x0], $0xffff;
	_ =	sdelay $0x4  }
0x45e: {  	[tilespmem:s14+$0x1D760] =	vst v0;
	v0 =	vld [tilespmem:s14+$0x18780]  }
0x45f: {  	v1 =	vld.idx.msk [tilespmem:v1+s5+$0x0], $0xffff;
	_ =	sdelay $0x4  }
0x460: {  	[tilespmem:s14+$0x1D770] =	vst v1;
	v1 =	vld [tilespmem:s14+$0x18790];
	_ =	sdelay $0x1  }
0x461: {  	v0 =	vld.idx.msk [tilespmem:v0+s5+$0x0], $0xffff;
	_ =	sdelay $0x4  }
0x462: {  	[tilespmem:s14+$0x1D780] =	vst v0;
	v0 =	vld [tilespmem:s14+$0x187A0]  }
0x463: {  	v1 =	vld.idx.msk [tilespmem:v1+s5+$0x0], $0xffff;
	_ =	sdelay $0x4  }
0x464: {  	[tilespmem:s14+$0x1D790] =	vst v1;
	v1 =	vld [tilespmem:s14+$0x187B0];
	_ =	sdelay $0x1  }
0x465: {  	v0 =	vld.idx.msk [tilespmem:v0+s5+$0x0], $0xffff;
	_ =	sdelay $0x4  }
0x466: {  	[tilespmem:s14+$0x1D7A0] =	vst v0;
	v0 =	vld [tilespmem:s14+$0x187C0]  }
0x467: {  	v1 =	vld.idx.msk [tilespmem:v1+s5+$0x0], $0xffff;
	_ =	sdelay $0x4  }
0x468: {  	[tilespmem:s14+$0x1D7B0] =	vst v1;
	v1 =	vld [tilespmem:s14+$0x187D0];
	_ =	sdelay $0x1  }
0x469: {  	v0 =	vld.idx.msk [tilespmem:v0+s5+$0x0], $0xffff;
	_ =	sdelay $0x4  }
0x46a: {  	v2 =	vld [tilespmem:s14+$0x187E0];
	[tilespmem:s14+$0x1D7C0] =	vst v0  }
0x46b: {  	v0 =	vld.idx.msk [tilespmem:v1+s5+$0x0], $0xffff;
	_ =	sdelay $0x4  }
0x46c: {  	[tilespmem:s14+$0x1D7D0] =	vst v0;
	v0 =	vld [tilespmem:s14+$0x187F0];
	_ =	sdelay $0x1  }
0x46d: {  	v1 =	vld.idx.msk [tilespmem:v2+s5+$0x0], $0xffff;
	_ =	sdelay $0x3  }
0x46e: {  	s16 =	simm.s32 $0x100;
	s15 =	simm.s32 $0x800  }
.LBB2_6:
0x46f: {  	p1 =	sne.s32 s15, $0x3C00;
	v2 =	vld [tilespmem:s16+$0x18700];
	[tilespmem:s14+$0x1D7E0] =	vst v1  }
0x470: {  	v0 =	vld.idx.msk [tilespmem:v0+s5+$0x0], $0xffff;
	_ =	sdelay $0x5  }
0x471: {  	v1 =	vld [tilespmem:s16+$0x18710];
	[tilespmem:s14+$0x1D7F0] =	vst v0;
	s14 =	smov.u32 s16  }
0x472: {  	v0 =	vld.idx.msk [tilespmem:v2+s5+$0x0], $0xffff;
	_ =	sdelay $0x5  }
0x473: {  	[tilespmem:s14+$0x1D700] =	vst v0;
	v0 =	vld [tilespmem:s14+$0x18720]  }
0x474: {  	v1 =	vld.idx.msk [tilespmem:v1+s5+$0x0], $0xffff;
	_ =	sdelay $0x5  }
0x475: {  	[tilespmem:s14+$0x1D710] =	vst v1;
	v1 =	vld [tilespmem:s14+$0x18730]  }
0x476: {  	v0 =	vld.idx.msk [tilespmem:v0+s5+$0x0], $0xffff;
	_ =	sdelay $0x5  }
0x477: {  	[tilespmem:s14+$0x1D720] =	vst v0;
	v0 =	vld [tilespmem:s14+$0x18740]  }
0x478: {  	v1 =	vld.idx.msk [tilespmem:v1+s5+$0x0], $0xffff;
	_ =	sdelay $0x5  }
0x479: {  	[tilespmem:s14+$0x1D730] =	vst v1;
	v1 =	vld [tilespmem:s14+$0x18750]  }
0x47a: {  	v0 =	vld.idx.msk [tilespmem:v0+s5+$0x0], $0xffff;
	_ =	sdelay $0x5  }
0x47b: {  	[tilespmem:s14+$0x1D740] =	vst v0;
	v0 =	vld [tilespmem:s14+$0x18760]  }
0x47c: {  	v1 =	vld.idx.msk [tilespmem:v1+s5+$0x0], $0xffff;
	_ =	sdelay $0x5  }
0x47d: {  	[tilespmem:s14+$0x1D750] =	vst v1;
	v1 =	vld [tilespmem:s14+$0x18770]  }
0x47e: {  	v0 =	vld.idx.msk [tilespmem:v0+s5+$0x0], $0xffff;
	_ =	sdelay $0x5  }
0x47f: {  	[tilespmem:s14+$0x1D760] =	vst v0;
	v0 =	vld [tilespmem:s14+$0x18780]  }
0x480: {  	v1 =	vld.idx.msk [tilespmem:v1+s5+$0x0], $0xffff;
	_ =	sdelay $0x5  }
0x481: {  	[tilespmem:s14+$0x1D770] =	vst v1;
	v1 =	vld [tilespmem:s14+$0x18790]  }
0x482: {  	v0 =	vld.idx.msk [tilespmem:v0+s5+$0x0], $0xffff;
	_ =	sdelay $0x5  }
0x483: {  	[tilespmem:s14+$0x1D780] =	vst v0;
	v0 =	vld [tilespmem:s14+$0x187A0]  }
0x484: {  	v1 =	vld.idx.msk [tilespmem:v1+s5+$0x0], $0xffff;
	_ =	sdelay $0x5  }
0x485: {  	[tilespmem:s14+$0x1D790] =	vst v1;
	v1 =	vld [tilespmem:s14+$0x187B0]  }
0x486: {  	v0 =	vld.idx.msk [tilespmem:v0+s5+$0x0], $0xffff;
	_ =	sdelay $0x5  }
0x487: {  	[tilespmem:s14+$0x1D7A0] =	vst v0;
	v0 =	vld [tilespmem:s14+$0x187C0]  }
0x488: {  	v1 =	vld.idx.msk [tilespmem:v1+s5+$0x0], $0xffff;
	_ =	sdelay $0x5  }
0x489: {  	[tilespmem:s14+$0x1D7B0] =	vst v1;
	v1 =	vld [tilespmem:s14+$0x187D0]  }
0x48a: {  	v0 =	vld.idx.msk [tilespmem:v0+s5+$0x0], $0xffff;
	_ =	sdelay $0x5  }
0x48b: {  	[tilespmem:s14+$0x1D7C0] =	vst v0;
	v2 =	vld [tilespmem:s14+$0x187E0]  }
0x48c: {  	v0 =	vld.idx.msk [tilespmem:v1+s5+$0x0], $0xffff;
	_ =	sdelay $0x5  }
0x48d: {  	[tilespmem:s14+$0x1D7D0] =	vst v0;
	v0 =	vld [tilespmem:s14+$0x187F0]  }
0x48e: {  	v1 =	vld.idx.msk [tilespmem:v2+s5+$0x0], $0xffff  }
.Ltmp2:
0x48f: {  	(pc) =	sbr.rel @p1 .LBB2_6-.Ltmp2, $2  }
0x490: {  	_ =	sdelay $0x2  }
0x491: {  	s16 =	sshra.s32 s15, $0x2;
	s15 =	sadd.s32 $0x400, s15  }
0x492: {  	_ =	sdelay $0x1  }
0x493: {  	v2 =	vld [tilespmem:s16+$0x18700]  }
0x494: {  	[tilespmem:s14+$0x1D7E0] =	vst v1  }
0x495: {  	v0 =	vld.idx.msk [tilespmem:v0+s5+$0x0], $0xffff;
	_ =	sdelay $0x3  }
0x496: {  	v1 =	vld [tilespmem:s16+$0x18710]  }
0x497: {  	[tilespmem:s14+$0x1D7F0] =	vst v0  }
0x498: {  	v0 =	vld.idx.msk [tilespmem:v2+s5+$0x0], $0xffff;
	_ =	sdelay $0x4  }
0x499: {  	[tilespmem:s16+$0x1D700] =	vst v0;
	v0 =	vld [tilespmem:s16+$0x18720]  }
0x49a: {  	v1 =	vld.idx.msk [tilespmem:v1+s5+$0x0], $0xffff;
	_ =	sdelay $0x4  }
0x49b: {  	[tilespmem:s16+$0x1D710] =	vst v1;
	v1 =	vld [tilespmem:s16+$0x18730];
	_ =	sdelay $0x1  }
0x49c: {  	v0 =	vld.idx.msk [tilespmem:v0+s5+$0x0], $0xffff;
	_ =	sdelay $0x4  }
0x49d: {  	[tilespmem:s16+$0x1D720] =	vst v0;
	v0 =	vld [tilespmem:s16+$0x18740]  }
0x49e: {  	v1 =	vld.idx.msk [tilespmem:v1+s5+$0x0], $0xffff;
	_ =	sdelay $0x4  }
0x49f: {  	[tilespmem:s16+$0x1D730] =	vst v1;
	v1 =	vld [tilespmem:s16+$0x18750];
	_ =	sdelay $0x1  }
0x4a0: {  	v0 =	vld.idx.msk [tilespmem:v0+s5+$0x0], $0xffff;
	_ =	sdelay $0x4  }
0x4a1: {  	[tilespmem:s16+$0x1D740] =	vst v0;
	v0 =	vld [tilespmem:s16+$0x18760]  }
0x4a2: {  	v1 =	vld.idx.msk [tilespmem:v1+s5+$0x0], $0xffff;
	_ =	sdelay $0x4  }
0x4a3: {  	[tilespmem:s16+$0x1D750] =	vst v1;
	v1 =	vld [tilespmem:s16+$0x18770];
	_ =	sdelay $0x1  }
0x4a4: {  	v0 =	vld.idx.msk [tilespmem:v0+s5+$0x0], $0xffff;
	_ =	sdelay $0x4  }
0x4a5: {  	[tilespmem:s16+$0x1D760] =	vst v0;
	v0 =	vld [tilespmem:s16+$0x18780]  }
0x4a6: {  	v1 =	vld.idx.msk [tilespmem:v1+s5+$0x0], $0xffff;
	_ =	sdelay $0x4  }
0x4a7: {  	[tilespmem:s16+$0x1D770] =	vst v1;
	v1 =	vld [tilespmem:s16+$0x18790];
	_ =	sdelay $0x1  }
0x4a8: {  	v0 =	vld.idx.msk [tilespmem:v0+s5+$0x0], $0xffff;
	_ =	sdelay $0x4  }
0x4a9: {  	[tilespmem:s16+$0x1D780] =	vst v0;
	v0 =	vld [tilespmem:s16+$0x187A0]  }
0x4aa: {  	v1 =	vld.idx.msk [tilespmem:v1+s5+$0x0], $0xffff;
	_ =	sdelay $0x4  }
0x4ab: {  	[tilespmem:s16+$0x1D790] =	vst v1;
	v1 =	vld [tilespmem:s16+$0x187B0];
	_ =	sdelay $0x1  }
0x4ac: {  	v0 =	vld.idx.msk [tilespmem:v0+s5+$0x0], $0xffff;
	_ =	sdelay $0x4  }
0x4ad: {  	[tilespmem:s16+$0x1D7A0] =	vst v0;
	v0 =	vld [tilespmem:s16+$0x187C0]  }
0x4ae: {  	v1 =	vld.idx.msk [tilespmem:v1+s5+$0x0], $0xffff;
	_ =	sdelay $0x4  }
0x4af: {  	[tilespmem:s16+$0x1D7B0] =	vst v1;
	v1 =	vld [tilespmem:s16+$0x187D0];
	_ =	sdelay $0x1  }
0x4b0: {  	v0 =	vld.idx.msk [tilespmem:v0+s5+$0x0], $0xffff;
	_ =	sdelay $0x4  }
0x4b1: {  	[tilespmem:s16+$0x1D7C0] =	vst v0;
	v0 =	vld [tilespmem:s16+$0x187E0]  }
0x4b2: {  	v1 =	vld.idx.msk [tilespmem:v1+s5+$0x0], $0xffff;
	_ =	sdelay $0x4  }
0x4b3: {  	[tilespmem:s16+$0x1D7D0] =	vst v1;
	v1 =	vld [tilespmem:s16+$0x187F0];
	_ =	sdelay $0x1  }
0x4b4: {  	v0 =	vld.idx.msk [tilespmem:v0+s5+$0x0], $0xffff;
	_ =	sdelay $0x4  }
0x4b5: {  	[tilespmem:s16+$0x1D7E0] =	vst v0  }
0x4b6: {  	v0 =	vld.idx.msk [tilespmem:v1+s5+$0x0], $0xffff;
	_ =	sdelay $0x1  }
0x4b7: {  	s18 =	sshll.u32 s13, $0xB;
	s19 =	sshll.u32 s13, $0x4  }
0x4b8: {  	s13 =	sand.u32 $0x70, s19;
	s14 =	sand.u32 $0xFFFC000, s18  }
0x4b9: {  	s13 =	sor.u32 s13, s14  }
0x4ba: {  	s14 =	sadd.s32 s4, s13;
	[tilespmem:s16+$0x1D7F0] =	vst v0  }
0x4bb: {  	[hbm4b:s14+s20] =	stream.strided.scatter [tilespmem:s30], [sflag:$0x2], $0x1000, s21, s20, $0x38;
	[tilespmem:$0x1F700] =	vst v63  }
0x4bc: {  	s14 =	simm.s32 $0x0  }
0x4bd: {  	v0 =	vld [tilespmem:s14+$0x19700];
	_ =	sdelay $0x5  }
0x4be: {  	v1 =	vld [tilespmem:s14+$0x19710];
	_ =	sdelay $0x1  }
0x4bf: {  	v0 =	vld.idx.msk [tilespmem:v0+s5+$0x0], $0xffff;
	_ =	sdelay $0x4  }
0x4c0: {  	[tilespmem:s14+$0x1E700] =	vst v0;
	v0 =	vld [tilespmem:s14+$0x19720]  }
0x4c1: {  	v1 =	vld.idx.msk [tilespmem:v1+s5+$0x0], $0xffff;
	_ =	sdelay $0x4  }
0x4c2: {  	[tilespmem:s14+$0x1E710] =	vst v1;
	v1 =	vld [tilespmem:s14+$0x19730];
	_ =	sdelay $0x1  }
0x4c3: {  	v0 =	vld.idx.msk [tilespmem:v0+s5+$0x0], $0xffff;
	_ =	sdelay $0x4  }
0x4c4: {  	[tilespmem:s14+$0x1E720] =	vst v0;
	v0 =	vld [tilespmem:s14+$0x19740]  }
0x4c5: {  	v1 =	vld.idx.msk [tilespmem:v1+s5+$0x0], $0xffff;
	_ =	sdelay $0x4  }
0x4c6: {  	[tilespmem:s14+$0x1E730] =	vst v1;
	v1 =	vld [tilespmem:s14+$0x19750];
	_ =	sdelay $0x1  }
0x4c7: {  	v0 =	vld.idx.msk [tilespmem:v0+s5+$0x0], $0xffff;
	_ =	sdelay $0x4  }
0x4c8: {  	[tilespmem:s14+$0x1E740] =	vst v0;
	v0 =	vld [tilespmem:s14+$0x19760]  }
0x4c9: {  	v1 =	vld.idx.msk [tilespmem:v1+s5+$0x0], $0xffff;
	_ =	sdelay $0x4  }
0x4ca: {  	[tilespmem:s14+$0x1E750] =	vst v1;
	v1 =	vld [tilespmem:s14+$0x19770];
	_ =	sdelay $0x1  }
0x4cb: {  	v0 =	vld.idx.msk [tilespmem:v0+s5+$0x0], $0xffff;
	_ =	sdelay $0x4  }
0x4cc: {  	[tilespmem:s14+$0x1E760] =	vst v0;
	v0 =	vld [tilespmem:s14+$0x19780]  }
0x4cd: {  	v1 =	vld.idx.msk [tilespmem:v1+s5+$0x0], $0xffff;
	_ =	sdelay $0x4  }
0x4ce: {  	[tilespmem:s14+$0x1E770] =	vst v1;
	v1 =	vld [tilespmem:s14+$0x19790];
	_ =	sdelay $0x1  }
0x4cf: {  	v0 =	vld.idx.msk [tilespmem:v0+s5+$0x0], $0xffff;
	_ =	sdelay $0x4  }
0x4d0: {  	[tilespmem:s14+$0x1E780] =	vst v0;
	v0 =	vld [tilespmem:s14+$0x197A0]  }
0x4d1: {  	v1 =	vld.idx.msk [tilespmem:v1+s5+$0x0], $0xffff;
	_ =	sdelay $0x4  }
0x4d2: {  	[tilespmem:s14+$0x1E790] =	vst v1;
	v1 =	vld [tilespmem:s14+$0x197B0];
	_ =	sdelay $0x1  }
0x4d3: {  	v0 =	vld.idx.msk [tilespmem:v0+s5+$0x0], $0xffff;
	_ =	sdelay $0x4  }
0x4d4: {  	[tilespmem:s14+$0x1E7A0] =	vst v0;
	v0 =	vld [tilespmem:s14+$0x197C0]  }
0x4d5: {  	v1 =	vld.idx.msk [tilespmem:v1+s5+$0x0], $0xffff;
	_ =	sdelay $0x4  }
0x4d6: {  	[tilespmem:s14+$0x1E7B0] =	vst v1;
	v1 =	vld [tilespmem:s14+$0x197D0];
	_ =	sdelay $0x1  }
0x4d7: {  	v0 =	vld.idx.msk [tilespmem:v0+s5+$0x0], $0xffff;
	_ =	sdelay $0x4  }
0x4d8: {  	v2 =	vld [tilespmem:s14+$0x197E0];
	[tilespmem:s14+$0x1E7C0] =	vst v0  }
0x4d9: {  	v0 =	vld.idx.msk [tilespmem:v1+s5+$0x0], $0xffff;
	_ =	sdelay $0x4  }
0x4da: {  	[tilespmem:s14+$0x1E7D0] =	vst v0;
	v0 =	vld [tilespmem:s14+$0x197F0];
	_ =	sdelay $0x1  }
0x4db: {  	v1 =	vld.idx.msk [tilespmem:v2+s5+$0x0], $0xffff;
	_ =	sdelay $0x3  }
0x4dc: {  	s15 =	simm.s32 $0x800;
	s16 =	simm.s32 $0x100  }
.LBB2_8:
0x4dd: {  	p1 =	sne.s32 s15, $0x3C00;
	v2 =	vld [tilespmem:s16+$0x19700];
	[tilespmem:s14+$0x1E7E0] =	vst v1  }
0x4de: {  	v0 =	vld.idx.msk [tilespmem:v0+s5+$0x0], $0xffff;
	_ =	sdelay $0x5  }
0x4df: {  	v1 =	vld [tilespmem:s16+$0x19710];
	[tilespmem:s14+$0x1E7F0] =	vst v0;
	s14 =	smov.u32 s16  }
0x4e0: {  	v0 =	vld.idx.msk [tilespmem:v2+s5+$0x0], $0xffff;
	_ =	sdelay $0x5  }
0x4e1: {  	[tilespmem:s14+$0x1E700] =	vst v0;
	v0 =	vld [tilespmem:s14+$0x19720]  }
0x4e2: {  	v1 =	vld.idx.msk [tilespmem:v1+s5+$0x0], $0xffff;
	_ =	sdelay $0x5  }
0x4e3: {  	[tilespmem:s14+$0x1E710] =	vst v1;
	v1 =	vld [tilespmem:s14+$0x19730]  }
0x4e4: {  	v0 =	vld.idx.msk [tilespmem:v0+s5+$0x0], $0xffff;
	_ =	sdelay $0x5  }
0x4e5: {  	[tilespmem:s14+$0x1E720] =	vst v0;
	v0 =	vld [tilespmem:s14+$0x19740]  }
0x4e6: {  	v1 =	vld.idx.msk [tilespmem:v1+s5+$0x0], $0xffff;
	_ =	sdelay $0x5  }
0x4e7: {  	[tilespmem:s14+$0x1E730] =	vst v1;
	v1 =	vld [tilespmem:s14+$0x19750]  }
0x4e8: {  	v0 =	vld.idx.msk [tilespmem:v0+s5+$0x0], $0xffff;
	_ =	sdelay $0x5  }
0x4e9: {  	[tilespmem:s14+$0x1E740] =	vst v0;
	v0 =	vld [tilespmem:s14+$0x19760]  }
0x4ea: {  	v1 =	vld.idx.msk [tilespmem:v1+s5+$0x0], $0xffff;
	_ =	sdelay $0x5  }
0x4eb: {  	[tilespmem:s14+$0x1E750] =	vst v1;
	v1 =	vld [tilespmem:s14+$0x19770]  }
0x4ec: {  	v0 =	vld.idx.msk [tilespmem:v0+s5+$0x0], $0xffff;
	_ =	sdelay $0x5  }
0x4ed: {  	[tilespmem:s14+$0x1E760] =	vst v0;
	v0 =	vld [tilespmem:s14+$0x19780]  }
0x4ee: {  	v1 =	vld.idx.msk [tilespmem:v1+s5+$0x0], $0xffff;
	_ =	sdelay $0x5  }
0x4ef: {  	[tilespmem:s14+$0x1E770] =	vst v1;
	v1 =	vld [tilespmem:s14+$0x19790]  }
0x4f0: {  	v0 =	vld.idx.msk [tilespmem:v0+s5+$0x0], $0xffff;
	_ =	sdelay $0x5  }
0x4f1: {  	[tilespmem:s14+$0x1E780] =	vst v0;
	v0 =	vld [tilespmem:s14+$0x197A0]  }
0x4f2: {  	v1 =	vld.idx.msk [tilespmem:v1+s5+$0x0], $0xffff;
	_ =	sdelay $0x5  }
0x4f3: {  	[tilespmem:s14+$0x1E790] =	vst v1;
	v1 =	vld [tilespmem:s14+$0x197B0]  }
0x4f4: {  	v0 =	vld.idx.msk [tilespmem:v0+s5+$0x0], $0xffff;
	_ =	sdelay $0x5  }
0x4f5: {  	[tilespmem:s14+$0x1E7A0] =	vst v0;
	v0 =	vld [tilespmem:s14+$0x197C0]  }
0x4f6: {  	v1 =	vld.idx.msk [tilespmem:v1+s5+$0x0], $0xffff;
	_ =	sdelay $0x5  }
0x4f7: {  	[tilespmem:s14+$0x1E7B0] =	vst v1;
	v1 =	vld [tilespmem:s14+$0x197D0]  }
0x4f8: {  	v0 =	vld.idx.msk [tilespmem:v0+s5+$0x0], $0xffff;
	_ =	sdelay $0x5  }
0x4f9: {  	[tilespmem:s14+$0x1E7C0] =	vst v0;
	v2 =	vld [tilespmem:s14+$0x197E0]  }
0x4fa: {  	v0 =	vld.idx.msk [tilespmem:v1+s5+$0x0], $0xffff;
	_ =	sdelay $0x5  }
0x4fb: {  	[tilespmem:s14+$0x1E7D0] =	vst v0;
	v0 =	vld [tilespmem:s14+$0x197F0]  }
0x4fc: {  	v1 =	vld.idx.msk [tilespmem:v2+s5+$0x0], $0xffff  }
.Ltmp3:
0x4fd: {  	(pc) =	sbr.rel @p1 .LBB2_8-.Ltmp3, $2  }
0x4fe: {  	_ =	sdelay $0x2  }
0x4ff: {  	s16 =	sshra.s32 s15, $0x2;
	s15 =	sadd.s32 $0x400, s15  }
0x500: {  	_ =	sdelay $0x1  }
0x501: {  	v2 =	vld [tilespmem:s16+$0x19700]  }
0x502: {  	[tilespmem:s14+$0x1E7E0] =	vst v1  }
0x503: {  	v0 =	vld.idx.msk [tilespmem:v0+s5+$0x0], $0xffff;
	_ =	sdelay $0x3  }
0x504: {  	v1 =	vld [tilespmem:s16+$0x19710]  }
0x505: {  	[tilespmem:s14+$0x1E7F0] =	vst v0  }
0x506: {  	v0 =	vld.idx.msk [tilespmem:v2+s5+$0x0], $0xffff;
	_ =	sdelay $0x4  }
0x507: {  	[tilespmem:s16+$0x1E700] =	vst v0;
	v0 =	vld [tilespmem:s16+$0x19720]  }
0x508: {  	v1 =	vld.idx.msk [tilespmem:v1+s5+$0x0], $0xffff;
	_ =	sdelay $0x4  }
0x509: {  	[tilespmem:s16+$0x1E710] =	vst v1;
	v1 =	vld [tilespmem:s16+$0x19730];
	_ =	sdelay $0x1  }
0x50a: {  	v0 =	vld.idx.msk [tilespmem:v0+s5+$0x0], $0xffff;
	_ =	sdelay $0x4  }
0x50b: {  	[tilespmem:s16+$0x1E720] =	vst v0;
	v0 =	vld [tilespmem:s16+$0x19740]  }
0x50c: {  	v1 =	vld.idx.msk [tilespmem:v1+s5+$0x0], $0xffff;
	_ =	sdelay $0x4  }
0x50d: {  	[tilespmem:s16+$0x1E730] =	vst v1;
	v1 =	vld [tilespmem:s16+$0x19750];
	_ =	sdelay $0x1  }
0x50e: {  	v0 =	vld.idx.msk [tilespmem:v0+s5+$0x0], $0xffff;
	_ =	sdelay $0x4  }
0x50f: {  	[tilespmem:s16+$0x1E740] =	vst v0;
	v0 =	vld [tilespmem:s16+$0x19760]  }
0x510: {  	v1 =	vld.idx.msk [tilespmem:v1+s5+$0x0], $0xffff;
	_ =	sdelay $0x4  }
0x511: {  	[tilespmem:s16+$0x1E750] =	vst v1;
	v1 =	vld [tilespmem:s16+$0x19770];
	_ =	sdelay $0x1  }
0x512: {  	v0 =	vld.idx.msk [tilespmem:v0+s5+$0x0], $0xffff;
	_ =	sdelay $0x4  }
0x513: {  	[tilespmem:s16+$0x1E760] =	vst v0;
	v0 =	vld [tilespmem:s16+$0x19780]  }
0x514: {  	v1 =	vld.idx.msk [tilespmem:v1+s5+$0x0], $0xffff;
	_ =	sdelay $0x4  }
0x515: {  	[tilespmem:s16+$0x1E770] =	vst v1;
	v1 =	vld [tilespmem:s16+$0x19790];
	_ =	sdelay $0x1  }
0x516: {  	v0 =	vld.idx.msk [tilespmem:v0+s5+$0x0], $0xffff;
	_ =	sdelay $0x4  }
0x517: {  	[tilespmem:s16+$0x1E780] =	vst v0;
	v0 =	vld [tilespmem:s16+$0x197A0]  }
0x518: {  	v1 =	vld.idx.msk [tilespmem:v1+s5+$0x0], $0xffff;
	_ =	sdelay $0x4  }
0x519: {  	[tilespmem:s16+$0x1E790] =	vst v1;
	v1 =	vld [tilespmem:s16+$0x197B0];
	_ =	sdelay $0x1  }
0x51a: {  	v0 =	vld.idx.msk [tilespmem:v0+s5+$0x0], $0xffff;
	_ =	sdelay $0x4  }
0x51b: {  	[tilespmem:s16+$0x1E7A0] =	vst v0;
	v0 =	vld [tilespmem:s16+$0x197C0]  }
0x51c: {  	v1 =	vld.idx.msk [tilespmem:v1+s5+$0x0], $0xffff;
	_ =	sdelay $0x4  }
0x51d: {  	[tilespmem:s16+$0x1E7B0] =	vst v1;
	v1 =	vld [tilespmem:s16+$0x197D0];
	_ =	sdelay $0x1  }
0x51e: {  	v0 =	vld.idx.msk [tilespmem:v0+s5+$0x0], $0xffff;
	_ =	sdelay $0x4  }
0x51f: {  	[tilespmem:s16+$0x1E7C0] =	vst v0;
	v0 =	vld [tilespmem:s16+$0x197E0]  }
0x520: {  	v1 =	vld.idx.msk [tilespmem:v1+s5+$0x0], $0xffff;
	_ =	sdelay $0x4  }
0x521: {  	[tilespmem:s16+$0x1E7D0] =	vst v1;
	v1 =	vld [tilespmem:s16+$0x197F0];
	_ =	sdelay $0x1  }
0x522: {  	v0 =	vld.idx.msk [tilespmem:v0+s5+$0x0], $0xffff;
	_ =	sdelay $0x4  }
0x523: {  	[tilespmem:s16+$0x1E7E0] =	vst v0  }
0x524: {  	v0 =	vld.idx.msk [tilespmem:v1+s5+$0x0], $0xffff;
	_ =	sdelay $0x4  }
0x525: {  	s19 =	sadd.s32 s13, s8;
	[tilespmem:s16+$0x1E7F0] =	vst v0  }
0x526: {  	[hbm4b:s19+s20] =	stream.strided.scatter [tilespmem:s31], [sflag:$0x2], $0x1000, s21, s20, $0x38;
	[tilespmem:$0x1F700] =	vst v63  }
0x527: {  	_ =	swait.ge [sflag:s0], $0x1000  }
0x528: {  	[sflag:s0] =	ssyncset.done $0x0  }
0x529: {  	s14 =	simm.s32 $0x0;
	[sflag:s0] =	ssyncadd.s32 $0xFFFFF000  }
0x52a: {  	v0 =	vld [tilespmem:s14+$0x1A700];
	_ =	sdelay $0x5  }
0x52b: {  	v1 =	vld [tilespmem:s14+$0x1A710];
	_ =	sdelay $0x1  }
0x52c: {  	v0 =	vld.idx.msk [tilespmem:v0+s5+$0x0], $0xffff;
	_ =	sdelay $0x4  }
0x52d: {  	[tilespmem:s14+$0x1D700] =	vst v0;
	v0 =	vld [tilespmem:s14+$0x1A720]  }
0x52e: {  	v1 =	vld.idx.msk [tilespmem:v1+s5+$0x0], $0xffff;
	_ =	sdelay $0x4  }
0x52f: {  	[tilespmem:s14+$0x1D710] =	vst v1;
	v1 =	vld [tilespmem:s14+$0x1A730];
	_ =	sdelay $0x1  }
0x530: {  	v0 =	vld.idx.msk [tilespmem:v0+s5+$0x0], $0xffff;
	_ =	sdelay $0x4  }
0x531: {  	[tilespmem:s14+$0x1D720] =	vst v0;
	v0 =	vld [tilespmem:s14+$0x1A740]  }
0x532: {  	v1 =	vld.idx.msk [tilespmem:v1+s5+$0x0], $0xffff;
	_ =	sdelay $0x4  }
0x533: {  	[tilespmem:s14+$0x1D730] =	vst v1;
	v1 =	vld [tilespmem:s14+$0x1A750];
	_ =	sdelay $0x1  }
0x534: {  	v0 =	vld.idx.msk [tilespmem:v0+s5+$0x0], $0xffff;
	_ =	sdelay $0x4  }
0x535: {  	[tilespmem:s14+$0x1D740] =	vst v0;
	v0 =	vld [tilespmem:s14+$0x1A760]  }
0x536: {  	v1 =	vld.idx.msk [tilespmem:v1+s5+$0x0], $0xffff;
	_ =	sdelay $0x4  }
0x537: {  	[tilespmem:s14+$0x1D750] =	vst v1;
	v1 =	vld [tilespmem:s14+$0x1A770];
	_ =	sdelay $0x1  }
0x538: {  	v0 =	vld.idx.msk [tilespmem:v0+s5+$0x0], $0xffff;
	_ =	sdelay $0x4  }
0x539: {  	[tilespmem:s14+$0x1D760] =	vst v0;
	v0 =	vld [tilespmem:s14+$0x1A780]  }
0x53a: {  	v1 =	vld.idx.msk [tilespmem:v1+s5+$0x0], $0xffff;
	_ =	sdelay $0x4  }
0x53b: {  	[tilespmem:s14+$0x1D770] =	vst v1;
	v1 =	vld [tilespmem:s14+$0x1A790];
	_ =	sdelay $0x1  }
0x53c: {  	v0 =	vld.idx.msk [tilespmem:v0+s5+$0x0], $0xffff;
	_ =	sdelay $0x4  }
0x53d: {  	[tilespmem:s14+$0x1D780] =	vst v0;
	v0 =	vld [tilespmem:s14+$0x1A7A0]  }
0x53e: {  	v1 =	vld.idx.msk [tilespmem:v1+s5+$0x0], $0xffff;
	_ =	sdelay $0x4  }
0x53f: {  	[tilespmem:s14+$0x1D790] =	vst v1;
	v1 =	vld [tilespmem:s14+$0x1A7B0];
	_ =	sdelay $0x1  }
0x540: {  	v0 =	vld.idx.msk [tilespmem:v0+s5+$0x0], $0xffff;
	_ =	sdelay $0x4  }
0x541: {  	[tilespmem:s14+$0x1D7A0] =	vst v0;
	v0 =	vld [tilespmem:s14+$0x1A7C0]  }
0x542: {  	v1 =	vld.idx.msk [tilespmem:v1+s5+$0x0], $0xffff;
	_ =	sdelay $0x4  }
0x543: {  	[tilespmem:s14+$0x1D7B0] =	vst v1;
	v1 =	vld [tilespmem:s14+$0x1A7D0];
	_ =	sdelay $0x1  }
0x544: {  	v0 =	vld.idx.msk [tilespmem:v0+s5+$0x0], $0xffff;
	_ =	sdelay $0x4  }
0x545: {  	v2 =	vld [tilespmem:s14+$0x1A7E0];
	[tilespmem:s14+$0x1D7C0] =	vst v0  }
0x546: {  	v0 =	vld.idx.msk [tilespmem:v1+s5+$0x0], $0xffff;
	_ =	sdelay $0x4  }
0x547: {  	[tilespmem:s14+$0x1D7D0] =	vst v0;
	v0 =	vld [tilespmem:s14+$0x1A7F0];
	_ =	sdelay $0x1  }
0x548: {  	v1 =	vld.idx.msk [tilespmem:v2+s5+$0x0], $0xffff;
	_ =	sdelay $0x3  }
0x549: {  	s15 =	simm.s32 $0x800;
	s16 =	simm.s32 $0x100  }
.LBB2_10:
0x54a: {  	p1 =	sne.s32 s15, $0x3C00;
	v2 =	vld [tilespmem:s16+$0x1A700];
	[tilespmem:s14+$0x1D7E0] =	vst v1  }
0x54b: {  	v0 =	vld.idx.msk [tilespmem:v0+s5+$0x0], $0xffff;
	_ =	sdelay $0x5  }
0x54c: {  	v1 =	vld [tilespmem:s16+$0x1A710];
	[tilespmem:s14+$0x1D7F0] =	vst v0;
	s14 =	smov.u32 s16  }
0x54d: {  	v0 =	vld.idx.msk [tilespmem:v2+s5+$0x0], $0xffff;
	_ =	sdelay $0x5  }
0x54e: {  	[tilespmem:s14+$0x1D700] =	vst v0;
	v0 =	vld [tilespmem:s14+$0x1A720]  }
0x54f: {  	v1 =	vld.idx.msk [tilespmem:v1+s5+$0x0], $0xffff;
	_ =	sdelay $0x5  }
0x550: {  	[tilespmem:s14+$0x1D710] =	vst v1;
	v1 =	vld [tilespmem:s14+$0x1A730]  }
0x551: {  	v0 =	vld.idx.msk [tilespmem:v0+s5+$0x0], $0xffff;
	_ =	sdelay $0x5  }
0x552: {  	[tilespmem:s14+$0x1D720] =	vst v0;
	v0 =	vld [tilespmem:s14+$0x1A740]  }
0x553: {  	v1 =	vld.idx.msk [tilespmem:v1+s5+$0x0], $0xffff;
	_ =	sdelay $0x5  }
0x554: {  	[tilespmem:s14+$0x1D730] =	vst v1;
	v1 =	vld [tilespmem:s14+$0x1A750]  }
0x555: {  	v0 =	vld.idx.msk [tilespmem:v0+s5+$0x0], $0xffff;
	_ =	sdelay $0x5  }
0x556: {  	[tilespmem:s14+$0x1D740] =	vst v0;
	v0 =	vld [tilespmem:s14+$0x1A760]  }
0x557: {  	v1 =	vld.idx.msk [tilespmem:v1+s5+$0x0], $0xffff;
	_ =	sdelay $0x5  }
0x558: {  	[tilespmem:s14+$0x1D750] =	vst v1;
	v1 =	vld [tilespmem:s14+$0x1A770]  }
0x559: {  	v0 =	vld.idx.msk [tilespmem:v0+s5+$0x0], $0xffff;
	_ =	sdelay $0x5  }
0x55a: {  	[tilespmem:s14+$0x1D760] =	vst v0;
	v0 =	vld [tilespmem:s14+$0x1A780]  }
0x55b: {  	v1 =	vld.idx.msk [tilespmem:v1+s5+$0x0], $0xffff;
	_ =	sdelay $0x5  }
0x55c: {  	[tilespmem:s14+$0x1D770] =	vst v1;
	v1 =	vld [tilespmem:s14+$0x1A790]  }
0x55d: {  	v0 =	vld.idx.msk [tilespmem:v0+s5+$0x0], $0xffff;
	_ =	sdelay $0x5  }
0x55e: {  	[tilespmem:s14+$0x1D780] =	vst v0;
	v0 =	vld [tilespmem:s14+$0x1A7A0]  }
0x55f: {  	v1 =	vld.idx.msk [tilespmem:v1+s5+$0x0], $0xffff;
	_ =	sdelay $0x5  }
0x560: {  	[tilespmem:s14+$0x1D790] =	vst v1;
	v1 =	vld [tilespmem:s14+$0x1A7B0]  }
0x561: {  	v0 =	vld.idx.msk [tilespmem:v0+s5+$0x0], $0xffff;
	_ =	sdelay $0x5  }
0x562: {  	[tilespmem:s14+$0x1D7A0] =	vst v0;
	v0 =	vld [tilespmem:s14+$0x1A7C0]  }
0x563: {  	v1 =	vld.idx.msk [tilespmem:v1+s5+$0x0], $0xffff;
	_ =	sdelay $0x5  }
0x564: {  	[tilespmem:s14+$0x1D7B0] =	vst v1;
	v1 =	vld [tilespmem:s14+$0x1A7D0]  }
0x565: {  	v0 =	vld.idx.msk [tilespmem:v0+s5+$0x0], $0xffff;
	_ =	sdelay $0x5  }
0x566: {  	[tilespmem:s14+$0x1D7C0] =	vst v0;
	v2 =	vld [tilespmem:s14+$0x1A7E0]  }
0x567: {  	v0 =	vld.idx.msk [tilespmem:v1+s5+$0x0], $0xffff;
	_ =	sdelay $0x5  }
0x568: {  	[tilespmem:s14+$0x1D7D0] =	vst v0;
	v0 =	vld [tilespmem:s14+$0x1A7F0]  }
0x569: {  	v1 =	vld.idx.msk [tilespmem:v2+s5+$0x0], $0xffff  }
.Ltmp4:
0x56a: {  	(pc) =	sbr.rel @p1 .LBB2_10-.Ltmp4, $2  }
0x56b: {  	_ =	sdelay $0x2  }
0x56c: {  	s16 =	sshra.s32 s15, $0x2;
	s15 =	sadd.s32 $0x400, s15  }
0x56d: {  	_ =	sdelay $0x1  }
0x56e: {  	v2 =	vld [tilespmem:s16+$0x1A700]  }
0x56f: {  	[tilespmem:s14+$0x1D7E0] =	vst v1  }
0x570: {  	v0 =	vld.idx.msk [tilespmem:v0+s5+$0x0], $0xffff;
	_ =	sdelay $0x3  }
0x571: {  	v1 =	vld [tilespmem:s16+$0x1A710]  }
0x572: {  	[tilespmem:s14+$0x1D7F0] =	vst v0  }
0x573: {  	v0 =	vld.idx.msk [tilespmem:v2+s5+$0x0], $0xffff;
	_ =	sdelay $0x4  }
0x574: {  	[tilespmem:s16+$0x1D700] =	vst v0;
	v0 =	vld [tilespmem:s16+$0x1A720]  }
0x575: {  	v1 =	vld.idx.msk [tilespmem:v1+s5+$0x0], $0xffff;
	_ =	sdelay $0x4  }
0x576: {  	[tilespmem:s16+$0x1D710] =	vst v1;
	v1 =	vld [tilespmem:s16+$0x1A730];
	_ =	sdelay $0x1  }
0x577: {  	v0 =	vld.idx.msk [tilespmem:v0+s5+$0x0], $0xffff;
	_ =	sdelay $0x4  }
0x578: {  	[tilespmem:s16+$0x1D720] =	vst v0;
	v0 =	vld [tilespmem:s16+$0x1A740]  }
0x579: {  	v1 =	vld.idx.msk [tilespmem:v1+s5+$0x0], $0xffff;
	_ =	sdelay $0x4  }
0x57a: {  	[tilespmem:s16+$0x1D730] =	vst v1;
	v1 =	vld [tilespmem:s16+$0x1A750];
	_ =	sdelay $0x1  }
0x57b: {  	v0 =	vld.idx.msk [tilespmem:v0+s5+$0x0], $0xffff;
	_ =	sdelay $0x4  }
0x57c: {  	[tilespmem:s16+$0x1D740] =	vst v0;
	v0 =	vld [tilespmem:s16+$0x1A760]  }
0x57d: {  	v1 =	vld.idx.msk [tilespmem:v1+s5+$0x0], $0xffff;
	_ =	sdelay $0x4  }
0x57e: {  	[tilespmem:s16+$0x1D750] =	vst v1;
	v1 =	vld [tilespmem:s16+$0x1A770];
	_ =	sdelay $0x1  }
0x57f: {  	v0 =	vld.idx.msk [tilespmem:v0+s5+$0x0], $0xffff;
	_ =	sdelay $0x4  }
0x580: {  	[tilespmem:s16+$0x1D760] =	vst v0;
	v0 =	vld [tilespmem:s16+$0x1A780]  }
0x581: {  	v1 =	vld.idx.msk [tilespmem:v1+s5+$0x0], $0xffff;
	_ =	sdelay $0x4  }
0x582: {  	[tilespmem:s16+$0x1D770] =	vst v1;
	v1 =	vld [tilespmem:s16+$0x1A790];
	_ =	sdelay $0x1  }
0x583: {  	v0 =	vld.idx.msk [tilespmem:v0+s5+$0x0], $0xffff;
	_ =	sdelay $0x4  }
0x584: {  	[tilespmem:s16+$0x1D780] =	vst v0;
	v0 =	vld [tilespmem:s16+$0x1A7A0]  }
0x585: {  	v1 =	vld.idx.msk [tilespmem:v1+s5+$0x0], $0xffff;
	_ =	sdelay $0x4  }
0x586: {  	[tilespmem:s16+$0x1D790] =	vst v1;
	v1 =	vld [tilespmem:s16+$0x1A7B0];
	_ =	sdelay $0x1  }
0x587: {  	v0 =	vld.idx.msk [tilespmem:v0+s5+$0x0], $0xffff;
	_ =	sdelay $0x4  }
0x588: {  	[tilespmem:s16+$0x1D7A0] =	vst v0;
	v0 =	vld [tilespmem:s16+$0x1A7C0]  }
0x589: {  	v1 =	vld.idx.msk [tilespmem:v1+s5+$0x0], $0xffff;
	_ =	sdelay $0x4  }
0x58a: {  	[tilespmem:s16+$0x1D7B0] =	vst v1;
	v1 =	vld [tilespmem:s16+$0x1A7D0];
	_ =	sdelay $0x1  }
0x58b: {  	v0 =	vld.idx.msk [tilespmem:v0+s5+$0x0], $0xffff;
	_ =	sdelay $0x4  }
0x58c: {  	[tilespmem:s16+$0x1D7C0] =	vst v0;
	v0 =	vld [tilespmem:s16+$0x1A7E0]  }
0x58d: {  	v1 =	vld.idx.msk [tilespmem:v1+s5+$0x0], $0xffff;
	_ =	sdelay $0x4  }
0x58e: {  	[tilespmem:s16+$0x1D7D0] =	vst v1;
	v1 =	vld [tilespmem:s16+$0x1A7F0];
	_ =	sdelay $0x1  }
0x58f: {  	v0 =	vld.idx.msk [tilespmem:v0+s5+$0x0], $0xffff;
	_ =	sdelay $0x4  }
0x590: {  	[tilespmem:s16+$0x1D7E0] =	vst v0  }
0x591: {  	v0 =	vld.idx.msk [tilespmem:v1+s5+$0x0], $0xffff;
	_ =	sdelay $0x4  }
0x592: {  	s19 =	sadd.s32 s13, s9;
	[tilespmem:s16+$0x1D7F0] =	vst v0  }
0x593: {  	[hbm4b:s19+s20] =	stream.strided.scatter [tilespmem:s30], [sflag:$0x2], $0x1000, s21, s20, $0x38;
	[tilespmem:$0x1F700] =	vst v63  }
0x594: {  	_ =	swait.ge [sflag:s0], $0x1000  }
0x595: {  	[sflag:s0] =	ssyncset.done $0x0  }
0x596: {  	s14 =	simm.s32 $0x0;
	[sflag:s0] =	ssyncadd.s32 $0xFFFFF000  }
0x597: {  	v0 =	vld [tilespmem:s14+$0x1B700];
	_ =	sdelay $0x5  }
0x598: {  	v1 =	vld [tilespmem:s14+$0x1B710];
	_ =	sdelay $0x1  }
0x599: {  	v0 =	vld.idx.msk [tilespmem:v0+s5+$0x0], $0xffff;
	_ =	sdelay $0x4  }
0x59a: {  	[tilespmem:s14+$0x1E700] =	vst v0;
	v0 =	vld [tilespmem:s14+$0x1B720]  }
0x59b: {  	v1 =	vld.idx.msk [tilespmem:v1+s5+$0x0], $0xffff;
	_ =	sdelay $0x4  }
0x59c: {  	[tilespmem:s14+$0x1E710] =	vst v1;
	v1 =	vld [tilespmem:s14+$0x1B730];
	_ =	sdelay $0x1  }
0x59d: {  	v0 =	vld.idx.msk [tilespmem:v0+s5+$0x0], $0xffff;
	_ =	sdelay $0x4  }
0x59e: {  	[tilespmem:s14+$0x1E720] =	vst v0;
	v0 =	vld [tilespmem:s14+$0x1B740]  }
0x59f: {  	v1 =	vld.idx.msk [tilespmem:v1+s5+$0x0], $0xffff;
	_ =	sdelay $0x4  }
0x5a0: {  	[tilespmem:s14+$0x1E730] =	vst v1;
	v1 =	vld [tilespmem:s14+$0x1B750];
	_ =	sdelay $0x1  }
0x5a1: {  	v0 =	vld.idx.msk [tilespmem:v0+s5+$0x0], $0xffff;
	_ =	sdelay $0x4  }
0x5a2: {  	[tilespmem:s14+$0x1E740] =	vst v0;
	v0 =	vld [tilespmem:s14+$0x1B760]  }
0x5a3: {  	v1 =	vld.idx.msk [tilespmem:v1+s5+$0x0], $0xffff;
	_ =	sdelay $0x4  }
0x5a4: {  	[tilespmem:s14+$0x1E750] =	vst v1;
	v1 =	vld [tilespmem:s14+$0x1B770];
	_ =	sdelay $0x1  }
0x5a5: {  	v0 =	vld.idx.msk [tilespmem:v0+s5+$0x0], $0xffff;
	_ =	sdelay $0x4  }
0x5a6: {  	[tilespmem:s14+$0x1E760] =	vst v0;
	v0 =	vld [tilespmem:s14+$0x1B780]  }
0x5a7: {  	v1 =	vld.idx.msk [tilespmem:v1+s5+$0x0], $0xffff;
	_ =	sdelay $0x4  }
0x5a8: {  	[tilespmem:s14+$0x1E770] =	vst v1;
	v1 =	vld [tilespmem:s14+$0x1B790];
	_ =	sdelay $0x1  }
0x5a9: {  	v0 =	vld.idx.msk [tilespmem:v0+s5+$0x0], $0xffff;
	_ =	sdelay $0x4  }
0x5aa: {  	[tilespmem:s14+$0x1E780] =	vst v0;
	v0 =	vld [tilespmem:s14+$0x1B7A0]  }
0x5ab: {  	v1 =	vld.idx.msk [tilespmem:v1+s5+$0x0], $0xffff;
	_ =	sdelay $0x4  }
0x5ac: {  	[tilespmem:s14+$0x1E790] =	vst v1;
	v1 =	vld [tilespmem:s14+$0x1B7B0];
	_ =	sdelay $0x1  }
0x5ad: {  	v0 =	vld.idx.msk [tilespmem:v0+s5+$0x0], $0xffff;
	_ =	sdelay $0x4  }
0x5ae: {  	[tilespmem:s14+$0x1E7A0] =	vst v0;
	v0 =	vld [tilespmem:s14+$0x1B7C0]  }
0x5af: {  	v1 =	vld.idx.msk [tilespmem:v1+s5+$0x0], $0xffff;
	_ =	sdelay $0x4  }
0x5b0: {  	[tilespmem:s14+$0x1E7B0] =	vst v1;
	v1 =	vld [tilespmem:s14+$0x1B7D0];
	_ =	sdelay $0x1  }
0x5b1: {  	v0 =	vld.idx.msk [tilespmem:v0+s5+$0x0], $0xffff;
	_ =	sdelay $0x4  }
0x5b2: {  	v2 =	vld [tilespmem:s14+$0x1B7E0];
	[tilespmem:s14+$0x1E7C0] =	vst v0  }
0x5b3: {  	v0 =	vld.idx.msk [tilespmem:v1+s5+$0x0], $0xffff;
	_ =	sdelay $0x4  }
0x5b4: {  	[tilespmem:s14+$0x1E7D0] =	vst v0;
	v0 =	vld [tilespmem:s14+$0x1B7F0];
	_ =	sdelay $0x1  }
0x5b5: {  	v1 =	vld.idx.msk [tilespmem:v2+s5+$0x0], $0xffff;
	_ =	sdelay $0x3  }
0x5b6: {  	s15 =	simm.s32 $0x800;
	s16 =	simm.s32 $0x100  }
.LBB2_12:
0x5b7: {  	p1 =	sne.s32 s15, $0x3C00;
	v2 =	vld [tilespmem:s16+$0x1B700];
	[tilespmem:s14+$0x1E7E0] =	vst v1  }
0x5b8: {  	v0 =	vld.idx.msk [tilespmem:v0+s5+$0x0], $0xffff;
	_ =	sdelay $0x5  }
0x5b9: {  	v1 =	vld [tilespmem:s16+$0x1B710];
	[tilespmem:s14+$0x1E7F0] =	vst v0;
	s14 =	smov.u32 s16  }
0x5ba: {  	v0 =	vld.idx.msk [tilespmem:v2+s5+$0x0], $0xffff;
	_ =	sdelay $0x5  }
0x5bb: {  	[tilespmem:s14+$0x1E700] =	vst v0;
	v0 =	vld [tilespmem:s14+$0x1B720]  }
0x5bc: {  	v1 =	vld.idx.msk [tilespmem:v1+s5+$0x0], $0xffff;
	_ =	sdelay $0x5  }
0x5bd: {  	[tilespmem:s14+$0x1E710] =	vst v1;
	v1 =	vld [tilespmem:s14+$0x1B730]  }
0x5be: {  	v0 =	vld.idx.msk [tilespmem:v0+s5+$0x0], $0xffff;
	_ =	sdelay $0x5  }
0x5bf: {  	[tilespmem:s14+$0x1E720] =	vst v0;
	v0 =	vld [tilespmem:s14+$0x1B740]  }
0x5c0: {  	v1 =	vld.idx.msk [tilespmem:v1+s5+$0x0], $0xffff;
	_ =	sdelay $0x5  }
0x5c1: {  	[tilespmem:s14+$0x1E730] =	vst v1;
	v1 =	vld [tilespmem:s14+$0x1B750]  }
0x5c2: {  	v0 =	vld.idx.msk [tilespmem:v0+s5+$0x0], $0xffff;
	_ =	sdelay $0x5  }
0x5c3: {  	[tilespmem:s14+$0x1E740] =	vst v0;
	v0 =	vld [tilespmem:s14+$0x1B760]  }
0x5c4: {  	v1 =	vld.idx.msk [tilespmem:v1+s5+$0x0], $0xffff;
	_ =	sdelay $0x5  }
0x5c5: {  	[tilespmem:s14+$0x1E750] =	vst v1;
	v1 =	vld [tilespmem:s14+$0x1B770]  }
0x5c6: {  	v0 =	vld.idx.msk [tilespmem:v0+s5+$0x0], $0xffff;
	_ =	sdelay $0x5  }
0x5c7: {  	[tilespmem:s14+$0x1E760] =	vst v0;
	v0 =	vld [tilespmem:s14+$0x1B780]  }
0x5c8: {  	v1 =	vld.idx.msk [tilespmem:v1+s5+$0x0], $0xffff;
	_ =	sdelay $0x5  }
0x5c9: {  	[tilespmem:s14+$0x1E770] =	vst v1;
	v1 =	vld [tilespmem:s14+$0x1B790]  }
0x5ca: {  	v0 =	vld.idx.msk [tilespmem:v0+s5+$0x0], $0xffff;
	_ =	sdelay $0x5  }
0x5cb: {  	[tilespmem:s14+$0x1E780] =	vst v0;
	v0 =	vld [tilespmem:s14+$0x1B7A0]  }
0x5cc: {  	v1 =	vld.idx.msk [tilespmem:v1+s5+$0x0], $0xffff;
	_ =	sdelay $0x5  }
0x5cd: {  	[tilespmem:s14+$0x1E790] =	vst v1;
	v1 =	vld [tilespmem:s14+$0x1B7B0]  }
0x5ce: {  	v0 =	vld.idx.msk [tilespmem:v0+s5+$0x0], $0xffff;
	_ =	sdelay $0x5  }
0x5cf: {  	[tilespmem:s14+$0x1E7A0] =	vst v0;
	v0 =	vld [tilespmem:s14+$0x1B7C0]  }
0x5d0: {  	v1 =	vld.idx.msk [tilespmem:v1+s5+$0x0], $0xffff;
	_ =	sdelay $0x5  }
0x5d1: {  	[tilespmem:s14+$0x1E7B0] =	vst v1;
	v1 =	vld [tilespmem:s14+$0x1B7D0]  }
0x5d2: {  	v0 =	vld.idx.msk [tilespmem:v0+s5+$0x0], $0xffff;
	_ =	sdelay $0x5  }
0x5d3: {  	[tilespmem:s14+$0x1E7C0] =	vst v0;
	v2 =	vld [tilespmem:s14+$0x1B7E0]  }
0x5d4: {  	v0 =	vld.idx.msk [tilespmem:v1+s5+$0x0], $0xffff;
	_ =	sdelay $0x5  }
0x5d5: {  	[tilespmem:s14+$0x1E7D0] =	vst v0;
	v0 =	vld [tilespmem:s14+$0x1B7F0]  }
0x5d6: {  	v1 =	vld.idx.msk [tilespmem:v2+s5+$0x0], $0xffff  }
.Ltmp5:
0x5d7: {  	(pc) =	sbr.rel @p1 .LBB2_12-.Ltmp5, $2  }
0x5d8: {  	_ =	sdelay $0x2  }
0x5d9: {  	s16 =	sshra.s32 s15, $0x2;
	s15 =	sadd.s32 $0x400, s15  }
0x5da: {  	_ =	sdelay $0x1  }
0x5db: {  	v2 =	vld [tilespmem:s16+$0x1B700]  }
0x5dc: {  	[tilespmem:s14+$0x1E7E0] =	vst v1  }
0x5dd: {  	v0 =	vld.idx.msk [tilespmem:v0+s5+$0x0], $0xffff;
	_ =	sdelay $0x3  }
0x5de: {  	v1 =	vld [tilespmem:s16+$0x1B710]  }
0x5df: {  	[tilespmem:s14+$0x1E7F0] =	vst v0  }
0x5e0: {  	v0 =	vld.idx.msk [tilespmem:v2+s5+$0x0], $0xffff;
	_ =	sdelay $0x3  }
0x5e1: {  	v50 =	vld [tilespmem:s16+$0x1B720]  }
0x5e2: {  	[tilespmem:s16+$0x1E700] =	vst v0  }
0x5e3: {  	v1 =	vld.idx.msk [tilespmem:v1+s5+$0x0], $0xffff;
	_ =	sdelay $0x3  }
0x5e4: {  	v51 =	vld [tilespmem:s16+$0x1B730]  }
0x5e5: {  	[tilespmem:s16+$0x1E710] =	vst v1  }
0x5e6: {  	v0 =	vld.idx.msk [tilespmem:v50+s5+$0x0], $0xffff;
	_ =	sdelay $0x3  }
0x5e7: {  	v52 =	vld [tilespmem:s16+$0x1B740]  }
0x5e8: {  	[tilespmem:s16+$0x1E720] =	vst v0  }
0x5e9: {  	v1 =	vld.idx.msk [tilespmem:v51+s5+$0x0], $0xffff;
	_ =	sdelay $0x3  }
0x5ea: {  	v53 =	vld [tilespmem:s16+$0x1B750]  }
0x5eb: {  	[tilespmem:s16+$0x1E730] =	vst v1  }
0x5ec: {  	v0 =	vld.idx.msk [tilespmem:v52+s5+$0x0], $0xffff;
	_ =	sdelay $0x3  }
0x5ed: {  	v54 =	vld [tilespmem:s16+$0x1B760]  }
0x5ee: {  	[tilespmem:s16+$0x1E740] =	vst v0  }
0x5ef: {  	v1 =	vld.idx.msk [tilespmem:v53+s5+$0x0], $0xffff;
	_ =	sdelay $0x3  }
0x5f0: {  	v55 =	vld [tilespmem:s16+$0x1B770]  }
0x5f1: {  	[tilespmem:s16+$0x1E750] =	vst v1  }
0x5f2: {  	v0 =	vld.idx.msk [tilespmem:v54+s5+$0x0], $0xffff;
	_ =	sdelay $0x3  }
0x5f3: {  	v56 =	vld [tilespmem:s16+$0x1B780]  }
0x5f4: {  	[tilespmem:s16+$0x1E760] =	vst v0  }
0x5f5: {  	v1 =	vld.idx.msk [tilespmem:v55+s5+$0x0], $0xffff;
	_ =	sdelay $0x3  }
0x5f6: {  	v57 =	vld [tilespmem:s16+$0x1B790]  }
0x5f7: {  	[tilespmem:s16+$0x1E770] =	vst v1  }
0x5f8: {  	v0 =	vld.idx.msk [tilespmem:v56+s5+$0x0], $0xffff;
	_ =	sdelay $0x3  }
0x5f9: {  	v58 =	vld [tilespmem:s16+$0x1B7A0]  }
0x5fa: {  	[tilespmem:s16+$0x1E780] =	vst v0  }
0x5fb: {  	v1 =	vld.idx.msk [tilespmem:v57+s5+$0x0], $0xffff;
	_ =	sdelay $0x3  }
0x5fc: {  	v59 =	vld [tilespmem:s16+$0x1B7B0]  }
0x5fd: {  	[tilespmem:s16+$0x1E790] =	vst v1  }
0x5fe: {  	v0 =	vld.idx.msk [tilespmem:v58+s5+$0x0], $0xffff;
	_ =	sdelay $0x3  }
0x5ff: {  	v60 =	vld [tilespmem:s16+$0x1B7C0]  }
0x600: {  	[tilespmem:s16+$0x1E7A0] =	vst v0  }
0x601: {  	v1 =	vld.idx.msk [tilespmem:v59+s5+$0x0], $0xffff;
	_ =	sdelay $0x3  }
0x602: {  	v61 =	vld [tilespmem:s16+$0x1B7D0]  }
0x603: {  	[tilespmem:s16+$0x1E7B0] =	vst v1  }
0x604: {  	v0 =	vld.idx.msk [tilespmem:v60+s5+$0x0], $0xffff;
	_ =	sdelay $0x3  }
0x605: {  	v62 =	vld [tilespmem:s16+$0x1B7E0]  }
0x606: {  	[tilespmem:s16+$0x1E7C0] =	vst v0  }
0x607: {  	v1 =	vld.idx.msk [tilespmem:v61+s5+$0x0], $0xffff;
	_ =	sdelay $0x3  }
0x608: {  	v63 =	vld [tilespmem:s16+$0x1B7F0]  }
0x609: {  	[tilespmem:s16+$0x1E7D0] =	vst v1  }
0x60a: {  	v0 =	vld.idx.msk [tilespmem:v62+s5+$0x0], $0xffff;
	_ =	sdelay $0x4  }
0x60b: {  	[tilespmem:s16+$0x1E7E0] =	vst v0  }
0x60c: {  	v0 =	vld.idx.msk [tilespmem:v63+s5+$0x0], $0xffff;
	_ =	sdelay $0x4  }
0x60d: {  	s13 =	sadd.s32 s13, s10;
	s11 =	sadd.s32 $0x1, s11;
	[tilespmem:s16+$0x1E7F0] =	vst v0  }
0x60e: {  	[hbm4b:s13+s20] =	stream.strided.scatter [tilespmem:s31], [sflag:$0x2], $0x1000, s21, s20, $0x38;
	[tilespmem:$0x1F700] =	vst v63  }
0x60f: {  	p1 =	sne.s32 s11, $0x1A;
	_ =	swait.ge [sflag:s0], $0x1000  }
.Ltmp6:
0x610: {  	[sflag:s0] =	ssyncset.done $0x0;
	(pc) =	sbr.rel @p1 .LBB2_2-.Ltmp6, $4  }
0x611: {  	[sflag:s0] =	ssyncadd.s32 $0xFFFFF000  }
0x612: {  	_ =	swait.ge [sflag:s0], $0x1000  }
0x613: {  	[sflag:s0] =	ssyncset.done $0x0  }
0x614: {  	[sflag:s0] =	ssyncadd.s32 $0xFFFFF000  }
0x615: {  	s11 =	simm.s32 @!p0 $0x80  }
0x616: {  	s13 =	simm.s32 @!p0 $0x400;
	s14 =	simm.s32 @!p0 $0x1C700;
	s15 =	simm.s32 @!p0 $0x3  }
0x617: {  	[tilespmem:s14], [sflag:$0x3] =	stream.strided.gather @!p0 [hbm4b:s12+s11], $0x1000, s13, s11, $0x38;
	[tilespmem:$0x1F700] =	vst v63  }
0x618: {  	_ =	swait.ge @!p0 [sflag:s15], $0x1000  }
0x619: {  	[sflag:s15] =	ssyncset.done @!p0 $0x0  }
0x61a: {  	s16 =	rddreg [dreg:$0x6];
	[sflag:s15] =	ssyncadd.s32 @!p0 $0xFFFFF000  }
0x61b: {  	[hbm4b:s16+s11] =	stream.strided.scatter @!p0 [tilespmem:s14], [sflag:$0x3], $0x1000, s13, s11, $0x38;
	[tilespmem:$0x1F700] =	vst v63  }
0x61c: {  	_ =	swait.ge @!p0 [sflag:s15], $0x1000  }
0x61d: {  	[sflag:s15] =	ssyncset.done @!p0 $0x0  }
0x61e: {  	s16 =	rddreg [dreg:$0x7];
	[sflag:s15] =	ssyncadd.s32 @!p0 $0xFFFFF000  }
0x61f: {  	[tilespmem:s14], [sflag:$0x3] =	stream.strided.gather @!p0 [hbm4b:s16+s11], $0x1000, s13, s11, $0x38;
	[tilespmem:$0x1F700] =	vst v63  }
0x620: {  	_ =	swait.ge @!p0 [sflag:s15], $0x1000  }
0x621: {  	[sflag:s15] =	ssyncset.done @!p0 $0x0  }
0x622: {  	s16 =	rddreg [dreg:$0x8];
	[sflag:s15] =	ssyncadd.s32 @!p0 $0xFFFFF000  }
0x623: {  	[hbm4b:s16+s11] =	stream.strided.scatter @!p0 [tilespmem:s14], [sflag:$0x3], $0x1000, s13, s11, $0x38;
	[tilespmem:$0x1F700] =	vst v63  }
0x624: {  	_ =	swait.ge @!p0 [sflag:s15], $0x1000  }
0x625: {  	[sflag:s15] =	ssyncset.done @!p0 $0x0  }
0x626: {  	s16 =	rddreg [dreg:$0x9];
	[sflag:s15] =	ssyncadd.s32 @!p0 $0xFFFFF000  }
0x627: {  	[tilespmem:s14], [sflag:$0x3] =	stream.strided.gather @!p0 [hbm4b:s16+s11], $0x1000, s13, s11, $0x38;
	[tilespmem:$0x1F700] =	vst v63  }
0x628: {  	_ =	swait.ge @!p0 [sflag:s15], $0x1000  }
0x629: {  	[sflag:s15] =	ssyncset.done @!p0 $0x0  }
0x62a: {  	s16 =	rddreg [dreg:$0xa];
	[sflag:s15] =	ssyncadd.s32 @!p0 $0xFFFFF000  }
0x62b: {  	[hbm4b:s16+s11] =	stream.strided.scatter @!p0 [tilespmem:s14], [sflag:$0x3], $0x1000, s13, s11, $0x38;
	[tilespmem:$0x1F700] =	vst v63  }
0x62c: {  	_ =	swait.ge @!p0 [sflag:s15], $0x1000  }
0x62d: {  	[sflag:s15] =	ssyncset.done @!p0 $0x0  }
0x62e: {  	s16 =	rddreg [dreg:$0xb];
	[sflag:s15] =	ssyncadd.s32 @!p0 $0xFFFFF000  }
0x62f: {  	[tilespmem:s14], [sflag:$0x3] =	stream.strided.gather @!p0 [hbm4b:s16+s11], $0x1000, s13, s11, $0x38;
	[tilespmem:$0x1F700] =	vst v63  }
0x630: {  	_ =	swait.ge @!p0 [sflag:s15], $0x1000  }
0x631: {  	[sflag:s15] =	ssyncset.done @!p0 $0x0  }
0x632: {  	s16 =	rddreg [dreg:$0xc];
	[sflag:s15] =	ssyncadd.s32 @!p0 $0xFFFFF000  }
0x633: {  	[hbm4b:s16+s11] =	stream.strided.scatter @!p0 [tilespmem:s14], [sflag:$0x3], $0x1000, s13, s11, $0x38;
	[tilespmem:$0x1F700] =	vst v63  }
0x634: {  	_ =	swait.ge @!p0 [sflag:s15], $0x1000  }
0x635: {  	s3 =	sadd.s32 $0x1, s3;
	s19 =	rddreg [dreg:$0x5]  }
0x636: {  	p1 =	sne.s32 s3, s19  }
.Ltmp7:
0x637: {  	_ = 	snop;
	(pc) =	sbr.rel @p1 .LBB2_1-.Ltmp7, $3  }
0x638: {  	_ =	sdelay $0x1  }
0x639: {  	[sflag:s15] =	ssyncset.done @!p0 $0x0  }
0x63a: {  	[sflag:s15] =	ssyncadd.s32 @!p0 $0xFFFFF000  }
0x63b: {  	_ =	sfence.sel $0x180000  }
0x63c: {  	[bflag:$0x0] =	sbarrier.arrive $0xFFFF  }
0x63d: {  	_ =	strace $0x90000047  }
0x63e: {  	s0 =	stileid.u32;
	[bflag:$0x2] =	sbarrier.arrive $0xFFFF  }
0x63f: {  	p0 =	sne.s32 s0, $0x0;
	s0 =	rddreg [dreg:$0x4]  }
0x640: {  	s0 =	sadd.s32 @!p0 $0x100000, s0  }
0x641: {  	[sflag:s0] =	ssyncadd.tile.s32 @!p0 $0x1;
	_ =	shalt  }
.Lfunc_end2:
_tile_overlayer_lowered:
.L_overlay_start_2:
0x642: {  	(tag) =	ssettag $0x2  }
0x643: {  	s0 =	rddreg [dreg:$0x0];
	s2 =	stileid.u32  }
0x644: {  	s1 =	rddreg [dreg:$0x1];
	p0 =	sne.s32 s2, $0x0  }
0x645: {  	s3 =	rddreg [dreg:$0x2];
	[bflag:$0x3] =	sbarrier.arrive $0xFFFF;
	s2 =	simm.s32 @!p0 $0x1C03  }
0x646: {  	[timem:s3], [sflag:s2] =	dma.local @!p0 [hbm:s0], s1  }
0x647: {  	s0 =	simm.s32 @!p0 $0x3  }
0x648: {  	_ =	swait.ge @!p0 [sflag:s0], s1  }
0x649: {  	s1 =	ssub.s32 @!p0 $0x0, s1;
	[sflag:s0] =	ssyncset.done @!p0 $0x0  }
0x64a: {  	[sflag:s0] =	ssyncadd.s32 @!p0 s1  }
0x64b: {  	[bflag:$0x3] =	sbarrier.arrive $0xFFFF  }
0x64c: {  	_ =	shalt  }

</sc_bundles>
